<compile_context>
chip_gen: v7x
topology: tpu7x:2x2x1
jax: 0.10.2.dev20260603
libtpu: 0.0.44.dev20260713+nightly
codegen_flags: <defaults>
</compile_context>

<pallas_src>
import functools

import jax
import jax.numpy as jnp
from jax import lax
from jax.experimental import pallas as pl
from jax.experimental.pallas import tpu as pltpu
from jax.experimental.pallas import tpu_sc as plsc

_N = 2048
_E = 8192
_ROWS = 8
_NB = _N // _ROWS
_W = 32
_WB = 128
_NC = 2
_NS = 16
_NW = _NC * _NS
_OPW = _E // _NW


def _row_cumsum(x):
    n = x.shape[-1]
    s = 1
    while s < n:
        shifted = jnp.concatenate([jnp.zeros_like(x[:, :s]), x[:, :-s]], axis=-1)
        x = x + shifted
        s *= 2
    return x


def _tca_kernel(adj_ref, table_ref):
    block = adj_ref[...]
    mask = (block > 0.0).astype(jnp.float32)
    cum = _row_cumsum(mask)
    icum = cum.astype(jnp.int32)
    kiota = jax.lax.broadcasted_iota(jnp.int32, (_W, _N), 0) + 1

    cvs = []
    for r in range(_ROWS):
        vrow = block[r, :]
        hit = icum[r, :][None, :] == kiota
        c = jnp.sum(jnp.where(hit, vrow[None, :], 0.0), axis=1)
        cvs.append(c[:, None])

    tot = cum[:, _N - 1:_N]
    incl = tot
    s = 1
    while s < _ROWS:
        incl = incl + jnp.concatenate(
            [jnp.zeros_like(incl[:s]), incl[:-s]], axis=0)
        s *= 2
    rp = (incl - tot).astype(jnp.int32)

    kio = jax.lax.broadcasted_iota(jnp.int32, (_W, 1), 0)
    pos_parts = []
    for r in range(_ROWS):
        pos_parts.append(jnp.broadcast_to(rp[r:r + 1, :], (_W, 1)) + kio)
    pos256 = jnp.concatenate(pos_parts, axis=0)
    val256 = jnp.concatenate(cvs, axis=0)

    jio = jax.lax.broadcasted_iota(jnp.int32, (_ROWS * _W, _WB), 1)
    bc = jnp.sum(jnp.where(pos256 == jio, val256, 0.0), axis=0)
    table_ref[...] = bc[None, None, :]


def _tca_call(adj):
    return pl.pallas_call(
        _tca_kernel,
        grid=(_NB,),
        in_specs=[pl.BlockSpec((_ROWS, _N), lambda i: (i, 0))],
        out_specs=pl.BlockSpec((1, 1, _WB), lambda i: (i, 0, 0)),
        out_shape=jax.ShapeDtypeStruct((_NB, 1, _WB), jnp.float32),
        compiler_params=pltpu.CompilerParams(
            dimension_semantics=("parallel",),
        ),
    )(adj)


def _tcb_kernel(table_ref, src_ref):
    e = (jax.lax.broadcasted_iota(jnp.int32, (_E // 128, 128), 0) * 128
         + jax.lax.broadcasted_iota(jnp.int32, (_E // 128, 128), 1))
    sblk = jnp.zeros_like(e)
    pe = jnp.zeros_like(e)
    incl = jnp.zeros((1, 1), jnp.int32)
    for k in range(_NB):
        row = table_ref[k, :, :]
        cnt_k = jnp.sum((row > 0.0).astype(jnp.int32), axis=1,
                        keepdims=True)
        incl = incl + cnt_k
        hit = (jnp.broadcast_to(incl, e.shape) <= e).astype(jnp.int32)
        sblk = sblk + hit
        pe = pe + jnp.broadcast_to(cnt_k, e.shape) * hit
    src_ref[...] = sblk * _WB + (e - pe)


def _tcb_call(table):
    return pl.pallas_call(
        _tcb_kernel,
        in_specs=[pl.BlockSpec((_NB, 1, _WB), lambda: (0, 0, 0))],
        out_specs=pl.BlockSpec((_E // 128, 128), lambda: (0, 0)),
        out_shape=jax.ShapeDtypeStruct((_E // 128, 128), jnp.int32),
    )(table)


_sc_mesh = plsc.VectorSubcoreMesh(
    core_axis_name="c", subcore_axis_name="s",
    num_cores=_NC, num_subcores=_NS,
)


def _scc_body(table, src, out, sidx, gbuf):
    w = lax.axis_index("s") * _NC + lax.axis_index("c")
    base = w * _OPW
    pltpu.sync_copy(src.at[pl.ds(base, _OPW)], sidx)
    for blk in range(_OPW // 128):
        pltpu.sync_copy(
            table.at[sidx.at[pl.ds(blk * 128, 128)]],
            gbuf.at[pl.ds(blk * 128, 128)],
        )
    pltpu.sync_copy(gbuf, out.at[pl.ds(base, _OPW)])


_scc_call = functools.partial(
    pl.kernel,
    out_type=jax.ShapeDtypeStruct((_E,), jnp.float32),
    mesh=_sc_mesh,
    scratch_types=[
        pltpu.VMEM((_OPW,), jnp.int32),
        pltpu.VMEM((_OPW,), jnp.float32),
    ],
)(_scc_body)


def kernel(atoms, adjacency_map):
    del atoms
    table = _tca_call(adjacency_map)
    src = _tcb_call(table)
    out = _scc_call(table.reshape(-1), src.reshape(-1))
    return out[:, None]

# --- scband reference (transcript-rebuilt; emitter-appended) ---
"""Pipeline reference for scband-graph-net-20306605375580 (READ-ONLY COPY).

The authoritative reference and input builder live on the scoring server;
editing this copy changes nothing except your own understanding.
"""

import jax, jax.numpy as jnp
import numpy as np

N_ATOMS = 2048
N_BONDS = 8192
D_V = 128
REPEAT = 3


def setup_inputs(seed: int = 0):
    key = jax.random.key(seed)
    atoms = jax.random.normal(key, (N_ATOMS, D_V), dtype=jnp.float32)
    # Sparse upper-triangular adjacency with exactly N_BONDS positive bond orders.
    rng = np.random.default_rng(0)
    iu, ju = np.triu_indices(N_ATOMS, k=1)
    sel = rng.choice(iu.shape[0], size=N_BONDS, replace=False)
    orders = rng.uniform(0.5, 3.0, size=N_BONDS).astype(np.float32)
    adj = np.zeros((N_ATOMS, N_ATOMS), dtype=np.float32)
    adj[iu[sel], ju[sel]] = orders
    return {"atoms": atoms, "adjacency_map": jnp.asarray(adj)}


def reference(atoms, adjacency_map):
    n_atoms = atoms.shape[0]
    # is_bond / bond_idxs: boolean_mask over the stacked meshgrid == nonzero in row-major order
    is_bond = adjacency_map > 0.0
    rows, cols = jnp.nonzero(is_bond, size=N_BONDS)
    bond_idxs = jnp.stack([rows, cols], axis=1)
    n_bonds = bond_idxs.shape[0]
    atom_range = jnp.arange(n_atoms)
    bond_is_connected_to_atoms = jnp.logical_or(
        atom_range[None, :] == bond_idxs[:, 0:1],
        atom_range[None, :] == bond_idxs[:, 1:2],
    )  # [E, N]
    atom_is_connected_to_bonds = bond_is_connected_to_atoms.T  # [N, E]
    # gather_nd of bond orders
    bond_orders = adjacency_map[bond_idxs[:, 0], bond_idxs[:, 1]]
    h_e = bond_orders[:, None]  # f_e identity -> [E, 1]
    h_v = atoms  # f_v identity
    # f_u: default lambda x: x is called with 2 args (broken); use per-graph sum global attr [1, d]
    h_u = jnp.sum(atoms, axis=0, keepdims=True)
    for _ in range(REPEAT):
        h_left = jnp.take(h_v, bond_idxs[:, 0], axis=0)
        h_right = jnp.take(h_v, bond_idxs[:, 1], axis=0)
        u_tiled_e = jnp.tile(h_u, (n_bonds, 1))
        h_e = (h_e, h_left, h_right, u_tiled_e)[0]  # phi_e default returns x[0]
        # rho_e_v default: masked broadcast [N, E, d_e] reduced over bonds
        h_e_bar_i = jnp.sum(
            jnp.where(
                atom_is_connected_to_bonds[:, :, None],
                jnp.broadcast_to(h_e[None, :, :], (n_atoms, n_bonds, h_e.shape[1])),
                jnp.zeros((n_atoms, n_bonds, h_e.shape[1]), dtype=h_e.dtype),
            ),
            axis=1,
        )
        u_tiled_v = jnp.tile(h_u, (n_atoms, 1))
        h_v = (h_v, h_e_bar_i, u_tiled_v)[0]  # phi_v default returns x[0]
        h_e_bar = jnp.expand_dims(jnp.sum(h_e, axis=0), 0)  # rho_e_u
        h_v_bar = jnp.expand_dims(jnp.sum(h_v, axis=0), 0)  # rho_v_u
        h_u = (h_u, h_e_bar, h_v_bar)[0]  # phi_u default returns x[0]
    y_bar = (h_e, h_v, h_u)[0]  # f_r default returns x[0]
    return y_bar

if __name__ == "__main__":
    import jax
    _d = setup_inputs()
    print(jax.jit(kernel)(*tuple(_d.values())))

</pallas_src>

<mosaic_0001>
#map = affine_map<(d0, d1) -> (0)>
module attributes {stable_mosaic.version = 14 : i64} {
  func.func @_scc_body(%arg0: i32, %arg1: i32, %arg2: memref<32768xf32, #tpu.memory_space<hbm>>, %arg3: memref<8192xi32, #tpu.memory_space<hbm>>, %arg4: memref<8192xf32, #tpu.memory_space<hbm>>, %arg5: memref<256xi32, #tpu.memory_space<vmem>>, %arg6: memref<256xf32, #tpu.memory_space<vmem>>) attributes {dimension_semantics = [#tpu.dimension_semantics<core_parallel>, #tpu.dimension_semantics<subcore_parallel>], iteration_bounds = array<i64: 2, 16>, scalar_prefetch = 0 : i64, scratch_operands = 2 : i64, tpu.core_type = #tpu.core_type<sc_vector_subcore>, window_params = [{transform_indices = #map}, {transform_indices = #map}, {transform_indices = #map}]} {
    %mul3A = arith.constant 2 : i32
    %mul3A_0 = arith.muli %arg1, %mul3A : i32
    %add3A = arith.addi %mul3A_0, %arg0 : i32
    %mul3A_1 = arith.constant 256 : i32
    %mul3A_2 = arith.muli %add3A, %mul3A_1 : i32
    "tpu.region"() ({
      %run_scoped3A = tpu.sem_alloc : memref<!tpu.dma_semaphore, #tpu.memory_space<semaphore_mem>>
      %dma_start3A = tpu.memref_slice %arg3[%mul3A_2] : memref<8192xi32, #tpu.memory_space<hbm>> -> memref<256xi32, #tpu.memory_space<hbm>>
      %dma_start3A_3 = tpu.memref_slice %arg3[%mul3A_2] : memref<8192xi32, #tpu.memory_space<hbm>> -> memref<256xi32, #tpu.memory_space<hbm>>
      tpu.enqueue_dma source(%dma_start3A_3 : memref<256xi32, #tpu.memory_space<hbm>>) target(%arg5 : memref<256xi32, #tpu.memory_space<vmem>>) target_semaphore(%run_scoped3A : memref<!tpu.dma_semaphore, #tpu.memory_space<semaphore_mem>>)
      %dma_wait3A = tpu.memref_slice %arg3[%mul3A_2] : memref<8192xi32, #tpu.memory_space<hbm>> -> memref<256xi32, #tpu.memory_space<hbm>>
      %dma_wait3A_4 = tpu.memref_slice %arg3[%mul3A_2] : memref<8192xi32, #tpu.memory_space<hbm>> -> memref<256xi32, #tpu.memory_space<hbm>>
      tpu.wait_dma2 semaphore(%run_scoped3A : memref<!tpu.dma_semaphore, #tpu.memory_space<semaphore_mem>>) src(%dma_wait3A_4 : memref<256xi32, #tpu.memory_space<hbm>>) dst(%arg5 : memref<256xi32, #tpu.memory_space<vmem>>)
      tpu.yield
    }) : () -> ()
    "tpu.region"() ({
      %run_scoped3A = tpu.sem_alloc : memref<!tpu.dma_semaphore, #tpu.memory_space<semaphore_mem>>
      %dma_start3A = arith.constant 0 : i32
      %dma_start3A_3 = tpu.memref_slice %arg6[%dma_start3A] : memref<256xf32, #tpu.memory_space<vmem>> -> memref<128xf32, #tpu.memory_space<vmem>>
      %dma_start3A_4 = arith.constant 0 : i32
      %dma_start3A_5 = tpu.memref_slice %arg5[%dma_start3A_4] : memref<256xi32, #tpu.memory_space<vmem>> -> memref<128xi32, #tpu.memory_space<vmem>>
      %dma_start3A_6 = arith.constant 0 : i32
      %dma_start3A_7 = tpu.memref_slice %arg2[%dma_start3A_6] : memref<32768xf32, #tpu.memory_space<hbm>> -> memref<32768xf32, #tpu.memory_space<hbm>>
      tpu.enqueue_indirect_dma source(%dma_start3A_7 : memref<32768xf32, #tpu.memory_space<hbm>>) target(%dma_start3A_3 : memref<128xf32, #tpu.memory_space<vmem>>) offsets(%dma_start3A_5 : memref<128xi32, #tpu.memory_space<vmem>>) semaphore(%run_scoped3A : memref<!tpu.dma_semaphore, #tpu.memory_space<semaphore_mem>>)
      %dma_wait3A = arith.constant 0 : i32
      %dma_wait3A_8 = tpu.memref_slice %arg6[%dma_wait3A] : memref<256xf32, #tpu.memory_space<vmem>> -> memref<128xf32, #tpu.memory_space<vmem>>
      %dma_wait3A_9 = arith.constant 0 : i32
      %dma_wait3A_10 = tpu.memref_slice %arg5[%dma_wait3A_9] : memref<256xi32, #tpu.memory_space<vmem>> -> memref<128xi32, #tpu.memory_space<vmem>>
      %dma_wait3A_11 = arith.constant 0 : i32
      %dma_wait3A_12 = tpu.memref_slice %arg2[%dma_wait3A_11] : memref<32768xf32, #tpu.memory_space<hbm>> -> memref<32768xf32, #tpu.memory_space<hbm>>
      tpu.wait_indirect_dma semaphore(%run_scoped3A : memref<!tpu.dma_semaphore, #tpu.memory_space<semaphore_mem>>) src(%dma_wait3A_12 : memref<32768xf32, #tpu.memory_space<hbm>>) dst(%dma_wait3A_8 : memref<128xf32, #tpu.memory_space<vmem>>)
      tpu.yield
    }) : () -> ()
    "tpu.region"() ({
      %run_scoped3A = tpu.sem_alloc : memref<!tpu.dma_semaphore, #tpu.memory_space<semaphore_mem>>
      %dma_start3A = arith.constant 128 : i32
      %dma_start3A_3 = tpu.memref_slice %arg6[%dma_start3A] : memref<256xf32, #tpu.memory_space<vmem>> -> memref<128xf32, #tpu.memory_space<vmem>>
      %dma_start3A_4 = arith.constant 128 : i32
      %dma_start3A_5 = tpu.memref_slice %arg5[%dma_start3A_4] : memref<256xi32, #tpu.memory_space<vmem>> -> memref<128xi32, #tpu.memory_space<vmem>>
      %dma_start3A_6 = arith.constant 0 : i32
      %dma_start3A_7 = tpu.memref_slice %arg2[%dma_start3A_6] : memref<32768xf32, #tpu.memory_space<hbm>> -> memref<32768xf32, #tpu.memory_space<hbm>>
      tpu.enqueue_indirect_dma source(%dma_start3A_7 : memref<32768xf32, #tpu.memory_space<hbm>>) target(%dma_start3A_3 : memref<128xf32, #tpu.memory_space<vmem>>) offsets(%dma_start3A_5 : memref<128xi32, #tpu.memory_space<vmem>>) semaphore(%run_scoped3A : memref<!tpu.dma_semaphore, #tpu.memory_space<semaphore_mem>>)
      %dma_wait3A = arith.constant 128 : i32
      %dma_wait3A_8 = tpu.memref_slice %arg6[%dma_wait3A] : memref<256xf32, #tpu.memory_space<vmem>> -> memref<128xf32, #tpu.memory_space<vmem>>
      %dma_wait3A_9 = arith.constant 128 : i32
      %dma_wait3A_10 = tpu.memref_slice %arg5[%dma_wait3A_9] : memref<256xi32, #tpu.memory_space<vmem>> -> memref<128xi32, #tpu.memory_space<vmem>>
      %dma_wait3A_11 = arith.constant 0 : i32
      %dma_wait3A_12 = tpu.memref_slice %arg2[%dma_wait3A_11] : memref<32768xf32, #tpu.memory_space<hbm>> -> memref<32768xf32, #tpu.memory_space<hbm>>
      tpu.wait_indirect_dma semaphore(%run_scoped3A : memref<!tpu.dma_semaphore, #tpu.memory_space<semaphore_mem>>) src(%dma_wait3A_12 : memref<32768xf32, #tpu.memory_space<hbm>>) dst(%dma_wait3A_8 : memref<128xf32, #tpu.memory_space<vmem>>)
      tpu.yield
    }) : () -> ()
    "tpu.region"() ({
      %run_scoped3A = tpu.sem_alloc : memref<!tpu.dma_semaphore, #tpu.memory_space<semaphore_mem>>
      %dma_start3A = tpu.memref_slice %arg4[%mul3A_2] : memref<8192xf32, #tpu.memory_space<hbm>> -> memref<256xf32, #tpu.memory_space<hbm>>
      %dma_start3A_3 = tpu.memref_slice %arg4[%mul3A_2] : memref<8192xf32, #tpu.memory_space<hbm>> -> memref<256xf32, #tpu.memory_space<hbm>>
      tpu.enqueue_dma source(%arg6 : memref<256xf32, #tpu.memory_space<vmem>>) target(%dma_start3A_3 : memref<256xf32, #tpu.memory_space<hbm>>) target_semaphore(%run_scoped3A : memref<!tpu.dma_semaphore, #tpu.memory_space<semaphore_mem>>)
      %dma_wait3A = tpu.memref_slice %arg4[%mul3A_2] : memref<8192xf32, #tpu.memory_space<hbm>> -> memref<256xf32, #tpu.memory_space<hbm>>
      %dma_wait3A_4 = tpu.memref_slice %arg4[%mul3A_2] : memref<8192xf32, #tpu.memory_space<hbm>> -> memref<256xf32, #tpu.memory_space<hbm>>
      tpu.wait_dma2 semaphore(%run_scoped3A : memref<!tpu.dma_semaphore, #tpu.memory_space<semaphore_mem>>) src(%arg6 : memref<256xf32, #tpu.memory_space<vmem>>) dst(%dma_wait3A_4 : memref<256xf32, #tpu.memory_space<hbm>>)
      tpu.yield
    }) : () -> ()
    return
  }
}

module attributes {stable_mosaic.version = 14 : i64} {
  func.func @_tca_kernel(%arg0: i32, %arg1: memref<8x2048xf32, #tpu.memory_space<vmem>>, %arg2: memref<1x1x128xf32, #tpu.memory_space<vmem>>) attributes {dimension_semantics = [#tpu.dimension_semantics<parallel>], iteration_bounds = array<i64: 256>, scalar_prefetch = 0 : i64, scratch_operands = 0 : i64, tpu.core_type = #tpu.core_type<tc>, window_params = [{transform_indices = @transform_0, window_bounds = array<i64: 8, 2048>}, {transform_indices = @transform_1, window_bounds = array<i64: 1, 1, 128>}]} {
    %get3A = arith.constant 0 : index
    %get3A_0 = arith.constant 0 : index
    %get3A_1 = vector.load %arg1[%get3A, %get3A_0] : memref<8x2048xf32, #tpu.memory_space<vmem>>, vector<8x2048xf32>
    %gt3A = arith.constant 0.000000e+00 : f32
    %gt3A_2 = vector.broadcast %gt3A : f32 to vector<8x2048xf32>
    %gt3A_3 = arith.cmpf ogt, %get3A_1, %gt3A_2 : vector<8x2048xf32>
    %convert_element_type3A = arith.extui %gt3A_3 : vector<8x2048xi1> to vector<8x2048xi32>
    %convert_element_type3A_4 = arith.sitofp %convert_element_type3A : vector<8x2048xi32> to vector<8x2048xf32>
    %broadcast_in_dim3A = arith.constant 0.000000e+00 : f32
    %broadcast_in_dim3A_5 = vector.broadcast %broadcast_in_dim3A : f32 to vector<8x1xf32>
    %slice3A = vector.extract_strided_slice %convert_element_type3A_4 {offsets = [0, 0], sizes = [8, 2047], strides = [1, 1]} : vector<8x2048xf32> to vector<8x2047xf32>
    %concatenate3A = tpu.concatenate %broadcast_in_dim3A_5, %slice3A in 1 : vector<8x1xf32>, vector<8x2047xf32> -> vector<8x2048xf32>
    %add3A = arith.addf %convert_element_type3A_4, %concatenate3A : vector<8x2048xf32>
    %broadcast_in_dim3A_6 = arith.constant 0.000000e+00 : f32
    %broadcast_in_dim3A_7 = vector.broadcast %broadcast_in_dim3A_6 : f32 to vector<8x2xf32>
    %slice3A_8 = vector.extract_strided_slice %add3A {offsets = [0, 0], sizes = [8, 2046], strides = [1, 1]} : vector<8x2048xf32> to vector<8x2046xf32>
    %concatenate3A_9 = tpu.concatenate %broadcast_in_dim3A_7, %slice3A_8 in 1 : vector<8x2xf32>, vector<8x2046xf32> -> vector<8x2048xf32>
    %add3A_10 = arith.addf %add3A, %concatenate3A_9 : vector<8x2048xf32>
    %broadcast_in_dim3A_11 = arith.constant 0.000000e+00 : f32
    %broadcast_in_dim3A_12 = vector.broadcast %broadcast_in_dim3A_11 : f32 to vector<8x4xf32>
    %slice3A_13 = vector.extract_strided_slice %add3A_10 {offsets = [0, 0], sizes = [8, 2044], strides = [1, 1]} : vector<8x2048xf32> to vector<8x2044xf32>
    %concatenate3A_14 = tpu.concatenate %broadcast_in_dim3A_12, %slice3A_13 in 1 : vector<8x4xf32>, vector<8x2044xf32> -> vector<8x2048xf32>
    %add3A_15 = arith.addf %add3A_10, %concatenate3A_14 : vector<8x2048xf32>
    %broadcast_in_dim3A_16 = arith.constant 0.000000e+00 : f32
    %broadcast_in_dim3A_17 = vector.broadcast %broadcast_in_dim3A_16 : f32 to vector<8x8xf32>
    %slice3A_18 = vector.extract_strided_slice %add3A_15 {offsets = [0, 0], sizes = [8, 2040], strides = [1, 1]} : vector<8x2048xf32> to vector<8x2040xf32>
    %concatenate3A_19 = tpu.concatenate %broadcast_in_dim3A_17, %slice3A_18 in 1 : vector<8x8xf32>, vector<8x2040xf32> -> vector<8x2048xf32>
    %add3A_20 = arith.addf %add3A_15, %concatenate3A_19 : vector<8x2048xf32>
    %broadcast_in_dim3A_21 = arith.constant 0.000000e+00 : f32
    %broadcast_in_dim3A_22 = vector.broadcast %broadcast_in_dim3A_21 : f32 to vector<8x16xf32>
    %slice3A_23 = vector.extract_strided_slice %add3A_20 {offsets = [0, 0], sizes = [8, 2032], strides = [1, 1]} : vector<8x2048xf32> to vector<8x2032xf32>
    %concatenate3A_24 = tpu.concatenate %broadcast_in_dim3A_22, %slice3A_23 in 1 : vector<8x16xf32>, vector<8x2032xf32> -> vector<8x2048xf32>
    %add3A_25 = arith.addf %add3A_20, %concatenate3A_24 : vector<8x2048xf32>
    %broadcast_in_dim3A_26 = arith.constant 0.000000e+00 : f32
    %broadcast_in_dim3A_27 = vector.broadcast %broadcast_in_dim3A_26 : f32 to vector<8x32xf32>
    %slice3A_28 = vector.extract_strided_slice %add3A_25 {offsets = [0, 0], sizes = [8, 2016], strides = [1, 1]} : vector<8x2048xf32> to vector<8x2016xf32>
    %concatenate3A_29 = tpu.concatenate %broadcast_in_dim3A_27, %slice3A_28 in 1 : vector<8x32xf32>, vector<8x2016xf32> -> vector<8x2048xf32>
    %add3A_30 = arith.addf %add3A_25, %concatenate3A_29 : vector<8x2048xf32>
    %broadcast_in_dim3A_31 = arith.constant 0.000000e+00 : f32
    %broadcast_in_dim3A_32 = vector.broadcast %broadcast_in_dim3A_31 : f32 to vector<8x64xf32>
    %slice3A_33 = vector.extract_strided_slice %add3A_30 {offsets = [0, 0], sizes = [8, 1984], strides = [1, 1]} : vector<8x2048xf32> to vector<8x1984xf32>
    %concatenate3A_34 = tpu.concatenate %broadcast_in_dim3A_32, %slice3A_33 in 1 : vector<8x64xf32>, vector<8x1984xf32> -> vector<8x2048xf32>
    %add3A_35 = arith.addf %add3A_30, %concatenate3A_34 : vector<8x2048xf32>
    %broadcast_in_dim3A_36 = arith.constant 0.000000e+00 : f32
    %broadcast_in_dim3A_37 = vector.broadcast %broadcast_in_dim3A_36 : f32 to vector<8x128xf32>
    %slice3A_38 = vector.extract_strided_slice %add3A_35 {offsets = [0, 0], sizes = [8, 1920], strides = [1, 1]} : vector<8x2048xf32> to vector<8x1920xf32>
    %concatenate3A_39 = tpu.concatenate %broadcast_in_dim3A_37, %slice3A_38 in 1 : vector<8x128xf32>, vector<8x1920xf32> -> vector<8x2048xf32>
    %add3A_40 = arith.addf %add3A_35, %concatenate3A_39 : vector<8x2048xf32>
    %broadcast_in_dim3A_41 = arith.constant 0.000000e+00 : f32
    %broadcast_in_dim3A_42 = vector.broadcast %broadcast_in_dim3A_41 : f32 to vector<8x256xf32>
    %slice3A_43 = vector.extract_strided_slice %add3A_40 {offsets = [0, 0], sizes = [8, 1792], strides = [1, 1]} : vector<8x2048xf32> to vector<8x1792xf32>
    %concatenate3A_44 = tpu.concatenate %broadcast_in_dim3A_42, %slice3A_43 in 1 : vector<8x256xf32>, vector<8x1792xf32> -> vector<8x2048xf32>
    %add3A_45 = arith.addf %add3A_40, %concatenate3A_44 : vector<8x2048xf32>
    %broadcast_in_dim3A_46 = arith.constant 0.000000e+00 : f32
    %broadcast_in_dim3A_47 = vector.broadcast %broadcast_in_dim3A_46 : f32 to vector<8x512xf32>
    %slice3A_48 = vector.extract_strided_slice %add3A_45 {offsets = [0, 0], sizes = [8, 1536], strides = [1, 1]} : vector<8x2048xf32> to vector<8x1536xf32>
    %concatenate3A_49 = tpu.concatenate %broadcast_in_dim3A_47, %slice3A_48 in 1 : vector<8x512xf32>, vector<8x1536xf32> -> vector<8x2048xf32>
    %add3A_50 = arith.addf %add3A_45, %concatenate3A_49 : vector<8x2048xf32>
    %broadcast_in_dim3A_51 = arith.constant 0.000000e+00 : f32
    %broadcast_in_dim3A_52 = vector.broadcast %broadcast_in_dim3A_51 : f32 to vector<8x1024xf32>
    %slice3A_53 = vector.extract_strided_slice %add3A_50 {offsets = [0, 0], sizes = [8, 1024], strides = [1, 1]} : vector<8x2048xf32> to vector<8x1024xf32>
    %concatenate3A_54 = tpu.concatenate %broadcast_in_dim3A_52, %slice3A_53 in 1 : vector<8x1024xf32>, vector<8x1024xf32> -> vector<8x2048xf32>
    %add3A_55 = arith.addf %add3A_50, %concatenate3A_54 : vector<8x2048xf32>
    %convert_element_type3A_56 = arith.fptosi %add3A_55 : vector<8x2048xf32> to vector<8x2048xi32>
    %iota3A = tpu.iota {dimensions = array<i32: 0>} : vector<32x2048xi32>
    %add3A_57 = arith.constant 1 : i32
    %add3A_58 = vector.broadcast %add3A_57 : i32 to vector<32x2048xi32>
    %add3A_59 = arith.addi %iota3A, %add3A_58 : vector<32x2048xi32>
    %slice3A_60 = vector.extract_strided_slice %get3A_1 {offsets = [0, 0], sizes = [1, 2048], strides = [1, 1]} : vector<8x2048xf32> to vector<1x2048xf32>
    %squeeze3A = vector.shape_cast %slice3A_60 : vector<1x2048xf32> to vector<2048xf32>
    %slice3A_61 = vector.extract_strided_slice %convert_element_type3A_56 {offsets = [0, 0], sizes = [1, 2048], strides = [1, 1]} : vector<8x2048xi32> to vector<1x2048xi32>
    %squeeze3A_62 = vector.shape_cast %slice3A_61 : vector<1x2048xi32> to vector<2048xi32>
    %broadcast_in_dim3A_63 = vector.shape_cast %squeeze3A_62 : vector<2048xi32> to vector<1x2048xi32>
    %eq3A = vector.broadcast %broadcast_in_dim3A_63 : vector<1x2048xi32> to vector<32x2048xi32>
    %eq3A_64 = arith.cmpi eq, %eq3A, %add3A_59 : vector<32x2048xi32>
    %broadcast_in_dim3A_65 = vector.shape_cast %squeeze3A : vector<2048xf32> to vector<1x2048xf32>
    %jit3A = arith.constant 0.000000e+00 : f32
    %broadcast_in_dim3A_66 = vector.shape_cast %broadcast_in_dim3A_65 : vector<1x2048xf32> to vector<1x2048xf32>
    %broadcast_in_dim3A_67 = vector.broadcast %broadcast_in_dim3A_66 : vector<1x2048xf32> to vector<32x2048xf32>
    %broadcast_in_dim3A_68 = vector.broadcast %jit3A : f32 to vector<32x2048xf32>
    %select_n3A = arith.select %eq3A_64, %broadcast_in_dim3A_67, %broadcast_in_dim3A_68 : vector<32x2048xi1>, vector<32x2048xf32>
    %reduce_sum3A = arith.constant dense<0.000000e+00> : vector<32xf32>
    %reduce_sum3A_69 = vector.multi_reduction <add>, %select_n3A, %reduce_sum3A [1] : vector<32x2048xf32> to vector<32xf32>
    %broadcast_in_dim3A_70 = vector.shape_cast %reduce_sum3A_69 : vector<32xf32> to vector<32x1xf32>
    %slice3A_71 = vector.extract_strided_slice %get3A_1 {offsets = [1, 0], sizes = [1, 2048], strides = [1, 1]} : vector<8x2048xf32> to vector<1x2048xf32>
    %squeeze3A_72 = vector.shape_cast %slice3A_71 : vector<1x2048xf32> to vector<2048xf32>
    %slice3A_73 = vector.extract_strided_slice %convert_element_type3A_56 {offsets = [1, 0], sizes = [1, 2048], strides = [1, 1]} : vector<8x2048xi32> to vector<1x2048xi32>
    %squeeze3A_74 = vector.shape_cast %slice3A_73 : vector<1x2048xi32> to vector<2048xi32>
    %broadcast_in_dim3A_75 = vector.shape_cast %squeeze3A_74 : vector<2048xi32> to vector<1x2048xi32>
    %eq3A_76 = vector.broadcast %broadcast_in_dim3A_75 : vector<1x2048xi32> to vector<32x2048xi32>
    %eq3A_77 = arith.cmpi eq, %eq3A_76, %add3A_59 : vector<32x2048xi32>
    %broadcast_in_dim3A_78 = vector.shape_cast %squeeze3A_72 : vector<2048xf32> to vector<1x2048xf32>
    %jit3A_79 = arith.constant 0.000000e+00 : f32
    %broadcast_in_dim3A_80 = vector.shape_cast %broadcast_in_dim3A_78 : vector<1x2048xf32> to vector<1x2048xf32>
    %broadcast_in_dim3A_81 = vector.broadcast %broadcast_in_dim3A_80 : vector<1x2048xf32> to vector<32x2048xf32>
    %broadcast_in_dim3A_82 = vector.broadcast %jit3A_79 : f32 to vector<32x2048xf32>
    %select_n3A_83 = arith.select %eq3A_77, %broadcast_in_dim3A_81, %broadcast_in_dim3A_82 : vector<32x2048xi1>, vector<32x2048xf32>
    %reduce_sum3A_84 = arith.constant dense<0.000000e+00> : vector<32xf32>
    %reduce_sum3A_85 = vector.multi_reduction <add>, %select_n3A_83, %reduce_sum3A_84 [1] : vector<32x2048xf32> to vector<32xf32>
    %broadcast_in_dim3A_86 = vector.shape_cast %reduce_sum3A_85 : vector<32xf32> to vector<32x1xf32>
    %slice3A_87 = vector.extract_strided_slice %get3A_1 {offsets = [2, 0], sizes = [1, 2048], strides = [1, 1]} : vector<8x2048xf32> to vector<1x2048xf32>
    %squeeze3A_88 = vector.shape_cast %slice3A_87 : vector<1x2048xf32> to vector<2048xf32>
    %slice3A_89 = vector.extract_strided_slice %convert_element_type3A_56 {offsets = [2, 0], sizes = [1, 2048], strides = [1, 1]} : vector<8x2048xi32> to vector<1x2048xi32>
    %squeeze3A_90 = vector.shape_cast %slice3A_89 : vector<1x2048xi32> to vector<2048xi32>
    %broadcast_in_dim3A_91 = vector.shape_cast %squeeze3A_90 : vector<2048xi32> to vector<1x2048xi32>
    %eq3A_92 = vector.broadcast %broadcast_in_dim3A_91 : vector<1x2048xi32> to vector<32x2048xi32>
    %eq3A_93 = arith.cmpi eq, %eq3A_92, %add3A_59 : vector<32x2048xi32>
    %broadcast_in_dim3A_94 = vector.shape_cast %squeeze3A_88 : vector<2048xf32> to vector<1x2048xf32>
    %jit3A_95 = arith.constant 0.000000e+00 : f32
    %broadcast_in_dim3A_96 = vector.shape_cast %broadcast_in_dim3A_94 : vector<1x2048xf32> to vector<1x2048xf32>
    %broadcast_in_dim3A_97 = vector.broadcast %broadcast_in_dim3A_96 : vector<1x2048xf32> to vector<32x2048xf32>
    %broadcast_in_dim3A_98 = vector.broadcast %jit3A_95 : f32 to vector<32x2048xf32>
    %select_n3A_99 = arith.select %eq3A_93, %broadcast_in_dim3A_97, %broadcast_in_dim3A_98 : vector<32x2048xi1>, vector<32x2048xf32>
    %reduce_sum3A_100 = arith.constant dense<0.000000e+00> : vector<32xf32>
    %reduce_sum3A_101 = vector.multi_reduction <add>, %select_n3A_99, %reduce_sum3A_100 [1] : vector<32x2048xf32> to vector<32xf32>
    %broadcast_in_dim3A_102 = vector.shape_cast %reduce_sum3A_101 : vector<32xf32> to vector<32x1xf32>
    %slice3A_103 = vector.extract_strided_slice %get3A_1 {offsets = [3, 0], sizes = [1, 2048], strides = [1, 1]} : vector<8x2048xf32> to vector<1x2048xf32>
    %squeeze3A_104 = vector.shape_cast %slice3A_103 : vector<1x2048xf32> to vector<2048xf32>
    %slice3A_105 = vector.extract_strided_slice %convert_element_type3A_56 {offsets = [3, 0], sizes = [1, 2048], strides = [1, 1]} : vector<8x2048xi32> to vector<1x2048xi32>
    %squeeze3A_106 = vector.shape_cast %slice3A_105 : vector<1x2048xi32> to vector<2048xi32>
    %broadcast_in_dim3A_107 = vector.shape_cast %squeeze3A_106 : vector<2048xi32> to vector<1x2048xi32>
    %eq3A_108 = vector.broadcast %broadcast_in_dim3A_107 : vector<1x2048xi32> to vector<32x2048xi32>
    %eq3A_109 = arith.cmpi eq, %eq3A_108, %add3A_59 : vector<32x2048xi32>
    %broadcast_in_dim3A_110 = vector.shape_cast %squeeze3A_104 : vector<2048xf32> to vector<1x2048xf32>
    %jit3A_111 = arith.constant 0.000000e+00 : f32
    %broadcast_in_dim3A_112 = vector.shape_cast %broadcast_in_dim3A_110 : vector<1x2048xf32> to vector<1x2048xf32>
    %broadcast_in_dim3A_113 = vector.broadcast %broadcast_in_dim3A_112 : vector<1x2048xf32> to vector<32x2048xf32>
    %broadcast_in_dim3A_114 = vector.broadcast %jit3A_111 : f32 to vector<32x2048xf32>
    %select_n3A_115 = arith.select %eq3A_109, %broadcast_in_dim3A_113, %broadcast_in_dim3A_114 : vector<32x2048xi1>, vector<32x2048xf32>
    %reduce_sum3A_116 = arith.constant dense<0.000000e+00> : vector<32xf32>
    %reduce_sum3A_117 = vector.multi_reduction <add>, %select_n3A_115, %reduce_sum3A_116 [1] : vector<32x2048xf32> to vector<32xf32>
    %broadcast_in_dim3A_118 = vector.shape_cast %reduce_sum3A_117 : vector<32xf32> to vector<32x1xf32>
    %slice3A_119 = vector.extract_strided_slice %get3A_1 {offsets = [4, 0], sizes = [1, 2048], strides = [1, 1]} : vector<8x2048xf32> to vector<1x2048xf32>
    %squeeze3A_120 = vector.shape_cast %slice3A_119 : vector<1x2048xf32> to vector<2048xf32>
    %slice3A_121 = vector.extract_strided_slice %convert_element_type3A_56 {offsets = [4, 0], sizes = [1, 2048], strides = [1, 1]} : vector<8x2048xi32> to vector<1x2048xi32>
    %squeeze3A_122 = vector.shape_cast %slice3A_121 : vector<1x2048xi32> to vector<2048xi32>
    %broadcast_in_dim3A_123 = vector.shape_cast %squeeze3A_122 : vector<2048xi32> to vector<1x2048xi32>
    %eq3A_124 = vector.broadcast %broadcast_in_dim3A_123 : vector<1x2048xi32> to vector<32x2048xi32>
    %eq3A_125 = arith.cmpi eq, %eq3A_124, %add3A_59 : vector<32x2048xi32>
    %broadcast_in_dim3A_126 = vector.shape_cast %squeeze3A_120 : vector<2048xf32> to vector<1x2048xf32>
    %jit3A_127 = arith.constant 0.000000e+00 : f32
    %broadcast_in_dim3A_128 = vector.shape_cast %broadcast_in_dim3A_126 : vector<1x2048xf32> to vector<1x2048xf32>
    %broadcast_in_dim3A_129 = vector.broadcast %broadcast_in_dim3A_128 : vector<1x2048xf32> to vector<32x2048xf32>
    %broadcast_in_dim3A_130 = vector.broadcast %jit3A_127 : f32 to vector<32x2048xf32>
    %select_n3A_131 = arith.select %eq3A_125, %broadcast_in_dim3A_129, %broadcast_in_dim3A_130 : vector<32x2048xi1>, vector<32x2048xf32>
    %reduce_sum3A_132 = arith.constant dense<0.000000e+00> : vector<32xf32>
    %reduce_sum3A_133 = vector.multi_reduction <add>, %select_n3A_131, %reduce_sum3A_132 [1] : vector<32x2048xf32> to vector<32xf32>
    %broadcast_in_dim3A_134 = vector.shape_cast %reduce_sum3A_133 : vector<32xf32> to vector<32x1xf32>
    %slice3A_135 = vector.extract_strided_slice %get3A_1 {offsets = [5, 0], sizes = [1, 2048], strides = [1, 1]} : vector<8x2048xf32> to vector<1x2048xf32>
    %squeeze3A_136 = vector.shape_cast %slice3A_135 : vector<1x2048xf32> to vector<2048xf32>
    %slice3A_137 = vector.extract_strided_slice %convert_element_type3A_56 {offsets = [5, 0], sizes = [1, 2048], strides = [1, 1]} : vector<8x2048xi32> to vector<1x2048xi32>
    %squeeze3A_138 = vector.shape_cast %slice3A_137 : vector<1x2048xi32> to vector<2048xi32>
    %broadcast_in_dim3A_139 = vector.shape_cast %squeeze3A_138 : vector<2048xi32> to vector<1x2048xi32>
    %eq3A_140 = vector.broadcast %broadcast_in_dim3A_139 : vector<1x2048xi32> to vector<32x2048xi32>
    %eq3A_141 = arith.cmpi eq, %eq3A_140, %add3A_59 : vector<32x2048xi32>
    %broadcast_in_dim3A_142 = vector.shape_cast %squeeze3A_136 : vector<2048xf32> to vector<1x2048xf32>
    %jit3A_143 = arith.constant 0.000000e+00 : f32
    %broadcast_in_dim3A_144 = vector.shape_cast %broadcast_in_dim3A_142 : vector<1x2048xf32> to vector<1x2048xf32>
    %broadcast_in_dim3A_145 = vector.broadcast %broadcast_in_dim3A_144 : vector<1x2048xf32> to vector<32x2048xf32>
    %broadcast_in_dim3A_146 = vector.broadcast %jit3A_143 : f32 to vector<32x2048xf32>
    %select_n3A_147 = arith.select %eq3A_141, %broadcast_in_dim3A_145, %broadcast_in_dim3A_146 : vector<32x2048xi1>, vector<32x2048xf32>
    %reduce_sum3A_148 = arith.constant dense<0.000000e+00> : vector<32xf32>
    %reduce_sum3A_149 = vector.multi_reduction <add>, %select_n3A_147, %reduce_sum3A_148 [1] : vector<32x2048xf32> to vector<32xf32>
    %broadcast_in_dim3A_150 = vector.shape_cast %reduce_sum3A_149 : vector<32xf32> to vector<32x1xf32>
    %slice3A_151 = vector.extract_strided_slice %get3A_1 {offsets = [6, 0], sizes = [1, 2048], strides = [1, 1]} : vector<8x2048xf32> to vector<1x2048xf32>
    %squeeze3A_152 = vector.shape_cast %slice3A_151 : vector<1x2048xf32> to vector<2048xf32>
    %slice3A_153 = vector.extract_strided_slice %convert_element_type3A_56 {offsets = [6, 0], sizes = [1, 2048], strides = [1, 1]} : vector<8x2048xi32> to vector<1x2048xi32>
    %squeeze3A_154 = vector.shape_cast %slice3A_153 : vector<1x2048xi32> to vector<2048xi32>
    %broadcast_in_dim3A_155 = vector.shape_cast %squeeze3A_154 : vector<2048xi32> to vector<1x2048xi32>
    %eq3A_156 = vector.broadcast %broadcast_in_dim3A_155 : vector<1x2048xi32> to vector<32x2048xi32>
    %eq3A_157 = arith.cmpi eq, %eq3A_156, %add3A_59 : vector<32x2048xi32>
    %broadcast_in_dim3A_158 = vector.shape_cast %squeeze3A_152 : vector<2048xf32> to vector<1x2048xf32>
    %jit3A_159 = arith.constant 0.000000e+00 : f32
    %broadcast_in_dim3A_160 = vector.shape_cast %broadcast_in_dim3A_158 : vector<1x2048xf32> to vector<1x2048xf32>
    %broadcast_in_dim3A_161 = vector.broadcast %broadcast_in_dim3A_160 : vector<1x2048xf32> to vector<32x2048xf32>
    %broadcast_in_dim3A_162 = vector.broadcast %jit3A_159 : f32 to vector<32x2048xf32>
    %select_n3A_163 = arith.select %eq3A_157, %broadcast_in_dim3A_161, %broadcast_in_dim3A_162 : vector<32x2048xi1>, vector<32x2048xf32>
    %reduce_sum3A_164 = arith.constant dense<0.000000e+00> : vector<32xf32>
    %reduce_sum3A_165 = vector.multi_reduction <add>, %select_n3A_163, %reduce_sum3A_164 [1] : vector<32x2048xf32> to vector<32xf32>
    %broadcast_in_dim3A_166 = vector.shape_cast %reduce_sum3A_165 : vector<32xf32> to vector<32x1xf32>
    %slice3A_167 = vector.extract_strided_slice %get3A_1 {offsets = [7, 0], sizes = [1, 2048], strides = [1, 1]} : vector<8x2048xf32> to vector<1x2048xf32>
    %squeeze3A_168 = vector.shape_cast %slice3A_167 : vector<1x2048xf32> to vector<2048xf32>
    %slice3A_169 = vector.extract_strided_slice %convert_element_type3A_56 {offsets = [7, 0], sizes = [1, 2048], strides = [1, 1]} : vector<8x2048xi32> to vector<1x2048xi32>
    %squeeze3A_170 = vector.shape_cast %slice3A_169 : vector<1x2048xi32> to vector<2048xi32>
    %broadcast_in_dim3A_171 = vector.shape_cast %squeeze3A_170 : vector<2048xi32> to vector<1x2048xi32>
    %eq3A_172 = vector.broadcast %broadcast_in_dim3A_171 : vector<1x2048xi32> to vector<32x2048xi32>
    %eq3A_173 = arith.cmpi eq, %eq3A_172, %add3A_59 : vector<32x2048xi32>
    %broadcast_in_dim3A_174 = vector.shape_cast %squeeze3A_168 : vector<2048xf32> to vector<1x2048xf32>
    %jit3A_175 = arith.constant 0.000000e+00 : f32
    %broadcast_in_dim3A_176 = vector.shape_cast %broadcast_in_dim3A_174 : vector<1x2048xf32> to vector<1x2048xf32>
    %broadcast_in_dim3A_177 = vector.broadcast %broadcast_in_dim3A_176 : vector<1x2048xf32> to vector<32x2048xf32>
    %broadcast_in_dim3A_178 = vector.broadcast %jit3A_175 : f32 to vector<32x2048xf32>
    %select_n3A_179 = arith.select %eq3A_173, %broadcast_in_dim3A_177, %broadcast_in_dim3A_178 : vector<32x2048xi1>, vector<32x2048xf32>
    %reduce_sum3A_180 = arith.constant dense<0.000000e+00> : vector<32xf32>
    %reduce_sum3A_181 = vector.multi_reduction <add>, %select_n3A_179, %reduce_sum3A_180 [1] : vector<32x2048xf32> to vector<32xf32>
    %broadcast_in_dim3A_182 = vector.shape_cast %reduce_sum3A_181 : vector<32xf32> to vector<32x1xf32>
    %slice3A_183 = vector.extract_strided_slice %add3A_55 {offsets = [0, 2047], sizes = [8, 1], strides = [1, 1]} : vector<8x2048xf32> to vector<8x1xf32>
    %broadcast_in_dim3A_184 = arith.constant 0.000000e+00 : f32
    %broadcast_in_dim3A_185 = vector.broadcast %broadcast_in_dim3A_184 : f32 to vector<1x1xf32>
    %slice3A_186 = vector.extract_strided_slice %slice3A_183 {offsets = [0, 0], sizes = [7, 1], strides = [1, 1]} : vector<8x1xf32> to vector<7x1xf32>
    %concatenate3A_187 = tpu.concatenate %broadcast_in_dim3A_185, %slice3A_186 in 0 : vector<1x1xf32>, vector<7x1xf32> -> vector<8x1xf32>
    %add3A_188 = arith.addf %slice3A_183, %concatenate3A_187 : vector<8x1xf32>
    %broadcast_in_dim3A_189 = arith.constant 0.000000e+00 : f32
    %broadcast_in_dim3A_190 = vector.broadcast %broadcast_in_dim3A_189 : f32 to vector<2x1xf32>
    %slice3A_191 = vector.extract_strided_slice %add3A_188 {offsets = [0, 0], sizes = [6, 1], strides = [1, 1]} : vector<8x1xf32> to vector<6x1xf32>
    %concatenate3A_192 = tpu.concatenate %broadcast_in_dim3A_190, %slice3A_191 in 0 : vector<2x1xf32>, vector<6x1xf32> -> vector<8x1xf32>
    %add3A_193 = arith.addf %add3A_188, %concatenate3A_192 : vector<8x1xf32>
    %broadcast_in_dim3A_194 = arith.constant 0.000000e+00 : f32
    %broadcast_in_dim3A_195 = vector.broadcast %broadcast_in_dim3A_194 : f32 to vector<4x1xf32>
    %slice3A_196 = vector.extract_strided_slice %add3A_193 {offsets = [0, 0], sizes = [4, 1], strides = [1, 1]} : vector<8x1xf32> to vector<4x1xf32>
    %concatenate3A_197 = tpu.concatenate %broadcast_in_dim3A_195, %slice3A_196 in 0 : vector<4x1xf32>, vector<4x1xf32> -> vector<8x1xf32>
    %add3A_198 = arith.addf %add3A_193, %concatenate3A_197 : vector<8x1xf32>
    %sub3A = arith.subf %add3A_198, %slice3A_183 : vector<8x1xf32>
    %convert_element_type3A_199 = arith.fptosi %sub3A : vector<8x1xf32> to vector<8x1xi32>
    %iota3A_200 = tpu.iota {dimensions = array<i32: 0>} : vector<32x1xi32>
    %slice3A_201 = vector.extract_strided_slice %convert_element_type3A_199 {offsets = [0, 0], sizes = [1, 1], strides = [1, 1]} : vector<8x1xi32> to vector<1x1xi32>
    %broadcast_in_dim3A_202 = vector.shape_cast %slice3A_201 : vector<1x1xi32> to vector<1x1xi32>
    %broadcast_in_dim3A_203 = vector.broadcast %broadcast_in_dim3A_202 : vector<1x1xi32> to vector<32x1xi32>
    %add3A_204 = arith.addi %broadcast_in_dim3A_203, %iota3A_200 : vector<32x1xi32>
    %slice3A_205 = vector.extract_strided_slice %convert_element_type3A_199 {offsets = [1, 0], sizes = [1, 1], strides = [1, 1]} : vector<8x1xi32> to vector<1x1xi32>
    %broadcast_in_dim3A_206 = vector.shape_cast %slice3A_205 : vector<1x1xi32> to vector<1x1xi32>
    %broadcast_in_dim3A_207 = vector.broadcast %broadcast_in_dim3A_206 : vector<1x1xi32> to vector<32x1xi32>
    %add3A_208 = arith.addi %broadcast_in_dim3A_207, %iota3A_200 : vector<32x1xi32>
    %slice3A_209 = vector.extract_strided_slice %convert_element_type3A_199 {offsets = [2, 0], sizes = [1, 1], strides = [1, 1]} : vector<8x1xi32> to vector<1x1xi32>
    %broadcast_in_dim3A_210 = vector.shape_cast %slice3A_209 : vector<1x1xi32> to vector<1x1xi32>
    %broadcast_in_dim3A_211 = vector.broadcast %broadcast_in_dim3A_210 : vector<1x1xi32> to vector<32x1xi32>
    %add3A_212 = arith.addi %broadcast_in_dim3A_211, %iota3A_200 : vector<32x1xi32>
    %slice3A_213 = vector.extract_strided_slice %convert_element_type3A_199 {offsets = [3, 0], sizes = [1, 1], strides = [1, 1]} : vector<8x1xi32> to vector<1x1xi32>
    %broadcast_in_dim3A_214 = vector.shape_cast %slice3A_213 : vector<1x1xi32> to vector<1x1xi32>
    %broadcast_in_dim3A_215 = vector.broadcast %broadcast_in_dim3A_214 : vector<1x1xi32> to vector<32x1xi32>
    %add3A_216 = arith.addi %broadcast_in_dim3A_215, %iota3A_200 : vector<32x1xi32>
    %slice3A_217 = vector.extract_strided_slice %convert_element_type3A_199 {offsets = [4, 0], sizes = [1, 1], strides = [1, 1]} : vector<8x1xi32> to vector<1x1xi32>
    %broadcast_in_dim3A_218 = vector.shape_cast %slice3A_217 : vector<1x1xi32> to vector<1x1xi32>
    %broadcast_in_dim3A_219 = vector.broadcast %broadcast_in_dim3A_218 : vector<1x1xi32> to vector<32x1xi32>
    %add3A_220 = arith.addi %broadcast_in_dim3A_219, %iota3A_200 : vector<32x1xi32>
    %slice3A_221 = vector.extract_strided_slice %convert_element_type3A_199 {offsets = [5, 0], sizes = [1, 1], strides = [1, 1]} : vector<8x1xi32> to vector<1x1xi32>
    %broadcast_in_dim3A_222 = vector.shape_cast %slice3A_221 : vector<1x1xi32> to vector<1x1xi32>
    %broadcast_in_dim3A_223 = vector.broadcast %broadcast_in_dim3A_222 : vector<1x1xi32> to vector<32x1xi32>
    %add3A_224 = arith.addi %broadcast_in_dim3A_223, %iota3A_200 : vector<32x1xi32>
    %slice3A_225 = vector.extract_strided_slice %convert_element_type3A_199 {offsets = [6, 0], sizes = [1, 1], strides = [1, 1]} : vector<8x1xi32> to vector<1x1xi32>
    %broadcast_in_dim3A_226 = vector.shape_cast %slice3A_225 : vector<1x1xi32> to vector<1x1xi32>
    %broadcast_in_dim3A_227 = vector.broadcast %broadcast_in_dim3A_226 : vector<1x1xi32> to vector<32x1xi32>
    %add3A_228 = arith.addi %broadcast_in_dim3A_227, %iota3A_200 : vector<32x1xi32>
    %slice3A_229 = vector.extract_strided_slice %convert_element_type3A_199 {offsets = [7, 0], sizes = [1, 1], strides = [1, 1]} : vector<8x1xi32> to vector<1x1xi32>
    %broadcast_in_dim3A_230 = vector.shape_cast %slice3A_229 : vector<1x1xi32> to vector<1x1xi32>
    %broadcast_in_dim3A_231 = vector.broadcast %broadcast_in_dim3A_230 : vector<1x1xi32> to vector<32x1xi32>
    %add3A_232 = arith.addi %broadcast_in_dim3A_231, %iota3A_200 : vector<32x1xi32>
    %concatenate3A_233 = tpu.concatenate %add3A_204, %add3A_208, %add3A_212, %add3A_216, %add3A_220, %add3A_224, %add3A_228, %add3A_232 in 0 : vector<32x1xi32>, vector<32x1xi32>, vector<32x1xi32>, vector<32x1xi32>, vector<32x1xi32>, vector<32x1xi32>, vector<32x1xi32>, vector<32x1xi32> -> vector<256x1xi32>
    %concatenate3A_234 = tpu.concatenate %broadcast_in_dim3A_70, %broadcast_in_dim3A_86, %broadcast_in_dim3A_102, %broadcast_in_dim3A_118, %broadcast_in_dim3A_134, %broadcast_in_dim3A_150, %broadcast_in_dim3A_166, %broadcast_in_dim3A_182 in 0 : vector<32x1xf32>, vector<32x1xf32>, vector<32x1xf32>, vector<32x1xf32>, vector<32x1xf32>, vector<32x1xf32>, vector<32x1xf32>, vector<32x1xf32> -> vector<256x1xf32>
    %iota3A_235 = tpu.iota {dimensions = array<i32: 1>} : vector<256x128xi32>
    %eq3A_236 = vector.broadcast %concatenate3A_233 : vector<256x1xi32> to vector<256x128xi32>
    %eq3A_237 = arith.cmpi eq, %eq3A_236, %iota3A_235 : vector<256x128xi32>
    %jit3A_238 = arith.constant 0.000000e+00 : f32
    %broadcast_in_dim3A_239 = vector.shape_cast %concatenate3A_234 : vector<256x1xf32> to vector<256x1xf32>
    %broadcast_in_dim3A_240 = vector.broadcast %broadcast_in_dim3A_239 : vector<256x1xf32> to vector<256x128xf32>
    %broadcast_in_dim3A_241 = vector.broadcast %jit3A_238 : f32 to vector<256x128xf32>
    %select_n3A_242 = arith.select %eq3A_237, %broadcast_in_dim3A_240, %broadcast_in_dim3A_241 : vector<256x128xi1>, vector<256x128xf32>
    %reduce_sum3A_243 = arith.constant dense<0.000000e+00> : vector<128xf32>
    %reduce_sum3A_244 = vector.multi_reduction <add>, %select_n3A_242, %reduce_sum3A_243 [0] : vector<256x128xf32> to vector<128xf32>
    %broadcast_in_dim3A_245 = vector.shape_cast %reduce_sum3A_244 : vector<128xf32> to vector<1x1x128xf32>
    %swap3A = arith.constant 0 : index
    %swap3A_246 = arith.constant 0 : index
    %swap3A_247 = arith.constant 0 : index
    %swap3A_248 = vector.load %arg2[%swap3A, %swap3A_246, %swap3A_247] : memref<1x1x128xf32, #tpu.memory_space<vmem>>, vector<1x1x128xf32>
    tpu.vector_store %arg2[%swap3A, %swap3A_246, %swap3A_247], %broadcast_in_dim3A_245 {strides = array<i32>} : memref<1x1x128xf32, #tpu.memory_space<vmem>>, vector<1x1x128xf32>,
    return
  }
  func.func @transform_0(%arg0: i32) -> (i32, i32) {
    %c0_i32 = arith.constant 0 : i32
    %c0_i32_0 = arith.constant 0 : i32
    return %arg0, %c0_i32 : i32, i32
  }
  func.func @transform_1(%arg0: i32) -> (i32, i32, i32) {
    %c0_i32 = arith.constant 0 : i32
    %c0_i32_0 = arith.constant 0 : i32
    %c0_i32_1 = arith.constant 0 : i32
    return %arg0, %c0_i32, %c0_i32_0 : i32, i32, i32
  }
}

module attributes {stable_mosaic.version = 14 : i64} {
  func.func @_tcb_kernel(%arg0: memref<256x1x128xf32, #tpu.memory_space<vmem>>, %arg1: memref<64x128xi32, #tpu.memory_space<vmem>>) attributes {dimension_semantics = [], scalar_prefetch = 0 : i64, scratch_operands = 0 : i64, tpu.core_type = #tpu.core_type<tc>} {
    %iota3A = tpu.iota {dimensions = array<i32: 0>} : vector<64x128xi32>
    %mul3A = arith.constant 128 : i32
    %mul3A_0 = vector.broadcast %mul3A : i32 to vector<64x128xi32>
    %mul3A_1 = arith.muli %iota3A, %mul3A_0 : vector<64x128xi32>
    %iota3A_2 = tpu.iota {dimensions = array<i32: 1>} : vector<64x128xi32>
    %add3A = arith.addi %mul3A_1, %iota3A_2 : vector<64x128xi32>
    %broadcast_in_dim3A = arith.constant 0 : i32
    %broadcast_in_dim3A_3 = vector.broadcast %broadcast_in_dim3A : i32 to vector<64x128xi32>
    %broadcast_in_dim3A_4 = arith.constant 0 : i32
    %broadcast_in_dim3A_5 = vector.broadcast %broadcast_in_dim3A_4 : i32 to vector<64x128xi32>
    %broadcast_in_dim3A_6 = arith.constant 0 : i32
    %broadcast_in_dim3A_7 = vector.broadcast %broadcast_in_dim3A_6 : i32 to vector<1x1xi32>
    %get3A = arith.constant 0 : index
    %get3A_8 = arith.constant 0 : index
    %get3A_9 = arith.constant 0 : index
    %get3A_10 = vector.load %arg0[%get3A, %get3A_8, %get3A_9] : memref<256x1x128xf32, #tpu.memory_space<vmem>>, vector<1x1x128xf32>
    %get3A_11 = vector.shape_cast %get3A_10 : vector<1x1x128xf32> to vector<1x128xf32>
    %gt3A = arith.constant 0.000000e+00 : f32
    %gt3A_12 = vector.broadcast %gt3A : f32 to vector<1x128xf32>
    %gt3A_13 = arith.cmpf ogt, %get3A_11, %gt3A_12 : vector<1x128xf32>
    %convert_element_type3A = arith.extui %gt3A_13 : vector<1x128xi1> to vector<1x128xi32>
    %reduce_sum3A = arith.constant dense<0> : vector<1xi32>
    %reduce_sum3A_14 = vector.multi_reduction <add>, %convert_element_type3A, %reduce_sum3A [1] : vector<1x128xi32> to vector<1xi32>
    %broadcast_in_dim3A_15 = vector.shape_cast %reduce_sum3A_14 : vector<1xi32> to vector<1x1xi32>
    %add3A_16 = arith.addi %broadcast_in_dim3A_7, %broadcast_in_dim3A_15 : vector<1x1xi32>
    %broadcast_in_dim3A_17 = vector.shape_cast %add3A_16 : vector<1x1xi32> to vector<1x1xi32>
    %broadcast_in_dim3A_18 = vector.broadcast %broadcast_in_dim3A_17 : vector<1x1xi32> to vector<64x128xi32>
    %le3A = arith.cmpi sle, %broadcast_in_dim3A_18, %add3A : vector<64x128xi32>
    %convert_element_type3A_19 = arith.extui %le3A : vector<64x128xi1> to vector<64x128xi32>
    %add3A_20 = arith.addi %broadcast_in_dim3A_3, %convert_element_type3A_19 : vector<64x128xi32>
    %broadcast_in_dim3A_21 = vector.shape_cast %broadcast_in_dim3A_15 : vector<1x1xi32> to vector<1x1xi32>
    %broadcast_in_dim3A_22 = vector.broadcast %broadcast_in_dim3A_21 : vector<1x1xi32> to vector<64x128xi32>
    %mul3A_23 = arith.muli %broadcast_in_dim3A_22, %convert_element_type3A_19 : vector<64x128xi32>
    %add3A_24 = arith.addi %broadcast_in_dim3A_5, %mul3A_23 : vector<64x128xi32>
    %get3A_25 = arith.constant 1 : index
    %get3A_26 = arith.constant 0 : index
    %get3A_27 = arith.constant 0 : index
    %get3A_28 = vector.load %arg0[%get3A_25, %get3A_26, %get3A_27] : memref<256x1x128xf32, #tpu.memory_space<vmem>>, vector<1x1x128xf32>
    %get3A_29 = vector.shape_cast %get3A_28 : vector<1x1x128xf32> to vector<1x128xf32>
    %gt3A_30 = arith.constant 0.000000e+00 : f32
    %gt3A_31 = vector.broadcast %gt3A_30 : f32 to vector<1x128xf32>
    %gt3A_32 = arith.cmpf ogt, %get3A_29, %gt3A_31 : vector<1x128xf32>
    %convert_element_type3A_33 = arith.extui %gt3A_32 : vector<1x128xi1> to vector<1x128xi32>
    %reduce_sum3A_34 = arith.constant dense<0> : vector<1xi32>
    %reduce_sum3A_35 = vector.multi_reduction <add>, %convert_element_type3A_33, %reduce_sum3A_34 [1] : vector<1x128xi32> to vector<1xi32>
    %broadcast_in_dim3A_36 = vector.shape_cast %reduce_sum3A_35 : vector<1xi32> to vector<1x1xi32>
    %add3A_37 = arith.addi %add3A_16, %broadcast_in_dim3A_36 : vector<1x1xi32>
    %broadcast_in_dim3A_38 = vector.shape_cast %add3A_37 : vector<1x1xi32> to vector<1x1xi32>
    %broadcast_in_dim3A_39 = vector.broadcast %broadcast_in_dim3A_38 : vector<1x1xi32> to vector<64x128xi32>
    %le3A_40 = arith.cmpi sle, %broadcast_in_dim3A_39, %add3A : vector<64x128xi32>
    %convert_element_type3A_41 = arith.extui %le3A_40 : vector<64x128xi1> to vector<64x128xi32>
    %add3A_42 = arith.addi %add3A_20, %convert_element_type3A_41 : vector<64x128xi32>
    %broadcast_in_dim3A_43 = vector.shape_cast %broadcast_in_dim3A_36 : vector<1x1xi32> to vector<1x1xi32>
    %broadcast_in_dim3A_44 = vector.broadcast %broadcast_in_dim3A_43 : vector<1x1xi32> to vector<64x128xi32>
    %mul3A_45 = arith.muli %broadcast_in_dim3A_44, %convert_element_type3A_41 : vector<64x128xi32>
    %add3A_46 = arith.addi %add3A_24, %mul3A_45 : vector<64x128xi32>
    %get3A_47 = arith.constant 2 : index
    %get3A_48 = arith.constant 0 : index
    %get3A_49 = arith.constant 0 : index
    %get3A_50 = vector.load %arg0[%get3A_47, %get3A_48, %get3A_49] : memref<256x1x128xf32, #tpu.memory_space<vmem>>, vector<1x1x128xf32>
    %get3A_51 = vector.shape_cast %get3A_50 : vector<1x1x128xf32> to vector<1x128xf32>
    %gt3A_52 = arith.constant 0.000000e+00 : f32
    %gt3A_53 = vector.broadcast %gt3A_52 : f32 to vector<1x128xf32>
    %gt3A_54 = arith.cmpf ogt, %get3A_51, %gt3A_53 : vector<1x128xf32>
    %convert_element_type3A_55 = arith.extui %gt3A_54 : vector<1x128xi1> to vector<1x128xi32>
    %reduce_sum3A_56 = arith.constant dense<0> : vector<1xi32>
    %reduce_sum3A_57 = vector.multi_reduction <add>, %convert_element_type3A_55, %reduce_sum3A_56 [1] : vector<1x128xi32> to vector<1xi32>
    %broadcast_in_dim3A_58 = vector.shape_cast %reduce_sum3A_57 : vector<1xi32> to vector<1x1xi32>
    %add3A_59 = arith.addi %add3A_37, %broadcast_in_dim3A_58 : vector<1x1xi32>
    %broadcast_in_dim3A_60 = vector.shape_cast %add3A_59 : vector<1x1xi32> to vector<1x1xi32>
    %broadcast_in_dim3A_61 = vector.broadcast %broadcast_in_dim3A_60 : vector<1x1xi32> to vector<64x128xi32>
    %le3A_62 = arith.cmpi sle, %broadcast_in_dim3A_61, %add3A : vector<64x128xi32>
    %convert_element_type3A_63 = arith.extui %le3A_62 : vector<64x128xi1> to vector<64x128xi32>
    %add3A_64 = arith.addi %add3A_42, %convert_element_type3A_63 : vector<64x128xi32>
    %broadcast_in_dim3A_65 = vector.shape_cast %broadcast_in_dim3A_58 : vector<1x1xi32> to vector<1x1xi32>
    %broadcast_in_dim3A_66 = vector.broadcast %broadcast_in_dim3A_65 : vector<1x1xi32> to vector<64x128xi32>
    %mul3A_67 = arith.muli %broadcast_in_dim3A_66, %convert_element_type3A_63 : vector<64x128xi32>
    %add3A_68 = arith.addi %add3A_46, %mul3A_67 : vector<64x128xi32>
    %get3A_69 = arith.constant 3 : index
    %get3A_70 = arith.constant 0 : index
    %get3A_71 = arith.constant 0 : index
    %get3A_72 = vector.load %arg0[%get3A_69, %get3A_70, %get3A_71] : memref<256x1x128xf32, #tpu.memory_space<vmem>>, vector<1x1x128xf32>
    %get3A_73 = vector.shape_cast %get3A_72 : vector<1x1x128xf32> to vector<1x128xf32>
    %gt3A_74 = arith.constant 0.000000e+00 : f32
    %gt3A_75 = vector.broadcast %gt3A_74 : f32 to vector<1x128xf32>
    %gt3A_76 = arith.cmpf ogt, %get3A_73, %gt3A_75 : vector<1x128xf32>
    %convert_element_type3A_77 = arith.extui %gt3A_76 : vector<1x128xi1> to vector<1x128xi32>
    %reduce_sum3A_78 = arith.constant dense<0> : vector<1xi32>
    %reduce_sum3A_79 = vector.multi_reduction <add>, %convert_element_type3A_77, %reduce_sum3A_78 [1] : vector<1x128xi32> to vector<1xi32>
    %broadcast_in_dim3A_80 = vector.shape_cast %reduce_sum3A_79 : vector<1xi32> to vector<1x1xi32>
    %add3A_81 = arith.addi %add3A_59, %broadcast_in_dim3A_80 : vector<1x1xi32>
    %broadcast_in_dim3A_82 = vector.shape_cast %add3A_81 : vector<1x1xi32> to vector<1x1xi32>
    %broadcast_in_dim3A_83 = vector.broadcast %broadcast_in_dim3A_82 : vector<1x1xi32> to vector<64x128xi32>
    %le3A_84 = arith.cmpi sle, %broadcast_in_dim3A_83, %add3A : vector<64x128xi32>
    %convert_element_type3A_85 = arith.extui %le3A_84 : vector<64x128xi1> to vector<64x128xi32>
    %add3A_86 = arith.addi %add3A_64, %convert_element_type3A_85 : vector<64x128xi32>
    %broadcast_in_dim3A_87 = vector.shape_cast %broadcast_in_dim3A_80 : vector<1x1xi32> to vector<1x1xi32>
    %broadcast_in_dim3A_88 = vector.broadcast %broadcast_in_dim3A_87 : vector<1x1xi32> to vector<64x128xi32>
    %mul3A_89 = arith.muli %broadcast_in_dim3A_88, %convert_element_type3A_85 : vector<64x128xi32>
    %add3A_90 = arith.addi %add3A_68, %mul3A_89 : vector<64x128xi32>
    %get3A_91 = arith.constant 4 : index
    %get3A_92 = arith.constant 0 : index
    %get3A_93 = arith.constant 0 : index
    %get3A_94 = vector.load %arg0[%get3A_91, %get3A_92, %get3A_93] : memref<256x1x128xf32, #tpu.memory_space<vmem>>, vector<1x1x128xf32>
    %get3A_95 = vector.shape_cast %get3A_94 : vector<1x1x128xf32> to vector<1x128xf32>
    %gt3A_96 = arith.constant 0.000000e+00 : f32
    %gt3A_97 = vector.broadcast %gt3A_96 : f32 to vector<1x128xf32>
    %gt3A_98 = arith.cmpf ogt, %get3A_95, %gt3A_97 : vector<1x128xf32>
    %convert_element_type3A_99 = arith.extui %gt3A_98 : vector<1x128xi1> to vector<1x128xi32>
    %reduce_sum3A_100 = arith.constant dense<0> : vector<1xi32>
    %reduce_sum3A_101 = vector.multi_reduction <add>, %convert_element_type3A_99, %reduce_sum3A_100 [1] : vector<1x128xi32> to vector<1xi32>
    %broadcast_in_dim3A_102 = vector.shape_cast %reduce_sum3A_101 : vector<1xi32> to vector<1x1xi32>
    %add3A_103 = arith.addi %add3A_81, %broadcast_in_dim3A_102 : vector<1x1xi32>
    %broadcast_in_dim3A_104 = vector.shape_cast %add3A_103 : vector<1x1xi32> to vector<1x1xi32>
    %broadcast_in_dim3A_105 = vector.broadcast %broadcast_in_dim3A_104 : vector<1x1xi32> to vector<64x128xi32>
    %le3A_106 = arith.cmpi sle, %broadcast_in_dim3A_105, %add3A : vector<64x128xi32>
    %convert_element_type3A_107 = arith.extui %le3A_106 : vector<64x128xi1> to vector<64x128xi32>
    %add3A_108 = arith.addi %add3A_86, %convert_element_type3A_107 : vector<64x128xi32>
    %broadcast_in_dim3A_109 = vector.shape_cast %broadcast_in_dim3A_102 : vector<1x1xi32> to vector<1x1xi32>
    %broadcast_in_dim3A_110 = vector.broadcast %broadcast_in_dim3A_109 : vector<1x1xi32> to vector<64x128xi32>
    %mul3A_111 = arith.muli %broadcast_in_dim3A_110, %convert_element_type3A_107 : vector<64x128xi32>
    %add3A_112 = arith.addi %add3A_90, %mul3A_111 : vector<64x128xi32>
    %get3A_113 = arith.constant 5 : index
    %get3A_114 = arith.constant 0 : index
    %get3A_115 = arith.constant 0 : index
    %get3A_116 = vector.load %arg0[%get3A_113, %get3A_114, %get3A_115] : memref<256x1x128xf32, #tpu.memory_space<vmem>>, vector<1x1x128xf32>
    %get3A_117 = vector.shape_cast %get3A_116 : vector<1x1x128xf32> to vector<1x128xf32>
    %gt3A_118 = arith.constant 0.000000e+00 : f32
    %gt3A_119 = vector.broadcast %gt3A_118 : f32 to vector<1x128xf32>
    %gt3A_120 = arith.cmpf ogt, %get3A_117, %gt3A_119 : vector<1x128xf32>
    %convert_element_type3A_121 = arith.extui %gt3A_120 : vector<1x128xi1> to vector<1x128xi32>
    %reduce_sum3A_122 = arith.constant dense<0> : vector<1xi32>
    %reduce_sum3A_123 = vector.multi_reduction <add>, %convert_element_type3A_121, %reduce_sum3A_122 [1] : vector<1x128xi32> to vector<1xi32>
    %broadcast_in_dim3A_124 = vector.shape_cast %reduce_sum3A_123 : vector<1xi32> to vector<1x1xi32>
    %add3A_125 = arith.addi %add3A_103, %broadcast_in_dim3A_124 : vector<1x1xi32>
    %broadcast_in_dim3A_126 = vector.shape_cast %add3A_125 : vector<1x1xi32> to vector<1x1xi32>
    %broadcast_in_dim3A_127 = vector.broadcast %broadcast_in_dim3A_126 : vector<1x1xi32> to vector<64x128xi32>
    %le3A_128 = arith.cmpi sle, %broadcast_in_dim3A_127, %add3A : vector<64x128xi32>
    %convert_element_type3A_129 = arith.extui %le3A_128 : vector<64x128xi1> to vector<64x128xi32>
    %add3A_130 = arith.addi %add3A_108, %convert_element_type3A_129 : vector<64x128xi32>
    %broadcast_in_dim3A_131 = vector.shape_cast %broadcast_in_dim3A_124 : vector<1x1xi32> to vector<1x1xi32>
    %broadcast_in_dim3A_132 = vector.broadcast %broadcast_in_dim3A_131 : vector<1x1xi32> to vector<64x128xi32>
    %mul3A_133 = arith.muli %broadcast_in_dim3A_132, %convert_element_type3A_129 : vector<64x128xi32>
    %add3A_134 = arith.addi %add3A_112, %mul3A_133 : vector<64x128xi32>
    %get3A_135 = arith.constant 6 : index
    %get3A_136 = arith.constant 0 : index
    %get3A_137 = arith.constant 0 : index
    %get3A_138 = vector.load %arg0[%get3A_135, %get3A_136, %get3A_137] : memref<256x1x128xf32, #tpu.memory_space<vmem>>, vector<1x1x128xf32>
    %get3A_139 = vector.shape_cast %get3A_138 : vector<1x1x128xf32> to vector<1x128xf32>
    %gt3A_140 = arith.constant 0.000000e+00 : f32
    %gt3A_141 = vector.broadcast %gt3A_140 : f32 to vector<1x128xf32>
    %gt3A_142 = arith.cmpf ogt, %get3A_139, %gt3A_141 : vector<1x128xf32>
    %convert_element_type3A_143 = arith.extui %gt3A_142 : vector<1x128xi1> to vector<1x128xi32>
    %reduce_sum3A_144 = arith.constant dense<0> : vector<1xi32>
    %reduce_sum3A_145 = vector.multi_reduction <add>, %convert_element_type3A_143, %reduce_sum3A_144 [1] : vector<1x128xi32> to vector<1xi32>
    %broadcast_in_dim3A_146 = vector.shape_cast %reduce_sum3A_145 : vector<1xi32> to vector<1x1xi32>
    %add3A_147 = arith.addi %add3A_125, %broadcast_in_dim3A_146 : vector<1x1xi32>
    %broadcast_in_dim3A_148 = vector.shape_cast %add3A_147 : vector<1x1xi32> to vector<1x1xi32>
    %broadcast_in_dim3A_149 = vector.broadcast %broadcast_in_dim3A_148 : vector<1x1xi32> to vector<64x128xi32>
    %le3A_150 = arith.cmpi sle, %broadcast_in_dim3A_149, %add3A : vector<64x128xi32>
    %convert_element_type3A_151 = arith.extui %le3A_150 : vector<64x128xi1> to vector<64x128xi32>
    %add3A_152 = arith.addi %add3A_130, %convert_element_type3A_151 : vector<64x128xi32>
    %broadcast_in_dim3A_153 = vector.shape_cast %broadcast_in_dim3A_146 : vector<1x1xi32> to vector<1x1xi32>
    %broadcast_in_dim3A_154 = vector.broadcast %broadcast_in_dim3A_153 : vector<1x1xi32> to vector<64x128xi32>
    %mul3A_155 = arith.muli %broadcast_in_dim3A_154, %convert_element_type3A_151 : vector<64x128xi32>
    %add3A_156 = arith.addi %add3A_134, %mul3A_155 : vector<64x128xi32>
    %get3A_157 = arith.constant 7 : index
    %get3A_158 = arith.constant 0 : index
    %get3A_159 = arith.constant 0 : index
    %get3A_160 = vector.load %arg0[%get3A_157, %get3A_158, %get3A_159] : memref<256x1x128xf32, #tpu.memory_space<vmem>>, vector<1x1x128xf32>
    %get3A_161 = vector.shape_cast %get3A_160 : vector<1x1x128xf32> to vector<1x128xf32>
    %gt3A_162 = arith.constant 0.000000e+00 : f32
    %gt3A_163 = vector.broadcast %gt3A_162 : f32 to vector<1x128xf32>
    %gt3A_164 = arith.cmpf ogt, %get3A_161, %gt3A_163 : vector<1x128xf32>
    %convert_element_type3A_165 = arith.extui %gt3A_164 : vector<1x128xi1> to vector<1x128xi32>
    %reduce_sum3A_166 = arith.constant dense<0> : vector<1xi32>
    %reduce_sum3A_167 = vector.multi_reduction <add>, %convert_element_type3A_165, %reduce_sum3A_166 [1] : vector<1x128xi32> to vector<1xi32>
    %broadcast_in_dim3A_168 = vector.shape_cast %reduce_sum3A_167 : vector<1xi32> to vector<1x1xi32>
    %add3A_169 = arith.addi %add3A_147, %broadcast_in_dim3A_168 : vector<1x1xi32>
    %broadcast_in_dim3A_170 = vector.shape_cast %add3A_169 : vector<1x1xi32> to vector<1x1xi32>
    %broadcast_in_dim3A_171 = vector.broadcast %broadcast_in_dim3A_170 : vector<1x1xi32> to vector<64x128xi32>
    %le3A_172 = arith.cmpi sle, %broadcast_in_dim3A_171, %add3A : vector<64x128xi32>
    %convert_element_type3A_173 = arith.extui %le3A_172 : vector<64x128xi1> to vector<64x128xi32>
    %add3A_174 = arith.addi %add3A_152, %convert_element_type3A_173 : vector<64x128xi32>
    %broadcast_in_dim3A_175 = vector.shape_cast %broadcast_in_dim3A_168 : vector<1x1xi32> to vector<1x1xi32>
    %broadcast_in_dim3A_176 = vector.broadcast %broadcast_in_dim3A_175 : vector<1x1xi32> to vector<64x128xi32>
    %mul3A_177 = arith.muli %broadcast_in_dim3A_176, %convert_element_type3A_173 : vector<64x128xi32>
    %add3A_178 = arith.addi %add3A_156, %mul3A_177 : vector<64x128xi32>
    %get3A_179 = arith.constant 8 : index
    %get3A_180 = arith.constant 0 : index
    %get3A_181 = arith.constant 0 : index
    %get3A_182 = vector.load %arg0[%get3A_179, %get3A_180, %get3A_181] : memref<256x1x128xf32, #tpu.memory_space<vmem>>, vector<1x1x128xf32>
    %get3A_183 = vector.shape_cast %get3A_182 : vector<1x1x128xf32> to vector<1x128xf32>
    %gt3A_184 = arith.constant 0.000000e+00 : f32
    %gt3A_185 = vector.broadcast %gt3A_184 : f32 to vector<1x128xf32>
    %gt3A_186 = arith.cmpf ogt, %get3A_183, %gt3A_185 : vector<1x128xf32>
    %convert_element_type3A_187 = arith.extui %gt3A_186 : vector<1x128xi1> to vector<1x128xi32>
    %reduce_sum3A_188 = arith.constant dense<0> : vector<1xi32>
    %reduce_sum3A_189 = vector.multi_reduction <add>, %convert_element_type3A_187, %reduce_sum3A_188 [1] : vector<1x128xi32> to vector<1xi32>
    %broadcast_in_dim3A_190 = vector.shape_cast %reduce_sum3A_189 : vector<1xi32> to vector<1x1xi32>
    %add3A_191 = arith.addi %add3A_169, %broadcast_in_dim3A_190 : vector<1x1xi32>
    %broadcast_in_dim3A_192 = vector.shape_cast %add3A_191 : vector<1x1xi32> to vector<1x1xi32>
    %broadcast_in_dim3A_193 = vector.broadcast %broadcast_in_dim3A_192 : vector<1x1xi32> to vector<64x128xi32>
    %le3A_194 = arith.cmpi sle, %broadcast_in_dim3A_193, %add3A : vector<64x128xi32>
    %convert_element_type3A_195 = arith.extui %le3A_194 : vector<64x128xi1> to vector<64x128xi32>
    %add3A_196 = arith.addi %add3A_174, %convert_element_type3A_195 : vector<64x128xi32>
    %broadcast_in_dim3A_197 = vector.shape_cast %broadcast_in_dim3A_190 : vector<1x1xi32> to vector<1x1xi32>
    %broadcast_in_dim3A_198 = vector.broadcast %broadcast_in_dim3A_197 : vector<1x1xi32> to vector<64x128xi32>
    %mul3A_199 = arith.muli %broadcast_in_dim3A_198, %convert_element_type3A_195 : vector<64x128xi32>
    %add3A_200 = arith.addi %add3A_178, %mul3A_199 : vector<64x128xi32>
    %get3A_201 = arith.constant 9 : index
    %get3A_202 = arith.constant 0 : index
    %get3A_203 = arith.constant 0 : index
    %get3A_204 = vector.load %arg0[%get3A_201, %get3A_202, %get3A_203] : memref<256x1x128xf32, #tpu.memory_space<vmem>>, vector<1x1x128xf32>
    %get3A_205 = vector.shape_cast %get3A_204 : vector<1x1x128xf32> to vector<1x128xf32>
    %gt3A_206 = arith.constant 0.000000e+00 : f32
    %gt3A_207 = vector.broadcast %gt3A_206 : f32 to vector<1x128xf32>
    %gt3A_208 = arith.cmpf ogt, %get3A_205, %gt3A_207 : vector<1x128xf32>
    %convert_element_type3A_209 = arith.extui %gt3A_208 : vector<1x128xi1> to vector<1x128xi32>
    %reduce_sum3A_210 = arith.constant dense<0> : vector<1xi32>
    %reduce_sum3A_211 = vector.multi_reduction <add>, %convert_element_type3A_209, %reduce_sum3A_210 [1] : vector<1x128xi32> to vector<1xi32>
    %broadcast_in_dim3A_212 = vector.shape_cast %reduce_sum3A_211 : vector<1xi32> to vector<1x1xi32>
    %add3A_213 = arith.addi %add3A_191, %broadcast_in_dim3A_212 : vector<1x1xi32>
    %broadcast_in_dim3A_214 = vector.shape_cast %add3A_213 : vector<1x1xi32> to vector<1x1xi32>
    %broadcast_in_dim3A_215 = vector.broadcast %broadcast_in_dim3A_214 : vector<1x1xi32> to vector<64x128xi32>
    %le3A_216 = arith.cmpi sle, %broadcast_in_dim3A_215, %add3A : vector<64x128xi32>
    %convert_element_type3A_217 = arith.extui %le3A_216 : vector<64x128xi1> to vector<64x128xi32>
    %add3A_218 = arith.addi %add3A_196, %convert_element_type3A_217 : vector<64x128xi32>
    %broadcast_in_dim3A_219 = vector.shape_cast %broadcast_in_dim3A_212 : vector<1x1xi32> to vector<1x1xi32>
    %broadcast_in_dim3A_220 = vector.broadcast %broadcast_in_dim3A_219 : vector<1x1xi32> to vector<64x128xi32>
    %mul3A_221 = arith.muli %broadcast_in_dim3A_220, %convert_element_type3A_217 : vector<64x128xi32>
    %add3A_222 = arith.addi %add3A_200, %mul3A_221 : vector<64x128xi32>
    %get3A_223 = arith.constant 10 : index
    %get3A_224 = arith.constant 0 : index
    %get3A_225 = arith.constant 0 : index
    %get3A_226 = vector.load %arg0[%get3A_223, %get3A_224, %get3A_225] : memref<256x1x128xf32, #tpu.memory_space<vmem>>, vector<1x1x128xf32>
    %get3A_227 = vector.shape_cast %get3A_226 : vector<1x1x128xf32> to vector<1x128xf32>
    %gt3A_228 = arith.constant 0.000000e+00 : f32
    %gt3A_229 = vector.broadcast %gt3A_228 : f32 to vector<1x128xf32>
    %gt3A_230 = arith.cmpf ogt, %get3A_227, %gt3A_229 : vector<1x128xf32>
    %convert_element_type3A_231 = arith.extui %gt3A_230 : vector<1x128xi1> to vector<1x128xi32>
    %reduce_sum3A_232 = arith.constant dense<0> : vector<1xi32>
    %reduce_sum3A_233 = vector.multi_reduction <add>, %convert_element_type3A_231, %reduce_sum3A_232 [1] : vector<1x128xi32> to vector<1xi32>
    %broadcast_in_dim3A_234 = vector.shape_cast %reduce_sum3A_233 : vector<1xi32> to vector<1x1xi32>
    %add3A_235 = arith.addi %add3A_213, %broadcast_in_dim3A_234 : vector<1x1xi32>
    %broadcast_in_dim3A_236 = vector.shape_cast %add3A_235 : vector<1x1xi32> to vector<1x1xi32>
    %broadcast_in_dim3A_237 = vector.broadcast %broadcast_in_dim3A_236 : vector<1x1xi32> to vector<64x128xi32>
    %le3A_238 = arith.cmpi sle, %broadcast_in_dim3A_237, %add3A : vector<64x128xi32>
    %convert_element_type3A_239 = arith.extui %le3A_238 : vector<64x128xi1> to vector<64x128xi32>
    %add3A_240 = arith.addi %add3A_218, %convert_element_type3A_239 : vector<64x128xi32>
    %broadcast_in_dim3A_241 = vector.shape_cast %broadcast_in_dim3A_234 : vector<1x1xi32> to vector<1x1xi32>
    %broadcast_in_dim3A_242 = vector.broadcast %broadcast_in_dim3A_241 : vector<1x1xi32> to vector<64x128xi32>
    %mul3A_243 = arith.muli %broadcast_in_dim3A_242, %convert_element_type3A_239 : vector<64x128xi32>
    %add3A_244 = arith.addi %add3A_222, %mul3A_243 : vector<64x128xi32>
    %get3A_245 = arith.constant 11 : index
    %get3A_246 = arith.constant 0 : index
    %get3A_247 = arith.constant 0 : index
    %get3A_248 = vector.load %arg0[%get3A_245, %get3A_246, %get3A_247] : memref<256x1x128xf32, #tpu.memory_space<vmem>>, vector<1x1x128xf32>
    %get3A_249 = vector.shape_cast %get3A_248 : vector<1x1x128xf32> to vector<1x128xf32>
    %gt3A_250 = arith.constant 0.000000e+00 : f32
    %gt3A_251 = vector.broadcast %gt3A_250 : f32 to vector<1x128xf32>
    %gt3A_252 = arith.cmpf ogt, %get3A_249, %gt3A_251 : vector<1x128xf32>
    %convert_element_type3A_253 = arith.extui %gt3A_252 : vector<1x128xi1> to vector<1x128xi32>
    %reduce_sum3A_254 = arith.constant dense<0> : vector<1xi32>
    %reduce_sum3A_255 = vector.multi_reduction <add>, %convert_element_type3A_253, %reduce_sum3A_254 [1] : vector<1x128xi32> to vector<1xi32>
    %broadcast_in_dim3A_256 = vector.shape_cast %reduce_sum3A_255 : vector<1xi32> to vector<1x1xi32>
    %add3A_257 = arith.addi %add3A_235, %broadcast_in_dim3A_256 : vector<1x1xi32>
    %broadcast_in_dim3A_258 = vector.shape_cast %add3A_257 : vector<1x1xi32> to vector<1x1xi32>
    %broadcast_in_dim3A_259 = vector.broadcast %broadcast_in_dim3A_258 : vector<1x1xi32> to vector<64x128xi32>
    %le3A_260 = arith.cmpi sle, %broadcast_in_dim3A_259, %add3A : vector<64x128xi32>
    %convert_element_type3A_261 = arith.extui %le3A_260 : vector<64x128xi1> to vector<64x128xi32>
    %add3A_262 = arith.addi %add3A_240, %convert_element_type3A_261 : vector<64x128xi32>
    %broadcast_in_dim3A_263 = vector.shape_cast %broadcast_in_dim3A_256 : vector<1x1xi32> to vector<1x1xi32>
    %broadcast_in_dim3A_264 = vector.broadcast %broadcast_in_dim3A_263 : vector<1x1xi32> to vector<64x128xi32>
    %mul3A_265 = arith.muli %broadcast_in_dim3A_264, %convert_element_type3A_261 : vector<64x128xi32>
    %add3A_266 = arith.addi %add3A_244, %mul3A_265 : vector<64x128xi32>
    %get3A_267 = arith.constant 12 : index
    %get3A_268 = arith.constant 0 : index
    %get3A_269 = arith.constant 0 : index
    %get3A_270 = vector.load %arg0[%get3A_267, %get3A_268, %get3A_269] : memref<256x1x128xf32, #tpu.memory_space<vmem>>, vector<1x1x128xf32>
    %get3A_271 = vector.shape_cast %get3A_270 : vector<1x1x128xf32> to vector<1x128xf32>
    %gt3A_272 = arith.constant 0.000000e+00 : f32
    %gt3A_273 = vector.broadcast %gt3A_272 : f32 to vector<1x128xf32>
    %gt3A_274 = arith.cmpf ogt, %get3A_271, %gt3A_273 : vector<1x128xf32>
    %convert_element_type3A_275 = arith.extui %gt3A_274 : vector<1x128xi1> to vector<1x128xi32>
    %reduce_sum3A_276 = arith.constant dense<0> : vector<1xi32>
    %reduce_sum3A_277 = vector.multi_reduction <add>, %convert_element_type3A_275, %reduce_sum3A_276 [1] : vector<1x128xi32> to vector<1xi32>
    %broadcast_in_dim3A_278 = vector.shape_cast %reduce_sum3A_277 : vector<1xi32> to vector<1x1xi32>
    %add3A_279 = arith.addi %add3A_257, %broadcast_in_dim3A_278 : vector<1x1xi32>
    %broadcast_in_dim3A_280 = vector.shape_cast %add3A_279 : vector<1x1xi32> to vector<1x1xi32>
    %broadcast_in_dim3A_281 = vector.broadcast %broadcast_in_dim3A_280 : vector<1x1xi32> to vector<64x128xi32>
    %le3A_282 = arith.cmpi sle, %broadcast_in_dim3A_281, %add3A : vector<64x128xi32>
    %convert_element_type3A_283 = arith.extui %le3A_282 : vector<64x128xi1> to vector<64x128xi32>
    %add3A_284 = arith.addi %add3A_262, %convert_element_type3A_283 : vector<64x128xi32>
    %broadcast_in_dim3A_285 = vector.shape_cast %broadcast_in_dim3A_278 : vector<1x1xi32> to vector<1x1xi32>
    %broadcast_in_dim3A_286 = vector.broadcast %broadcast_in_dim3A_285 : vector<1x1xi32> to vector<64x128xi32>
    %mul3A_287 = arith.muli %broadcast_in_dim3A_286, %convert_element_type3A_283 : vector<64x128xi32>
    %add3A_288 = arith.addi %add3A_266, %mul3A_287 : vector<64x128xi32>
    %get3A_289 = arith.constant 13 : index
    %get3A_290 = arith.constant 0 : index
    %get3A_291 = arith.constant 0 : index
    %get3A_292 = vector.load %arg0[%get3A_289, %get3A_290, %get3A_291] : memref<256x1x128xf32, #tpu.memory_space<vmem>>, vector<1x1x128xf32>
    %get3A_293 = vector.shape_cast %get3A_292 : vector<1x1x128xf32> to vector<1x128xf32>
    %gt3A_294 = arith.constant 0.000000e+00 : f32
    %gt3A_295 = vector.broadcast %gt3A_294 : f32 to vector<1x128xf32>
    %gt3A_296 = arith.cmpf ogt, %get3A_293, %gt3A_295 : vector<1x128xf32>
    %convert_element_type3A_297 = arith.extui %gt3A_296 : vector<1x128xi1> to vector<1x128xi32>
    %reduce_sum3A_298 = arith.constant dense<0> : vector<1xi32>
    %reduce_sum3A_299 = vector.multi_reduction <add>, %convert_element_type3A_297, %reduce_sum3A_298 [1] : vector<1x128xi32> to vector<1xi32>
    %broadcast_in_dim3A_300 = vector.shape_cast %reduce_sum3A_299 : vector<1xi32> to vector<1x1xi32>
    %add3A_301 = arith.addi %add3A_279, %broadcast_in_dim3A_300 : vector<1x1xi32>
    %broadcast_in_dim3A_302 = vector.shape_cast %add3A_301 : vector<1x1xi32> to vector<1x1xi32>
    %broadcast_in_dim3A_303 = vector.broadcast %broadcast_in_dim3A_302 : vector<1x1xi32> to vector<64x128xi32>
    %le3A_304 = arith.cmpi sle, %broadcast_in_dim3A_303, %add3A : vector<64x128xi32>
    %convert_element_type3A_305 = arith.extui %le3A_304 : vector<64x128xi1> to vector<64x128xi32>
    %add3A_306 = arith.addi %add3A_284, %convert_element_type3A_305 : vector<64x128xi32>
    %broadcast_in_dim3A_307 = vector.shape_cast %broadcast_in_dim3A_300 : vector<1x1xi32> to vector<1x1xi32>
    %broadcast_in_dim3A_308 = vector.broadcast %broadcast_in_dim3A_307 : vector<1x1xi32> to vector<64x128xi32>
    %mul3A_309 = arith.muli %broadcast_in_dim3A_308, %convert_element_type3A_305 : vector<64x128xi32>
    %add3A_310 = arith.addi %add3A_288, %mul3A_309 : vector<64x128xi32>
    %get3A_311 = arith.constant 14 : index
    %get3A_312 = arith.constant 0 : index
    %get3A_313 = arith.constant 0 : index
    %get3A_314 = vector.load %arg0[%get3A_311, %get3A_312, %get3A_313] : memref<256x1x128xf32, #tpu.memory_space<vmem>>, vector<1x1x128xf32>
    %get3A_315 = vector.shape_cast %get3A_314 : vector<1x1x128xf32> to vector<1x128xf32>
    %gt3A_316 = arith.constant 0.000000e+00 : f32
    %gt3A_317 = vector.broadcast %gt3A_316 : f32 to vector<1x128xf32>
    %gt3A_318 = arith.cmpf ogt, %get3A_315, %gt3A_317 : vector<1x128xf32>
    %convert_element_type3A_319 = arith.extui %gt3A_318 : vector<1x128xi1> to vector<1x128xi32>
    %reduce_sum3A_320 = arith.constant dense<0> : vector<1xi32>
    %reduce_sum3A_321 = vector.multi_reduction <add>, %convert_element_type3A_319, %reduce_sum3A_320 [1] : vector<1x128xi32> to vector<1xi32>
    %broadcast_in_dim3A_322 = vector.shape_cast %reduce_sum3A_321 : vector<1xi32> to vector<1x1xi32>
    %add3A_323 = arith.addi %add3A_301, %broadcast_in_dim3A_322 : vector<1x1xi32>
    %broadcast_in_dim3A_324 = vector.shape_cast %add3A_323 : vector<1x1xi32> to vector<1x1xi32>
    %broadcast_in_dim3A_325 = vector.broadcast %broadcast_in_dim3A_324 : vector<1x1xi32> to vector<64x128xi32>
    %le3A_326 = arith.cmpi sle, %broadcast_in_dim3A_325, %add3A : vector<64x128xi32>
    %convert_element_type3A_327 = arith.extui %le3A_326 : vector<64x128xi1> to vector<64x128xi32>
    %add3A_328 = arith.addi %add3A_306, %convert_element_type3A_327 : vector<64x128xi32>
    %broadcast_in_dim3A_329 = vector.shape_cast %broadcast_in_dim3A_322 : vector<1x1xi32> to vector<1x1xi32>
    %broadcast_in_dim3A_330 = vector.broadcast %broadcast_in_dim3A_329 : vector<1x1xi32> to vector<64x128xi32>
    %mul3A_331 = arith.muli %broadcast_in_dim3A_330, %convert_element_type3A_327 : vector<64x128xi32>
    %add3A_332 = arith.addi %add3A_310, %mul3A_331 : vector<64x128xi32>
    %get3A_333 = arith.constant 15 : index
    %get3A_334 = arith.constant 0 : index
    %get3A_335 = arith.constant 0 : index
    %get3A_336 = vector.load %arg0[%get3A_333, %get3A_334, %get3A_335] : memref<256x1x128xf32, #tpu.memory_space<vmem>>, vector<1x1x128xf32>
    %get3A_337 = vector.shape_cast %get3A_336 : vector<1x1x128xf32> to vector<1x128xf32>
    %gt3A_338 = arith.constant 0.000000e+00 : f32
    %gt3A_339 = vector.broadcast %gt3A_338 : f32 to vector<1x128xf32>
    %gt3A_340 = arith.cmpf ogt, %get3A_337, %gt3A_339 : vector<1x128xf32>
    %convert_element_type3A_341 = arith.extui %gt3A_340 : vector<1x128xi1> to vector<1x128xi32>
    %reduce_sum3A_342 = arith.constant dense<0> : vector<1xi32>
    %reduce_sum3A_343 = vector.multi_reduction <add>, %convert_element_type3A_341, %reduce_sum3A_342 [1] : vector<1x128xi32> to vector<1xi32>
    %broadcast_in_dim3A_344 = vector.shape_cast %reduce_sum3A_343 : vector<1xi32> to vector<1x1xi32>
    %add3A_345 = arith.addi %add3A_323, %broadcast_in_dim3A_344 : vector<1x1xi32>
    %broadcast_in_dim3A_346 = vector.shape_cast %add3A_345 : vector<1x1xi32> to vector<1x1xi32>
    %broadcast_in_dim3A_347 = vector.broadcast %broadcast_in_dim3A_346 : vector<1x1xi32> to vector<64x128xi32>
    %le3A_348 = arith.cmpi sle, %broadcast_in_dim3A_347, %add3A : vector<64x128xi32>
    %convert_element_type3A_349 = arith.extui %le3A_348 : vector<64x128xi1> to vector<64x128xi32>
    %add3A_350 = arith.addi %add3A_328, %convert_element_type3A_349 : vector<64x128xi32>
    %broadcast_in_dim3A_351 = vector.shape_cast %broadcast_in_dim3A_344 : vector<1x1xi32> to vector<1x1xi32>
    %broadcast_in_dim3A_352 = vector.broadcast %broadcast_in_dim3A_351 : vector<1x1xi32> to vector<64x128xi32>
    %mul3A_353 = arith.muli %broadcast_in_dim3A_352, %convert_element_type3A_349 : vector<64x128xi32>
    %add3A_354 = arith.addi %add3A_332, %mul3A_353 : vector<64x128xi32>
    %get3A_355 = arith.constant 16 : index
    %get3A_356 = arith.constant 0 : index
    %get3A_357 = arith.constant 0 : index
    %get3A_358 = vector.load %arg0[%get3A_355, %get3A_356, %get3A_357] : memref<256x1x128xf32, #tpu.memory_space<vmem>>, vector<1x1x128xf32>
    %get3A_359 = vector.shape_cast %get3A_358 : vector<1x1x128xf32> to vector<1x128xf32>
    %gt3A_360 = arith.constant 0.000000e+00 : f32
    %gt3A_361 = vector.broadcast %gt3A_360 : f32 to vector<1x128xf32>
    %gt3A_362 = arith.cmpf ogt, %get3A_359, %gt3A_361 : vector<1x128xf32>
    %convert_element_type3A_363 = arith.extui %gt3A_362 : vector<1x128xi1> to vector<1x128xi32>
    %reduce_sum3A_364 = arith.constant dense<0> : vector<1xi32>
    %reduce_sum3A_365 = vector.multi_reduction <add>, %convert_element_type3A_363, %reduce_sum3A_364 [1] : vector<1x128xi32> to vector<1xi32>
    %broadcast_in_dim3A_366 = vector.shape_cast %reduce_sum3A_365 : vector<1xi32> to vector<1x1xi32>
    %add3A_367 = arith.addi %add3A_345, %broadcast_in_dim3A_366 : vector<1x1xi32>
    %broadcast_in_dim3A_368 = vector.shape_cast %add3A_367 : vector<1x1xi32> to vector<1x1xi32>
    %broadcast_in_dim3A_369 = vector.broadcast %broadcast_in_dim3A_368 : vector<1x1xi32> to vector<64x128xi32>
    %le3A_370 = arith.cmpi sle, %broadcast_in_dim3A_369, %add3A : vector<64x128xi32>
    %convert_element_type3A_371 = arith.extui %le3A_370 : vector<64x128xi1> to vector<64x128xi32>
    %add3A_372 = arith.addi %add3A_350, %convert_element_type3A_371 : vector<64x128xi32>
    %broadcast_in_dim3A_373 = vector.shape_cast %broadcast_in_dim3A_366 : vector<1x1xi32> to vector<1x1xi32>
    %broadcast_in_dim3A_374 = vector.broadcast %broadcast_in_dim3A_373 : vector<1x1xi32> to vector<64x128xi32>
    %mul3A_375 = arith.muli %broadcast_in_dim3A_374, %convert_element_type3A_371 : vector<64x128xi32>
    %add3A_376 = arith.addi %add3A_354, %mul3A_375 : vector<64x128xi32>
    %get3A_377 = arith.constant 17 : index
    %get3A_378 = arith.constant 0 : index
    %get3A_379 = arith.constant 0 : index
    %get3A_380 = vector.load %arg0[%get3A_377, %get3A_378, %get3A_379] : memref<256x1x128xf32, #tpu.memory_space<vmem>>, vector<1x1x128xf32>
    %get3A_381 = vector.shape_cast %get3A_380 : vector<1x1x128xf32> to vector<1x128xf32>
    %gt3A_382 = arith.constant 0.000000e+00 : f32
    %gt3A_383 = vector.broadcast %gt3A_382 : f32 to vector<1x128xf32>
    %gt3A_384 = arith.cmpf ogt, %get3A_381, %gt3A_383 : vector<1x128xf32>
    %convert_element_type3A_385 = arith.extui %gt3A_384 : vector<1x128xi1> to vector<1x128xi32>
    %reduce_sum3A_386 = arith.constant dense<0> : vector<1xi32>
    %reduce_sum3A_387 = vector.multi_reduction <add>, %convert_element_type3A_385, %reduce_sum3A_386 [1] : vector<1x128xi32> to vector<1xi32>
    %broadcast_in_dim3A_388 = vector.shape_cast %reduce_sum3A_387 : vector<1xi32> to vector<1x1xi32>
    %add3A_389 = arith.addi %add3A_367, %broadcast_in_dim3A_388 : vector<1x1xi32>
    %broadcast_in_dim3A_390 = vector.shape_cast %add3A_389 : vector<1x1xi32> to vector<1x1xi32>
    %broadcast_in_dim3A_391 = vector.broadcast %broadcast_in_dim3A_390 : vector<1x1xi32> to vector<64x128xi32>
    %le3A_392 = arith.cmpi sle, %broadcast_in_dim3A_391, %add3A : vector<64x128xi32>
    %convert_element_type3A_393 = arith.extui %le3A_392 : vector<64x128xi1> to vector<64x128xi32>
    %add3A_394 = arith.addi %add3A_372, %convert_element_type3A_393 : vector<64x128xi32>
    %broadcast_in_dim3A_395 = vector.shape_cast %broadcast_in_dim3A_388 : vector<1x1xi32> to vector<1x1xi32>
    %broadcast_in_dim3A_396 = vector.broadcast %broadcast_in_dim3A_395 : vector<1x1xi32> to vector<64x128xi32>
    %mul3A_397 = arith.muli %broadcast_in_dim3A_396, %convert_element_type3A_393 : vector<64x128xi32>
    %add3A_398 = arith.addi %add3A_376, %mul3A_397 : vector<64x128xi32>
    %get3A_399 = arith.constant 18 : index
    %get3A_400 = arith.constant 0 : index
    %get3A_401 = arith.constant 0 : index
    %get3A_402 = vector.load %arg0[%get3A_399, %get3A_400, %get3A_401] : memref<256x1x128xf32, #tpu.memory_space<vmem>>, vector<1x1x128xf32>
    %get3A_403 = vector.shape_cast %get3A_402 : vector<1x1x128xf32> to vector<1x128xf32>
    %gt3A_404 = arith.constant 0.000000e+00 : f32
    %gt3A_405 = vector.broadcast %gt3A_404 : f32 to vector<1x128xf32>
    %gt3A_406 = arith.cmpf ogt, %get3A_403, %gt3A_405 : vector<1x128xf32>
    %convert_element_type3A_407 = arith.extui %gt3A_406 : vector<1x128xi1> to vector<1x128xi32>
    %reduce_sum3A_408 = arith.constant dense<0> : vector<1xi32>
    %reduce_sum3A_409 = vector.multi_reduction <add>, %convert_element_type3A_407, %reduce_sum3A_408 [1] : vector<1x128xi32> to vector<1xi32>
    %broadcast_in_dim3A_410 = vector.shape_cast %reduce_sum3A_409 : vector<1xi32> to vector<1x1xi32>
    %add3A_411 = arith.addi %add3A_389, %broadcast_in_dim3A_410 : vector<1x1xi32>
    %broadcast_in_dim3A_412 = vector.shape_cast %add3A_411 : vector<1x1xi32> to vector<1x1xi32>
    %broadcast_in_dim3A_413 = vector.broadcast %broadcast_in_dim3A_412 : vector<1x1xi32> to vector<64x128xi32>
    %le3A_414 = arith.cmpi sle, %broadcast_in_dim3A_413, %add3A : vector<64x128xi32>
    %convert_element_type3A_415 = arith.extui %le3A_414 : vector<64x128xi1> to vector<64x128xi32>
    %add3A_416 = arith.addi %add3A_394, %convert_element_type3A_415 : vector<64x128xi32>
    %broadcast_in_dim3A_417 = vector.shape_cast %broadcast_in_dim3A_410 : vector<1x1xi32> to vector<1x1xi32>
    %broadcast_in_dim3A_418 = vector.broadcast %broadcast_in_dim3A_417 : vector<1x1xi32> to vector<64x128xi32>
    %mul3A_419 = arith.muli %broadcast_in_dim3A_418, %convert_element_type3A_415 : vector<64x128xi32>
    %add3A_420 = arith.addi %add3A_398, %mul3A_419 : vector<64x128xi32>
    %get3A_421 = arith.constant 19 : index
    %get3A_422 = arith.constant 0 : index
    %get3A_423 = arith.constant 0 : index
    %get3A_424 = vector.load %arg0[%get3A_421, %get3A_422, %get3A_423] : memref<256x1x128xf32, #tpu.memory_space<vmem>>, vector<1x1x128xf32>
    %get3A_425 = vector.shape_cast %get3A_424 : vector<1x1x128xf32> to vector<1x128xf32>
    %gt3A_426 = arith.constant 0.000000e+00 : f32
    %gt3A_427 = vector.broadcast %gt3A_426 : f32 to vector<1x128xf32>
    %gt3A_428 = arith.cmpf ogt, %get3A_425, %gt3A_427 : vector<1x128xf32>
    %convert_element_type3A_429 = arith.extui %gt3A_428 : vector<1x128xi1> to vector<1x128xi32>
    %reduce_sum3A_430 = arith.constant dense<0> : vector<1xi32>
    %reduce_sum3A_431 = vector.multi_reduction <add>, %convert_element_type3A_429, %reduce_sum3A_430 [1] : vector<1x128xi32> to vector<1xi32>
    %broadcast_in_dim3A_432 = vector.shape_cast %reduce_sum3A_431 : vector<1xi32> to vector<1x1xi32>
    %add3A_433 = arith.addi %add3A_411, %broadcast_in_dim3A_432 : vector<1x1xi32>
    %broadcast_in_dim3A_434 = vector.shape_cast %add3A_433 : vector<1x1xi32> to vector<1x1xi32>
    %broadcast_in_dim3A_435 = vector.broadcast %broadcast_in_dim3A_434 : vector<1x1xi32> to vector<64x128xi32>
    %le3A_436 = arith.cmpi sle, %broadcast_in_dim3A_435, %add3A : vector<64x128xi32>
    %convert_element_type3A_437 = arith.extui %le3A_436 : vector<64x128xi1> to vector<64x128xi32>
    %add3A_438 = arith.addi %add3A_416, %convert_element_type3A_437 : vector<64x128xi32>
    %broadcast_in_dim3A_439 = vector.shape_cast %broadcast_in_dim3A_432 : vector<1x1xi32> to vector<1x1xi32>
    %broadcast_in_dim3A_440 = vector.broadcast %broadcast_in_dim3A_439 : vector<1x1xi32> to vector<64x128xi32>
    %mul3A_441 = arith.muli %broadcast_in_dim3A_440, %convert_element_type3A_437 : vector<64x128xi32>
    %add3A_442 = arith.addi %add3A_420, %mul3A_441 : vector<64x128xi32>
    %get3A_443 = arith.constant 20 : index
    %get3A_444 = arith.constant 0 : index
    %get3A_445 = arith.constant 0 : index
    %get3A_446 = vector.load %arg0[%get3A_443, %get3A_444, %get3A_445] : memref<256x1x128xf32, #tpu.memory_space<vmem>>, vector<1x1x128xf32>
    %get3A_447 = vector.shape_cast %get3A_446 : vector<1x1x128xf32> to vector<1x128xf32>
    %gt3A_448 = arith.constant 0.000000e+00 : f32
    %gt3A_449 = vector.broadcast %gt3A_448 : f32 to vector<1x128xf32>
    %gt3A_450 = arith.cmpf ogt, %get3A_447, %gt3A_449 : vector<1x128xf32>
    %convert_element_type3A_451 = arith.extui %gt3A_450 : vector<1x128xi1> to vector<1x128xi32>
    %reduce_sum3A_452 = arith.constant dense<0> : vector<1xi32>
    %reduce_sum3A_453 = vector.multi_reduction <add>, %convert_element_type3A_451, %reduce_sum3A_452 [1] : vector<1x128xi32> to vector<1xi32>
    %broadcast_in_dim3A_454 = vector.shape_cast %reduce_sum3A_453 : vector<1xi32> to vector<1x1xi32>
    %add3A_455 = arith.addi %add3A_433, %broadcast_in_dim3A_454 : vector<1x1xi32>
    %broadcast_in_dim3A_456 = vector.shape_cast %add3A_455 : vector<1x1xi32> to vector<1x1xi32>
    %broadcast_in_dim3A_457 = vector.broadcast %broadcast_in_dim3A_456 : vector<1x1xi32> to vector<64x128xi32>
    %le3A_458 = arith.cmpi sle, %broadcast_in_dim3A_457, %add3A : vector<64x128xi32>
    %convert_element_type3A_459 = arith.extui %le3A_458 : vector<64x128xi1> to vector<64x128xi32>
    %add3A_460 = arith.addi %add3A_438, %convert_element_type3A_459 : vector<64x128xi32>
    %broadcast_in_dim3A_461 = vector.shape_cast %broadcast_in_dim3A_454 : vector<1x1xi32> to vector<1x1xi32>
    %broadcast_in_dim3A_462 = vector.broadcast %broadcast_in_dim3A_461 : vector<1x1xi32> to vector<64x128xi32>
    %mul3A_463 = arith.muli %broadcast_in_dim3A_462, %convert_element_type3A_459 : vector<64x128xi32>
    %add3A_464 = arith.addi %add3A_442, %mul3A_463 : vector<64x128xi32>
    %get3A_465 = arith.constant 21 : index
    %get3A_466 = arith.constant 0 : index
    %get3A_467 = arith.constant 0 : index
    %get3A_468 = vector.load %arg0[%get3A_465, %get3A_466, %get3A_467] : memref<256x1x128xf32, #tpu.memory_space<vmem>>, vector<1x1x128xf32>
    %get3A_469 = vector.shape_cast %get3A_468 : vector<1x1x128xf32> to vector<1x128xf32>
    %gt3A_470 = arith.constant 0.000000e+00 : f32
    %gt3A_471 = vector.broadcast %gt3A_470 : f32 to vector<1x128xf32>
    %gt3A_472 = arith.cmpf ogt, %get3A_469, %gt3A_471 : vector<1x128xf32>
    %convert_element_type3A_473 = arith.extui %gt3A_472 : vector<1x128xi1> to vector<1x128xi32>
    %reduce_sum3A_474 = arith.constant dense<0> : vector<1xi32>
    %reduce_sum3A_475 = vector.multi_reduction <add>, %convert_element_type3A_473, %reduce_sum3A_474 [1] : vector<1x128xi32> to vector<1xi32>
    %broadcast_in_dim3A_476 = vector.shape_cast %reduce_sum3A_475 : vector<1xi32> to vector<1x1xi32>
    %add3A_477 = arith.addi %add3A_455, %broadcast_in_dim3A_476 : vector<1x1xi32>
    %broadcast_in_dim3A_478 = vector.shape_cast %add3A_477 : vector<1x1xi32> to vector<1x1xi32>
    %broadcast_in_dim3A_479 = vector.broadcast %broadcast_in_dim3A_478 : vector<1x1xi32> to vector<64x128xi32>
    %le3A_480 = arith.cmpi sle, %broadcast_in_dim3A_479, %add3A : vector<64x128xi32>
    %convert_element_type3A_481 = arith.extui %le3A_480 : vector<64x128xi1> to vector<64x128xi32>
    %add3A_482 = arith.addi %add3A_460, %convert_element_type3A_481 : vector<64x128xi32>
    %broadcast_in_dim3A_483 = vector.shape_cast %broadcast_in_dim3A_476 : vector<1x1xi32> to vector<1x1xi32>
    %broadcast_in_dim3A_484 = vector.broadcast %broadcast_in_dim3A_483 : vector<1x1xi32> to vector<64x128xi32>
    %mul3A_485 = arith.muli %broadcast_in_dim3A_484, %convert_element_type3A_481 : vector<64x128xi32>
    %add3A_486 = arith.addi %add3A_464, %mul3A_485 : vector<64x128xi32>
    %get3A_487 = arith.constant 22 : index
    %get3A_488 = arith.constant 0 : index
    %get3A_489 = arith.constant 0 : index
    %get3A_490 = vector.load %arg0[%get3A_487, %get3A_488, %get3A_489] : memref<256x1x128xf32, #tpu.memory_space<vmem>>, vector<1x1x128xf32>
    %get3A_491 = vector.shape_cast %get3A_490 : vector<1x1x128xf32> to vector<1x128xf32>
    %gt3A_492 = arith.constant 0.000000e+00 : f32
    %gt3A_493 = vector.broadcast %gt3A_492 : f32 to vector<1x128xf32>
    %gt3A_494 = arith.cmpf ogt, %get3A_491, %gt3A_493 : vector<1x128xf32>
    %convert_element_type3A_495 = arith.extui %gt3A_494 : vector<1x128xi1> to vector<1x128xi32>
    %reduce_sum3A_496 = arith.constant dense<0> : vector<1xi32>
    %reduce_sum3A_497 = vector.multi_reduction <add>, %convert_element_type3A_495, %reduce_sum3A_496 [1] : vector<1x128xi32> to vector<1xi32>
    %broadcast_in_dim3A_498 = vector.shape_cast %reduce_sum3A_497 : vector<1xi32> to vector<1x1xi32>
    %add3A_499 = arith.addi %add3A_477, %broadcast_in_dim3A_498 : vector<1x1xi32>
    %broadcast_in_dim3A_500 = vector.shape_cast %add3A_499 : vector<1x1xi32> to vector<1x1xi32>
    %broadcast_in_dim3A_501 = vector.broadcast %broadcast_in_dim3A_500 : vector<1x1xi32> to vector<64x128xi32>
    %le3A_502 = arith.cmpi sle, %broadcast_in_dim3A_501, %add3A : vector<64x128xi32>
    %convert_element_type3A_503 = arith.extui %le3A_502 : vector<64x128xi1> to vector<64x128xi32>
    %add3A_504 = arith.addi %add3A_482, %convert_element_type3A_503 : vector<64x128xi32>
    %broadcast_in_dim3A_505 = vector.shape_cast %broadcast_in_dim3A_498 : vector<1x1xi32> to vector<1x1xi32>
    %broadcast_in_dim3A_506 = vector.broadcast %broadcast_in_dim3A_505 : vector<1x1xi32> to vector<64x128xi32>
    %mul3A_507 = arith.muli %broadcast_in_dim3A_506, %convert_element_type3A_503 : vector<64x128xi32>
    %add3A_508 = arith.addi %add3A_486, %mul3A_507 : vector<64x128xi32>
    %get3A_509 = arith.constant 23 : index
    %get3A_510 = arith.constant 0 : index
    %get3A_511 = arith.constant 0 : index
    %get3A_512 = vector.load %arg0[%get3A_509, %get3A_510, %get3A_511] : memref<256x1x128xf32, #tpu.memory_space<vmem>>, vector<1x1x128xf32>
    %get3A_513 = vector.shape_cast %get3A_512 : vector<1x1x128xf32> to vector<1x128xf32>
    %gt3A_514 = arith.constant 0.000000e+00 : f32
    %gt3A_515 = vector.broadcast %gt3A_514 : f32 to vector<1x128xf32>
    %gt3A_516 = arith.cmpf ogt, %get3A_513, %gt3A_515 : vector<1x128xf32>
    %convert_element_type3A_517 = arith.extui %gt3A_516 : vector<1x128xi1> to vector<1x128xi32>
    %reduce_sum3A_518 = arith.constant dense<0> : vector<1xi32>
    %reduce_sum3A_519 = vector.multi_reduction <add>, %convert_element_type3A_517, %reduce_sum3A_518 [1] : vector<1x128xi32> to vector<1xi32>
    %broadcast_in_dim3A_520 = vector.shape_cast %reduce_sum3A_519 : vector<1xi32> to vector<1x1xi32>
    %add3A_521 = arith.addi %add3A_499, %broadcast_in_dim3A_520 : vector<1x1xi32>
    %broadcast_in_dim3A_522 = vector.shape_cast %add3A_521 : vector<1x1xi32> to vector<1x1xi32>
    %broadcast_in_dim3A_523 = vector.broadcast %broadcast_in_dim3A_522 : vector<1x1xi32> to vector<64x128xi32>
    %le3A_524 = arith.cmpi sle, %broadcast_in_dim3A_523, %add3A : vector<64x128xi32>
    %convert_element_type3A_525 = arith.extui %le3A_524 : vector<64x128xi1> to vector<64x128xi32>
    %add3A_526 = arith.addi %add3A_504, %convert_element_type3A_525 : vector<64x128xi32>
    %broadcast_in_dim3A_527 = vector.shape_cast %broadcast_in_dim3A_520 : vector<1x1xi32> to vector<1x1xi32>
    %broadcast_in_dim3A_528 = vector.broadcast %broadcast_in_dim3A_527 : vector<1x1xi32> to vector<64x128xi32>
    %mul3A_529 = arith.muli %broadcast_in_dim3A_528, %convert_element_type3A_525 : vector<64x128xi32>
    %add3A_530 = arith.addi %add3A_508, %mul3A_529 : vector<64x128xi32>
    %get3A_531 = arith.constant 24 : index
    %get3A_532 = arith.constant 0 : index
    %get3A_533 = arith.constant 0 : index
    %get3A_534 = vector.load %arg0[%get3A_531, %get3A_532, %get3A_533] : memref<256x1x128xf32, #tpu.memory_space<vmem>>, vector<1x1x128xf32>
    %get3A_535 = vector.shape_cast %get3A_534 : vector<1x1x128xf32> to vector<1x128xf32>
    %gt3A_536 = arith.constant 0.000000e+00 : f32
    %gt3A_537 = vector.broadcast %gt3A_536 : f32 to vector<1x128xf32>
    %gt3A_538 = arith.cmpf ogt, %get3A_535, %gt3A_537 : vector<1x128xf32>
    %convert_element_type3A_539 = arith.extui %gt3A_538 : vector<1x128xi1> to vector<1x128xi32>
    %reduce_sum3A_540 = arith.constant dense<0> : vector<1xi32>
    %reduce_sum3A_541 = vector.multi_reduction <add>, %convert_element_type3A_539, %reduce_sum3A_540 [1] : vector<1x128xi32> to vector<1xi32>
    %broadcast_in_dim3A_542 = vector.shape_cast %reduce_sum3A_541 : vector<1xi32> to vector<1x1xi32>
    %add3A_543 = arith.addi %add3A_521, %broadcast_in_dim3A_542 : vector<1x1xi32>
    %broadcast_in_dim3A_544 = vector.shape_cast %add3A_543 : vector<1x1xi32> to vector<1x1xi32>
    %broadcast_in_dim3A_545 = vector.broadcast %broadcast_in_dim3A_544 : vector<1x1xi32> to vector<64x128xi32>
    %le3A_546 = arith.cmpi sle, %broadcast_in_dim3A_545, %add3A : vector<64x128xi32>
    %convert_element_type3A_547 = arith.extui %le3A_546 : vector<64x128xi1> to vector<64x128xi32>
    %add3A_548 = arith.addi %add3A_526, %convert_element_type3A_547 : vector<64x128xi32>
    %broadcast_in_dim3A_549 = vector.shape_cast %broadcast_in_dim3A_542 : vector<1x1xi32> to vector<1x1xi32>
    %broadcast_in_dim3A_550 = vector.broadcast %broadcast_in_dim3A_549 : vector<1x1xi32> to vector<64x128xi32>
    %mul3A_551 = arith.muli %broadcast_in_dim3A_550, %convert_element_type3A_547 : vector<64x128xi32>
    %add3A_552 = arith.addi %add3A_530, %mul3A_551 : vector<64x128xi32>
    %get3A_553 = arith.constant 25 : index
    %get3A_554 = arith.constant 0 : index
    %get3A_555 = arith.constant 0 : index
    %get3A_556 = vector.load %arg0[%get3A_553, %get3A_554, %get3A_555] : memref<256x1x128xf32, #tpu.memory_space<vmem>>, vector<1x1x128xf32>
    %get3A_557 = vector.shape_cast %get3A_556 : vector<1x1x128xf32> to vector<1x128xf32>
    %gt3A_558 = arith.constant 0.000000e+00 : f32
    %gt3A_559 = vector.broadcast %gt3A_558 : f32 to vector<1x128xf32>
    %gt3A_560 = arith.cmpf ogt, %get3A_557, %gt3A_559 : vector<1x128xf32>
    %convert_element_type3A_561 = arith.extui %gt3A_560 : vector<1x128xi1> to vector<1x128xi32>
    %reduce_sum3A_562 = arith.constant dense<0> : vector<1xi32>
    %reduce_sum3A_563 = vector.multi_reduction <add>, %convert_element_type3A_561, %reduce_sum3A_562 [1] : vector<1x128xi32> to vector<1xi32>
    %broadcast_in_dim3A_564 = vector.shape_cast %reduce_sum3A_563 : vector<1xi32> to vector<1x1xi32>
    %add3A_565 = arith.addi %add3A_543, %broadcast_in_dim3A_564 : vector<1x1xi32>
    %broadcast_in_dim3A_566 = vector.shape_cast %add3A_565 : vector<1x1xi32> to vector<1x1xi32>
    %broadcast_in_dim3A_567 = vector.broadcast %broadcast_in_dim3A_566 : vector<1x1xi32> to vector<64x128xi32>
    %le3A_568 = arith.cmpi sle, %broadcast_in_dim3A_567, %add3A : vector<64x128xi32>
    %convert_element_type3A_569 = arith.extui %le3A_568 : vector<64x128xi1> to vector<64x128xi32>
    %add3A_570 = arith.addi %add3A_548, %convert_element_type3A_569 : vector<64x128xi32>
    %broadcast_in_dim3A_571 = vector.shape_cast %broadcast_in_dim3A_564 : vector<1x1xi32> to vector<1x1xi32>
    %broadcast_in_dim3A_572 = vector.broadcast %broadcast_in_dim3A_571 : vector<1x1xi32> to vector<64x128xi32>
    %mul3A_573 = arith.muli %broadcast_in_dim3A_572, %convert_element_type3A_569 : vector<64x128xi32>
    %add3A_574 = arith.addi %add3A_552, %mul3A_573 : vector<64x128xi32>
    %get3A_575 = arith.constant 26 : index
    %get3A_576 = arith.constant 0 : index
    %get3A_577 = arith.constant 0 : index
    %get3A_578 = vector.load %arg0[%get3A_575, %get3A_576, %get3A_577] : memref<256x1x128xf32, #tpu.memory_space<vmem>>, vector<1x1x128xf32>
    %get3A_579 = vector.shape_cast %get3A_578 : vector<1x1x128xf32> to vector<1x128xf32>
    %gt3A_580 = arith.constant 0.000000e+00 : f32
    %gt3A_581 = vector.broadcast %gt3A_580 : f32 to vector<1x128xf32>
    %gt3A_582 = arith.cmpf ogt, %get3A_579, %gt3A_581 : vector<1x128xf32>
    %convert_element_type3A_583 = arith.extui %gt3A_582 : vector<1x128xi1> to vector<1x128xi32>
    %reduce_sum3A_584 = arith.constant dense<0> : vector<1xi32>
    %reduce_sum3A_585 = vector.multi_reduction <add>, %convert_element_type3A_583, %reduce_sum3A_584 [1] : vector<1x128xi32> to vector<1xi32>
    %broadcast_in_dim3A_586 = vector.shape_cast %reduce_sum3A_585 : vector<1xi32> to vector<1x1xi32>
    %add3A_587 = arith.addi %add3A_565, %broadcast_in_dim3A_586 : vector<1x1xi32>
    %broadcast_in_dim3A_588 = vector.shape_cast %add3A_587 : vector<1x1xi32> to vector<1x1xi32>
    %broadcast_in_dim3A_589 = vector.broadcast %broadcast_in_dim3A_588 : vector<1x1xi32> to vector<64x128xi32>
    %le3A_590 = arith.cmpi sle, %broadcast_in_dim3A_589, %add3A : vector<64x128xi32>
    %convert_element_type3A_591 = arith.extui %le3A_590 : vector<64x128xi1> to vector<64x128xi32>
    %add3A_592 = arith.addi %add3A_570, %convert_element_type3A_591 : vector<64x128xi32>
    %broadcast_in_dim3A_593 = vector.shape_cast %broadcast_in_dim3A_586 : vector<1x1xi32> to vector<1x1xi32>
    %broadcast_in_dim3A_594 = vector.broadcast %broadcast_in_dim3A_593 : vector<1x1xi32> to vector<64x128xi32>
    %mul3A_595 = arith.muli %broadcast_in_dim3A_594, %convert_element_type3A_591 : vector<64x128xi32>
    %add3A_596 = arith.addi %add3A_574, %mul3A_595 : vector<64x128xi32>
    %get3A_597 = arith.constant 27 : index
    %get3A_598 = arith.constant 0 : index
    %get3A_599 = arith.constant 0 : index
    %get3A_600 = vector.load %arg0[%get3A_597, %get3A_598, %get3A_599] : memref<256x1x128xf32, #tpu.memory_space<vmem>>, vector<1x1x128xf32>
    %get3A_601 = vector.shape_cast %get3A_600 : vector<1x1x128xf32> to vector<1x128xf32>
    %gt3A_602 = arith.constant 0.000000e+00 : f32
    %gt3A_603 = vector.broadcast %gt3A_602 : f32 to vector<1x128xf32>
    %gt3A_604 = arith.cmpf ogt, %get3A_601, %gt3A_603 : vector<1x128xf32>
    %convert_element_type3A_605 = arith.extui %gt3A_604 : vector<1x128xi1> to vector<1x128xi32>
    %reduce_sum3A_606 = arith.constant dense<0> : vector<1xi32>
    %reduce_sum3A_607 = vector.multi_reduction <add>, %convert_element_type3A_605, %reduce_sum3A_606 [1] : vector<1x128xi32> to vector<1xi32>
    %broadcast_in_dim3A_608 = vector.shape_cast %reduce_sum3A_607 : vector<1xi32> to vector<1x1xi32>
    %add3A_609 = arith.addi %add3A_587, %broadcast_in_dim3A_608 : vector<1x1xi32>
    %broadcast_in_dim3A_610 = vector.shape_cast %add3A_609 : vector<1x1xi32> to vector<1x1xi32>
    %broadcast_in_dim3A_611 = vector.broadcast %broadcast_in_dim3A_610 : vector<1x1xi32> to vector<64x128xi32>
    %le3A_612 = arith.cmpi sle, %broadcast_in_dim3A_611, %add3A : vector<64x128xi32>
    %convert_element_type3A_613 = arith.extui %le3A_612 : vector<64x128xi1> to vector<64x128xi32>
    %add3A_614 = arith.addi %add3A_592, %convert_element_type3A_613 : vector<64x128xi32>
    %broadcast_in_dim3A_615 = vector.shape_cast %broadcast_in_dim3A_608 : vector<1x1xi32> to vector<1x1xi32>
    %broadcast_in_dim3A_616 = vector.broadcast %broadcast_in_dim3A_615 : vector<1x1xi32> to vector<64x128xi32>
    %mul3A_617 = arith.muli %broadcast_in_dim3A_616, %convert_element_type3A_613 : vector<64x128xi32>
    %add3A_618 = arith.addi %add3A_596, %mul3A_617 : vector<64x128xi32>
    %get3A_619 = arith.constant 28 : index
    %get3A_620 = arith.constant 0 : index
    %get3A_621 = arith.constant 0 : index
    %get3A_622 = vector.load %arg0[%get3A_619, %get3A_620, %get3A_621] : memref<256x1x128xf32, #tpu.memory_space<vmem>>, vector<1x1x128xf32>
    %get3A_623 = vector.shape_cast %get3A_622 : vector<1x1x128xf32> to vector<1x128xf32>
    %gt3A_624 = arith.constant 0.000000e+00 : f32
    %gt3A_625 = vector.broadcast %gt3A_624 : f32 to vector<1x128xf32>
    %gt3A_626 = arith.cmpf ogt, %get3A_623, %gt3A_625 : vector<1x128xf32>
    %convert_element_type3A_627 = arith.extui %gt3A_626 : vector<1x128xi1> to vector<1x128xi32>
    %reduce_sum3A_628 = arith.constant dense<0> : vector<1xi32>
    %reduce_sum3A_629 = vector.multi_reduction <add>, %convert_element_type3A_627, %reduce_sum3A_628 [1] : vector<1x128xi32> to vector<1xi32>
    %broadcast_in_dim3A_630 = vector.shape_cast %reduce_sum3A_629 : vector<1xi32> to vector<1x1xi32>
    %add3A_631 = arith.addi %add3A_609, %broadcast_in_dim3A_630 : vector<1x1xi32>
    %broadcast_in_dim3A_632 = vector.shape_cast %add3A_631 : vector<1x1xi32> to vector<1x1xi32>
    %broadcast_in_dim3A_633 = vector.broadcast %broadcast_in_dim3A_632 : vector<1x1xi32> to vector<64x128xi32>
    %le3A_634 = arith.cmpi sle, %broadcast_in_dim3A_633, %add3A : vector<64x128xi32>
    %convert_element_type3A_635 = arith.extui %le3A_634 : vector<64x128xi1> to vector<64x128xi32>
    %add3A_636 = arith.addi %add3A_614, %convert_element_type3A_635 : vector<64x128xi32>
    %broadcast_in_dim3A_637 = vector.shape_cast %broadcast_in_dim3A_630 : vector<1x1xi32> to vector<1x1xi32>
    %broadcast_in_dim3A_638 = vector.broadcast %broadcast_in_dim3A_637 : vector<1x1xi32> to vector<64x128xi32>
    %mul3A_639 = arith.muli %broadcast_in_dim3A_638, %convert_element_type3A_635 : vector<64x128xi32>
    %add3A_640 = arith.addi %add3A_618, %mul3A_639 : vector<64x128xi32>
    %get3A_641 = arith.constant 29 : index
    %get3A_642 = arith.constant 0 : index
    %get3A_643 = arith.constant 0 : index
    %get3A_644 = vector.load %arg0[%get3A_641, %get3A_642, %get3A_643] : memref<256x1x128xf32, #tpu.memory_space<vmem>>, vector<1x1x128xf32>
    %get3A_645 = vector.shape_cast %get3A_644 : vector<1x1x128xf32> to vector<1x128xf32>
    %gt3A_646 = arith.constant 0.000000e+00 : f32
    %gt3A_647 = vector.broadcast %gt3A_646 : f32 to vector<1x128xf32>
    %gt3A_648 = arith.cmpf ogt, %get3A_645, %gt3A_647 : vector<1x128xf32>
    %convert_element_type3A_649 = arith.extui %gt3A_648 : vector<1x128xi1> to vector<1x128xi32>
    %reduce_sum3A_650 = arith.constant dense<0> : vector<1xi32>
    %reduce_sum3A_651 = vector.multi_reduction <add>, %convert_element_type3A_649, %reduce_sum3A_650 [1] : vector<1x128xi32> to vector<1xi32>
    %broadcast_in_dim3A_652 = vector.shape_cast %reduce_sum3A_651 : vector<1xi32> to vector<1x1xi32>
    %add3A_653 = arith.addi %add3A_631, %broadcast_in_dim3A_652 : vector<1x1xi32>
    %broadcast_in_dim3A_654 = vector.shape_cast %add3A_653 : vector<1x1xi32> to vector<1x1xi32>
    %broadcast_in_dim3A_655 = vector.broadcast %broadcast_in_dim3A_654 : vector<1x1xi32> to vector<64x128xi32>
    %le3A_656 = arith.cmpi sle, %broadcast_in_dim3A_655, %add3A : vector<64x128xi32>
    %convert_element_type3A_657 = arith.extui %le3A_656 : vector<64x128xi1> to vector<64x128xi32>
    %add3A_658 = arith.addi %add3A_636, %convert_element_type3A_657 : vector<64x128xi32>
    %broadcast_in_dim3A_659 = vector.shape_cast %broadcast_in_dim3A_652 : vector<1x1xi32> to vector<1x1xi32>
    %broadcast_in_dim3A_660 = vector.broadcast %broadcast_in_dim3A_659 : vector<1x1xi32> to vector<64x128xi32>
    %mul3A_661 = arith.muli %broadcast_in_dim3A_660, %convert_element_type3A_657 : vector<64x128xi32>
    %add3A_662 = arith.addi %add3A_640, %mul3A_661 : vector<64x128xi32>
    %get3A_663 = arith.constant 30 : index
    %get3A_664 = arith.constant 0 : index
    %get3A_665 = arith.constant 0 : index
    %get3A_666 = vector.load %arg0[%get3A_663, %get3A_664, %get3A_665] : memref<256x1x128xf32, #tpu.memory_space<vmem>>, vector<1x1x128xf32>
    %get3A_667 = vector.shape_cast %get3A_666 : vector<1x1x128xf32> to vector<1x128xf32>
    %gt3A_668 = arith.constant 0.000000e+00 : f32
    %gt3A_669 = vector.broadcast %gt3A_668 : f32 to vector<1x128xf32>
    %gt3A_670 = arith.cmpf ogt, %get3A_667, %gt3A_669 : vector<1x128xf32>
    %convert_element_type3A_671 = arith.extui %gt3A_670 : vector<1x128xi1> to vector<1x128xi32>
    %reduce_sum3A_672 = arith.constant dense<0> : vector<1xi32>
    %reduce_sum3A_673 = vector.multi_reduction <add>, %convert_element_type3A_671, %reduce_sum3A_672 [1] : vector<1x128xi32> to vector<1xi32>
    %broadcast_in_dim3A_674 = vector.shape_cast %reduce_sum3A_673 : vector<1xi32> to vector<1x1xi32>
    %add3A_675 = arith.addi %add3A_653, %broadcast_in_dim3A_674 : vector<1x1xi32>
    %broadcast_in_dim3A_676 = vector.shape_cast %add3A_675 : vector<1x1xi32> to vector<1x1xi32>
    %broadcast_in_dim3A_677 = vector.broadcast %broadcast_in_dim3A_676 : vector<1x1xi32> to vector<64x128xi32>
    %le3A_678 = arith.cmpi sle, %broadcast_in_dim3A_677, %add3A : vector<64x128xi32>
    %convert_element_type3A_679 = arith.extui %le3A_678 : vector<64x128xi1> to vector<64x128xi32>
    %add3A_680 = arith.addi %add3A_658, %convert_element_type3A_679 : vector<64x128xi32>
    %broadcast_in_dim3A_681 = vector.shape_cast %broadcast_in_dim3A_674 : vector<1x1xi32> to vector<1x1xi32>
    %broadcast_in_dim3A_682 = vector.broadcast %broadcast_in_dim3A_681 : vector<1x1xi32> to vector<64x128xi32>
    %mul3A_683 = arith.muli %broadcast_in_dim3A_682, %convert_element_type3A_679 : vector<64x128xi32>
    %add3A_684 = arith.addi %add3A_662, %mul3A_683 : vector<64x128xi32>
    %get3A_685 = arith.constant 31 : index
    %get3A_686 = arith.constant 0 : index
    %get3A_687 = arith.constant 0 : index
    %get3A_688 = vector.load %arg0[%get3A_685, %get3A_686, %get3A_687] : memref<256x1x128xf32, #tpu.memory_space<vmem>>, vector<1x1x128xf32>
    %get3A_689 = vector.shape_cast %get3A_688 : vector<1x1x128xf32> to vector<1x128xf32>
    %gt3A_690 = arith.constant 0.000000e+00 : f32
    %gt3A_691 = vector.broadcast %gt3A_690 : f32 to vector<1x128xf32>
    %gt3A_692 = arith.cmpf ogt, %get3A_689, %gt3A_691 : vector<1x128xf32>
    %convert_element_type3A_693 = arith.extui %gt3A_692 : vector<1x128xi1> to vector<1x128xi32>
    %reduce_sum3A_694 = arith.constant dense<0> : vector<1xi32>
    %reduce_sum3A_695 = vector.multi_reduction <add>, %convert_element_type3A_693, %reduce_sum3A_694 [1] : vector<1x128xi32> to vector<1xi32>
    %broadcast_in_dim3A_696 = vector.shape_cast %reduce_sum3A_695 : vector<1xi32> to vector<1x1xi32>
    %add3A_697 = arith.addi %add3A_675, %broadcast_in_dim3A_696 : vector<1x1xi32>
    %broadcast_in_dim3A_698 = vector.shape_cast %add3A_697 : vector<1x1xi32> to vector<1x1xi32>
    %broadcast_in_dim3A_699 = vector.broadcast %broadcast_in_dim3A_698 : vector<1x1xi32> to vector<64x128xi32>
    %le3A_700 = arith.cmpi sle, %broadcast_in_dim3A_699, %add3A : vector<64x128xi32>
    %convert_element_type3A_701 = arith.extui %le3A_700 : vector<64x128xi1> to vector<64x128xi32>
    %add3A_702 = arith.addi %add3A_680, %convert_element_type3A_701 : vector<64x128xi32>
    %broadcast_in_dim3A_703 = vector.shape_cast %broadcast_in_dim3A_696 : vector<1x1xi32> to vector<1x1xi32>
    %broadcast_in_dim3A_704 = vector.broadcast %broadcast_in_dim3A_703 : vector<1x1xi32> to vector<64x128xi32>
    %mul3A_705 = arith.muli %broadcast_in_dim3A_704, %convert_element_type3A_701 : vector<64x128xi32>
    %add3A_706 = arith.addi %add3A_684, %mul3A_705 : vector<64x128xi32>
    %get3A_707 = arith.constant 32 : index
    %get3A_708 = arith.constant 0 : index
    %get3A_709 = arith.constant 0 : index
    %get3A_710 = vector.load %arg0[%get3A_707, %get3A_708, %get3A_709] : memref<256x1x128xf32, #tpu.memory_space<vmem>>, vector<1x1x128xf32>
    %get3A_711 = vector.shape_cast %get3A_710 : vector<1x1x128xf32> to vector<1x128xf32>
    %gt3A_712 = arith.constant 0.000000e+00 : f32
    %gt3A_713 = vector.broadcast %gt3A_712 : f32 to vector<1x128xf32>
    %gt3A_714 = arith.cmpf ogt, %get3A_711, %gt3A_713 : vector<1x128xf32>
    %convert_element_type3A_715 = arith.extui %gt3A_714 : vector<1x128xi1> to vector<1x128xi32>
    %reduce_sum3A_716 = arith.constant dense<0> : vector<1xi32>
    %reduce_sum3A_717 = vector.multi_reduction <add>, %convert_element_type3A_715, %reduce_sum3A_716 [1] : vector<1x128xi32> to vector<1xi32>
    %broadcast_in_dim3A_718 = vector.shape_cast %reduce_sum3A_717 : vector<1xi32> to vector<1x1xi32>
    %add3A_719 = arith.addi %add3A_697, %broadcast_in_dim3A_718 : vector<1x1xi32>
    %broadcast_in_dim3A_720 = vector.shape_cast %add3A_719 : vector<1x1xi32> to vector<1x1xi32>
    %broadcast_in_dim3A_721 = vector.broadcast %broadcast_in_dim3A_720 : vector<1x1xi32> to vector<64x128xi32>
    %le3A_722 = arith.cmpi sle, %broadcast_in_dim3A_721, %add3A : vector<64x128xi32>
    %convert_element_type3A_723 = arith.extui %le3A_722 : vector<64x128xi1> to vector<64x128xi32>
    %add3A_724 = arith.addi %add3A_702, %convert_element_type3A_723 : vector<64x128xi32>
    %broadcast_in_dim3A_725 = vector.shape_cast %broadcast_in_dim3A_718 : vector<1x1xi32> to vector<1x1xi32>
    %broadcast_in_dim3A_726 = vector.broadcast %broadcast_in_dim3A_725 : vector<1x1xi32> to vector<64x128xi32>
    %mul3A_727 = arith.muli %broadcast_in_dim3A_726, %convert_element_type3A_723 : vector<64x128xi32>
    %add3A_728 = arith.addi %add3A_706, %mul3A_727 : vector<64x128xi32>
    %get3A_729 = arith.constant 33 : index
    %get3A_730 = arith.constant 0 : index
    %get3A_731 = arith.constant 0 : index
    %get3A_732 = vector.load %arg0[%get3A_729, %get3A_730, %get3A_731] : memref<256x1x128xf32, #tpu.memory_space<vmem>>, vector<1x1x128xf32>
    %get3A_733 = vector.shape_cast %get3A_732 : vector<1x1x128xf32> to vector<1x128xf32>
    %gt3A_734 = arith.constant 0.000000e+00 : f32
    %gt3A_735 = vector.broadcast %gt3A_734 : f32 to vector<1x128xf32>
    %gt3A_736 = arith.cmpf ogt, %get3A_733, %gt3A_735 : vector<1x128xf32>
    %convert_element_type3A_737 = arith.extui %gt3A_736 : vector<1x128xi1> to vector<1x128xi32>
    %reduce_sum3A_738 = arith.constant dense<0> : vector<1xi32>
    %reduce_sum3A_739 = vector.multi_reduction <add>, %convert_element_type3A_737, %reduce_sum3A_738 [1] : vector<1x128xi32> to vector<1xi32>
    %broadcast_in_dim3A_740 = vector.shape_cast %reduce_sum3A_739 : vector<1xi32> to vector<1x1xi32>
    %add3A_741 = arith.addi %add3A_719, %broadcast_in_dim3A_740 : vector<1x1xi32>
    %broadcast_in_dim3A_742 = vector.shape_cast %add3A_741 : vector<1x1xi32> to vector<1x1xi32>
    %broadcast_in_dim3A_743 = vector.broadcast %broadcast_in_dim3A_742 : vector<1x1xi32> to vector<64x128xi32>
    %le3A_744 = arith.cmpi sle, %broadcast_in_dim3A_743, %add3A : vector<64x128xi32>
    %convert_element_type3A_745 = arith.extui %le3A_744 : vector<64x128xi1> to vector<64x128xi32>
    %add3A_746 = arith.addi %add3A_724, %convert_element_type3A_745 : vector<64x128xi32>
    %broadcast_in_dim3A_747 = vector.shape_cast %broadcast_in_dim3A_740 : vector<1x1xi32> to vector<1x1xi32>
    %broadcast_in_dim3A_748 = vector.broadcast %broadcast_in_dim3A_747 : vector<1x1xi32> to vector<64x128xi32>
    %mul3A_749 = arith.muli %broadcast_in_dim3A_748, %convert_element_type3A_745 : vector<64x128xi32>
    %add3A_750 = arith.addi %add3A_728, %mul3A_749 : vector<64x128xi32>
    %get3A_751 = arith.constant 34 : index
    %get3A_752 = arith.constant 0 : index
    %get3A_753 = arith.constant 0 : index
    %get3A_754 = vector.load %arg0[%get3A_751, %get3A_752, %get3A_753] : memref<256x1x128xf32, #tpu.memory_space<vmem>>, vector<1x1x128xf32>
    %get3A_755 = vector.shape_cast %get3A_754 : vector<1x1x128xf32> to vector<1x128xf32>
    %gt3A_756 = arith.constant 0.000000e+00 : f32
    %gt3A_757 = vector.broadcast %gt3A_756 : f32 to vector<1x128xf32>
    %gt3A_758 = arith.cmpf ogt, %get3A_755, %gt3A_757 : vector<1x128xf32>
    %convert_element_type3A_759 = arith.extui %gt3A_758 : vector<1x128xi1> to vector<1x128xi32>
    %reduce_sum3A_760 = arith.constant dense<0> : vector<1xi32>
    %reduce_sum3A_761 = vector.multi_reduction <add>, %convert_element_type3A_759, %reduce_sum3A_760 [1] : vector<1x128xi32> to vector<1xi32>
    %broadcast_in_dim3A_762 = vector.shape_cast %reduce_sum3A_761 : vector<1xi32> to vector<1x1xi32>
    %add3A_763 = arith.addi %add3A_741, %broadcast_in_dim3A_762 : vector<1x1xi32>
    %broadcast_in_dim3A_764 = vector.shape_cast %add3A_763 : vector<1x1xi32> to vector<1x1xi32>
    %broadcast_in_dim3A_765 = vector.broadcast %broadcast_in_dim3A_764 : vector<1x1xi32> to vector<64x128xi32>
    %le3A_766 = arith.cmpi sle, %broadcast_in_dim3A_765, %add3A : vector<64x128xi32>
    %convert_element_type3A_767 = arith.extui %le3A_766 : vector<64x128xi1> to vector<64x128xi32>
    %add3A_768 = arith.addi %add3A_746, %convert_element_type3A_767 : vector<64x128xi32>
    %broadcast_in_dim3A_769 = vector.shape_cast %broadcast_in_dim3A_762 : vector<1x1xi32> to vector<1x1xi32>
    %broadcast_in_dim3A_770 = vector.broadcast %broadcast_in_dim3A_769 : vector<1x1xi32> to vector<64x128xi32>
    %mul3A_771 = arith.muli %broadcast_in_dim3A_770, %convert_element_type3A_767 : vector<64x128xi32>
    %add3A_772 = arith.addi %add3A_750, %mul3A_771 : vector<64x128xi32>
    %get3A_773 = arith.constant 35 : index
    %get3A_774 = arith.constant 0 : index
    %get3A_775 = arith.constant 0 : index
    %get3A_776 = vector.load %arg0[%get3A_773, %get3A_774, %get3A_775] : memref<256x1x128xf32, #tpu.memory_space<vmem>>, vector<1x1x128xf32>
    %get3A_777 = vector.shape_cast %get3A_776 : vector<1x1x128xf32> to vector<1x128xf32>
    %gt3A_778 = arith.constant 0.000000e+00 : f32
    %gt3A_779 = vector.broadcast %gt3A_778 : f32 to vector<1x128xf32>
    %gt3A_780 = arith.cmpf ogt, %get3A_777, %gt3A_779 : vector<1x128xf32>
    %convert_element_type3A_781 = arith.extui %gt3A_780 : vector<1x128xi1> to vector<1x128xi32>
    %reduce_sum3A_782 = arith.constant dense<0> : vector<1xi32>
    %reduce_sum3A_783 = vector.multi_reduction <add>, %convert_element_type3A_781, %reduce_sum3A_782 [1] : vector<1x128xi32> to vector<1xi32>
    %broadcast_in_dim3A_784 = vector.shape_cast %reduce_sum3A_783 : vector<1xi32> to vector<1x1xi32>
    %add3A_785 = arith.addi %add3A_763, %broadcast_in_dim3A_784 : vector<1x1xi32>
    %broadcast_in_dim3A_786 = vector.shape_cast %add3A_785 : vector<1x1xi32> to vector<1x1xi32>
    %broadcast_in_dim3A_787 = vector.broadcast %broadcast_in_dim3A_786 : vector<1x1xi32> to vector<64x128xi32>
    %le3A_788 = arith.cmpi sle, %broadcast_in_dim3A_787, %add3A : vector<64x128xi32>
    %convert_element_type3A_789 = arith.extui %le3A_788 : vector<64x128xi1> to vector<64x128xi32>
    %add3A_790 = arith.addi %add3A_768, %convert_element_type3A_789 : vector<64x128xi32>
    %broadcast_in_dim3A_791 = vector.shape_cast %broadcast_in_dim3A_784 : vector<1x1xi32> to vector<1x1xi32>
    %broadcast_in_dim3A_792 = vector.broadcast %broadcast_in_dim3A_791 : vector<1x1xi32> to vector<64x128xi32>
    %mul3A_793 = arith.muli %broadcast_in_dim3A_792, %convert_element_type3A_789 : vector<64x128xi32>
    %add3A_794 = arith.addi %add3A_772, %mul3A_793 : vector<64x128xi32>
    %get3A_795 = arith.constant 36 : index
    %get3A_796 = arith.constant 0 : index
    %get3A_797 = arith.constant 0 : index
    %get3A_798 = vector.load %arg0[%get3A_795, %get3A_796, %get3A_797] : memref<256x1x128xf32, #tpu.memory_space<vmem>>, vector<1x1x128xf32>
    %get3A_799 = vector.shape_cast %get3A_798 : vector<1x1x128xf32> to vector<1x128xf32>
    %gt3A_800 = arith.constant 0.000000e+00 : f32
    %gt3A_801 = vector.broadcast %gt3A_800 : f32 to vector<1x128xf32>
    %gt3A_802 = arith.cmpf ogt, %get3A_799, %gt3A_801 : vector<1x128xf32>
    %convert_element_type3A_803 = arith.extui %gt3A_802 : vector<1x128xi1> to vector<1x128xi32>
    %reduce_sum3A_804 = arith.constant dense<0> : vector<1xi32>
    %reduce_sum3A_805 = vector.multi_reduction <add>, %convert_element_type3A_803, %reduce_sum3A_804 [1] : vector<1x128xi32> to vector<1xi32>
    %broadcast_in_dim3A_806 = vector.shape_cast %reduce_sum3A_805 : vector<1xi32> to vector<1x1xi32>
    %add3A_807 = arith.addi %add3A_785, %broadcast_in_dim3A_806 : vector<1x1xi32>
    %broadcast_in_dim3A_808 = vector.shape_cast %add3A_807 : vector<1x1xi32> to vector<1x1xi32>
    %broadcast_in_dim3A_809 = vector.broadcast %broadcast_in_dim3A_808 : vector<1x1xi32> to vector<64x128xi32>
    %le3A_810 = arith.cmpi sle, %broadcast_in_dim3A_809, %add3A : vector<64x128xi32>
    %convert_element_type3A_811 = arith.extui %le3A_810 : vector<64x128xi1> to vector<64x128xi32>
    %add3A_812 = arith.addi %add3A_790, %convert_element_type3A_811 : vector<64x128xi32>
    %broadcast_in_dim3A_813 = vector.shape_cast %broadcast_in_dim3A_806 : vector<1x1xi32> to vector<1x1xi32>
    %broadcast_in_dim3A_814 = vector.broadcast %broadcast_in_dim3A_813 : vector<1x1xi32> to vector<64x128xi32>
    %mul3A_815 = arith.muli %broadcast_in_dim3A_814, %convert_element_type3A_811 : vector<64x128xi32>
    %add3A_816 = arith.addi %add3A_794, %mul3A_815 : vector<64x128xi32>
    %get3A_817 = arith.constant 37 : index
    %get3A_818 = arith.constant 0 : index
    %get3A_819 = arith.constant 0 : index
    %get3A_820 = vector.load %arg0[%get3A_817, %get3A_818, %get3A_819] : memref<256x1x128xf32, #tpu.memory_space<vmem>>, vector<1x1x128xf32>
    %get3A_821 = vector.shape_cast %get3A_820 : vector<1x1x128xf32> to vector<1x128xf32>
    %gt3A_822 = arith.constant 0.000000e+00 : f32
    %gt3A_823 = vector.broadcast %gt3A_822 : f32 to vector<1x128xf32>
    %gt3A_824 = arith.cmpf ogt, %get3A_821, %gt3A_823 : vector<1x128xf32>
    %convert_element_type3A_825 = arith.extui %gt3A_824 : vector<1x128xi1> to vector<1x128xi32>
    %reduce_sum3A_826 = arith.constant dense<0> : vector<1xi32>
    %reduce_sum3A_827 = vector.multi_reduction <add>, %convert_element_type3A_825, %reduce_sum3A_826 [1] : vector<1x128xi32> to vector<1xi32>
    %broadcast_in_dim3A_828 = vector.shape_cast %reduce_sum3A_827 : vector<1xi32> to vector<1x1xi32>
    %add3A_829 = arith.addi %add3A_807, %broadcast_in_dim3A_828 : vector<1x1xi32>
    %broadcast_in_dim3A_830 = vector.shape_cast %add3A_829 : vector<1x1xi32> to vector<1x1xi32>
    %broadcast_in_dim3A_831 = vector.broadcast %broadcast_in_dim3A_830 : vector<1x1xi32> to vector<64x128xi32>
    %le3A_832 = arith.cmpi sle, %broadcast_in_dim3A_831, %add3A : vector<64x128xi32>
    %convert_element_type3A_833 = arith.extui %le3A_832 : vector<64x128xi1> to vector<64x128xi32>
    %add3A_834 = arith.addi %add3A_812, %convert_element_type3A_833 : vector<64x128xi32>
    %broadcast_in_dim3A_835 = vector.shape_cast %broadcast_in_dim3A_828 : vector<1x1xi32> to vector<1x1xi32>
    %broadcast_in_dim3A_836 = vector.broadcast %broadcast_in_dim3A_835 : vector<1x1xi32> to vector<64x128xi32>
    %mul3A_837 = arith.muli %broadcast_in_dim3A_836, %convert_element_type3A_833 : vector<64x128xi32>
    %add3A_838 = arith.addi %add3A_816, %mul3A_837 : vector<64x128xi32>
    %get3A_839 = arith.constant 38 : index
    %get3A_840 = arith.constant 0 : index
    %get3A_841 = arith.constant 0 : index
    %get3A_842 = vector.load %arg0[%get3A_839, %get3A_840, %get3A_841] : memref<256x1x128xf32, #tpu.memory_space<vmem>>, vector<1x1x128xf32>
    %get3A_843 = vector.shape_cast %get3A_842 : vector<1x1x128xf32> to vector<1x128xf32>
    %gt3A_844 = arith.constant 0.000000e+00 : f32
    %gt3A_845 = vector.broadcast %gt3A_844 : f32 to vector<1x128xf32>
    %gt3A_846 = arith.cmpf ogt, %get3A_843, %gt3A_845 : vector<1x128xf32>
    %convert_element_type3A_847 = arith.extui %gt3A_846 : vector<1x128xi1> to vector<1x128xi32>
    %reduce_sum3A_848 = arith.constant dense<0> : vector<1xi32>
    %reduce_sum3A_849 = vector.multi_reduction <add>, %convert_element_type3A_847, %reduce_sum3A_848 [1] : vector<1x128xi32> to vector<1xi32>
    %broadcast_in_dim3A_850 = vector.shape_cast %reduce_sum3A_849 : vector<1xi32> to vector<1x1xi32>
    %add3A_851 = arith.addi %add3A_829, %broadcast_in_dim3A_850 : vector<1x1xi32>
    %broadcast_in_dim3A_852 = vector.shape_cast %add3A_851 : vector<1x1xi32> to vector<1x1xi32>
    %broadcast_in_dim3A_853 = vector.broadcast %broadcast_in_dim3A_852 : vector<1x1xi32> to vector<64x128xi32>
    %le3A_854 = arith.cmpi sle, %broadcast_in_dim3A_853, %add3A : vector<64x128xi32>
    %convert_element_type3A_855 = arith.extui %le3A_854 : vector<64x128xi1> to vector<64x128xi32>
    %add3A_856 = arith.addi %add3A_834, %convert_element_type3A_855 : vector<64x128xi32>
    %broadcast_in_dim3A_857 = vector.shape_cast %broadcast_in_dim3A_850 : vector<1x1xi32> to vector<1x1xi32>
    %broadcast_in_dim3A_858 = vector.broadcast %broadcast_in_dim3A_857 : vector<1x1xi32> to vector<64x128xi32>
    %mul3A_859 = arith.muli %broadcast_in_dim3A_858, %convert_element_type3A_855 : vector<64x128xi32>
    %add3A_860 = arith.addi %add3A_838, %mul3A_859 : vector<64x128xi32>
    %get3A_861 = arith.constant 39 : index
    %get3A_862 = arith.constant 0 : index
    %get3A_863 = arith.constant 0 : index
    %get3A_864 = vector.load %arg0[%get3A_861, %get3A_862, %get3A_863] : memref<256x1x128xf32, #tpu.memory_space<vmem>>, vector<1x1x128xf32>
    %get3A_865 = vector.shape_cast %get3A_864 : vector<1x1x128xf32> to vector<1x128xf32>
    %gt3A_866 = arith.constant 0.000000e+00 : f32
    %gt3A_867 = vector.broadcast %gt3A_866 : f32 to vector<1x128xf32>
    %gt3A_868 = arith.cmpf ogt, %get3A_865, %gt3A_867 : vector<1x128xf32>
    %convert_element_type3A_869 = arith.extui %gt3A_868 : vector<1x128xi1> to vector<1x128xi32>
    %reduce_sum3A_870 = arith.constant dense<0> : vector<1xi32>
    %reduce_sum3A_871 = vector.multi_reduction <add>, %convert_element_type3A_869, %reduce_sum3A_870 [1] : vector<1x128xi32> to vector<1xi32>
    %broadcast_in_dim3A_872 = vector.shape_cast %reduce_sum3A_871 : vector<1xi32> to vector<1x1xi32>
    %add3A_873 = arith.addi %add3A_851, %broadcast_in_dim3A_872 : vector<1x1xi32>
    %broadcast_in_dim3A_874 = vector.shape_cast %add3A_873 : vector<1x1xi32> to vector<1x1xi32>
    %broadcast_in_dim3A_875 = vector.broadcast %broadcast_in_dim3A_874 : vector<1x1xi32> to vector<64x128xi32>
    %le3A_876 = arith.cmpi sle, %broadcast_in_dim3A_875, %add3A : vector<64x128xi32>
    %convert_element_type3A_877 = arith.extui %le3A_876 : vector<64x128xi1> to vector<64x128xi32>
    %add3A_878 = arith.addi %add3A_856, %convert_element_type3A_877 : vector<64x128xi32>
    %broadcast_in_dim3A_879 = vector.shape_cast %broadcast_in_dim3A_872 : vector<1x1xi32> to vector<1x1xi32>
    %broadcast_in_dim3A_880 = vector.broadcast %broadcast_in_dim3A_879 : vector<1x1xi32> to vector<64x128xi32>
    %mul3A_881 = arith.muli %broadcast_in_dim3A_880, %convert_element_type3A_877 : vector<64x128xi32>
    %add3A_882 = arith.addi %add3A_860, %mul3A_881 : vector<64x128xi32>
    %get3A_883 = arith.constant 40 : index
    %get3A_884 = arith.constant 0 : index
    %get3A_885 = arith.constant 0 : index
    %get3A_886 = vector.load %arg0[%get3A_883, %get3A_884, %get3A_885] : memref<256x1x128xf32, #tpu.memory_space<vmem>>, vector<1x1x128xf32>
    %get3A_887 = vector.shape_cast %get3A_886 : vector<1x1x128xf32> to vector<1x128xf32>
    %gt3A_888 = arith.constant 0.000000e+00 : f32
    %gt3A_889 = vector.broadcast %gt3A_888 : f32 to vector<1x128xf32>
    %gt3A_890 = arith.cmpf ogt, %get3A_887, %gt3A_889 : vector<1x128xf32>
    %convert_element_type3A_891 = arith.extui %gt3A_890 : vector<1x128xi1> to vector<1x128xi32>
    %reduce_sum3A_892 = arith.constant dense<0> : vector<1xi32>
    %reduce_sum3A_893 = vector.multi_reduction <add>, %convert_element_type3A_891, %reduce_sum3A_892 [1] : vector<1x128xi32> to vector<1xi32>
    %broadcast_in_dim3A_894 = vector.shape_cast %reduce_sum3A_893 : vector<1xi32> to vector<1x1xi32>
    %add3A_895 = arith.addi %add3A_873, %broadcast_in_dim3A_894 : vector<1x1xi32>
    %broadcast_in_dim3A_896 = vector.shape_cast %add3A_895 : vector<1x1xi32> to vector<1x1xi32>
    %broadcast_in_dim3A_897 = vector.broadcast %broadcast_in_dim3A_896 : vector<1x1xi32> to vector<64x128xi32>
    %le3A_898 = arith.cmpi sle, %broadcast_in_dim3A_897, %add3A : vector<64x128xi32>
    %convert_element_type3A_899 = arith.extui %le3A_898 : vector<64x128xi1> to vector<64x128xi32>
    %add3A_900 = arith.addi %add3A_878, %convert_element_type3A_899 : vector<64x128xi32>
    %broadcast_in_dim3A_901 = vector.shape_cast %broadcast_in_dim3A_894 : vector<1x1xi32> to vector<1x1xi32>
    %broadcast_in_dim3A_902 = vector.broadcast %broadcast_in_dim3A_901 : vector<1x1xi32> to vector<64x128xi32>
    %mul3A_903 = arith.muli %broadcast_in_dim3A_902, %convert_element_type3A_899 : vector<64x128xi32>
    %add3A_904 = arith.addi %add3A_882, %mul3A_903 : vector<64x128xi32>
    %get3A_905 = arith.constant 41 : index
    %get3A_906 = arith.constant 0 : index
    %get3A_907 = arith.constant 0 : index
    %get3A_908 = vector.load %arg0[%get3A_905, %get3A_906, %get3A_907] : memref<256x1x128xf32, #tpu.memory_space<vmem>>, vector<1x1x128xf32>
    %get3A_909 = vector.shape_cast %get3A_908 : vector<1x1x128xf32> to vector<1x128xf32>
    %gt3A_910 = arith.constant 0.000000e+00 : f32
    %gt3A_911 = vector.broadcast %gt3A_910 : f32 to vector<1x128xf32>
    %gt3A_912 = arith.cmpf ogt, %get3A_909, %gt3A_911 : vector<1x128xf32>
    %convert_element_type3A_913 = arith.extui %gt3A_912 : vector<1x128xi1> to vector<1x128xi32>
    %reduce_sum3A_914 = arith.constant dense<0> : vector<1xi32>
    %reduce_sum3A_915 = vector.multi_reduction <add>, %convert_element_type3A_913, %reduce_sum3A_914 [1] : vector<1x128xi32> to vector<1xi32>
    %broadcast_in_dim3A_916 = vector.shape_cast %reduce_sum3A_915 : vector<1xi32> to vector<1x1xi32>
    %add3A_917 = arith.addi %add3A_895, %broadcast_in_dim3A_916 : vector<1x1xi32>
    %broadcast_in_dim3A_918 = vector.shape_cast %add3A_917 : vector<1x1xi32> to vector<1x1xi32>
    %broadcast_in_dim3A_919 = vector.broadcast %broadcast_in_dim3A_918 : vector<1x1xi32> to vector<64x128xi32>
    %le3A_920 = arith.cmpi sle, %broadcast_in_dim3A_919, %add3A : vector<64x128xi32>
    %convert_element_type3A_921 = arith.extui %le3A_920 : vector<64x128xi1> to vector<64x128xi32>
    %add3A_922 = arith.addi %add3A_900, %convert_element_type3A_921 : vector<64x128xi32>
    %broadcast_in_dim3A_923 = vector.shape_cast %broadcast_in_dim3A_916 : vector<1x1xi32> to vector<1x1xi32>
    %broadcast_in_dim3A_924 = vector.broadcast %broadcast_in_dim3A_923 : vector<1x1xi32> to vector<64x128xi32>
    %mul3A_925 = arith.muli %broadcast_in_dim3A_924, %convert_element_type3A_921 : vector<64x128xi32>
    %add3A_926 = arith.addi %add3A_904, %mul3A_925 : vector<64x128xi32>
    %get3A_927 = arith.constant 42 : index
    %get3A_928 = arith.constant 0 : index
    %get3A_929 = arith.constant 0 : index
    %get3A_930 = vector.load %arg0[%get3A_927, %get3A_928, %get3A_929] : memref<256x1x128xf32, #tpu.memory_space<vmem>>, vector<1x1x128xf32>
    %get3A_931 = vector.shape_cast %get3A_930 : vector<1x1x128xf32> to vector<1x128xf32>
    %gt3A_932 = arith.constant 0.000000e+00 : f32
    %gt3A_933 = vector.broadcast %gt3A_932 : f32 to vector<1x128xf32>
    %gt3A_934 = arith.cmpf ogt, %get3A_931, %gt3A_933 : vector<1x128xf32>
    %convert_element_type3A_935 = arith.extui %gt3A_934 : vector<1x128xi1> to vector<1x128xi32>
    %reduce_sum3A_936 = arith.constant dense<0> : vector<1xi32>
    %reduce_sum3A_937 = vector.multi_reduction <add>, %convert_element_type3A_935, %reduce_sum3A_936 [1] : vector<1x128xi32> to vector<1xi32>
    %broadcast_in_dim3A_938 = vector.shape_cast %reduce_sum3A_937 : vector<1xi32> to vector<1x1xi32>
    %add3A_939 = arith.addi %add3A_917, %broadcast_in_dim3A_938 : vector<1x1xi32>
    %broadcast_in_dim3A_940 = vector.shape_cast %add3A_939 : vector<1x1xi32> to vector<1x1xi32>
    %broadcast_in_dim3A_941 = vector.broadcast %broadcast_in_dim3A_940 : vector<1x1xi32> to vector<64x128xi32>
    %le3A_942 = arith.cmpi sle, %broadcast_in_dim3A_941, %add3A : vector<64x128xi32>
    %convert_element_type3A_943 = arith.extui %le3A_942 : vector<64x128xi1> to vector<64x128xi32>
    %add3A_944 = arith.addi %add3A_922, %convert_element_type3A_943 : vector<64x128xi32>
    %broadcast_in_dim3A_945 = vector.shape_cast %broadcast_in_dim3A_938 : vector<1x1xi32> to vector<1x1xi32>
    %broadcast_in_dim3A_946 = vector.broadcast %broadcast_in_dim3A_945 : vector<1x1xi32> to vector<64x128xi32>
    %mul3A_947 = arith.muli %broadcast_in_dim3A_946, %convert_element_type3A_943 : vector<64x128xi32>
    %add3A_948 = arith.addi %add3A_926, %mul3A_947 : vector<64x128xi32>
    %get3A_949 = arith.constant 43 : index
    %get3A_950 = arith.constant 0 : index
    %get3A_951 = arith.constant 0 : index
    %get3A_952 = vector.load %arg0[%get3A_949, %get3A_950, %get3A_951] : memref<256x1x128xf32, #tpu.memory_space<vmem>>, vector<1x1x128xf32>
    %get3A_953 = vector.shape_cast %get3A_952 : vector<1x1x128xf32> to vector<1x128xf32>
    %gt3A_954 = arith.constant 0.000000e+00 : f32
    %gt3A_955 = vector.broadcast %gt3A_954 : f32 to vector<1x128xf32>
    %gt3A_956 = arith.cmpf ogt, %get3A_953, %gt3A_955 : vector<1x128xf32>
    %convert_element_type3A_957 = arith.extui %gt3A_956 : vector<1x128xi1> to vector<1x128xi32>
    %reduce_sum3A_958 = arith.constant dense<0> : vector<1xi32>
    %reduce_sum3A_959 = vector.multi_reduction <add>, %convert_element_type3A_957, %reduce_sum3A_958 [1] : vector<1x128xi32> to vector<1xi32>
    %broadcast_in_dim3A_960 = vector.shape_cast %reduce_sum3A_959 : vector<1xi32> to vector<1x1xi32>
    %add3A_961 = arith.addi %add3A_939, %broadcast_in_dim3A_960 : vector<1x1xi32>
    %broadcast_in_dim3A_962 = vector.shape_cast %add3A_961 : vector<1x1xi32> to vector<1x1xi32>
    %broadcast_in_dim3A_963 = vector.broadcast %broadcast_in_dim3A_962 : vector<1x1xi32> to vector<64x128xi32>
    %le3A_964 = arith.cmpi sle, %broadcast_in_dim3A_963, %add3A : vector<64x128xi32>
    %convert_element_type3A_965 = arith.extui %le3A_964 : vector<64x128xi1> to vector<64x128xi32>
    %add3A_966 = arith.addi %add3A_944, %convert_element_type3A_965 : vector<64x128xi32>
    %broadcast_in_dim3A_967 = vector.shape_cast %broadcast_in_dim3A_960 : vector<1x1xi32> to vector<1x1xi32>
    %broadcast_in_dim3A_968 = vector.broadcast %broadcast_in_dim3A_967 : vector<1x1xi32> to vector<64x128xi32>
    %mul3A_969 = arith.muli %broadcast_in_dim3A_968, %convert_element_type3A_965 : vector<64x128xi32>
    %add3A_970 = arith.addi %add3A_948, %mul3A_969 : vector<64x128xi32>
    %get3A_971 = arith.constant 44 : index
    %get3A_972 = arith.constant 0 : index
    %get3A_973 = arith.constant 0 : index
    %get3A_974 = vector.load %arg0[%get3A_971, %get3A_972, %get3A_973] : memref<256x1x128xf32, #tpu.memory_space<vmem>>, vector<1x1x128xf32>
    %get3A_975 = vector.shape_cast %get3A_974 : vector<1x1x128xf32> to vector<1x128xf32>
    %gt3A_976 = arith.constant 0.000000e+00 : f32
    %gt3A_977 = vector.broadcast %gt3A_976 : f32 to vector<1x128xf32>
    %gt3A_978 = arith.cmpf ogt, %get3A_975, %gt3A_977 : vector<1x128xf32>
    %convert_element_type3A_979 = arith.extui %gt3A_978 : vector<1x128xi1> to vector<1x128xi32>
    %reduce_sum3A_980 = arith.constant dense<0> : vector<1xi32>
    %reduce_sum3A_981 = vector.multi_reduction <add>, %convert_element_type3A_979, %reduce_sum3A_980 [1] : vector<1x128xi32> to vector<1xi32>
    %broadcast_in_dim3A_982 = vector.shape_cast %reduce_sum3A_981 : vector<1xi32> to vector<1x1xi32>
    %add3A_983 = arith.addi %add3A_961, %broadcast_in_dim3A_982 : vector<1x1xi32>
    %broadcast_in_dim3A_984 = vector.shape_cast %add3A_983 : vector<1x1xi32> to vector<1x1xi32>
    %broadcast_in_dim3A_985 = vector.broadcast %broadcast_in_dim3A_984 : vector<1x1xi32> to vector<64x128xi32>
    %le3A_986 = arith.cmpi sle, %broadcast_in_dim3A_985, %add3A : vector<64x128xi32>
    %convert_element_type3A_987 = arith.extui %le3A_986 : vector<64x128xi1> to vector<64x128xi32>
    %add3A_988 = arith.addi %add3A_966, %convert_element_type3A_987 : vector<64x128xi32>
    %broadcast_in_dim3A_989 = vector.shape_cast %broadcast_in_dim3A_982 : vector<1x1xi32> to vector<1x1xi32>
    %broadcast_in_dim3A_990 = vector.broadcast %broadcast_in_dim3A_989 : vector<1x1xi32> to vector<64x128xi32>
    %mul3A_991 = arith.muli %broadcast_in_dim3A_990, %convert_element_type3A_987 : vector<64x128xi32>
    %add3A_992 = arith.addi %add3A_970, %mul3A_991 : vector<64x128xi32>
    %get3A_993 = arith.constant 45 : index
    %get3A_994 = arith.constant 0 : index
    %get3A_995 = arith.constant 0 : index
    %get3A_996 = vector.load %arg0[%get3A_993, %get3A_994, %get3A_995] : memref<256x1x128xf32, #tpu.memory_space<vmem>>, vector<1x1x128xf32>
    %get3A_997 = vector.shape_cast %get3A_996 : vector<1x1x128xf32> to vector<1x128xf32>
    %gt3A_998 = arith.constant 0.000000e+00 : f32
    %gt3A_999 = vector.broadcast %gt3A_998 : f32 to vector<1x128xf32>
    %gt3A_1000 = arith.cmpf ogt, %get3A_997, %gt3A_999 : vector<1x128xf32>
    %convert_element_type3A_1001 = arith.extui %gt3A_1000 : vector<1x128xi1> to vector<1x128xi32>
    %reduce_sum3A_1002 = arith.constant dense<0> : vector<1xi32>
    %reduce_sum3A_1003 = vector.multi_reduction <add>, %convert_element_type3A_1001, %reduce_sum3A_1002 [1] : vector<1x128xi32> to vector<1xi32>
    %broadcast_in_dim3A_1004 = vector.shape_cast %reduce_sum3A_1003 : vector<1xi32> to vector<1x1xi32>
    %add3A_1005 = arith.addi %add3A_983, %broadcast_in_dim3A_1004 : vector<1x1xi32>
    %broadcast_in_dim3A_1006 = vector.shape_cast %add3A_1005 : vector<1x1xi32> to vector<1x1xi32>
    %broadcast_in_dim3A_1007 = vector.broadcast %broadcast_in_dim3A_1006 : vector<1x1xi32> to vector<64x128xi32>
    %le3A_1008 = arith.cmpi sle, %broadcast_in_dim3A_1007, %add3A : vector<64x128xi32>
    %convert_element_type3A_1009 = arith.extui %le3A_1008 : vector<64x128xi1> to vector<64x128xi32>
    %add3A_1010 = arith.addi %add3A_988, %convert_element_type3A_1009 : vector<64x128xi32>
    %broadcast_in_dim3A_1011 = vector.shape_cast %broadcast_in_dim3A_1004 : vector<1x1xi32> to vector<1x1xi32>
    %broadcast_in_dim3A_1012 = vector.broadcast %broadcast_in_dim3A_1011 : vector<1x1xi32> to vector<64x128xi32>
    %mul3A_1013 = arith.muli %broadcast_in_dim3A_1012, %convert_element_type3A_1009 : vector<64x128xi32>
    %add3A_1014 = arith.addi %add3A_992, %mul3A_1013 : vector<64x128xi32>
    %get3A_1015 = arith.constant 46 : index
    %get3A_1016 = arith.constant 0 : index
    %get3A_1017 = arith.constant 0 : index
    %get3A_1018 = vector.load %arg0[%get3A_1015, %get3A_1016, %get3A_1017] : memref<256x1x128xf32, #tpu.memory_space<vmem>>, vector<1x1x128xf32>
    %get3A_1019 = vector.shape_cast %get3A_1018 : vector<1x1x128xf32> to vector<1x128xf32>
    %gt3A_1020 = arith.constant 0.000000e+00 : f32
    %gt3A_1021 = vector.broadcast %gt3A_1020 : f32 to vector<1x128xf32>
    %gt3A_1022 = arith.cmpf ogt, %get3A_1019, %gt3A_1021 : vector<1x128xf32>
    %convert_element_type3A_1023 = arith.extui %gt3A_1022 : vector<1x128xi1> to vector<1x128xi32>
    %reduce_sum3A_1024 = arith.constant dense<0> : vector<1xi32>
    %reduce_sum3A_1025 = vector.multi_reduction <add>, %convert_element_type3A_1023, %reduce_sum3A_1024 [1] : vector<1x128xi32> to vector<1xi32>
    %broadcast_in_dim3A_1026 = vector.shape_cast %reduce_sum3A_1025 : vector<1xi32> to vector<1x1xi32>
    %add3A_1027 = arith.addi %add3A_1005, %broadcast_in_dim3A_1026 : vector<1x1xi32>
    %broadcast_in_dim3A_1028 = vector.shape_cast %add3A_1027 : vector<1x1xi32> to vector<1x1xi32>
    %broadcast_in_dim3A_1029 = vector.broadcast %broadcast_in_dim3A_1028 : vector<1x1xi32> to vector<64x128xi32>
    %le3A_1030 = arith.cmpi sle, %broadcast_in_dim3A_1029, %add3A : vector<64x128xi32>
    %convert_element_type3A_1031 = arith.extui %le3A_1030 : vector<64x128xi1> to vector<64x128xi32>
    %add3A_1032 = arith.addi %add3A_1010, %convert_element_type3A_1031 : vector<64x128xi32>
    %broadcast_in_dim3A_1033 = vector.shape_cast %broadcast_in_dim3A_1026 : vector<1x1xi32> to vector<1x1xi32>
    %broadcast_in_dim3A_1034 = vector.broadcast %broadcast_in_dim3A_1033 : vector<1x1xi32> to vector<64x128xi32>
    %mul3A_1035 = arith.muli %broadcast_in_dim3A_1034, %convert_element_type3A_1031 : vector<64x128xi32>
    %add3A_1036 = arith.addi %add3A_1014, %mul3A_1035 : vector<64x128xi32>
    %get3A_1037 = arith.constant 47 : index
    %get3A_1038 = arith.constant 0 : index
    %get3A_1039 = arith.constant 0 : index
    %get3A_1040 = vector.load %arg0[%get3A_1037, %get3A_1038, %get3A_1039] : memref<256x1x128xf32, #tpu.memory_space<vmem>>, vector<1x1x128xf32>
    %get3A_1041 = vector.shape_cast %get3A_1040 : vector<1x1x128xf32> to vector<1x128xf32>
    %gt3A_1042 = arith.constant 0.000000e+00 : f32
    %gt3A_1043 = vector.broadcast %gt3A_1042 : f32 to vector<1x128xf32>
    %gt3A_1044 = arith.cmpf ogt, %get3A_1041, %gt3A_1043 : vector<1x128xf32>
    %convert_element_type3A_1045 = arith.extui %gt3A_1044 : vector<1x128xi1> to vector<1x128xi32>
    %reduce_sum3A_1046 = arith.constant dense<0> : vector<1xi32>
    %reduce_sum3A_1047 = vector.multi_reduction <add>, %convert_element_type3A_1045, %reduce_sum3A_1046 [1] : vector<1x128xi32> to vector<1xi32>
    %broadcast_in_dim3A_1048 = vector.shape_cast %reduce_sum3A_1047 : vector<1xi32> to vector<1x1xi32>
    %add3A_1049 = arith.addi %add3A_1027, %broadcast_in_dim3A_1048 : vector<1x1xi32>
    %broadcast_in_dim3A_1050 = vector.shape_cast %add3A_1049 : vector<1x1xi32> to vector<1x1xi32>
    %broadcast_in_dim3A_1051 = vector.broadcast %broadcast_in_dim3A_1050 : vector<1x1xi32> to vector<64x128xi32>
    %le3A_1052 = arith.cmpi sle, %broadcast_in_dim3A_1051, %add3A : vector<64x128xi32>
    %convert_element_type3A_1053 = arith.extui %le3A_1052 : vector<64x128xi1> to vector<64x128xi32>
    %add3A_1054 = arith.addi %add3A_1032, %convert_element_type3A_1053 : vector<64x128xi32>
    %broadcast_in_dim3A_1055 = vector.shape_cast %broadcast_in_dim3A_1048 : vector<1x1xi32> to vector<1x1xi32>
    %broadcast_in_dim3A_1056 = vector.broadcast %broadcast_in_dim3A_1055 : vector<1x1xi32> to vector<64x128xi32>
    %mul3A_1057 = arith.muli %broadcast_in_dim3A_1056, %convert_element_type3A_1053 : vector<64x128xi32>
    %add3A_1058 = arith.addi %add3A_1036, %mul3A_1057 : vector<64x128xi32>
    %get3A_1059 = arith.constant 48 : index
    %get3A_1060 = arith.constant 0 : index
    %get3A_1061 = arith.constant 0 : index
    %get3A_1062 = vector.load %arg0[%get3A_1059, %get3A_1060, %get3A_1061] : memref<256x1x128xf32, #tpu.memory_space<vmem>>, vector<1x1x128xf32>
    %get3A_1063 = vector.shape_cast %get3A_1062 : vector<1x1x128xf32> to vector<1x128xf32>
    %gt3A_1064 = arith.constant 0.000000e+00 : f32
    %gt3A_1065 = vector.broadcast %gt3A_1064 : f32 to vector<1x128xf32>
    %gt3A_1066 = arith.cmpf ogt, %get3A_1063, %gt3A_1065 : vector<1x128xf32>
    %convert_element_type3A_1067 = arith.extui %gt3A_1066 : vector<1x128xi1> to vector<1x128xi32>
    %reduce_sum3A_1068 = arith.constant dense<0> : vector<1xi32>
    %reduce_sum3A_1069 = vector.multi_reduction <add>, %convert_element_type3A_1067, %reduce_sum3A_1068 [1] : vector<1x128xi32> to vector<1xi32>
    %broadcast_in_dim3A_1070 = vector.shape_cast %reduce_sum3A_1069 : vector<1xi32> to vector<1x1xi32>
    %add3A_1071 = arith.addi %add3A_1049, %broadcast_in_dim3A_1070 : vector<1x1xi32>
    %broadcast_in_dim3A_1072 = vector.shape_cast %add3A_1071 : vector<1x1xi32> to vector<1x1xi32>
    %broadcast_in_dim3A_1073 = vector.broadcast %broadcast_in_dim3A_1072 : vector<1x1xi32> to vector<64x128xi32>
    %le3A_1074 = arith.cmpi sle, %broadcast_in_dim3A_1073, %add3A : vector<64x128xi32>
    %convert_element_type3A_1075 = arith.extui %le3A_1074 : vector<64x128xi1> to vector<64x128xi32>
    %add3A_1076 = arith.addi %add3A_1054, %convert_element_type3A_1075 : vector<64x128xi32>
    %broadcast_in_dim3A_1077 = vector.shape_cast %broadcast_in_dim3A_1070 : vector<1x1xi32> to vector<1x1xi32>
    %broadcast_in_dim3A_1078 = vector.broadcast %broadcast_in_dim3A_1077 : vector<1x1xi32> to vector<64x128xi32>
    %mul3A_1079 = arith.muli %broadcast_in_dim3A_1078, %convert_element_type3A_1075 : vector<64x128xi32>
    %add3A_1080 = arith.addi %add3A_1058, %mul3A_1079 : vector<64x128xi32>
    %get3A_1081 = arith.constant 49 : index
    %get3A_1082 = arith.constant 0 : index
    %get3A_1083 = arith.constant 0 : index
    %get3A_1084 = vector.load %arg0[%get3A_1081, %get3A_1082, %get3A_1083] : memref<256x1x128xf32, #tpu.memory_space<vmem>>, vector<1x1x128xf32>
    %get3A_1085 = vector.shape_cast %get3A_1084 : vector<1x1x128xf32> to vector<1x128xf32>
    %gt3A_1086 = arith.constant 0.000000e+00 : f32
    %gt3A_1087 = vector.broadcast %gt3A_1086 : f32 to vector<1x128xf32>
    %gt3A_1088 = arith.cmpf ogt, %get3A_1085, %gt3A_1087 : vector<1x128xf32>
    %convert_element_type3A_1089 = arith.extui %gt3A_1088 : vector<1x128xi1> to vector<1x128xi32>
    %reduce_sum3A_1090 = arith.constant dense<0> : vector<1xi32>
    %reduce_sum3A_1091 = vector.multi_reduction <add>, %convert_element_type3A_1089, %reduce_sum3A_1090 [1] : vector<1x128xi32> to vector<1xi32>
    %broadcast_in_dim3A_1092 = vector.shape_cast %reduce_sum3A_1091 : vector<1xi32> to vector<1x1xi32>
    %add3A_1093 = arith.addi %add3A_1071, %broadcast_in_dim3A_1092 : vector<1x1xi32>
    %broadcast_in_dim3A_1094 = vector.shape_cast %add3A_1093 : vector<1x1xi32> to vector<1x1xi32>
    %broadcast_in_dim3A_1095 = vector.broadcast %broadcast_in_dim3A_1094 : vector<1x1xi32> to vector<64x128xi32>
    %le3A_1096 = arith.cmpi sle, %broadcast_in_dim3A_1095, %add3A : vector<64x128xi32>
    %convert_element_type3A_1097 = arith.extui %le3A_1096 : vector<64x128xi1> to vector<64x128xi32>
    %add3A_1098 = arith.addi %add3A_1076, %convert_element_type3A_1097 : vector<64x128xi32>
    %broadcast_in_dim3A_1099 = vector.shape_cast %broadcast_in_dim3A_1092 : vector<1x1xi32> to vector<1x1xi32>
    %broadcast_in_dim3A_1100 = vector.broadcast %broadcast_in_dim3A_1099 : vector<1x1xi32> to vector<64x128xi32>
    %mul3A_1101 = arith.muli %broadcast_in_dim3A_1100, %convert_element_type3A_1097 : vector<64x128xi32>
    %add3A_1102 = arith.addi %add3A_1080, %mul3A_1101 : vector<64x128xi32>
    %get3A_1103 = arith.constant 50 : index
    %get3A_1104 = arith.constant 0 : index
    %get3A_1105 = arith.constant 0 : index
    %get3A_1106 = vector.load %arg0[%get3A_1103, %get3A_1104, %get3A_1105] : memref<256x1x128xf32, #tpu.memory_space<vmem>>, vector<1x1x128xf32>
    %get3A_1107 = vector.shape_cast %get3A_1106 : vector<1x1x128xf32> to vector<1x128xf32>
    %gt3A_1108 = arith.constant 0.000000e+00 : f32
    %gt3A_1109 = vector.broadcast %gt3A_1108 : f32 to vector<1x128xf32>
    %gt3A_1110 = arith.cmpf ogt, %get3A_1107, %gt3A_1109 : vector<1x128xf32>
    %convert_element_type3A_1111 = arith.extui %gt3A_1110 : vector<1x128xi1> to vector<1x128xi32>
    %reduce_sum3A_1112 = arith.constant dense<0> : vector<1xi32>
    %reduce_sum3A_1113 = vector.multi_reduction <add>, %convert_element_type3A_1111, %reduce_sum3A_1112 [1] : vector<1x128xi32> to vector<1xi32>
    %broadcast_in_dim3A_1114 = vector.shape_cast %reduce_sum3A_1113 : vector<1xi32> to vector<1x1xi32>
    %add3A_1115 = arith.addi %add3A_1093, %broadcast_in_dim3A_1114 : vector<1x1xi32>
    %broadcast_in_dim3A_1116 = vector.shape_cast %add3A_1115 : vector<1x1xi32> to vector<1x1xi32>
    %broadcast_in_dim3A_1117 = vector.broadcast %broadcast_in_dim3A_1116 : vector<1x1xi32> to vector<64x128xi32>
    %le3A_1118 = arith.cmpi sle, %broadcast_in_dim3A_1117, %add3A : vector<64x128xi32>
    %convert_element_type3A_1119 = arith.extui %le3A_1118 : vector<64x128xi1> to vector<64x128xi32>
    %add3A_1120 = arith.addi %add3A_1098, %convert_element_type3A_1119 : vector<64x128xi32>
    %broadcast_in_dim3A_1121 = vector.shape_cast %broadcast_in_dim3A_1114 : vector<1x1xi32> to vector<1x1xi32>
    %broadcast_in_dim3A_1122 = vector.broadcast %broadcast_in_dim3A_1121 : vector<1x1xi32> to vector<64x128xi32>
    %mul3A_1123 = arith.muli %broadcast_in_dim3A_1122, %convert_element_type3A_1119 : vector<64x128xi32>
    %add3A_1124 = arith.addi %add3A_1102, %mul3A_1123 : vector<64x128xi32>
    %get3A_1125 = arith.constant 51 : index
    %get3A_1126 = arith.constant 0 : index
    %get3A_1127 = arith.constant 0 : index
    %get3A_1128 = vector.load %arg0[%get3A_1125, %get3A_1126, %get3A_1127] : memref<256x1x128xf32, #tpu.memory_space<vmem>>, vector<1x1x128xf32>
    %get3A_1129 = vector.shape_cast %get3A_1128 : vector<1x1x128xf32> to vector<1x128xf32>
    %gt3A_1130 = arith.constant 0.000000e+00 : f32
    %gt3A_1131 = vector.broadcast %gt3A_1130 : f32 to vector<1x128xf32>
    %gt3A_1132 = arith.cmpf ogt, %get3A_1129, %gt3A_1131 : vector<1x128xf32>
    %convert_element_type3A_1133 = arith.extui %gt3A_1132 : vector<1x128xi1> to vector<1x128xi32>
    %reduce_sum3A_1134 = arith.constant dense<0> : vector<1xi32>
    %reduce_sum3A_1135 = vector.multi_reduction <add>, %convert_element_type3A_1133, %reduce_sum3A_1134 [1] : vector<1x128xi32> to vector<1xi32>
    %broadcast_in_dim3A_1136 = vector.shape_cast %reduce_sum3A_1135 : vector<1xi32> to vector<1x1xi32>
    %add3A_1137 = arith.addi %add3A_1115, %broadcast_in_dim3A_1136 : vector<1x1xi32>
    %broadcast_in_dim3A_1138 = vector.shape_cast %add3A_1137 : vector<1x1xi32> to vector<1x1xi32>
    %broadcast_in_dim3A_1139 = vector.broadcast %broadcast_in_dim3A_1138 : vector<1x1xi32> to vector<64x128xi32>
    %le3A_1140 = arith.cmpi sle, %broadcast_in_dim3A_1139, %add3A : vector<64x128xi32>
    %convert_element_type3A_1141 = arith.extui %le3A_1140 : vector<64x128xi1> to vector<64x128xi32>
    %add3A_1142 = arith.addi %add3A_1120, %convert_element_type3A_1141 : vector<64x128xi32>
    %broadcast_in_dim3A_1143 = vector.shape_cast %broadcast_in_dim3A_1136 : vector<1x1xi32> to vector<1x1xi32>
    %broadcast_in_dim3A_1144 = vector.broadcast %broadcast_in_dim3A_1143 : vector<1x1xi32> to vector<64x128xi32>
    %mul3A_1145 = arith.muli %broadcast_in_dim3A_1144, %convert_element_type3A_1141 : vector<64x128xi32>
    %add3A_1146 = arith.addi %add3A_1124, %mul3A_1145 : vector<64x128xi32>
    %get3A_1147 = arith.constant 52 : index
    %get3A_1148 = arith.constant 0 : index
    %get3A_1149 = arith.constant 0 : index
    %get3A_1150 = vector.load %arg0[%get3A_1147, %get3A_1148, %get3A_1149] : memref<256x1x128xf32, #tpu.memory_space<vmem>>, vector<1x1x128xf32>
    %get3A_1151 = vector.shape_cast %get3A_1150 : vector<1x1x128xf32> to vector<1x128xf32>
    %gt3A_1152 = arith.constant 0.000000e+00 : f32
    %gt3A_1153 = vector.broadcast %gt3A_1152 : f32 to vector<1x128xf32>
    %gt3A_1154 = arith.cmpf ogt, %get3A_1151, %gt3A_1153 : vector<1x128xf32>
    %convert_element_type3A_1155 = arith.extui %gt3A_1154 : vector<1x128xi1> to vector<1x128xi32>
    %reduce_sum3A_1156 = arith.constant dense<0> : vector<1xi32>
    %reduce_sum3A_1157 = vector.multi_reduction <add>, %convert_element_type3A_1155, %reduce_sum3A_1156 [1] : vector<1x128xi32> to vector<1xi32>
    %broadcast_in_dim3A_1158 = vector.shape_cast %reduce_sum3A_1157 : vector<1xi32> to vector<1x1xi32>
    %add3A_1159 = arith.addi %add3A_1137, %broadcast_in_dim3A_1158 : vector<1x1xi32>
    %broadcast_in_dim3A_1160 = vector.shape_cast %add3A_1159 : vector<1x1xi32> to vector<1x1xi32>
    %broadcast_in_dim3A_1161 = vector.broadcast %broadcast_in_dim3A_1160 : vector<1x1xi32> to vector<64x128xi32>
    %le3A_1162 = arith.cmpi sle, %broadcast_in_dim3A_1161, %add3A : vector<64x128xi32>
    %convert_element_type3A_1163 = arith.extui %le3A_1162 : vector<64x128xi1> to vector<64x128xi32>
    %add3A_1164 = arith.addi %add3A_1142, %convert_element_type3A_1163 : vector<64x128xi32>
    %broadcast_in_dim3A_1165 = vector.shape_cast %broadcast_in_dim3A_1158 : vector<1x1xi32> to vector<1x1xi32>
    %broadcast_in_dim3A_1166 = vector.broadcast %broadcast_in_dim3A_1165 : vector<1x1xi32> to vector<64x128xi32>
    %mul3A_1167 = arith.muli %broadcast_in_dim3A_1166, %convert_element_type3A_1163 : vector<64x128xi32>
    %add3A_1168 = arith.addi %add3A_1146, %mul3A_1167 : vector<64x128xi32>
    %get3A_1169 = arith.constant 53 : index
    %get3A_1170 = arith.constant 0 : index
    %get3A_1171 = arith.constant 0 : index
    %get3A_1172 = vector.load %arg0[%get3A_1169, %get3A_1170, %get3A_1171] : memref<256x1x128xf32, #tpu.memory_space<vmem>>, vector<1x1x128xf32>
    %get3A_1173 = vector.shape_cast %get3A_1172 : vector<1x1x128xf32> to vector<1x128xf32>
    %gt3A_1174 = arith.constant 0.000000e+00 : f32
    %gt3A_1175 = vector.broadcast %gt3A_1174 : f32 to vector<1x128xf32>
    %gt3A_1176 = arith.cmpf ogt, %get3A_1173, %gt3A_1175 : vector<1x128xf32>
    %convert_element_type3A_1177 = arith.extui %gt3A_1176 : vector<1x128xi1> to vector<1x128xi32>
    %reduce_sum3A_1178 = arith.constant dense<0> : vector<1xi32>
    %reduce_sum3A_1179 = vector.multi_reduction <add>, %convert_element_type3A_1177, %reduce_sum3A_1178 [1] : vector<1x128xi32> to vector<1xi32>
    %broadcast_in_dim3A_1180 = vector.shape_cast %reduce_sum3A_1179 : vector<1xi32> to vector<1x1xi32>
    %add3A_1181 = arith.addi %add3A_1159, %broadcast_in_dim3A_1180 : vector<1x1xi32>
    %broadcast_in_dim3A_1182 = vector.shape_cast %add3A_1181 : vector<1x1xi32> to vector<1x1xi32>
    %broadcast_in_dim3A_1183 = vector.broadcast %broadcast_in_dim3A_1182 : vector<1x1xi32> to vector<64x128xi32>
    %le3A_1184 = arith.cmpi sle, %broadcast_in_dim3A_1183, %add3A : vector<64x128xi32>
    %convert_element_type3A_1185 = arith.extui %le3A_1184 : vector<64x128xi1> to vector<64x128xi32>
    %add3A_1186 = arith.addi %add3A_1164, %convert_element_type3A_1185 : vector<64x128xi32>
    %broadcast_in_dim3A_1187 = vector.shape_cast %broadcast_in_dim3A_1180 : vector<1x1xi32> to vector<1x1xi32>
    %broadcast_in_dim3A_1188 = vector.broadcast %broadcast_in_dim3A_1187 : vector<1x1xi32> to vector<64x128xi32>
    %mul3A_1189 = arith.muli %broadcast_in_dim3A_1188, %convert_element_type3A_1185 : vector<64x128xi32>
    %add3A_1190 = arith.addi %add3A_1168, %mul3A_1189 : vector<64x128xi32>
    %get3A_1191 = arith.constant 54 : index
    %get3A_1192 = arith.constant 0 : index
    %get3A_1193 = arith.constant 0 : index
    %get3A_1194 = vector.load %arg0[%get3A_1191, %get3A_1192, %get3A_1193] : memref<256x1x128xf32, #tpu.memory_space<vmem>>, vector<1x1x128xf32>
    %get3A_1195 = vector.shape_cast %get3A_1194 : vector<1x1x128xf32> to vector<1x128xf32>
    %gt3A_1196 = arith.constant 0.000000e+00 : f32
    %gt3A_1197 = vector.broadcast %gt3A_1196 : f32 to vector<1x128xf32>
    %gt3A_1198 = arith.cmpf ogt, %get3A_1195, %gt3A_1197 : vector<1x128xf32>
    %convert_element_type3A_1199 = arith.extui %gt3A_1198 : vector<1x128xi1> to vector<1x128xi32>
    %reduce_sum3A_1200 = arith.constant dense<0> : vector<1xi32>
    %reduce_sum3A_1201 = vector.multi_reduction <add>, %convert_element_type3A_1199, %reduce_sum3A_1200 [1] : vector<1x128xi32> to vector<1xi32>
    %broadcast_in_dim3A_1202 = vector.shape_cast %reduce_sum3A_1201 : vector<1xi32> to vector<1x1xi32>
    %add3A_1203 = arith.addi %add3A_1181, %broadcast_in_dim3A_1202 : vector<1x1xi32>
    %broadcast_in_dim3A_1204 = vector.shape_cast %add3A_1203 : vector<1x1xi32> to vector<1x1xi32>
    %broadcast_in_dim3A_1205 = vector.broadcast %broadcast_in_dim3A_1204 : vector<1x1xi32> to vector<64x128xi32>
    %le3A_1206 = arith.cmpi sle, %broadcast_in_dim3A_1205, %add3A : vector<64x128xi32>
    %convert_element_type3A_1207 = arith.extui %le3A_1206 : vector<64x128xi1> to vector<64x128xi32>
    %add3A_1208 = arith.addi %add3A_1186, %convert_element_type3A_1207 : vector<64x128xi32>
    %broadcast_in_dim3A_1209 = vector.shape_cast %broadcast_in_dim3A_1202 : vector<1x1xi32> to vector<1x1xi32>
    %broadcast_in_dim3A_1210 = vector.broadcast %broadcast_in_dim3A_1209 : vector<1x1xi32> to vector<64x128xi32>
    %mul3A_1211 = arith.muli %broadcast_in_dim3A_1210, %convert_element_type3A_1207 : vector<64x128xi32>
    %add3A_1212 = arith.addi %add3A_1190, %mul3A_1211 : vector<64x128xi32>
    %get3A_1213 = arith.constant 55 : index
    %get3A_1214 = arith.constant 0 : index
    %get3A_1215 = arith.constant 0 : index
    %get3A_1216 = vector.load %arg0[%get3A_1213, %get3A_1214, %get3A_1215] : memref<256x1x128xf32, #tpu.memory_space<vmem>>, vector<1x1x128xf32>
    %get3A_1217 = vector.shape_cast %get3A_1216 : vector<1x1x128xf32> to vector<1x128xf32>
    %gt3A_1218 = arith.constant 0.000000e+00 : f32
    %gt3A_1219 = vector.broadcast %gt3A_1218 : f32 to vector<1x128xf32>
    %gt3A_1220 = arith.cmpf ogt, %get3A_1217, %gt3A_1219 : vector<1x128xf32>
    %convert_element_type3A_1221 = arith.extui %gt3A_1220 : vector<1x128xi1> to vector<1x128xi32>
    %reduce_sum3A_1222 = arith.constant dense<0> : vector<1xi32>
    %reduce_sum3A_1223 = vector.multi_reduction <add>, %convert_element_type3A_1221, %reduce_sum3A_1222 [1] : vector<1x128xi32> to vector<1xi32>
    %broadcast_in_dim3A_1224 = vector.shape_cast %reduce_sum3A_1223 : vector<1xi32> to vector<1x1xi32>
    %add3A_1225 = arith.addi %add3A_1203, %broadcast_in_dim3A_1224 : vector<1x1xi32>
    %broadcast_in_dim3A_1226 = vector.shape_cast %add3A_1225 : vector<1x1xi32> to vector<1x1xi32>
    %broadcast_in_dim3A_1227 = vector.broadcast %broadcast_in_dim3A_1226 : vector<1x1xi32> to vector<64x128xi32>
    %le3A_1228 = arith.cmpi sle, %broadcast_in_dim3A_1227, %add3A : vector<64x128xi32>
    %convert_element_type3A_1229 = arith.extui %le3A_1228 : vector<64x128xi1> to vector<64x128xi32>
    %add3A_1230 = arith.addi %add3A_1208, %convert_element_type3A_1229 : vector<64x128xi32>
    %broadcast_in_dim3A_1231 = vector.shape_cast %broadcast_in_dim3A_1224 : vector<1x1xi32> to vector<1x1xi32>
    %broadcast_in_dim3A_1232 = vector.broadcast %broadcast_in_dim3A_1231 : vector<1x1xi32> to vector<64x128xi32>
    %mul3A_1233 = arith.muli %broadcast_in_dim3A_1232, %convert_element_type3A_1229 : vector<64x128xi32>
    %add3A_1234 = arith.addi %add3A_1212, %mul3A_1233 : vector<64x128xi32>
    %get3A_1235 = arith.constant 56 : index
    %get3A_1236 = arith.constant 0 : index
    %get3A_1237 = arith.constant 0 : index
    %get3A_1238 = vector.load %arg0[%get3A_1235, %get3A_1236, %get3A_1237] : memref<256x1x128xf32, #tpu.memory_space<vmem>>, vector<1x1x128xf32>
    %get3A_1239 = vector.shape_cast %get3A_1238 : vector<1x1x128xf32> to vector<1x128xf32>
    %gt3A_1240 = arith.constant 0.000000e+00 : f32
    %gt3A_1241 = vector.broadcast %gt3A_1240 : f32 to vector<1x128xf32>
    %gt3A_1242 = arith.cmpf ogt, %get3A_1239, %gt3A_1241 : vector<1x128xf32>
    %convert_element_type3A_1243 = arith.extui %gt3A_1242 : vector<1x128xi1> to vector<1x128xi32>
    %reduce_sum3A_1244 = arith.constant dense<0> : vector<1xi32>
    %reduce_sum3A_1245 = vector.multi_reduction <add>, %convert_element_type3A_1243, %reduce_sum3A_1244 [1] : vector<1x128xi32> to vector<1xi32>
    %broadcast_in_dim3A_1246 = vector.shape_cast %reduce_sum3A_1245 : vector<1xi32> to vector<1x1xi32>
    %add3A_1247 = arith.addi %add3A_1225, %broadcast_in_dim3A_1246 : vector<1x1xi32>
    %broadcast_in_dim3A_1248 = vector.shape_cast %add3A_1247 : vector<1x1xi32> to vector<1x1xi32>
    %broadcast_in_dim3A_1249 = vector.broadcast %broadcast_in_dim3A_1248 : vector<1x1xi32> to vector<64x128xi32>
    %le3A_1250 = arith.cmpi sle, %broadcast_in_dim3A_1249, %add3A : vector<64x128xi32>
    %convert_element_type3A_1251 = arith.extui %le3A_1250 : vector<64x128xi1> to vector<64x128xi32>
    %add3A_1252 = arith.addi %add3A_1230, %convert_element_type3A_1251 : vector<64x128xi32>
    %broadcast_in_dim3A_1253 = vector.shape_cast %broadcast_in_dim3A_1246 : vector<1x1xi32> to vector<1x1xi32>
    %broadcast_in_dim3A_1254 = vector.broadcast %broadcast_in_dim3A_1253 : vector<1x1xi32> to vector<64x128xi32>
    %mul3A_1255 = arith.muli %broadcast_in_dim3A_1254, %convert_element_type3A_1251 : vector<64x128xi32>
    %add3A_1256 = arith.addi %add3A_1234, %mul3A_1255 : vector<64x128xi32>
    %get3A_1257 = arith.constant 57 : index
    %get3A_1258 = arith.constant 0 : index
    %get3A_1259 = arith.constant 0 : index
    %get3A_1260 = vector.load %arg0[%get3A_1257, %get3A_1258, %get3A_1259] : memref<256x1x128xf32, #tpu.memory_space<vmem>>, vector<1x1x128xf32>
    %get3A_1261 = vector.shape_cast %get3A_1260 : vector<1x1x128xf32> to vector<1x128xf32>
    %gt3A_1262 = arith.constant 0.000000e+00 : f32
    %gt3A_1263 = vector.broadcast %gt3A_1262 : f32 to vector<1x128xf32>
    %gt3A_1264 = arith.cmpf ogt, %get3A_1261, %gt3A_1263 : vector<1x128xf32>
    %convert_element_type3A_1265 = arith.extui %gt3A_1264 : vector<1x128xi1> to vector<1x128xi32>
    %reduce_sum3A_1266 = arith.constant dense<0> : vector<1xi32>
    %reduce_sum3A_1267 = vector.multi_reduction <add>, %convert_element_type3A_1265, %reduce_sum3A_1266 [1] : vector<1x128xi32> to vector<1xi32>
    %broadcast_in_dim3A_1268 = vector.shape_cast %reduce_sum3A_1267 : vector<1xi32> to vector<1x1xi32>
    %add3A_1269 = arith.addi %add3A_1247, %broadcast_in_dim3A_1268 : vector<1x1xi32>
    %broadcast_in_dim3A_1270 = vector.shape_cast %add3A_1269 : vector<1x1xi32> to vector<1x1xi32>
    %broadcast_in_dim3A_1271 = vector.broadcast %broadcast_in_dim3A_1270 : vector<1x1xi32> to vector<64x128xi32>
    %le3A_1272 = arith.cmpi sle, %broadcast_in_dim3A_1271, %add3A : vector<64x128xi32>
    %convert_element_type3A_1273 = arith.extui %le3A_1272 : vector<64x128xi1> to vector<64x128xi32>
    %add3A_1274 = arith.addi %add3A_1252, %convert_element_type3A_1273 : vector<64x128xi32>
    %broadcast_in_dim3A_1275 = vector.shape_cast %broadcast_in_dim3A_1268 : vector<1x1xi32> to vector<1x1xi32>
    %broadcast_in_dim3A_1276 = vector.broadcast %broadcast_in_dim3A_1275 : vector<1x1xi32> to vector<64x128xi32>
    %mul3A_1277 = arith.muli %broadcast_in_dim3A_1276, %convert_element_type3A_1273 : vector<64x128xi32>
    %add3A_1278 = arith.addi %add3A_1256, %mul3A_1277 : vector<64x128xi32>
    %get3A_1279 = arith.constant 58 : index
    %get3A_1280 = arith.constant 0 : index
    %get3A_1281 = arith.constant 0 : index
    %get3A_1282 = vector.load %arg0[%get3A_1279, %get3A_1280, %get3A_1281] : memref<256x1x128xf32, #tpu.memory_space<vmem>>, vector<1x1x128xf32>
    %get3A_1283 = vector.shape_cast %get3A_1282 : vector<1x1x128xf32> to vector<1x128xf32>
    %gt3A_1284 = arith.constant 0.000000e+00 : f32
    %gt3A_1285 = vector.broadcast %gt3A_1284 : f32 to vector<1x128xf32>
    %gt3A_1286 = arith.cmpf ogt, %get3A_1283, %gt3A_1285 : vector<1x128xf32>
    %convert_element_type3A_1287 = arith.extui %gt3A_1286 : vector<1x128xi1> to vector<1x128xi32>
    %reduce_sum3A_1288 = arith.constant dense<0> : vector<1xi32>
    %reduce_sum3A_1289 = vector.multi_reduction <add>, %convert_element_type3A_1287, %reduce_sum3A_1288 [1] : vector<1x128xi32> to vector<1xi32>
    %broadcast_in_dim3A_1290 = vector.shape_cast %reduce_sum3A_1289 : vector<1xi32> to vector<1x1xi32>
    %add3A_1291 = arith.addi %add3A_1269, %broadcast_in_dim3A_1290 : vector<1x1xi32>
    %broadcast_in_dim3A_1292 = vector.shape_cast %add3A_1291 : vector<1x1xi32> to vector<1x1xi32>
    %broadcast_in_dim3A_1293 = vector.broadcast %broadcast_in_dim3A_1292 : vector<1x1xi32> to vector<64x128xi32>
    %le3A_1294 = arith.cmpi sle, %broadcast_in_dim3A_1293, %add3A : vector<64x128xi32>
    %convert_element_type3A_1295 = arith.extui %le3A_1294 : vector<64x128xi1> to vector<64x128xi32>
    %add3A_1296 = arith.addi %add3A_1274, %convert_element_type3A_1295 : vector<64x128xi32>
    %broadcast_in_dim3A_1297 = vector.shape_cast %broadcast_in_dim3A_1290 : vector<1x1xi32> to vector<1x1xi32>
    %broadcast_in_dim3A_1298 = vector.broadcast %broadcast_in_dim3A_1297 : vector<1x1xi32> to vector<64x128xi32>
    %mul3A_1299 = arith.muli %broadcast_in_dim3A_1298, %convert_element_type3A_1295 : vector<64x128xi32>
    %add3A_1300 = arith.addi %add3A_1278, %mul3A_1299 : vector<64x128xi32>
    %get3A_1301 = arith.constant 59 : index
    %get3A_1302 = arith.constant 0 : index
    %get3A_1303 = arith.constant 0 : index
    %get3A_1304 = vector.load %arg0[%get3A_1301, %get3A_1302, %get3A_1303] : memref<256x1x128xf32, #tpu.memory_space<vmem>>, vector<1x1x128xf32>
    %get3A_1305 = vector.shape_cast %get3A_1304 : vector<1x1x128xf32> to vector<1x128xf32>
    %gt3A_1306 = arith.constant 0.000000e+00 : f32
    %gt3A_1307 = vector.broadcast %gt3A_1306 : f32 to vector<1x128xf32>
    %gt3A_1308 = arith.cmpf ogt, %get3A_1305, %gt3A_1307 : vector<1x128xf32>
    %convert_element_type3A_1309 = arith.extui %gt3A_1308 : vector<1x128xi1> to vector<1x128xi32>
    %reduce_sum3A_1310 = arith.constant dense<0> : vector<1xi32>
    %reduce_sum3A_1311 = vector.multi_reduction <add>, %convert_element_type3A_1309, %reduce_sum3A_1310 [1] : vector<1x128xi32> to vector<1xi32>
    %broadcast_in_dim3A_1312 = vector.shape_cast %reduce_sum3A_1311 : vector<1xi32> to vector<1x1xi32>
    %add3A_1313 = arith.addi %add3A_1291, %broadcast_in_dim3A_1312 : vector<1x1xi32>
    %broadcast_in_dim3A_1314 = vector.shape_cast %add3A_1313 : vector<1x1xi32> to vector<1x1xi32>
    %broadcast_in_dim3A_1315 = vector.broadcast %broadcast_in_dim3A_1314 : vector<1x1xi32> to vector<64x128xi32>
    %le3A_1316 = arith.cmpi sle, %broadcast_in_dim3A_1315, %add3A : vector<64x128xi32>
    %convert_element_type3A_1317 = arith.extui %le3A_1316 : vector<64x128xi1> to vector<64x128xi32>
    %add3A_1318 = arith.addi %add3A_1296, %convert_element_type3A_1317 : vector<64x128xi32>
    %broadcast_in_dim3A_1319 = vector.shape_cast %broadcast_in_dim3A_1312 : vector<1x1xi32> to vector<1x1xi32>
    %broadcast_in_dim3A_1320 = vector.broadcast %broadcast_in_dim3A_1319 : vector<1x1xi32> to vector<64x128xi32>
    %mul3A_1321 = arith.muli %broadcast_in_dim3A_1320, %convert_element_type3A_1317 : vector<64x128xi32>
    %add3A_1322 = arith.addi %add3A_1300, %mul3A_1321 : vector<64x128xi32>
    %get3A_1323 = arith.constant 60 : index
    %get3A_1324 = arith.constant 0 : index
    %get3A_1325 = arith.constant 0 : index
    %get3A_1326 = vector.load %arg0[%get3A_1323, %get3A_1324, %get3A_1325] : memref<256x1x128xf32, #tpu.memory_space<vmem>>, vector<1x1x128xf32>
    %get3A_1327 = vector.shape_cast %get3A_1326 : vector<1x1x128xf32> to vector<1x128xf32>
    %gt3A_1328 = arith.constant 0.000000e+00 : f32
    %gt3A_1329 = vector.broadcast %gt3A_1328 : f32 to vector<1x128xf32>
    %gt3A_1330 = arith.cmpf ogt, %get3A_1327, %gt3A_1329 : vector<1x128xf32>
    %convert_element_type3A_1331 = arith.extui %gt3A_1330 : vector<1x128xi1> to vector<1x128xi32>
    %reduce_sum3A_1332 = arith.constant dense<0> : vector<1xi32>
    %reduce_sum3A_1333 = vector.multi_reduction <add>, %convert_element_type3A_1331, %reduce_sum3A_1332 [1] : vector<1x128xi32> to vector<1xi32>
    %broadcast_in_dim3A_1334 = vector.shape_cast %reduce_sum3A_1333 : vector<1xi32> to vector<1x1xi32>
    %add3A_1335 = arith.addi %add3A_1313, %broadcast_in_dim3A_1334 : vector<1x1xi32>
    %broadcast_in_dim3A_1336 = vector.shape_cast %add3A_1335 : vector<1x1xi32> to vector<1x1xi32>
    %broadcast_in_dim3A_1337 = vector.broadcast %broadcast_in_dim3A_1336 : vector<1x1xi32> to vector<64x128xi32>
    %le3A_1338 = arith.cmpi sle, %broadcast_in_dim3A_1337, %add3A : vector<64x128xi32>
    %convert_element_type3A_1339 = arith.extui %le3A_1338 : vector<64x128xi1> to vector<64x128xi32>
    %add3A_1340 = arith.addi %add3A_1318, %convert_element_type3A_1339 : vector<64x128xi32>
    %broadcast_in_dim3A_1341 = vector.shape_cast %broadcast_in_dim3A_1334 : vector<1x1xi32> to vector<1x1xi32>
    %broadcast_in_dim3A_1342 = vector.broadcast %broadcast_in_dim3A_1341 : vector<1x1xi32> to vector<64x128xi32>
    %mul3A_1343 = arith.muli %broadcast_in_dim3A_1342, %convert_element_type3A_1339 : vector<64x128xi32>
    %add3A_1344 = arith.addi %add3A_1322, %mul3A_1343 : vector<64x128xi32>
    %get3A_1345 = arith.constant 61 : index
    %get3A_1346 = arith.constant 0 : index
    %get3A_1347 = arith.constant 0 : index
    %get3A_1348 = vector.load %arg0[%get3A_1345, %get3A_1346, %get3A_1347] : memref<256x1x128xf32, #tpu.memory_space<vmem>>, vector<1x1x128xf32>
    %get3A_1349 = vector.shape_cast %get3A_1348 : vector<1x1x128xf32> to vector<1x128xf32>
    %gt3A_1350 = arith.constant 0.000000e+00 : f32
    %gt3A_1351 = vector.broadcast %gt3A_1350 : f32 to vector<1x128xf32>
    %gt3A_1352 = arith.cmpf ogt, %get3A_1349, %gt3A_1351 : vector<1x128xf32>
    %convert_element_type3A_1353 = arith.extui %gt3A_1352 : vector<1x128xi1> to vector<1x128xi32>
    %reduce_sum3A_1354 = arith.constant dense<0> : vector<1xi32>
    %reduce_sum3A_1355 = vector.multi_reduction <add>, %convert_element_type3A_1353, %reduce_sum3A_1354 [1] : vector<1x128xi32> to vector<1xi32>
    %broadcast_in_dim3A_1356 = vector.shape_cast %reduce_sum3A_1355 : vector<1xi32> to vector<1x1xi32>
    %add3A_1357 = arith.addi %add3A_1335, %broadcast_in_dim3A_1356 : vector<1x1xi32>
    %broadcast_in_dim3A_1358 = vector.shape_cast %add3A_1357 : vector<1x1xi32> to vector<1x1xi32>
    %broadcast_in_dim3A_1359 = vector.broadcast %broadcast_in_dim3A_1358 : vector<1x1xi32> to vector<64x128xi32>
    %le3A_1360 = arith.cmpi sle, %broadcast_in_dim3A_1359, %add3A : vector<64x128xi32>
    %convert_element_type3A_1361 = arith.extui %le3A_1360 : vector<64x128xi1> to vector<64x128xi32>
    %add3A_1362 = arith.addi %add3A_1340, %convert_element_type3A_1361 : vector<64x128xi32>
    %broadcast_in_dim3A_1363 = vector.shape_cast %broadcast_in_dim3A_1356 : vector<1x1xi32> to vector<1x1xi32>
    %broadcast_in_dim3A_1364 = vector.broadcast %broadcast_in_dim3A_1363 : vector<1x1xi32> to vector<64x128xi32>
    %mul3A_1365 = arith.muli %broadcast_in_dim3A_1364, %convert_element_type3A_1361 : vector<64x128xi32>
    %add3A_1366 = arith.addi %add3A_1344, %mul3A_1365 : vector<64x128xi32>
    %get3A_1367 = arith.constant 62 : index
    %get3A_1368 = arith.constant 0 : index
    %get3A_1369 = arith.constant 0 : index
    %get3A_1370 = vector.load %arg0[%get3A_1367, %get3A_1368, %get3A_1369] : memref<256x1x128xf32, #tpu.memory_space<vmem>>, vector<1x1x128xf32>
    %get3A_1371 = vector.shape_cast %get3A_1370 : vector<1x1x128xf32> to vector<1x128xf32>
    %gt3A_1372 = arith.constant 0.000000e+00 : f32
    %gt3A_1373 = vector.broadcast %gt3A_1372 : f32 to vector<1x128xf32>
    %gt3A_1374 = arith.cmpf ogt, %get3A_1371, %gt3A_1373 : vector<1x128xf32>
    %convert_element_type3A_1375 = arith.extui %gt3A_1374 : vector<1x128xi1> to vector<1x128xi32>
    %reduce_sum3A_1376 = arith.constant dense<0> : vector<1xi32>
    %reduce_sum3A_1377 = vector.multi_reduction <add>, %convert_element_type3A_1375, %reduce_sum3A_1376 [1] : vector<1x128xi32> to vector<1xi32>
    %broadcast_in_dim3A_1378 = vector.shape_cast %reduce_sum3A_1377 : vector<1xi32> to vector<1x1xi32>
    %add3A_1379 = arith.addi %add3A_1357, %broadcast_in_dim3A_1378 : vector<1x1xi32>
    %broadcast_in_dim3A_1380 = vector.shape_cast %add3A_1379 : vector<1x1xi32> to vector<1x1xi32>
    %broadcast_in_dim3A_1381 = vector.broadcast %broadcast_in_dim3A_1380 : vector<1x1xi32> to vector<64x128xi32>
    %le3A_1382 = arith.cmpi sle, %broadcast_in_dim3A_1381, %add3A : vector<64x128xi32>
    %convert_element_type3A_1383 = arith.extui %le3A_1382 : vector<64x128xi1> to vector<64x128xi32>
    %add3A_1384 = arith.addi %add3A_1362, %convert_element_type3A_1383 : vector<64x128xi32>
    %broadcast_in_dim3A_1385 = vector.shape_cast %broadcast_in_dim3A_1378 : vector<1x1xi32> to vector<1x1xi32>
    %broadcast_in_dim3A_1386 = vector.broadcast %broadcast_in_dim3A_1385 : vector<1x1xi32> to vector<64x128xi32>
    %mul3A_1387 = arith.muli %broadcast_in_dim3A_1386, %convert_element_type3A_1383 : vector<64x128xi32>
    %add3A_1388 = arith.addi %add3A_1366, %mul3A_1387 : vector<64x128xi32>
    %get3A_1389 = arith.constant 63 : index
    %get3A_1390 = arith.constant 0 : index
    %get3A_1391 = arith.constant 0 : index
    %get3A_1392 = vector.load %arg0[%get3A_1389, %get3A_1390, %get3A_1391] : memref<256x1x128xf32, #tpu.memory_space<vmem>>, vector<1x1x128xf32>
    %get3A_1393 = vector.shape_cast %get3A_1392 : vector<1x1x128xf32> to vector<1x128xf32>
    %gt3A_1394 = arith.constant 0.000000e+00 : f32
    %gt3A_1395 = vector.broadcast %gt3A_1394 : f32 to vector<1x128xf32>
    %gt3A_1396 = arith.cmpf ogt, %get3A_1393, %gt3A_1395 : vector<1x128xf32>
    %convert_element_type3A_1397 = arith.extui %gt3A_1396 : vector<1x128xi1> to vector<1x128xi32>
    %reduce_sum3A_1398 = arith.constant dense<0> : vector<1xi32>
    %reduce_sum3A_1399 = vector.multi_reduction <add>, %convert_element_type3A_1397, %reduce_sum3A_1398 [1] : vector<1x128xi32> to vector<1xi32>
    %broadcast_in_dim3A_1400 = vector.shape_cast %reduce_sum3A_1399 : vector<1xi32> to vector<1x1xi32>
    %add3A_1401 = arith.addi %add3A_1379, %broadcast_in_dim3A_1400 : vector<1x1xi32>
    %broadcast_in_dim3A_1402 = vector.shape_cast %add3A_1401 : vector<1x1xi32> to vector<1x1xi32>
    %broadcast_in_dim3A_1403 = vector.broadcast %broadcast_in_dim3A_1402 : vector<1x1xi32> to vector<64x128xi32>
    %le3A_1404 = arith.cmpi sle, %broadcast_in_dim3A_1403, %add3A : vector<64x128xi32>
    %convert_element_type3A_1405 = arith.extui %le3A_1404 : vector<64x128xi1> to vector<64x128xi32>
    %add3A_1406 = arith.addi %add3A_1384, %convert_element_type3A_1405 : vector<64x128xi32>
    %broadcast_in_dim3A_1407 = vector.shape_cast %broadcast_in_dim3A_1400 : vector<1x1xi32> to vector<1x1xi32>
    %broadcast_in_dim3A_1408 = vector.broadcast %broadcast_in_dim3A_1407 : vector<1x1xi32> to vector<64x128xi32>
    %mul3A_1409 = arith.muli %broadcast_in_dim3A_1408, %convert_element_type3A_1405 : vector<64x128xi32>
    %add3A_1410 = arith.addi %add3A_1388, %mul3A_1409 : vector<64x128xi32>
    %get3A_1411 = arith.constant 64 : index
    %get3A_1412 = arith.constant 0 : index
    %get3A_1413 = arith.constant 0 : index
    %get3A_1414 = vector.load %arg0[%get3A_1411, %get3A_1412, %get3A_1413] : memref<256x1x128xf32, #tpu.memory_space<vmem>>, vector<1x1x128xf32>
    %get3A_1415 = vector.shape_cast %get3A_1414 : vector<1x1x128xf32> to vector<1x128xf32>
    %gt3A_1416 = arith.constant 0.000000e+00 : f32
    %gt3A_1417 = vector.broadcast %gt3A_1416 : f32 to vector<1x128xf32>
    %gt3A_1418 = arith.cmpf ogt, %get3A_1415, %gt3A_1417 : vector<1x128xf32>
    %convert_element_type3A_1419 = arith.extui %gt3A_1418 : vector<1x128xi1> to vector<1x128xi32>
    %reduce_sum3A_1420 = arith.constant dense<0> : vector<1xi32>
    %reduce_sum3A_1421 = vector.multi_reduction <add>, %convert_element_type3A_1419, %reduce_sum3A_1420 [1] : vector<1x128xi32> to vector<1xi32>
    %broadcast_in_dim3A_1422 = vector.shape_cast %reduce_sum3A_1421 : vector<1xi32> to vector<1x1xi32>
    %add3A_1423 = arith.addi %add3A_1401, %broadcast_in_dim3A_1422 : vector<1x1xi32>
    %broadcast_in_dim3A_1424 = vector.shape_cast %add3A_1423 : vector<1x1xi32> to vector<1x1xi32>
    %broadcast_in_dim3A_1425 = vector.broadcast %broadcast_in_dim3A_1424 : vector<1x1xi32> to vector<64x128xi32>
    %le3A_1426 = arith.cmpi sle, %broadcast_in_dim3A_1425, %add3A : vector<64x128xi32>
    %convert_element_type3A_1427 = arith.extui %le3A_1426 : vector<64x128xi1> to vector<64x128xi32>
    %add3A_1428 = arith.addi %add3A_1406, %convert_element_type3A_1427 : vector<64x128xi32>
    %broadcast_in_dim3A_1429 = vector.shape_cast %broadcast_in_dim3A_1422 : vector<1x1xi32> to vector<1x1xi32>
    %broadcast_in_dim3A_1430 = vector.broadcast %broadcast_in_dim3A_1429 : vector<1x1xi32> to vector<64x128xi32>
    %mul3A_1431 = arith.muli %broadcast_in_dim3A_1430, %convert_element_type3A_1427 : vector<64x128xi32>
    %add3A_1432 = arith.addi %add3A_1410, %mul3A_1431 : vector<64x128xi32>
    %get3A_1433 = arith.constant 65 : index
    %get3A_1434 = arith.constant 0 : index
    %get3A_1435 = arith.constant 0 : index
    %get3A_1436 = vector.load %arg0[%get3A_1433, %get3A_1434, %get3A_1435] : memref<256x1x128xf32, #tpu.memory_space<vmem>>, vector<1x1x128xf32>
    %get3A_1437 = vector.shape_cast %get3A_1436 : vector<1x1x128xf32> to vector<1x128xf32>
    %gt3A_1438 = arith.constant 0.000000e+00 : f32
    %gt3A_1439 = vector.broadcast %gt3A_1438 : f32 to vector<1x128xf32>
    %gt3A_1440 = arith.cmpf ogt, %get3A_1437, %gt3A_1439 : vector<1x128xf32>
    %convert_element_type3A_1441 = arith.extui %gt3A_1440 : vector<1x128xi1> to vector<1x128xi32>
    %reduce_sum3A_1442 = arith.constant dense<0> : vector<1xi32>
    %reduce_sum3A_1443 = vector.multi_reduction <add>, %convert_element_type3A_1441, %reduce_sum3A_1442 [1] : vector<1x128xi32> to vector<1xi32>
    %broadcast_in_dim3A_1444 = vector.shape_cast %reduce_sum3A_1443 : vector<1xi32> to vector<1x1xi32>
    %add3A_1445 = arith.addi %add3A_1423, %broadcast_in_dim3A_1444 : vector<1x1xi32>
    %broadcast_in_dim3A_1446 = vector.shape_cast %add3A_1445 : vector<1x1xi32> to vector<1x1xi32>
    %broadcast_in_dim3A_1447 = vector.broadcast %broadcast_in_dim3A_1446 : vector<1x1xi32> to vector<64x128xi32>
    %le3A_1448 = arith.cmpi sle, %broadcast_in_dim3A_1447, %add3A : vector<64x128xi32>
    %convert_element_type3A_1449 = arith.extui %le3A_1448 : vector<64x128xi1> to vector<64x128xi32>
    %add3A_1450 = arith.addi %add3A_1428, %convert_element_type3A_1449 : vector<64x128xi32>
    %broadcast_in_dim3A_1451 = vector.shape_cast %broadcast_in_dim3A_1444 : vector<1x1xi32> to vector<1x1xi32>
    %broadcast_in_dim3A_1452 = vector.broadcast %broadcast_in_dim3A_1451 : vector<1x1xi32> to vector<64x128xi32>
    %mul3A_1453 = arith.muli %broadcast_in_dim3A_1452, %convert_element_type3A_1449 : vector<64x128xi32>
    %add3A_1454 = arith.addi %add3A_1432, %mul3A_1453 : vector<64x128xi32>
    %get3A_1455 = arith.constant 66 : index
    %get3A_1456 = arith.constant 0 : index
    %get3A_1457 = arith.constant 0 : index
    %get3A_1458 = vector.load %arg0[%get3A_1455, %get3A_1456, %get3A_1457] : memref<256x1x128xf32, #tpu.memory_space<vmem>>, vector<1x1x128xf32>
    %get3A_1459 = vector.shape_cast %get3A_1458 : vector<1x1x128xf32> to vector<1x128xf32>
    %gt3A_1460 = arith.constant 0.000000e+00 : f32
    %gt3A_1461 = vector.broadcast %gt3A_1460 : f32 to vector<1x128xf32>
    %gt3A_1462 = arith.cmpf ogt, %get3A_1459, %gt3A_1461 : vector<1x128xf32>
    %convert_element_type3A_1463 = arith.extui %gt3A_1462 : vector<1x128xi1> to vector<1x128xi32>
    %reduce_sum3A_1464 = arith.constant dense<0> : vector<1xi32>
    %reduce_sum3A_1465 = vector.multi_reduction <add>, %convert_element_type3A_1463, %reduce_sum3A_1464 [1] : vector<1x128xi32> to vector<1xi32>
    %broadcast_in_dim3A_1466 = vector.shape_cast %reduce_sum3A_1465 : vector<1xi32> to vector<1x1xi32>
    %add3A_1467 = arith.addi %add3A_1445, %broadcast_in_dim3A_1466 : vector<1x1xi32>
    %broadcast_in_dim3A_1468 = vector.shape_cast %add3A_1467 : vector<1x1xi32> to vector<1x1xi32>
    %broadcast_in_dim3A_1469 = vector.broadcast %broadcast_in_dim3A_1468 : vector<1x1xi32> to vector<64x128xi32>
    %le3A_1470 = arith.cmpi sle, %broadcast_in_dim3A_1469, %add3A : vector<64x128xi32>
    %convert_element_type3A_1471 = arith.extui %le3A_1470 : vector<64x128xi1> to vector<64x128xi32>
    %add3A_1472 = arith.addi %add3A_1450, %convert_element_type3A_1471 : vector<64x128xi32>
    %broadcast_in_dim3A_1473 = vector.shape_cast %broadcast_in_dim3A_1466 : vector<1x1xi32> to vector<1x1xi32>
    %broadcast_in_dim3A_1474 = vector.broadcast %broadcast_in_dim3A_1473 : vector<1x1xi32> to vector<64x128xi32>
    %mul3A_1475 = arith.muli %broadcast_in_dim3A_1474, %convert_element_type3A_1471 : vector<64x128xi32>
    %add3A_1476 = arith.addi %add3A_1454, %mul3A_1475 : vector<64x128xi32>
    %get3A_1477 = arith.constant 67 : index
    %get3A_1478 = arith.constant 0 : index
    %get3A_1479 = arith.constant 0 : index
    %get3A_1480 = vector.load %arg0[%get3A_1477, %get3A_1478, %get3A_1479] : memref<256x1x128xf32, #tpu.memory_space<vmem>>, vector<1x1x128xf32>
    %get3A_1481 = vector.shape_cast %get3A_1480 : vector<1x1x128xf32> to vector<1x128xf32>
    %gt3A_1482 = arith.constant 0.000000e+00 : f32
    %gt3A_1483 = vector.broadcast %gt3A_1482 : f32 to vector<1x128xf32>
    %gt3A_1484 = arith.cmpf ogt, %get3A_1481, %gt3A_1483 : vector<1x128xf32>
    %convert_element_type3A_1485 = arith.extui %gt3A_1484 : vector<1x128xi1> to vector<1x128xi32>
    %reduce_sum3A_1486 = arith.constant dense<0> : vector<1xi32>
    %reduce_sum3A_1487 = vector.multi_reduction <add>, %convert_element_type3A_1485, %reduce_sum3A_1486 [1] : vector<1x128xi32> to vector<1xi32>
    %broadcast_in_dim3A_1488 = vector.shape_cast %reduce_sum3A_1487 : vector<1xi32> to vector<1x1xi32>
    %add3A_1489 = arith.addi %add3A_1467, %broadcast_in_dim3A_1488 : vector<1x1xi32>
    %broadcast_in_dim3A_1490 = vector.shape_cast %add3A_1489 : vector<1x1xi32> to vector<1x1xi32>
    %broadcast_in_dim3A_1491 = vector.broadcast %broadcast_in_dim3A_1490 : vector<1x1xi32> to vector<64x128xi32>
    %le3A_1492 = arith.cmpi sle, %broadcast_in_dim3A_1491, %add3A : vector<64x128xi32>
    %convert_element_type3A_1493 = arith.extui %le3A_1492 : vector<64x128xi1> to vector<64x128xi32>
    %add3A_1494 = arith.addi %add3A_1472, %convert_element_type3A_1493 : vector<64x128xi32>
    %broadcast_in_dim3A_1495 = vector.shape_cast %broadcast_in_dim3A_1488 : vector<1x1xi32> to vector<1x1xi32>
    %broadcast_in_dim3A_1496 = vector.broadcast %broadcast_in_dim3A_1495 : vector<1x1xi32> to vector<64x128xi32>
    %mul3A_1497 = arith.muli %broadcast_in_dim3A_1496, %convert_element_type3A_1493 : vector<64x128xi32>
    %add3A_1498 = arith.addi %add3A_1476, %mul3A_1497 : vector<64x128xi32>
    %get3A_1499 = arith.constant 68 : index
    %get3A_1500 = arith.constant 0 : index
    %get3A_1501 = arith.constant 0 : index
    %get3A_1502 = vector.load %arg0[%get3A_1499, %get3A_1500, %get3A_1501] : memref<256x1x128xf32, #tpu.memory_space<vmem>>, vector<1x1x128xf32>
    %get3A_1503 = vector.shape_cast %get3A_1502 : vector<1x1x128xf32> to vector<1x128xf32>
    %gt3A_1504 = arith.constant 0.000000e+00 : f32
    %gt3A_1505 = vector.broadcast %gt3A_1504 : f32 to vector<1x128xf32>
    %gt3A_1506 = arith.cmpf ogt, %get3A_1503, %gt3A_1505 : vector<1x128xf32>
    %convert_element_type3A_1507 = arith.extui %gt3A_1506 : vector<1x128xi1> to vector<1x128xi32>
    %reduce_sum3A_1508 = arith.constant dense<0> : vector<1xi32>
    %reduce_sum3A_1509 = vector.multi_reduction <add>, %convert_element_type3A_1507, %reduce_sum3A_1508 [1] : vector<1x128xi32> to vector<1xi32>
    %broadcast_in_dim3A_1510 = vector.shape_cast %reduce_sum3A_1509 : vector<1xi32> to vector<1x1xi32>
    %add3A_1511 = arith.addi %add3A_1489, %broadcast_in_dim3A_1510 : vector<1x1xi32>
    %broadcast_in_dim3A_1512 = vector.shape_cast %add3A_1511 : vector<1x1xi32> to vector<1x1xi32>
    %broadcast_in_dim3A_1513 = vector.broadcast %broadcast_in_dim3A_1512 : vector<1x1xi32> to vector<64x128xi32>
    %le3A_1514 = arith.cmpi sle, %broadcast_in_dim3A_1513, %add3A : vector<64x128xi32>
    %convert_element_type3A_1515 = arith.extui %le3A_1514 : vector<64x128xi1> to vector<64x128xi32>
    %add3A_1516 = arith.addi %add3A_1494, %convert_element_type3A_1515 : vector<64x128xi32>
    %broadcast_in_dim3A_1517 = vector.shape_cast %broadcast_in_dim3A_1510 : vector<1x1xi32> to vector<1x1xi32>
    %broadcast_in_dim3A_1518 = vector.broadcast %broadcast_in_dim3A_1517 : vector<1x1xi32> to vector<64x128xi32>
    %mul3A_1519 = arith.muli %broadcast_in_dim3A_1518, %convert_element_type3A_1515 : vector<64x128xi32>
    %add3A_1520 = arith.addi %add3A_1498, %mul3A_1519 : vector<64x128xi32>
    %get3A_1521 = arith.constant 69 : index
    %get3A_1522 = arith.constant 0 : index
    %get3A_1523 = arith.constant 0 : index
    %get3A_1524 = vector.load %arg0[%get3A_1521, %get3A_1522, %get3A_1523] : memref<256x1x128xf32, #tpu.memory_space<vmem>>, vector<1x1x128xf32>
    %get3A_1525 = vector.shape_cast %get3A_1524 : vector<1x1x128xf32> to vector<1x128xf32>
    %gt3A_1526 = arith.constant 0.000000e+00 : f32
    %gt3A_1527 = vector.broadcast %gt3A_1526 : f32 to vector<1x128xf32>
    %gt3A_1528 = arith.cmpf ogt, %get3A_1525, %gt3A_1527 : vector<1x128xf32>
    %convert_element_type3A_1529 = arith.extui %gt3A_1528 : vector<1x128xi1> to vector<1x128xi32>
    %reduce_sum3A_1530 = arith.constant dense<0> : vector<1xi32>
    %reduce_sum3A_1531 = vector.multi_reduction <add>, %convert_element_type3A_1529, %reduce_sum3A_1530 [1] : vector<1x128xi32> to vector<1xi32>
    %broadcast_in_dim3A_1532 = vector.shape_cast %reduce_sum3A_1531 : vector<1xi32> to vector<1x1xi32>
    %add3A_1533 = arith.addi %add3A_1511, %broadcast_in_dim3A_1532 : vector<1x1xi32>
    %broadcast_in_dim3A_1534 = vector.shape_cast %add3A_1533 : vector<1x1xi32> to vector<1x1xi32>
    %broadcast_in_dim3A_1535 = vector.broadcast %broadcast_in_dim3A_1534 : vector<1x1xi32> to vector<64x128xi32>
    %le3A_1536 = arith.cmpi sle, %broadcast_in_dim3A_1535, %add3A : vector<64x128xi32>
    %convert_element_type3A_1537 = arith.extui %le3A_1536 : vector<64x128xi1> to vector<64x128xi32>
    %add3A_1538 = arith.addi %add3A_1516, %convert_element_type3A_1537 : vector<64x128xi32>
    %broadcast_in_dim3A_1539 = vector.shape_cast %broadcast_in_dim3A_1532 : vector<1x1xi32> to vector<1x1xi32>
    %broadcast_in_dim3A_1540 = vector.broadcast %broadcast_in_dim3A_1539 : vector<1x1xi32> to vector<64x128xi32>
    %mul3A_1541 = arith.muli %broadcast_in_dim3A_1540, %convert_element_type3A_1537 : vector<64x128xi32>
    %add3A_1542 = arith.addi %add3A_1520, %mul3A_1541 : vector<64x128xi32>
    %get3A_1543 = arith.constant 70 : index
    %get3A_1544 = arith.constant 0 : index
    %get3A_1545 = arith.constant 0 : index
    %get3A_1546 = vector.load %arg0[%get3A_1543, %get3A_1544, %get3A_1545] : memref<256x1x128xf32, #tpu.memory_space<vmem>>, vector<1x1x128xf32>
    %get3A_1547 = vector.shape_cast %get3A_1546 : vector<1x1x128xf32> to vector<1x128xf32>
    %gt3A_1548 = arith.constant 0.000000e+00 : f32
    %gt3A_1549 = vector.broadcast %gt3A_1548 : f32 to vector<1x128xf32>
    %gt3A_1550 = arith.cmpf ogt, %get3A_1547, %gt3A_1549 : vector<1x128xf32>
    %convert_element_type3A_1551 = arith.extui %gt3A_1550 : vector<1x128xi1> to vector<1x128xi32>
    %reduce_sum3A_1552 = arith.constant dense<0> : vector<1xi32>
    %reduce_sum3A_1553 = vector.multi_reduction <add>, %convert_element_type3A_1551, %reduce_sum3A_1552 [1] : vector<1x128xi32> to vector<1xi32>
    %broadcast_in_dim3A_1554 = vector.shape_cast %reduce_sum3A_1553 : vector<1xi32> to vector<1x1xi32>
    %add3A_1555 = arith.addi %add3A_1533, %broadcast_in_dim3A_1554 : vector<1x1xi32>
    %broadcast_in_dim3A_1556 = vector.shape_cast %add3A_1555 : vector<1x1xi32> to vector<1x1xi32>
    %broadcast_in_dim3A_1557 = vector.broadcast %broadcast_in_dim3A_1556 : vector<1x1xi32> to vector<64x128xi32>
    %le3A_1558 = arith.cmpi sle, %broadcast_in_dim3A_1557, %add3A : vector<64x128xi32>
    %convert_element_type3A_1559 = arith.extui %le3A_1558 : vector<64x128xi1> to vector<64x128xi32>
    %add3A_1560 = arith.addi %add3A_1538, %convert_element_type3A_1559 : vector<64x128xi32>
    %broadcast_in_dim3A_1561 = vector.shape_cast %broadcast_in_dim3A_1554 : vector<1x1xi32> to vector<1x1xi32>
    %broadcast_in_dim3A_1562 = vector.broadcast %broadcast_in_dim3A_1561 : vector<1x1xi32> to vector<64x128xi32>
    %mul3A_1563 = arith.muli %broadcast_in_dim3A_1562, %convert_element_type3A_1559 : vector<64x128xi32>
    %add3A_1564 = arith.addi %add3A_1542, %mul3A_1563 : vector<64x128xi32>
    %get3A_1565 = arith.constant 71 : index
    %get3A_1566 = arith.constant 0 : index
    %get3A_1567 = arith.constant 0 : index
    %get3A_1568 = vector.load %arg0[%get3A_1565, %get3A_1566, %get3A_1567] : memref<256x1x128xf32, #tpu.memory_space<vmem>>, vector<1x1x128xf32>
    %get3A_1569 = vector.shape_cast %get3A_1568 : vector<1x1x128xf32> to vector<1x128xf32>
    %gt3A_1570 = arith.constant 0.000000e+00 : f32
    %gt3A_1571 = vector.broadcast %gt3A_1570 : f32 to vector<1x128xf32>
    %gt3A_1572 = arith.cmpf ogt, %get3A_1569, %gt3A_1571 : vector<1x128xf32>
    %convert_element_type3A_1573 = arith.extui %gt3A_1572 : vector<1x128xi1> to vector<1x128xi32>
    %reduce_sum3A_1574 = arith.constant dense<0> : vector<1xi32>
    %reduce_sum3A_1575 = vector.multi_reduction <add>, %convert_element_type3A_1573, %reduce_sum3A_1574 [1] : vector<1x128xi32> to vector<1xi32>
    %broadcast_in_dim3A_1576 = vector.shape_cast %reduce_sum3A_1575 : vector<1xi32> to vector<1x1xi32>
    %add3A_1577 = arith.addi %add3A_1555, %broadcast_in_dim3A_1576 : vector<1x1xi32>
    %broadcast_in_dim3A_1578 = vector.shape_cast %add3A_1577 : vector<1x1xi32> to vector<1x1xi32>
    %broadcast_in_dim3A_1579 = vector.broadcast %broadcast_in_dim3A_1578 : vector<1x1xi32> to vector<64x128xi32>
    %le3A_1580 = arith.cmpi sle, %broadcast_in_dim3A_1579, %add3A : vector<64x128xi32>
    %convert_element_type3A_1581 = arith.extui %le3A_1580 : vector<64x128xi1> to vector<64x128xi32>
    %add3A_1582 = arith.addi %add3A_1560, %convert_element_type3A_1581 : vector<64x128xi32>
    %broadcast_in_dim3A_1583 = vector.shape_cast %broadcast_in_dim3A_1576 : vector<1x1xi32> to vector<1x1xi32>
    %broadcast_in_dim3A_1584 = vector.broadcast %broadcast_in_dim3A_1583 : vector<1x1xi32> to vector<64x128xi32>
    %mul3A_1585 = arith.muli %broadcast_in_dim3A_1584, %convert_element_type3A_1581 : vector<64x128xi32>
    %add3A_1586 = arith.addi %add3A_1564, %mul3A_1585 : vector<64x128xi32>
    %get3A_1587 = arith.constant 72 : index
    %get3A_1588 = arith.constant 0 : index
    %get3A_1589 = arith.constant 0 : index
    %get3A_1590 = vector.load %arg0[%get3A_1587, %get3A_1588, %get3A_1589] : memref<256x1x128xf32, #tpu.memory_space<vmem>>, vector<1x1x128xf32>
    %get3A_1591 = vector.shape_cast %get3A_1590 : vector<1x1x128xf32> to vector<1x128xf32>
    %gt3A_1592 = arith.constant 0.000000e+00 : f32
    %gt3A_1593 = vector.broadcast %gt3A_1592 : f32 to vector<1x128xf32>
    %gt3A_1594 = arith.cmpf ogt, %get3A_1591, %gt3A_1593 : vector<1x128xf32>
    %convert_element_type3A_1595 = arith.extui %gt3A_1594 : vector<1x128xi1> to vector<1x128xi32>
    %reduce_sum3A_1596 = arith.constant dense<0> : vector<1xi32>
    %reduce_sum3A_1597 = vector.multi_reduction <add>, %convert_element_type3A_1595, %reduce_sum3A_1596 [1] : vector<1x128xi32> to vector<1xi32>
    %broadcast_in_dim3A_1598 = vector.shape_cast %reduce_sum3A_1597 : vector<1xi32> to vector<1x1xi32>
    %add3A_1599 = arith.addi %add3A_1577, %broadcast_in_dim3A_1598 : vector<1x1xi32>
    %broadcast_in_dim3A_1600 = vector.shape_cast %add3A_1599 : vector<1x1xi32> to vector<1x1xi32>
    %broadcast_in_dim3A_1601 = vector.broadcast %broadcast_in_dim3A_1600 : vector<1x1xi32> to vector<64x128xi32>
    %le3A_1602 = arith.cmpi sle, %broadcast_in_dim3A_1601, %add3A : vector<64x128xi32>
    %convert_element_type3A_1603 = arith.extui %le3A_1602 : vector<64x128xi1> to vector<64x128xi32>
    %add3A_1604 = arith.addi %add3A_1582, %convert_element_type3A_1603 : vector<64x128xi32>
    %broadcast_in_dim3A_1605 = vector.shape_cast %broadcast_in_dim3A_1598 : vector<1x1xi32> to vector<1x1xi32>
    %broadcast_in_dim3A_1606 = vector.broadcast %broadcast_in_dim3A_1605 : vector<1x1xi32> to vector<64x128xi32>
    %mul3A_1607 = arith.muli %broadcast_in_dim3A_1606, %convert_element_type3A_1603 : vector<64x128xi32>
    %add3A_1608 = arith.addi %add3A_1586, %mul3A_1607 : vector<64x128xi32>
    %get3A_1609 = arith.constant 73 : index
    %get3A_1610 = arith.constant 0 : index
    %get3A_1611 = arith.constant 0 : index
    %get3A_1612 = vector.load %arg0[%get3A_1609, %get3A_1610, %get3A_1611] : memref<256x1x128xf32, #tpu.memory_space<vmem>>, vector<1x1x128xf32>
    %get3A_1613 = vector.shape_cast %get3A_1612 : vector<1x1x128xf32> to vector<1x128xf32>
    %gt3A_1614 = arith.constant 0.000000e+00 : f32
    %gt3A_1615 = vector.broadcast %gt3A_1614 : f32 to vector<1x128xf32>
    %gt3A_1616 = arith.cmpf ogt, %get3A_1613, %gt3A_1615 : vector<1x128xf32>
    %convert_element_type3A_1617 = arith.extui %gt3A_1616 : vector<1x128xi1> to vector<1x128xi32>
    %reduce_sum3A_1618 = arith.constant dense<0> : vector<1xi32>
    %reduce_sum3A_1619 = vector.multi_reduction <add>, %convert_element_type3A_1617, %reduce_sum3A_1618 [1] : vector<1x128xi32> to vector<1xi32>
    %broadcast_in_dim3A_1620 = vector.shape_cast %reduce_sum3A_1619 : vector<1xi32> to vector<1x1xi32>
    %add3A_1621 = arith.addi %add3A_1599, %broadcast_in_dim3A_1620 : vector<1x1xi32>
    %broadcast_in_dim3A_1622 = vector.shape_cast %add3A_1621 : vector<1x1xi32> to vector<1x1xi32>
    %broadcast_in_dim3A_1623 = vector.broadcast %broadcast_in_dim3A_1622 : vector<1x1xi32> to vector<64x128xi32>
    %le3A_1624 = arith.cmpi sle, %broadcast_in_dim3A_1623, %add3A : vector<64x128xi32>
    %convert_element_type3A_1625 = arith.extui %le3A_1624 : vector<64x128xi1> to vector<64x128xi32>
    %add3A_1626 = arith.addi %add3A_1604, %convert_element_type3A_1625 : vector<64x128xi32>
    %broadcast_in_dim3A_1627 = vector.shape_cast %broadcast_in_dim3A_1620 : vector<1x1xi32> to vector<1x1xi32>
    %broadcast_in_dim3A_1628 = vector.broadcast %broadcast_in_dim3A_1627 : vector<1x1xi32> to vector<64x128xi32>
    %mul3A_1629 = arith.muli %broadcast_in_dim3A_1628, %convert_element_type3A_1625 : vector<64x128xi32>
    %add3A_1630 = arith.addi %add3A_1608, %mul3A_1629 : vector<64x128xi32>
    %get3A_1631 = arith.constant 74 : index
    %get3A_1632 = arith.constant 0 : index
    %get3A_1633 = arith.constant 0 : index
    %get3A_1634 = vector.load %arg0[%get3A_1631, %get3A_1632, %get3A_1633] : memref<256x1x128xf32, #tpu.memory_space<vmem>>, vector<1x1x128xf32>
    %get3A_1635 = vector.shape_cast %get3A_1634 : vector<1x1x128xf32> to vector<1x128xf32>
    %gt3A_1636 = arith.constant 0.000000e+00 : f32
    %gt3A_1637 = vector.broadcast %gt3A_1636 : f32 to vector<1x128xf32>
    %gt3A_1638 = arith.cmpf ogt, %get3A_1635, %gt3A_1637 : vector<1x128xf32>
    %convert_element_type3A_1639 = arith.extui %gt3A_1638 : vector<1x128xi1> to vector<1x128xi32>
    %reduce_sum3A_1640 = arith.constant dense<0> : vector<1xi32>
    %reduce_sum3A_1641 = vector.multi_reduction <add>, %convert_element_type3A_1639, %reduce_sum3A_1640 [1] : vector<1x128xi32> to vector<1xi32>
    %broadcast_in_dim3A_1642 = vector.shape_cast %reduce_sum3A_1641 : vector<1xi32> to vector<1x1xi32>
    %add3A_1643 = arith.addi %add3A_1621, %broadcast_in_dim3A_1642 : vector<1x1xi32>
    %broadcast_in_dim3A_1644 = vector.shape_cast %add3A_1643 : vector<1x1xi32> to vector<1x1xi32>
    %broadcast_in_dim3A_1645 = vector.broadcast %broadcast_in_dim3A_1644 : vector<1x1xi32> to vector<64x128xi32>
    %le3A_1646 = arith.cmpi sle, %broadcast_in_dim3A_1645, %add3A : vector<64x128xi32>
    %convert_element_type3A_1647 = arith.extui %le3A_1646 : vector<64x128xi1> to vector<64x128xi32>
    %add3A_1648 = arith.addi %add3A_1626, %convert_element_type3A_1647 : vector<64x128xi32>
    %broadcast_in_dim3A_1649 = vector.shape_cast %broadcast_in_dim3A_1642 : vector<1x1xi32> to vector<1x1xi32>
    %broadcast_in_dim3A_1650 = vector.broadcast %broadcast_in_dim3A_1649 : vector<1x1xi32> to vector<64x128xi32>
    %mul3A_1651 = arith.muli %broadcast_in_dim3A_1650, %convert_element_type3A_1647 : vector<64x128xi32>
    %add3A_1652 = arith.addi %add3A_1630, %mul3A_1651 : vector<64x128xi32>
    %get3A_1653 = arith.constant 75 : index
    %get3A_1654 = arith.constant 0 : index
    %get3A_1655 = arith.constant 0 : index
    %get3A_1656 = vector.load %arg0[%get3A_1653, %get3A_1654, %get3A_1655] : memref<256x1x128xf32, #tpu.memory_space<vmem>>, vector<1x1x128xf32>
    %get3A_1657 = vector.shape_cast %get3A_1656 : vector<1x1x128xf32> to vector<1x128xf32>
    %gt3A_1658 = arith.constant 0.000000e+00 : f32
    %gt3A_1659 = vector.broadcast %gt3A_1658 : f32 to vector<1x128xf32>
    %gt3A_1660 = arith.cmpf ogt, %get3A_1657, %gt3A_1659 : vector<1x128xf32>
    %convert_element_type3A_1661 = arith.extui %gt3A_1660 : vector<1x128xi1> to vector<1x128xi32>
    %reduce_sum3A_1662 = arith.constant dense<0> : vector<1xi32>
    %reduce_sum3A_1663 = vector.multi_reduction <add>, %convert_element_type3A_1661, %reduce_sum3A_1662 [1] : vector<1x128xi32> to vector<1xi32>
    %broadcast_in_dim3A_1664 = vector.shape_cast %reduce_sum3A_1663 : vector<1xi32> to vector<1x1xi32>
    %add3A_1665 = arith.addi %add3A_1643, %broadcast_in_dim3A_1664 : vector<1x1xi32>
    %broadcast_in_dim3A_1666 = vector.shape_cast %add3A_1665 : vector<1x1xi32> to vector<1x1xi32>
    %broadcast_in_dim3A_1667 = vector.broadcast %broadcast_in_dim3A_1666 : vector<1x1xi32> to vector<64x128xi32>
    %le3A_1668 = arith.cmpi sle, %broadcast_in_dim3A_1667, %add3A : vector<64x128xi32>
    %convert_element_type3A_1669 = arith.extui %le3A_1668 : vector<64x128xi1> to vector<64x128xi32>
    %add3A_1670 = arith.addi %add3A_1648, %convert_element_type3A_1669 : vector<64x128xi32>
    %broadcast_in_dim3A_1671 = vector.shape_cast %broadcast_in_dim3A_1664 : vector<1x1xi32> to vector<1x1xi32>
    %broadcast_in_dim3A_1672 = vector.broadcast %broadcast_in_dim3A_1671 : vector<1x1xi32> to vector<64x128xi32>
    %mul3A_1673 = arith.muli %broadcast_in_dim3A_1672, %convert_element_type3A_1669 : vector<64x128xi32>
    %add3A_1674 = arith.addi %add3A_1652, %mul3A_1673 : vector<64x128xi32>
    %get3A_1675 = arith.constant 76 : index
    %get3A_1676 = arith.constant 0 : index
    %get3A_1677 = arith.constant 0 : index
    %get3A_1678 = vector.load %arg0[%get3A_1675, %get3A_1676, %get3A_1677] : memref<256x1x128xf32, #tpu.memory_space<vmem>>, vector<1x1x128xf32>
    %get3A_1679 = vector.shape_cast %get3A_1678 : vector<1x1x128xf32> to vector<1x128xf32>
    %gt3A_1680 = arith.constant 0.000000e+00 : f32
    %gt3A_1681 = vector.broadcast %gt3A_1680 : f32 to vector<1x128xf32>
    %gt3A_1682 = arith.cmpf ogt, %get3A_1679, %gt3A_1681 : vector<1x128xf32>
    %convert_element_type3A_1683 = arith.extui %gt3A_1682 : vector<1x128xi1> to vector<1x128xi32>
    %reduce_sum3A_1684 = arith.constant dense<0> : vector<1xi32>
    %reduce_sum3A_1685 = vector.multi_reduction <add>, %convert_element_type3A_1683, %reduce_sum3A_1684 [1] : vector<1x128xi32> to vector<1xi32>
    %broadcast_in_dim3A_1686 = vector.shape_cast %reduce_sum3A_1685 : vector<1xi32> to vector<1x1xi32>
    %add3A_1687 = arith.addi %add3A_1665, %broadcast_in_dim3A_1686 : vector<1x1xi32>
    %broadcast_in_dim3A_1688 = vector.shape_cast %add3A_1687 : vector<1x1xi32> to vector<1x1xi32>
    %broadcast_in_dim3A_1689 = vector.broadcast %broadcast_in_dim3A_1688 : vector<1x1xi32> to vector<64x128xi32>
    %le3A_1690 = arith.cmpi sle, %broadcast_in_dim3A_1689, %add3A : vector<64x128xi32>
    %convert_element_type3A_1691 = arith.extui %le3A_1690 : vector<64x128xi1> to vector<64x128xi32>
    %add3A_1692 = arith.addi %add3A_1670, %convert_element_type3A_1691 : vector<64x128xi32>
    %broadcast_in_dim3A_1693 = vector.shape_cast %broadcast_in_dim3A_1686 : vector<1x1xi32> to vector<1x1xi32>
    %broadcast_in_dim3A_1694 = vector.broadcast %broadcast_in_dim3A_1693 : vector<1x1xi32> to vector<64x128xi32>
    %mul3A_1695 = arith.muli %broadcast_in_dim3A_1694, %convert_element_type3A_1691 : vector<64x128xi32>
    %add3A_1696 = arith.addi %add3A_1674, %mul3A_1695 : vector<64x128xi32>
    %get3A_1697 = arith.constant 77 : index
    %get3A_1698 = arith.constant 0 : index
    %get3A_1699 = arith.constant 0 : index
    %get3A_1700 = vector.load %arg0[%get3A_1697, %get3A_1698, %get3A_1699] : memref<256x1x128xf32, #tpu.memory_space<vmem>>, vector<1x1x128xf32>
    %get3A_1701 = vector.shape_cast %get3A_1700 : vector<1x1x128xf32> to vector<1x128xf32>
    %gt3A_1702 = arith.constant 0.000000e+00 : f32
    %gt3A_1703 = vector.broadcast %gt3A_1702 : f32 to vector<1x128xf32>
    %gt3A_1704 = arith.cmpf ogt, %get3A_1701, %gt3A_1703 : vector<1x128xf32>
    %convert_element_type3A_1705 = arith.extui %gt3A_1704 : vector<1x128xi1> to vector<1x128xi32>
    %reduce_sum3A_1706 = arith.constant dense<0> : vector<1xi32>
    %reduce_sum3A_1707 = vector.multi_reduction <add>, %convert_element_type3A_1705, %reduce_sum3A_1706 [1] : vector<1x128xi32> to vector<1xi32>
    %broadcast_in_dim3A_1708 = vector.shape_cast %reduce_sum3A_1707 : vector<1xi32> to vector<1x1xi32>
    %add3A_1709 = arith.addi %add3A_1687, %broadcast_in_dim3A_1708 : vector<1x1xi32>
    %broadcast_in_dim3A_1710 = vector.shape_cast %add3A_1709 : vector<1x1xi32> to vector<1x1xi32>
    %broadcast_in_dim3A_1711 = vector.broadcast %broadcast_in_dim3A_1710 : vector<1x1xi32> to vector<64x128xi32>
    %le3A_1712 = arith.cmpi sle, %broadcast_in_dim3A_1711, %add3A : vector<64x128xi32>
    %convert_element_type3A_1713 = arith.extui %le3A_1712 : vector<64x128xi1> to vector<64x128xi32>
    %add3A_1714 = arith.addi %add3A_1692, %convert_element_type3A_1713 : vector<64x128xi32>
    %broadcast_in_dim3A_1715 = vector.shape_cast %broadcast_in_dim3A_1708 : vector<1x1xi32> to vector<1x1xi32>
    %broadcast_in_dim3A_1716 = vector.broadcast %broadcast_in_dim3A_1715 : vector<1x1xi32> to vector<64x128xi32>
    %mul3A_1717 = arith.muli %broadcast_in_dim3A_1716, %convert_element_type3A_1713 : vector<64x128xi32>
    %add3A_1718 = arith.addi %add3A_1696, %mul3A_1717 : vector<64x128xi32>
    %get3A_1719 = arith.constant 78 : index
    %get3A_1720 = arith.constant 0 : index
    %get3A_1721 = arith.constant 0 : index
    %get3A_1722 = vector.load %arg0[%get3A_1719, %get3A_1720, %get3A_1721] : memref<256x1x128xf32, #tpu.memory_space<vmem>>, vector<1x1x128xf32>
    %get3A_1723 = vector.shape_cast %get3A_1722 : vector<1x1x128xf32> to vector<1x128xf32>
    %gt3A_1724 = arith.constant 0.000000e+00 : f32
    %gt3A_1725 = vector.broadcast %gt3A_1724 : f32 to vector<1x128xf32>
    %gt3A_1726 = arith.cmpf ogt, %get3A_1723, %gt3A_1725 : vector<1x128xf32>
    %convert_element_type3A_1727 = arith.extui %gt3A_1726 : vector<1x128xi1> to vector<1x128xi32>
    %reduce_sum3A_1728 = arith.constant dense<0> : vector<1xi32>
    %reduce_sum3A_1729 = vector.multi_reduction <add>, %convert_element_type3A_1727, %reduce_sum3A_1728 [1] : vector<1x128xi32> to vector<1xi32>
    %broadcast_in_dim3A_1730 = vector.shape_cast %reduce_sum3A_1729 : vector<1xi32> to vector<1x1xi32>
    %add3A_1731 = arith.addi %add3A_1709, %broadcast_in_dim3A_1730 : vector<1x1xi32>
    %broadcast_in_dim3A_1732 = vector.shape_cast %add3A_1731 : vector<1x1xi32> to vector<1x1xi32>
    %broadcast_in_dim3A_1733 = vector.broadcast %broadcast_in_dim3A_1732 : vector<1x1xi32> to vector<64x128xi32>
    %le3A_1734 = arith.cmpi sle, %broadcast_in_dim3A_1733, %add3A : vector<64x128xi32>
    %convert_element_type3A_1735 = arith.extui %le3A_1734 : vector<64x128xi1> to vector<64x128xi32>
    %add3A_1736 = arith.addi %add3A_1714, %convert_element_type3A_1735 : vector<64x128xi32>
    %broadcast_in_dim3A_1737 = vector.shape_cast %broadcast_in_dim3A_1730 : vector<1x1xi32> to vector<1x1xi32>
    %broadcast_in_dim3A_1738 = vector.broadcast %broadcast_in_dim3A_1737 : vector<1x1xi32> to vector<64x128xi32>
    %mul3A_1739 = arith.muli %broadcast_in_dim3A_1738, %convert_element_type3A_1735 : vector<64x128xi32>
    %add3A_1740 = arith.addi %add3A_1718, %mul3A_1739 : vector<64x128xi32>
    %get3A_1741 = arith.constant 79 : index
    %get3A_1742 = arith.constant 0 : index
    %get3A_1743 = arith.constant 0 : index
    %get3A_1744 = vector.load %arg0[%get3A_1741, %get3A_1742, %get3A_1743] : memref<256x1x128xf32, #tpu.memory_space<vmem>>, vector<1x1x128xf32>
    %get3A_1745 = vector.shape_cast %get3A_1744 : vector<1x1x128xf32> to vector<1x128xf32>
    %gt3A_1746 = arith.constant 0.000000e+00 : f32
    %gt3A_1747 = vector.broadcast %gt3A_1746 : f32 to vector<1x128xf32>
    %gt3A_1748 = arith.cmpf ogt, %get3A_1745, %gt3A_1747 : vector<1x128xf32>
    %convert_element_type3A_1749 = arith.extui %gt3A_1748 : vector<1x128xi1> to vector<1x128xi32>
    %reduce_sum3A_1750 = arith.constant dense<0> : vector<1xi32>
    %reduce_sum3A_1751 = vector.multi_reduction <add>, %convert_element_type3A_1749, %reduce_sum3A_1750 [1] : vector<1x128xi32> to vector<1xi32>
    %broadcast_in_dim3A_1752 = vector.shape_cast %reduce_sum3A_1751 : vector<1xi32> to vector<1x1xi32>
    %add3A_1753 = arith.addi %add3A_1731, %broadcast_in_dim3A_1752 : vector<1x1xi32>
    %broadcast_in_dim3A_1754 = vector.shape_cast %add3A_1753 : vector<1x1xi32> to vector<1x1xi32>
    %broadcast_in_dim3A_1755 = vector.broadcast %broadcast_in_dim3A_1754 : vector<1x1xi32> to vector<64x128xi32>
    %le3A_1756 = arith.cmpi sle, %broadcast_in_dim3A_1755, %add3A : vector<64x128xi32>
    %convert_element_type3A_1757 = arith.extui %le3A_1756 : vector<64x128xi1> to vector<64x128xi32>
    %add3A_1758 = arith.addi %add3A_1736, %convert_element_type3A_1757 : vector<64x128xi32>
    %broadcast_in_dim3A_1759 = vector.shape_cast %broadcast_in_dim3A_1752 : vector<1x1xi32> to vector<1x1xi32>
    %broadcast_in_dim3A_1760 = vector.broadcast %broadcast_in_dim3A_1759 : vector<1x1xi32> to vector<64x128xi32>
    %mul3A_1761 = arith.muli %broadcast_in_dim3A_1760, %convert_element_type3A_1757 : vector<64x128xi32>
    %add3A_1762 = arith.addi %add3A_1740, %mul3A_1761 : vector<64x128xi32>
    %get3A_1763 = arith.constant 80 : index
    %get3A_1764 = arith.constant 0 : index
    %get3A_1765 = arith.constant 0 : index
    %get3A_1766 = vector.load %arg0[%get3A_1763, %get3A_1764, %get3A_1765] : memref<256x1x128xf32, #tpu.memory_space<vmem>>, vector<1x1x128xf32>
    %get3A_1767 = vector.shape_cast %get3A_1766 : vector<1x1x128xf32> to vector<1x128xf32>
    %gt3A_1768 = arith.constant 0.000000e+00 : f32
    %gt3A_1769 = vector.broadcast %gt3A_1768 : f32 to vector<1x128xf32>
    %gt3A_1770 = arith.cmpf ogt, %get3A_1767, %gt3A_1769 : vector<1x128xf32>
    %convert_element_type3A_1771 = arith.extui %gt3A_1770 : vector<1x128xi1> to vector<1x128xi32>
    %reduce_sum3A_1772 = arith.constant dense<0> : vector<1xi32>
    %reduce_sum3A_1773 = vector.multi_reduction <add>, %convert_element_type3A_1771, %reduce_sum3A_1772 [1] : vector<1x128xi32> to vector<1xi32>
    %broadcast_in_dim3A_1774 = vector.shape_cast %reduce_sum3A_1773 : vector<1xi32> to vector<1x1xi32>
    %add3A_1775 = arith.addi %add3A_1753, %broadcast_in_dim3A_1774 : vector<1x1xi32>
    %broadcast_in_dim3A_1776 = vector.shape_cast %add3A_1775 : vector<1x1xi32> to vector<1x1xi32>
    %broadcast_in_dim3A_1777 = vector.broadcast %broadcast_in_dim3A_1776 : vector<1x1xi32> to vector<64x128xi32>
    %le3A_1778 = arith.cmpi sle, %broadcast_in_dim3A_1777, %add3A : vector<64x128xi32>
    %convert_element_type3A_1779 = arith.extui %le3A_1778 : vector<64x128xi1> to vector<64x128xi32>
    %add3A_1780 = arith.addi %add3A_1758, %convert_element_type3A_1779 : vector<64x128xi32>
    %broadcast_in_dim3A_1781 = vector.shape_cast %broadcast_in_dim3A_1774 : vector<1x1xi32> to vector<1x1xi32>
    %broadcast_in_dim3A_1782 = vector.broadcast %broadcast_in_dim3A_1781 : vector<1x1xi32> to vector<64x128xi32>
    %mul3A_1783 = arith.muli %broadcast_in_dim3A_1782, %convert_element_type3A_1779 : vector<64x128xi32>
    %add3A_1784 = arith.addi %add3A_1762, %mul3A_1783 : vector<64x128xi32>
    %get3A_1785 = arith.constant 81 : index
    %get3A_1786 = arith.constant 0 : index
    %get3A_1787 = arith.constant 0 : index
    %get3A_1788 = vector.load %arg0[%get3A_1785, %get3A_1786, %get3A_1787] : memref<256x1x128xf32, #tpu.memory_space<vmem>>, vector<1x1x128xf32>
    %get3A_1789 = vector.shape_cast %get3A_1788 : vector<1x1x128xf32> to vector<1x128xf32>
    %gt3A_1790 = arith.constant 0.000000e+00 : f32
    %gt3A_1791 = vector.broadcast %gt3A_1790 : f32 to vector<1x128xf32>
    %gt3A_1792 = arith.cmpf ogt, %get3A_1789, %gt3A_1791 : vector<1x128xf32>
    %convert_element_type3A_1793 = arith.extui %gt3A_1792 : vector<1x128xi1> to vector<1x128xi32>
    %reduce_sum3A_1794 = arith.constant dense<0> : vector<1xi32>
    %reduce_sum3A_1795 = vector.multi_reduction <add>, %convert_element_type3A_1793, %reduce_sum3A_1794 [1] : vector<1x128xi32> to vector<1xi32>
    %broadcast_in_dim3A_1796 = vector.shape_cast %reduce_sum3A_1795 : vector<1xi32> to vector<1x1xi32>
    %add3A_1797 = arith.addi %add3A_1775, %broadcast_in_dim3A_1796 : vector<1x1xi32>
    %broadcast_in_dim3A_1798 = vector.shape_cast %add3A_1797 : vector<1x1xi32> to vector<1x1xi32>
    %broadcast_in_dim3A_1799 = vector.broadcast %broadcast_in_dim3A_1798 : vector<1x1xi32> to vector<64x128xi32>
    %le3A_1800 = arith.cmpi sle, %broadcast_in_dim3A_1799, %add3A : vector<64x128xi32>
    %convert_element_type3A_1801 = arith.extui %le3A_1800 : vector<64x128xi1> to vector<64x128xi32>
    %add3A_1802 = arith.addi %add3A_1780, %convert_element_type3A_1801 : vector<64x128xi32>
    %broadcast_in_dim3A_1803 = vector.shape_cast %broadcast_in_dim3A_1796 : vector<1x1xi32> to vector<1x1xi32>
    %broadcast_in_dim3A_1804 = vector.broadcast %broadcast_in_dim3A_1803 : vector<1x1xi32> to vector<64x128xi32>
    %mul3A_1805 = arith.muli %broadcast_in_dim3A_1804, %convert_element_type3A_1801 : vector<64x128xi32>
    %add3A_1806 = arith.addi %add3A_1784, %mul3A_1805 : vector<64x128xi32>
    %get3A_1807 = arith.constant 82 : index
    %get3A_1808 = arith.constant 0 : index
    %get3A_1809 = arith.constant 0 : index
    %get3A_1810 = vector.load %arg0[%get3A_1807, %get3A_1808, %get3A_1809] : memref<256x1x128xf32, #tpu.memory_space<vmem>>, vector<1x1x128xf32>
    %get3A_1811 = vector.shape_cast %get3A_1810 : vector<1x1x128xf32> to vector<1x128xf32>
    %gt3A_1812 = arith.constant 0.000000e+00 : f32
    %gt3A_1813 = vector.broadcast %gt3A_1812 : f32 to vector<1x128xf32>
    %gt3A_1814 = arith.cmpf ogt, %get3A_1811, %gt3A_1813 : vector<1x128xf32>
    %convert_element_type3A_1815 = arith.extui %gt3A_1814 : vector<1x128xi1> to vector<1x128xi32>
    %reduce_sum3A_1816 = arith.constant dense<0> : vector<1xi32>
    %reduce_sum3A_1817 = vector.multi_reduction <add>, %convert_element_type3A_1815, %reduce_sum3A_1816 [1] : vector<1x128xi32> to vector<1xi32>
    %broadcast_in_dim3A_1818 = vector.shape_cast %reduce_sum3A_1817 : vector<1xi32> to vector<1x1xi32>
    %add3A_1819 = arith.addi %add3A_1797, %broadcast_in_dim3A_1818 : vector<1x1xi32>
    %broadcast_in_dim3A_1820 = vector.shape_cast %add3A_1819 : vector<1x1xi32> to vector<1x1xi32>
    %broadcast_in_dim3A_1821 = vector.broadcast %broadcast_in_dim3A_1820 : vector<1x1xi32> to vector<64x128xi32>
    %le3A_1822 = arith.cmpi sle, %broadcast_in_dim3A_1821, %add3A : vector<64x128xi32>
    %convert_element_type3A_1823 = arith.extui %le3A_1822 : vector<64x128xi1> to vector<64x128xi32>
    %add3A_1824 = arith.addi %add3A_1802, %convert_element_type3A_1823 : vector<64x128xi32>
    %broadcast_in_dim3A_1825 = vector.shape_cast %broadcast_in_dim3A_1818 : vector<1x1xi32> to vector<1x1xi32>
    %broadcast_in_dim3A_1826 = vector.broadcast %broadcast_in_dim3A_1825 : vector<1x1xi32> to vector<64x128xi32>
    %mul3A_1827 = arith.muli %broadcast_in_dim3A_1826, %convert_element_type3A_1823 : vector<64x128xi32>
    %add3A_1828 = arith.addi %add3A_1806, %mul3A_1827 : vector<64x128xi32>
    %get3A_1829 = arith.constant 83 : index
    %get3A_1830 = arith.constant 0 : index
    %get3A_1831 = arith.constant 0 : index
    %get3A_1832 = vector.load %arg0[%get3A_1829, %get3A_1830, %get3A_1831] : memref<256x1x128xf32, #tpu.memory_space<vmem>>, vector<1x1x128xf32>
    %get3A_1833 = vector.shape_cast %get3A_1832 : vector<1x1x128xf32> to vector<1x128xf32>
    %gt3A_1834 = arith.constant 0.000000e+00 : f32
    %gt3A_1835 = vector.broadcast %gt3A_1834 : f32 to vector<1x128xf32>
    %gt3A_1836 = arith.cmpf ogt, %get3A_1833, %gt3A_1835 : vector<1x128xf32>
    %convert_element_type3A_1837 = arith.extui %gt3A_1836 : vector<1x128xi1> to vector<1x128xi32>
    %reduce_sum3A_1838 = arith.constant dense<0> : vector<1xi32>
    %reduce_sum3A_1839 = vector.multi_reduction <add>, %convert_element_type3A_1837, %reduce_sum3A_1838 [1] : vector<1x128xi32> to vector<1xi32>
    %broadcast_in_dim3A_1840 = vector.shape_cast %reduce_sum3A_1839 : vector<1xi32> to vector<1x1xi32>
    %add3A_1841 = arith.addi %add3A_1819, %broadcast_in_dim3A_1840 : vector<1x1xi32>
    %broadcast_in_dim3A_1842 = vector.shape_cast %add3A_1841 : vector<1x1xi32> to vector<1x1xi32>
    %broadcast_in_dim3A_1843 = vector.broadcast %broadcast_in_dim3A_1842 : vector<1x1xi32> to vector<64x128xi32>
    %le3A_1844 = arith.cmpi sle, %broadcast_in_dim3A_1843, %add3A : vector<64x128xi32>
    %convert_element_type3A_1845 = arith.extui %le3A_1844 : vector<64x128xi1> to vector<64x128xi32>
    %add3A_1846 = arith.addi %add3A_1824, %convert_element_type3A_1845 : vector<64x128xi32>
    %broadcast_in_dim3A_1847 = vector.shape_cast %broadcast_in_dim3A_1840 : vector<1x1xi32> to vector<1x1xi32>
    %broadcast_in_dim3A_1848 = vector.broadcast %broadcast_in_dim3A_1847 : vector<1x1xi32> to vector<64x128xi32>
    %mul3A_1849 = arith.muli %broadcast_in_dim3A_1848, %convert_element_type3A_1845 : vector<64x128xi32>
    %add3A_1850 = arith.addi %add3A_1828, %mul3A_1849 : vector<64x128xi32>
    %get3A_1851 = arith.constant 84 : index
    %get3A_1852 = arith.constant 0 : index
    %get3A_1853 = arith.constant 0 : index
    %get3A_1854 = vector.load %arg0[%get3A_1851, %get3A_1852, %get3A_1853] : memref<256x1x128xf32, #tpu.memory_space<vmem>>, vector<1x1x128xf32>
    %get3A_1855 = vector.shape_cast %get3A_1854 : vector<1x1x128xf32> to vector<1x128xf32>
    %gt3A_1856 = arith.constant 0.000000e+00 : f32
    %gt3A_1857 = vector.broadcast %gt3A_1856 : f32 to vector<1x128xf32>
    %gt3A_1858 = arith.cmpf ogt, %get3A_1855, %gt3A_1857 : vector<1x128xf32>
    %convert_element_type3A_1859 = arith.extui %gt3A_1858 : vector<1x128xi1> to vector<1x128xi32>
    %reduce_sum3A_1860 = arith.constant dense<0> : vector<1xi32>
    %reduce_sum3A_1861 = vector.multi_reduction <add>, %convert_element_type3A_1859, %reduce_sum3A_1860 [1] : vector<1x128xi32> to vector<1xi32>
    %broadcast_in_dim3A_1862 = vector.shape_cast %reduce_sum3A_1861 : vector<1xi32> to vector<1x1xi32>
    %add3A_1863 = arith.addi %add3A_1841, %broadcast_in_dim3A_1862 : vector<1x1xi32>
    %broadcast_in_dim3A_1864 = vector.shape_cast %add3A_1863 : vector<1x1xi32> to vector<1x1xi32>
    %broadcast_in_dim3A_1865 = vector.broadcast %broadcast_in_dim3A_1864 : vector<1x1xi32> to vector<64x128xi32>
    %le3A_1866 = arith.cmpi sle, %broadcast_in_dim3A_1865, %add3A : vector<64x128xi32>
    %convert_element_type3A_1867 = arith.extui %le3A_1866 : vector<64x128xi1> to vector<64x128xi32>
    %add3A_1868 = arith.addi %add3A_1846, %convert_element_type3A_1867 : vector<64x128xi32>
    %broadcast_in_dim3A_1869 = vector.shape_cast %broadcast_in_dim3A_1862 : vector<1x1xi32> to vector<1x1xi32>
    %broadcast_in_dim3A_1870 = vector.broadcast %broadcast_in_dim3A_1869 : vector<1x1xi32> to vector<64x128xi32>
    %mul3A_1871 = arith.muli %broadcast_in_dim3A_1870, %convert_element_type3A_1867 : vector<64x128xi32>
    %add3A_1872 = arith.addi %add3A_1850, %mul3A_1871 : vector<64x128xi32>
    %get3A_1873 = arith.constant 85 : index
    %get3A_1874 = arith.constant 0 : index
    %get3A_1875 = arith.constant 0 : index
    %get3A_1876 = vector.load %arg0[%get3A_1873, %get3A_1874, %get3A_1875] : memref<256x1x128xf32, #tpu.memory_space<vmem>>, vector<1x1x128xf32>
    %get3A_1877 = vector.shape_cast %get3A_1876 : vector<1x1x128xf32> to vector<1x128xf32>
    %gt3A_1878 = arith.constant 0.000000e+00 : f32
    %gt3A_1879 = vector.broadcast %gt3A_1878 : f32 to vector<1x128xf32>
    %gt3A_1880 = arith.cmpf ogt, %get3A_1877, %gt3A_1879 : vector<1x128xf32>
    %convert_element_type3A_1881 = arith.extui %gt3A_1880 : vector<1x128xi1> to vector<1x128xi32>
    %reduce_sum3A_1882 = arith.constant dense<0> : vector<1xi32>
    %reduce_sum3A_1883 = vector.multi_reduction <add>, %convert_element_type3A_1881, %reduce_sum3A_1882 [1] : vector<1x128xi32> to vector<1xi32>
    %broadcast_in_dim3A_1884 = vector.shape_cast %reduce_sum3A_1883 : vector<1xi32> to vector<1x1xi32>
    %add3A_1885 = arith.addi %add3A_1863, %broadcast_in_dim3A_1884 : vector<1x1xi32>
    %broadcast_in_dim3A_1886 = vector.shape_cast %add3A_1885 : vector<1x1xi32> to vector<1x1xi32>
    %broadcast_in_dim3A_1887 = vector.broadcast %broadcast_in_dim3A_1886 : vector<1x1xi32> to vector<64x128xi32>
    %le3A_1888 = arith.cmpi sle, %broadcast_in_dim3A_1887, %add3A : vector<64x128xi32>
    %convert_element_type3A_1889 = arith.extui %le3A_1888 : vector<64x128xi1> to vector<64x128xi32>
    %add3A_1890 = arith.addi %add3A_1868, %convert_element_type3A_1889 : vector<64x128xi32>
    %broadcast_in_dim3A_1891 = vector.shape_cast %broadcast_in_dim3A_1884 : vector<1x1xi32> to vector<1x1xi32>
    %broadcast_in_dim3A_1892 = vector.broadcast %broadcast_in_dim3A_1891 : vector<1x1xi32> to vector<64x128xi32>
    %mul3A_1893 = arith.muli %broadcast_in_dim3A_1892, %convert_element_type3A_1889 : vector<64x128xi32>
    %add3A_1894 = arith.addi %add3A_1872, %mul3A_1893 : vector<64x128xi32>
    %get3A_1895 = arith.constant 86 : index
    %get3A_1896 = arith.constant 0 : index
    %get3A_1897 = arith.constant 0 : index
    %get3A_1898 = vector.load %arg0[%get3A_1895, %get3A_1896, %get3A_1897] : memref<256x1x128xf32, #tpu.memory_space<vmem>>, vector<1x1x128xf32>
    %get3A_1899 = vector.shape_cast %get3A_1898 : vector<1x1x128xf32> to vector<1x128xf32>
    %gt3A_1900 = arith.constant 0.000000e+00 : f32
    %gt3A_1901 = vector.broadcast %gt3A_1900 : f32 to vector<1x128xf32>
    %gt3A_1902 = arith.cmpf ogt, %get3A_1899, %gt3A_1901 : vector<1x128xf32>
    %convert_element_type3A_1903 = arith.extui %gt3A_1902 : vector<1x128xi1> to vector<1x128xi32>
    %reduce_sum3A_1904 = arith.constant dense<0> : vector<1xi32>
    %reduce_sum3A_1905 = vector.multi_reduction <add>, %convert_element_type3A_1903, %reduce_sum3A_1904 [1] : vector<1x128xi32> to vector<1xi32>
    %broadcast_in_dim3A_1906 = vector.shape_cast %reduce_sum3A_1905 : vector<1xi32> to vector<1x1xi32>
    %add3A_1907 = arith.addi %add3A_1885, %broadcast_in_dim3A_1906 : vector<1x1xi32>
    %broadcast_in_dim3A_1908 = vector.shape_cast %add3A_1907 : vector<1x1xi32> to vector<1x1xi32>
    %broadcast_in_dim3A_1909 = vector.broadcast %broadcast_in_dim3A_1908 : vector<1x1xi32> to vector<64x128xi32>
    %le3A_1910 = arith.cmpi sle, %broadcast_in_dim3A_1909, %add3A : vector<64x128xi32>
    %convert_element_type3A_1911 = arith.extui %le3A_1910 : vector<64x128xi1> to vector<64x128xi32>
    %add3A_1912 = arith.addi %add3A_1890, %convert_element_type3A_1911 : vector<64x128xi32>
    %broadcast_in_dim3A_1913 = vector.shape_cast %broadcast_in_dim3A_1906 : vector<1x1xi32> to vector<1x1xi32>
    %broadcast_in_dim3A_1914 = vector.broadcast %broadcast_in_dim3A_1913 : vector<1x1xi32> to vector<64x128xi32>
    %mul3A_1915 = arith.muli %broadcast_in_dim3A_1914, %convert_element_type3A_1911 : vector<64x128xi32>
    %add3A_1916 = arith.addi %add3A_1894, %mul3A_1915 : vector<64x128xi32>
    %get3A_1917 = arith.constant 87 : index
    %get3A_1918 = arith.constant 0 : index
    %get3A_1919 = arith.constant 0 : index
    %get3A_1920 = vector.load %arg0[%get3A_1917, %get3A_1918, %get3A_1919] : memref<256x1x128xf32, #tpu.memory_space<vmem>>, vector<1x1x128xf32>
    %get3A_1921 = vector.shape_cast %get3A_1920 : vector<1x1x128xf32> to vector<1x128xf32>
    %gt3A_1922 = arith.constant 0.000000e+00 : f32
    %gt3A_1923 = vector.broadcast %gt3A_1922 : f32 to vector<1x128xf32>
    %gt3A_1924 = arith.cmpf ogt, %get3A_1921, %gt3A_1923 : vector<1x128xf32>
    %convert_element_type3A_1925 = arith.extui %gt3A_1924 : vector<1x128xi1> to vector<1x128xi32>
    %reduce_sum3A_1926 = arith.constant dense<0> : vector<1xi32>
    %reduce_sum3A_1927 = vector.multi_reduction <add>, %convert_element_type3A_1925, %reduce_sum3A_1926 [1] : vector<1x128xi32> to vector<1xi32>
    %broadcast_in_dim3A_1928 = vector.shape_cast %reduce_sum3A_1927 : vector<1xi32> to vector<1x1xi32>
    %add3A_1929 = arith.addi %add3A_1907, %broadcast_in_dim3A_1928 : vector<1x1xi32>
    %broadcast_in_dim3A_1930 = vector.shape_cast %add3A_1929 : vector<1x1xi32> to vector<1x1xi32>
    %broadcast_in_dim3A_1931 = vector.broadcast %broadcast_in_dim3A_1930 : vector<1x1xi32> to vector<64x128xi32>
    %le3A_1932 = arith.cmpi sle, %broadcast_in_dim3A_1931, %add3A : vector<64x128xi32>
    %convert_element_type3A_1933 = arith.extui %le3A_1932 : vector<64x128xi1> to vector<64x128xi32>
    %add3A_1934 = arith.addi %add3A_1912, %convert_element_type3A_1933 : vector<64x128xi32>
    %broadcast_in_dim3A_1935 = vector.shape_cast %broadcast_in_dim3A_1928 : vector<1x1xi32> to vector<1x1xi32>
    %broadcast_in_dim3A_1936 = vector.broadcast %broadcast_in_dim3A_1935 : vector<1x1xi32> to vector<64x128xi32>
    %mul3A_1937 = arith.muli %broadcast_in_dim3A_1936, %convert_element_type3A_1933 : vector<64x128xi32>
    %add3A_1938 = arith.addi %add3A_1916, %mul3A_1937 : vector<64x128xi32>
    %get3A_1939 = arith.constant 88 : index
    %get3A_1940 = arith.constant 0 : index
    %get3A_1941 = arith.constant 0 : index
    %get3A_1942 = vector.load %arg0[%get3A_1939, %get3A_1940, %get3A_1941] : memref<256x1x128xf32, #tpu.memory_space<vmem>>, vector<1x1x128xf32>
    %get3A_1943 = vector.shape_cast %get3A_1942 : vector<1x1x128xf32> to vector<1x128xf32>
    %gt3A_1944 = arith.constant 0.000000e+00 : f32
    %gt3A_1945 = vector.broadcast %gt3A_1944 : f32 to vector<1x128xf32>
    %gt3A_1946 = arith.cmpf ogt, %get3A_1943, %gt3A_1945 : vector<1x128xf32>
    %convert_element_type3A_1947 = arith.extui %gt3A_1946 : vector<1x128xi1> to vector<1x128xi32>
    %reduce_sum3A_1948 = arith.constant dense<0> : vector<1xi32>
    %reduce_sum3A_1949 = vector.multi_reduction <add>, %convert_element_type3A_1947, %reduce_sum3A_1948 [1] : vector<1x128xi32> to vector<1xi32>
    %broadcast_in_dim3A_1950 = vector.shape_cast %reduce_sum3A_1949 : vector<1xi32> to vector<1x1xi32>
    %add3A_1951 = arith.addi %add3A_1929, %broadcast_in_dim3A_1950 : vector<1x1xi32>
    %broadcast_in_dim3A_1952 = vector.shape_cast %add3A_1951 : vector<1x1xi32> to vector<1x1xi32>
    %broadcast_in_dim3A_1953 = vector.broadcast %broadcast_in_dim3A_1952 : vector<1x1xi32> to vector<64x128xi32>
    %le3A_1954 = arith.cmpi sle, %broadcast_in_dim3A_1953, %add3A : vector<64x128xi32>
    %convert_element_type3A_1955 = arith.extui %le3A_1954 : vector<64x128xi1> to vector<64x128xi32>
    %add3A_1956 = arith.addi %add3A_1934, %convert_element_type3A_1955 : vector<64x128xi32>
    %broadcast_in_dim3A_1957 = vector.shape_cast %broadcast_in_dim3A_1950 : vector<1x1xi32> to vector<1x1xi32>
    %broadcast_in_dim3A_1958 = vector.broadcast %broadcast_in_dim3A_1957 : vector<1x1xi32> to vector<64x128xi32>
    %mul3A_1959 = arith.muli %broadcast_in_dim3A_1958, %convert_element_type3A_1955 : vector<64x128xi32>
    %add3A_1960 = arith.addi %add3A_1938, %mul3A_1959 : vector<64x128xi32>
    %get3A_1961 = arith.constant 89 : index
    %get3A_1962 = arith.constant 0 : index
    %get3A_1963 = arith.constant 0 : index
    %get3A_1964 = vector.load %arg0[%get3A_1961, %get3A_1962, %get3A_1963] : memref<256x1x128xf32, #tpu.memory_space<vmem>>, vector<1x1x128xf32>
    %get3A_1965 = vector.shape_cast %get3A_1964 : vector<1x1x128xf32> to vector<1x128xf32>
    %gt3A_1966 = arith.constant 0.000000e+00 : f32
    %gt3A_1967 = vector.broadcast %gt3A_1966 : f32 to vector<1x128xf32>
    %gt3A_1968 = arith.cmpf ogt, %get3A_1965, %gt3A_1967 : vector<1x128xf32>
    %convert_element_type3A_1969 = arith.extui %gt3A_1968 : vector<1x128xi1> to vector<1x128xi32>
    %reduce_sum3A_1970 = arith.constant dense<0> : vector<1xi32>
    %reduce_sum3A_1971 = vector.multi_reduction <add>, %convert_element_type3A_1969, %reduce_sum3A_1970 [1] : vector<1x128xi32> to vector<1xi32>
    %broadcast_in_dim3A_1972 = vector.shape_cast %reduce_sum3A_1971 : vector<1xi32> to vector<1x1xi32>
    %add3A_1973 = arith.addi %add3A_1951, %broadcast_in_dim3A_1972 : vector<1x1xi32>
    %broadcast_in_dim3A_1974 = vector.shape_cast %add3A_1973 : vector<1x1xi32> to vector<1x1xi32>
    %broadcast_in_dim3A_1975 = vector.broadcast %broadcast_in_dim3A_1974 : vector<1x1xi32> to vector<64x128xi32>
    %le3A_1976 = arith.cmpi sle, %broadcast_in_dim3A_1975, %add3A : vector<64x128xi32>
    %convert_element_type3A_1977 = arith.extui %le3A_1976 : vector<64x128xi1> to vector<64x128xi32>
    %add3A_1978 = arith.addi %add3A_1956, %convert_element_type3A_1977 : vector<64x128xi32>
    %broadcast_in_dim3A_1979 = vector.shape_cast %broadcast_in_dim3A_1972 : vector<1x1xi32> to vector<1x1xi32>
    %broadcast_in_dim3A_1980 = vector.broadcast %broadcast_in_dim3A_1979 : vector<1x1xi32> to vector<64x128xi32>
    %mul3A_1981 = arith.muli %broadcast_in_dim3A_1980, %convert_element_type3A_1977 : vector<64x128xi32>
    %add3A_1982 = arith.addi %add3A_1960, %mul3A_1981 : vector<64x128xi32>
    %get3A_1983 = arith.constant 90 : index
    %get3A_1984 = arith.constant 0 : index
    %get3A_1985 = arith.constant 0 : index
    %get3A_1986 = vector.load %arg0[%get3A_1983, %get3A_1984, %get3A_1985] : memref<256x1x128xf32, #tpu.memory_space<vmem>>, vector<1x1x128xf32>
    %get3A_1987 = vector.shape_cast %get3A_1986 : vector<1x1x128xf32> to vector<1x128xf32>
    %gt3A_1988 = arith.constant 0.000000e+00 : f32
    %gt3A_1989 = vector.broadcast %gt3A_1988 : f32 to vector<1x128xf32>
    %gt3A_1990 = arith.cmpf ogt, %get3A_1987, %gt3A_1989 : vector<1x128xf32>
    %convert_element_type3A_1991 = arith.extui %gt3A_1990 : vector<1x128xi1> to vector<1x128xi32>
    %reduce_sum3A_1992 = arith.constant dense<0> : vector<1xi32>
    %reduce_sum3A_1993 = vector.multi_reduction <add>, %convert_element_type3A_1991, %reduce_sum3A_1992 [1] : vector<1x128xi32> to vector<1xi32>
    %broadcast_in_dim3A_1994 = vector.shape_cast %reduce_sum3A_1993 : vector<1xi32> to vector<1x1xi32>
    %add3A_1995 = arith.addi %add3A_1973, %broadcast_in_dim3A_1994 : vector<1x1xi32>
    %broadcast_in_dim3A_1996 = vector.shape_cast %add3A_1995 : vector<1x1xi32> to vector<1x1xi32>
    %broadcast_in_dim3A_1997 = vector.broadcast %broadcast_in_dim3A_1996 : vector<1x1xi32> to vector<64x128xi32>
    %le3A_1998 = arith.cmpi sle, %broadcast_in_dim3A_1997, %add3A : vector<64x128xi32>
    %convert_element_type3A_1999 = arith.extui %le3A_1998 : vector<64x128xi1> to vector<64x128xi32>
    %add3A_2000 = arith.addi %add3A_1978, %convert_element_type3A_1999 : vector<64x128xi32>
    %broadcast_in_dim3A_2001 = vector.shape_cast %broadcast_in_dim3A_1994 : vector<1x1xi32> to vector<1x1xi32>
    %broadcast_in_dim3A_2002 = vector.broadcast %broadcast_in_dim3A_2001 : vector<1x1xi32> to vector<64x128xi32>
    %mul3A_2003 = arith.muli %broadcast_in_dim3A_2002, %convert_element_type3A_1999 : vector<64x128xi32>
    %add3A_2004 = arith.addi %add3A_1982, %mul3A_2003 : vector<64x128xi32>
    %get3A_2005 = arith.constant 91 : index
    %get3A_2006 = arith.constant 0 : index
    %get3A_2007 = arith.constant 0 : index
    %get3A_2008 = vector.load %arg0[%get3A_2005, %get3A_2006, %get3A_2007] : memref<256x1x128xf32, #tpu.memory_space<vmem>>, vector<1x1x128xf32>
    %get3A_2009 = vector.shape_cast %get3A_2008 : vector<1x1x128xf32> to vector<1x128xf32>
    %gt3A_2010 = arith.constant 0.000000e+00 : f32
    %gt3A_2011 = vector.broadcast %gt3A_2010 : f32 to vector<1x128xf32>
    %gt3A_2012 = arith.cmpf ogt, %get3A_2009, %gt3A_2011 : vector<1x128xf32>
    %convert_element_type3A_2013 = arith.extui %gt3A_2012 : vector<1x128xi1> to vector<1x128xi32>
    %reduce_sum3A_2014 = arith.constant dense<0> : vector<1xi32>
    %reduce_sum3A_2015 = vector.multi_reduction <add>, %convert_element_type3A_2013, %reduce_sum3A_2014 [1] : vector<1x128xi32> to vector<1xi32>
    %broadcast_in_dim3A_2016 = vector.shape_cast %reduce_sum3A_2015 : vector<1xi32> to vector<1x1xi32>
    %add3A_2017 = arith.addi %add3A_1995, %broadcast_in_dim3A_2016 : vector<1x1xi32>
    %broadcast_in_dim3A_2018 = vector.shape_cast %add3A_2017 : vector<1x1xi32> to vector<1x1xi32>
    %broadcast_in_dim3A_2019 = vector.broadcast %broadcast_in_dim3A_2018 : vector<1x1xi32> to vector<64x128xi32>
    %le3A_2020 = arith.cmpi sle, %broadcast_in_dim3A_2019, %add3A : vector<64x128xi32>
    %convert_element_type3A_2021 = arith.extui %le3A_2020 : vector<64x128xi1> to vector<64x128xi32>
    %add3A_2022 = arith.addi %add3A_2000, %convert_element_type3A_2021 : vector<64x128xi32>
    %broadcast_in_dim3A_2023 = vector.shape_cast %broadcast_in_dim3A_2016 : vector<1x1xi32> to vector<1x1xi32>
    %broadcast_in_dim3A_2024 = vector.broadcast %broadcast_in_dim3A_2023 : vector<1x1xi32> to vector<64x128xi32>
    %mul3A_2025 = arith.muli %broadcast_in_dim3A_2024, %convert_element_type3A_2021 : vector<64x128xi32>
    %add3A_2026 = arith.addi %add3A_2004, %mul3A_2025 : vector<64x128xi32>
    %get3A_2027 = arith.constant 92 : index
    %get3A_2028 = arith.constant 0 : index
    %get3A_2029 = arith.constant 0 : index
    %get3A_2030 = vector.load %arg0[%get3A_2027, %get3A_2028, %get3A_2029] : memref<256x1x128xf32, #tpu.memory_space<vmem>>, vector<1x1x128xf32>
    %get3A_2031 = vector.shape_cast %get3A_2030 : vector<1x1x128xf32> to vector<1x128xf32>
    %gt3A_2032 = arith.constant 0.000000e+00 : f32
    %gt3A_2033 = vector.broadcast %gt3A_2032 : f32 to vector<1x128xf32>
    %gt3A_2034 = arith.cmpf ogt, %get3A_2031, %gt3A_2033 : vector<1x128xf32>
    %convert_element_type3A_2035 = arith.extui %gt3A_2034 : vector<1x128xi1> to vector<1x128xi32>
    %reduce_sum3A_2036 = arith.constant dense<0> : vector<1xi32>
    %reduce_sum3A_2037 = vector.multi_reduction <add>, %convert_element_type3A_2035, %reduce_sum3A_2036 [1] : vector<1x128xi32> to vector<1xi32>
    %broadcast_in_dim3A_2038 = vector.shape_cast %reduce_sum3A_2037 : vector<1xi32> to vector<1x1xi32>
    %add3A_2039 = arith.addi %add3A_2017, %broadcast_in_dim3A_2038 : vector<1x1xi32>
    %broadcast_in_dim3A_2040 = vector.shape_cast %add3A_2039 : vector<1x1xi32> to vector<1x1xi32>
    %broadcast_in_dim3A_2041 = vector.broadcast %broadcast_in_dim3A_2040 : vector<1x1xi32> to vector<64x128xi32>
    %le3A_2042 = arith.cmpi sle, %broadcast_in_dim3A_2041, %add3A : vector<64x128xi32>
    %convert_element_type3A_2043 = arith.extui %le3A_2042 : vector<64x128xi1> to vector<64x128xi32>
    %add3A_2044 = arith.addi %add3A_2022, %convert_element_type3A_2043 : vector<64x128xi32>
    %broadcast_in_dim3A_2045 = vector.shape_cast %broadcast_in_dim3A_2038 : vector<1x1xi32> to vector<1x1xi32>
    %broadcast_in_dim3A_2046 = vector.broadcast %broadcast_in_dim3A_2045 : vector<1x1xi32> to vector<64x128xi32>
    %mul3A_2047 = arith.muli %broadcast_in_dim3A_2046, %convert_element_type3A_2043 : vector<64x128xi32>
    %add3A_2048 = arith.addi %add3A_2026, %mul3A_2047 : vector<64x128xi32>
    %get3A_2049 = arith.constant 93 : index
    %get3A_2050 = arith.constant 0 : index
    %get3A_2051 = arith.constant 0 : index
    %get3A_2052 = vector.load %arg0[%get3A_2049, %get3A_2050, %get3A_2051] : memref<256x1x128xf32, #tpu.memory_space<vmem>>, vector<1x1x128xf32>
    %get3A_2053 = vector.shape_cast %get3A_2052 : vector<1x1x128xf32> to vector<1x128xf32>
    %gt3A_2054 = arith.constant 0.000000e+00 : f32
    %gt3A_2055 = vector.broadcast %gt3A_2054 : f32 to vector<1x128xf32>
    %gt3A_2056 = arith.cmpf ogt, %get3A_2053, %gt3A_2055 : vector<1x128xf32>
    %convert_element_type3A_2057 = arith.extui %gt3A_2056 : vector<1x128xi1> to vector<1x128xi32>
    %reduce_sum3A_2058 = arith.constant dense<0> : vector<1xi32>
    %reduce_sum3A_2059 = vector.multi_reduction <add>, %convert_element_type3A_2057, %reduce_sum3A_2058 [1] : vector<1x128xi32> to vector<1xi32>
    %broadcast_in_dim3A_2060 = vector.shape_cast %reduce_sum3A_2059 : vector<1xi32> to vector<1x1xi32>
    %add3A_2061 = arith.addi %add3A_2039, %broadcast_in_dim3A_2060 : vector<1x1xi32>
    %broadcast_in_dim3A_2062 = vector.shape_cast %add3A_2061 : vector<1x1xi32> to vector<1x1xi32>
    %broadcast_in_dim3A_2063 = vector.broadcast %broadcast_in_dim3A_2062 : vector<1x1xi32> to vector<64x128xi32>
    %le3A_2064 = arith.cmpi sle, %broadcast_in_dim3A_2063, %add3A : vector<64x128xi32>
    %convert_element_type3A_2065 = arith.extui %le3A_2064 : vector<64x128xi1> to vector<64x128xi32>
    %add3A_2066 = arith.addi %add3A_2044, %convert_element_type3A_2065 : vector<64x128xi32>
    %broadcast_in_dim3A_2067 = vector.shape_cast %broadcast_in_dim3A_2060 : vector<1x1xi32> to vector<1x1xi32>
    %broadcast_in_dim3A_2068 = vector.broadcast %broadcast_in_dim3A_2067 : vector<1x1xi32> to vector<64x128xi32>
    %mul3A_2069 = arith.muli %broadcast_in_dim3A_2068, %convert_element_type3A_2065 : vector<64x128xi32>
    %add3A_2070 = arith.addi %add3A_2048, %mul3A_2069 : vector<64x128xi32>
    %get3A_2071 = arith.constant 94 : index
    %get3A_2072 = arith.constant 0 : index
    %get3A_2073 = arith.constant 0 : index
    %get3A_2074 = vector.load %arg0[%get3A_2071, %get3A_2072, %get3A_2073] : memref<256x1x128xf32, #tpu.memory_space<vmem>>, vector<1x1x128xf32>
    %get3A_2075 = vector.shape_cast %get3A_2074 : vector<1x1x128xf32> to vector<1x128xf32>
    %gt3A_2076 = arith.constant 0.000000e+00 : f32
    %gt3A_2077 = vector.broadcast %gt3A_2076 : f32 to vector<1x128xf32>
    %gt3A_2078 = arith.cmpf ogt, %get3A_2075, %gt3A_2077 : vector<1x128xf32>
    %convert_element_type3A_2079 = arith.extui %gt3A_2078 : vector<1x128xi1> to vector<1x128xi32>
    %reduce_sum3A_2080 = arith.constant dense<0> : vector<1xi32>
    %reduce_sum3A_2081 = vector.multi_reduction <add>, %convert_element_type3A_2079, %reduce_sum3A_2080 [1] : vector<1x128xi32> to vector<1xi32>
    %broadcast_in_dim3A_2082 = vector.shape_cast %reduce_sum3A_2081 : vector<1xi32> to vector<1x1xi32>
    %add3A_2083 = arith.addi %add3A_2061, %broadcast_in_dim3A_2082 : vector<1x1xi32>
    %broadcast_in_dim3A_2084 = vector.shape_cast %add3A_2083 : vector<1x1xi32> to vector<1x1xi32>
    %broadcast_in_dim3A_2085 = vector.broadcast %broadcast_in_dim3A_2084 : vector<1x1xi32> to vector<64x128xi32>
    %le3A_2086 = arith.cmpi sle, %broadcast_in_dim3A_2085, %add3A : vector<64x128xi32>
    %convert_element_type3A_2087 = arith.extui %le3A_2086 : vector<64x128xi1> to vector<64x128xi32>
    %add3A_2088 = arith.addi %add3A_2066, %convert_element_type3A_2087 : vector<64x128xi32>
    %broadcast_in_dim3A_2089 = vector.shape_cast %broadcast_in_dim3A_2082 : vector<1x1xi32> to vector<1x1xi32>
    %broadcast_in_dim3A_2090 = vector.broadcast %broadcast_in_dim3A_2089 : vector<1x1xi32> to vector<64x128xi32>
    %mul3A_2091 = arith.muli %broadcast_in_dim3A_2090, %convert_element_type3A_2087 : vector<64x128xi32>
    %add3A_2092 = arith.addi %add3A_2070, %mul3A_2091 : vector<64x128xi32>
    %get3A_2093 = arith.constant 95 : index
    %get3A_2094 = arith.constant 0 : index
    %get3A_2095 = arith.constant 0 : index
    %get3A_2096 = vector.load %arg0[%get3A_2093, %get3A_2094, %get3A_2095] : memref<256x1x128xf32, #tpu.memory_space<vmem>>, vector<1x1x128xf32>
    %get3A_2097 = vector.shape_cast %get3A_2096 : vector<1x1x128xf32> to vector<1x128xf32>
    %gt3A_2098 = arith.constant 0.000000e+00 : f32
    %gt3A_2099 = vector.broadcast %gt3A_2098 : f32 to vector<1x128xf32>
    %gt3A_2100 = arith.cmpf ogt, %get3A_2097, %gt3A_2099 : vector<1x128xf32>
    %convert_element_type3A_2101 = arith.extui %gt3A_2100 : vector<1x128xi1> to vector<1x128xi32>
    %reduce_sum3A_2102 = arith.constant dense<0> : vector<1xi32>
    %reduce_sum3A_2103 = vector.multi_reduction <add>, %convert_element_type3A_2101, %reduce_sum3A_2102 [1] : vector<1x128xi32> to vector<1xi32>
    %broadcast_in_dim3A_2104 = vector.shape_cast %reduce_sum3A_2103 : vector<1xi32> to vector<1x1xi32>
    %add3A_2105 = arith.addi %add3A_2083, %broadcast_in_dim3A_2104 : vector<1x1xi32>
    %broadcast_in_dim3A_2106 = vector.shape_cast %add3A_2105 : vector<1x1xi32> to vector<1x1xi32>
    %broadcast_in_dim3A_2107 = vector.broadcast %broadcast_in_dim3A_2106 : vector<1x1xi32> to vector<64x128xi32>
    %le3A_2108 = arith.cmpi sle, %broadcast_in_dim3A_2107, %add3A : vector<64x128xi32>
    %convert_element_type3A_2109 = arith.extui %le3A_2108 : vector<64x128xi1> to vector<64x128xi32>
    %add3A_2110 = arith.addi %add3A_2088, %convert_element_type3A_2109 : vector<64x128xi32>
    %broadcast_in_dim3A_2111 = vector.shape_cast %broadcast_in_dim3A_2104 : vector<1x1xi32> to vector<1x1xi32>
    %broadcast_in_dim3A_2112 = vector.broadcast %broadcast_in_dim3A_2111 : vector<1x1xi32> to vector<64x128xi32>
    %mul3A_2113 = arith.muli %broadcast_in_dim3A_2112, %convert_element_type3A_2109 : vector<64x128xi32>
    %add3A_2114 = arith.addi %add3A_2092, %mul3A_2113 : vector<64x128xi32>
    %get3A_2115 = arith.constant 96 : index
    %get3A_2116 = arith.constant 0 : index
    %get3A_2117 = arith.constant 0 : index
    %get3A_2118 = vector.load %arg0[%get3A_2115, %get3A_2116, %get3A_2117] : memref<256x1x128xf32, #tpu.memory_space<vmem>>, vector<1x1x128xf32>
    %get3A_2119 = vector.shape_cast %get3A_2118 : vector<1x1x128xf32> to vector<1x128xf32>
    %gt3A_2120 = arith.constant 0.000000e+00 : f32
    %gt3A_2121 = vector.broadcast %gt3A_2120 : f32 to vector<1x128xf32>
    %gt3A_2122 = arith.cmpf ogt, %get3A_2119, %gt3A_2121 : vector<1x128xf32>
    %convert_element_type3A_2123 = arith.extui %gt3A_2122 : vector<1x128xi1> to vector<1x128xi32>
    %reduce_sum3A_2124 = arith.constant dense<0> : vector<1xi32>
    %reduce_sum3A_2125 = vector.multi_reduction <add>, %convert_element_type3A_2123, %reduce_sum3A_2124 [1] : vector<1x128xi32> to vector<1xi32>
    %broadcast_in_dim3A_2126 = vector.shape_cast %reduce_sum3A_2125 : vector<1xi32> to vector<1x1xi32>
    %add3A_2127 = arith.addi %add3A_2105, %broadcast_in_dim3A_2126 : vector<1x1xi32>
    %broadcast_in_dim3A_2128 = vector.shape_cast %add3A_2127 : vector<1x1xi32> to vector<1x1xi32>
    %broadcast_in_dim3A_2129 = vector.broadcast %broadcast_in_dim3A_2128 : vector<1x1xi32> to vector<64x128xi32>
    %le3A_2130 = arith.cmpi sle, %broadcast_in_dim3A_2129, %add3A : vector<64x128xi32>
    %convert_element_type3A_2131 = arith.extui %le3A_2130 : vector<64x128xi1> to vector<64x128xi32>
    %add3A_2132 = arith.addi %add3A_2110, %convert_element_type3A_2131 : vector<64x128xi32>
    %broadcast_in_dim3A_2133 = vector.shape_cast %broadcast_in_dim3A_2126 : vector<1x1xi32> to vector<1x1xi32>
    %broadcast_in_dim3A_2134 = vector.broadcast %broadcast_in_dim3A_2133 : vector<1x1xi32> to vector<64x128xi32>
    %mul3A_2135 = arith.muli %broadcast_in_dim3A_2134, %convert_element_type3A_2131 : vector<64x128xi32>
    %add3A_2136 = arith.addi %add3A_2114, %mul3A_2135 : vector<64x128xi32>
    %get3A_2137 = arith.constant 97 : index
    %get3A_2138 = arith.constant 0 : index
    %get3A_2139 = arith.constant 0 : index
    %get3A_2140 = vector.load %arg0[%get3A_2137, %get3A_2138, %get3A_2139] : memref<256x1x128xf32, #tpu.memory_space<vmem>>, vector<1x1x128xf32>
    %get3A_2141 = vector.shape_cast %get3A_2140 : vector<1x1x128xf32> to vector<1x128xf32>
    %gt3A_2142 = arith.constant 0.000000e+00 : f32
    %gt3A_2143 = vector.broadcast %gt3A_2142 : f32 to vector<1x128xf32>
    %gt3A_2144 = arith.cmpf ogt, %get3A_2141, %gt3A_2143 : vector<1x128xf32>
    %convert_element_type3A_2145 = arith.extui %gt3A_2144 : vector<1x128xi1> to vector<1x128xi32>
    %reduce_sum3A_2146 = arith.constant dense<0> : vector<1xi32>
    %reduce_sum3A_2147 = vector.multi_reduction <add>, %convert_element_type3A_2145, %reduce_sum3A_2146 [1] : vector<1x128xi32> to vector<1xi32>
    %broadcast_in_dim3A_2148 = vector.shape_cast %reduce_sum3A_2147 : vector<1xi32> to vector<1x1xi32>
    %add3A_2149 = arith.addi %add3A_2127, %broadcast_in_dim3A_2148 : vector<1x1xi32>
    %broadcast_in_dim3A_2150 = vector.shape_cast %add3A_2149 : vector<1x1xi32> to vector<1x1xi32>
    %broadcast_in_dim3A_2151 = vector.broadcast %broadcast_in_dim3A_2150 : vector<1x1xi32> to vector<64x128xi32>
    %le3A_2152 = arith.cmpi sle, %broadcast_in_dim3A_2151, %add3A : vector<64x128xi32>
    %convert_element_type3A_2153 = arith.extui %le3A_2152 : vector<64x128xi1> to vector<64x128xi32>
    %add3A_2154 = arith.addi %add3A_2132, %convert_element_type3A_2153 : vector<64x128xi32>
    %broadcast_in_dim3A_2155 = vector.shape_cast %broadcast_in_dim3A_2148 : vector<1x1xi32> to vector<1x1xi32>
    %broadcast_in_dim3A_2156 = vector.broadcast %broadcast_in_dim3A_2155 : vector<1x1xi32> to vector<64x128xi32>
    %mul3A_2157 = arith.muli %broadcast_in_dim3A_2156, %convert_element_type3A_2153 : vector<64x128xi32>
    %add3A_2158 = arith.addi %add3A_2136, %mul3A_2157 : vector<64x128xi32>
    %get3A_2159 = arith.constant 98 : index
    %get3A_2160 = arith.constant 0 : index
    %get3A_2161 = arith.constant 0 : index
    %get3A_2162 = vector.load %arg0[%get3A_2159, %get3A_2160, %get3A_2161] : memref<256x1x128xf32, #tpu.memory_space<vmem>>, vector<1x1x128xf32>
    %get3A_2163 = vector.shape_cast %get3A_2162 : vector<1x1x128xf32> to vector<1x128xf32>
    %gt3A_2164 = arith.constant 0.000000e+00 : f32
    %gt3A_2165 = vector.broadcast %gt3A_2164 : f32 to vector<1x128xf32>
    %gt3A_2166 = arith.cmpf ogt, %get3A_2163, %gt3A_2165 : vector<1x128xf32>
    %convert_element_type3A_2167 = arith.extui %gt3A_2166 : vector<1x128xi1> to vector<1x128xi32>
    %reduce_sum3A_2168 = arith.constant dense<0> : vector<1xi32>
    %reduce_sum3A_2169 = vector.multi_reduction <add>, %convert_element_type3A_2167, %reduce_sum3A_2168 [1] : vector<1x128xi32> to vector<1xi32>
    %broadcast_in_dim3A_2170 = vector.shape_cast %reduce_sum3A_2169 : vector<1xi32> to vector<1x1xi32>
    %add3A_2171 = arith.addi %add3A_2149, %broadcast_in_dim3A_2170 : vector<1x1xi32>
    %broadcast_in_dim3A_2172 = vector.shape_cast %add3A_2171 : vector<1x1xi32> to vector<1x1xi32>
    %broadcast_in_dim3A_2173 = vector.broadcast %broadcast_in_dim3A_2172 : vector<1x1xi32> to vector<64x128xi32>
    %le3A_2174 = arith.cmpi sle, %broadcast_in_dim3A_2173, %add3A : vector<64x128xi32>
    %convert_element_type3A_2175 = arith.extui %le3A_2174 : vector<64x128xi1> to vector<64x128xi32>
    %add3A_2176 = arith.addi %add3A_2154, %convert_element_type3A_2175 : vector<64x128xi32>
    %broadcast_in_dim3A_2177 = vector.shape_cast %broadcast_in_dim3A_2170 : vector<1x1xi32> to vector<1x1xi32>
    %broadcast_in_dim3A_2178 = vector.broadcast %broadcast_in_dim3A_2177 : vector<1x1xi32> to vector<64x128xi32>
    %mul3A_2179 = arith.muli %broadcast_in_dim3A_2178, %convert_element_type3A_2175 : vector<64x128xi32>
    %add3A_2180 = arith.addi %add3A_2158, %mul3A_2179 : vector<64x128xi32>
    %get3A_2181 = arith.constant 99 : index
    %get3A_2182 = arith.constant 0 : index
    %get3A_2183 = arith.constant 0 : index
    %get3A_2184 = vector.load %arg0[%get3A_2181, %get3A_2182, %get3A_2183] : memref<256x1x128xf32, #tpu.memory_space<vmem>>, vector<1x1x128xf32>
    %get3A_2185 = vector.shape_cast %get3A_2184 : vector<1x1x128xf32> to vector<1x128xf32>
    %gt3A_2186 = arith.constant 0.000000e+00 : f32
    %gt3A_2187 = vector.broadcast %gt3A_2186 : f32 to vector<1x128xf32>
    %gt3A_2188 = arith.cmpf ogt, %get3A_2185, %gt3A_2187 : vector<1x128xf32>
    %convert_element_type3A_2189 = arith.extui %gt3A_2188 : vector<1x128xi1> to vector<1x128xi32>
    %reduce_sum3A_2190 = arith.constant dense<0> : vector<1xi32>
    %reduce_sum3A_2191 = vector.multi_reduction <add>, %convert_element_type3A_2189, %reduce_sum3A_2190 [1] : vector<1x128xi32> to vector<1xi32>
    %broadcast_in_dim3A_2192 = vector.shape_cast %reduce_sum3A_2191 : vector<1xi32> to vector<1x1xi32>
    %add3A_2193 = arith.addi %add3A_2171, %broadcast_in_dim3A_2192 : vector<1x1xi32>
    %broadcast_in_dim3A_2194 = vector.shape_cast %add3A_2193 : vector<1x1xi32> to vector<1x1xi32>
    %broadcast_in_dim3A_2195 = vector.broadcast %broadcast_in_dim3A_2194 : vector<1x1xi32> to vector<64x128xi32>
    %le3A_2196 = arith.cmpi sle, %broadcast_in_dim3A_2195, %add3A : vector<64x128xi32>
    %convert_element_type3A_2197 = arith.extui %le3A_2196 : vector<64x128xi1> to vector<64x128xi32>
    %add3A_2198 = arith.addi %add3A_2176, %convert_element_type3A_2197 : vector<64x128xi32>
    %broadcast_in_dim3A_2199 = vector.shape_cast %broadcast_in_dim3A_2192 : vector<1x1xi32> to vector<1x1xi32>
    %broadcast_in_dim3A_2200 = vector.broadcast %broadcast_in_dim3A_2199 : vector<1x1xi32> to vector<64x128xi32>
    %mul3A_2201 = arith.muli %broadcast_in_dim3A_2200, %convert_element_type3A_2197 : vector<64x128xi32>
    %add3A_2202 = arith.addi %add3A_2180, %mul3A_2201 : vector<64x128xi32>
    %get3A_2203 = arith.constant 100 : index
    %get3A_2204 = arith.constant 0 : index
    %get3A_2205 = arith.constant 0 : index
    %get3A_2206 = vector.load %arg0[%get3A_2203, %get3A_2204, %get3A_2205] : memref<256x1x128xf32, #tpu.memory_space<vmem>>, vector<1x1x128xf32>
    %get3A_2207 = vector.shape_cast %get3A_2206 : vector<1x1x128xf32> to vector<1x128xf32>
    %gt3A_2208 = arith.constant 0.000000e+00 : f32
    %gt3A_2209 = vector.broadcast %gt3A_2208 : f32 to vector<1x128xf32>
    %gt3A_2210 = arith.cmpf ogt, %get3A_2207, %gt3A_2209 : vector<1x128xf32>
    %convert_element_type3A_2211 = arith.extui %gt3A_2210 : vector<1x128xi1> to vector<1x128xi32>
    %reduce_sum3A_2212 = arith.constant dense<0> : vector<1xi32>
    %reduce_sum3A_2213 = vector.multi_reduction <add>, %convert_element_type3A_2211, %reduce_sum3A_2212 [1] : vector<1x128xi32> to vector<1xi32>
    %broadcast_in_dim3A_2214 = vector.shape_cast %reduce_sum3A_2213 : vector<1xi32> to vector<1x1xi32>
    %add3A_2215 = arith.addi %add3A_2193, %broadcast_in_dim3A_2214 : vector<1x1xi32>
    %broadcast_in_dim3A_2216 = vector.shape_cast %add3A_2215 : vector<1x1xi32> to vector<1x1xi32>
    %broadcast_in_dim3A_2217 = vector.broadcast %broadcast_in_dim3A_2216 : vector<1x1xi32> to vector<64x128xi32>
    %le3A_2218 = arith.cmpi sle, %broadcast_in_dim3A_2217, %add3A : vector<64x128xi32>
    %convert_element_type3A_2219 = arith.extui %le3A_2218 : vector<64x128xi1> to vector<64x128xi32>
    %add3A_2220 = arith.addi %add3A_2198, %convert_element_type3A_2219 : vector<64x128xi32>
    %broadcast_in_dim3A_2221 = vector.shape_cast %broadcast_in_dim3A_2214 : vector<1x1xi32> to vector<1x1xi32>
    %broadcast_in_dim3A_2222 = vector.broadcast %broadcast_in_dim3A_2221 : vector<1x1xi32> to vector<64x128xi32>
    %mul3A_2223 = arith.muli %broadcast_in_dim3A_2222, %convert_element_type3A_2219 : vector<64x128xi32>
    %add3A_2224 = arith.addi %add3A_2202, %mul3A_2223 : vector<64x128xi32>
    %get3A_2225 = arith.constant 101 : index
    %get3A_2226 = arith.constant 0 : index
    %get3A_2227 = arith.constant 0 : index
    %get3A_2228 = vector.load %arg0[%get3A_2225, %get3A_2226, %get3A_2227] : memref<256x1x128xf32, #tpu.memory_space<vmem>>, vector<1x1x128xf32>
    %get3A_2229 = vector.shape_cast %get3A_2228 : vector<1x1x128xf32> to vector<1x128xf32>
    %gt3A_2230 = arith.constant 0.000000e+00 : f32
    %gt3A_2231 = vector.broadcast %gt3A_2230 : f32 to vector<1x128xf32>
    %gt3A_2232 = arith.cmpf ogt, %get3A_2229, %gt3A_2231 : vector<1x128xf32>
    %convert_element_type3A_2233 = arith.extui %gt3A_2232 : vector<1x128xi1> to vector<1x128xi32>
    %reduce_sum3A_2234 = arith.constant dense<0> : vector<1xi32>
    %reduce_sum3A_2235 = vector.multi_reduction <add>, %convert_element_type3A_2233, %reduce_sum3A_2234 [1] : vector<1x128xi32> to vector<1xi32>
    %broadcast_in_dim3A_2236 = vector.shape_cast %reduce_sum3A_2235 : vector<1xi32> to vector<1x1xi32>
    %add3A_2237 = arith.addi %add3A_2215, %broadcast_in_dim3A_2236 : vector<1x1xi32>
    %broadcast_in_dim3A_2238 = vector.shape_cast %add3A_2237 : vector<1x1xi32> to vector<1x1xi32>
    %broadcast_in_dim3A_2239 = vector.broadcast %broadcast_in_dim3A_2238 : vector<1x1xi32> to vector<64x128xi32>
    %le3A_2240 = arith.cmpi sle, %broadcast_in_dim3A_2239, %add3A : vector<64x128xi32>
    %convert_element_type3A_2241 = arith.extui %le3A_2240 : vector<64x128xi1> to vector<64x128xi32>
    %add3A_2242 = arith.addi %add3A_2220, %convert_element_type3A_2241 : vector<64x128xi32>
    %broadcast_in_dim3A_2243 = vector.shape_cast %broadcast_in_dim3A_2236 : vector<1x1xi32> to vector<1x1xi32>
    %broadcast_in_dim3A_2244 = vector.broadcast %broadcast_in_dim3A_2243 : vector<1x1xi32> to vector<64x128xi32>
    %mul3A_2245 = arith.muli %broadcast_in_dim3A_2244, %convert_element_type3A_2241 : vector<64x128xi32>
    %add3A_2246 = arith.addi %add3A_2224, %mul3A_2245 : vector<64x128xi32>
    %get3A_2247 = arith.constant 102 : index
    %get3A_2248 = arith.constant 0 : index
    %get3A_2249 = arith.constant 0 : index
    %get3A_2250 = vector.load %arg0[%get3A_2247, %get3A_2248, %get3A_2249] : memref<256x1x128xf32, #tpu.memory_space<vmem>>, vector<1x1x128xf32>
    %get3A_2251 = vector.shape_cast %get3A_2250 : vector<1x1x128xf32> to vector<1x128xf32>
    %gt3A_2252 = arith.constant 0.000000e+00 : f32
    %gt3A_2253 = vector.broadcast %gt3A_2252 : f32 to vector<1x128xf32>
    %gt3A_2254 = arith.cmpf ogt, %get3A_2251, %gt3A_2253 : vector<1x128xf32>
    %convert_element_type3A_2255 = arith.extui %gt3A_2254 : vector<1x128xi1> to vector<1x128xi32>
    %reduce_sum3A_2256 = arith.constant dense<0> : vector<1xi32>
    %reduce_sum3A_2257 = vector.multi_reduction <add>, %convert_element_type3A_2255, %reduce_sum3A_2256 [1] : vector<1x128xi32> to vector<1xi32>
    %broadcast_in_dim3A_2258 = vector.shape_cast %reduce_sum3A_2257 : vector<1xi32> to vector<1x1xi32>
    %add3A_2259 = arith.addi %add3A_2237, %broadcast_in_dim3A_2258 : vector<1x1xi32>
    %broadcast_in_dim3A_2260 = vector.shape_cast %add3A_2259 : vector<1x1xi32> to vector<1x1xi32>
    %broadcast_in_dim3A_2261 = vector.broadcast %broadcast_in_dim3A_2260 : vector<1x1xi32> to vector<64x128xi32>
    %le3A_2262 = arith.cmpi sle, %broadcast_in_dim3A_2261, %add3A : vector<64x128xi32>
    %convert_element_type3A_2263 = arith.extui %le3A_2262 : vector<64x128xi1> to vector<64x128xi32>
    %add3A_2264 = arith.addi %add3A_2242, %convert_element_type3A_2263 : vector<64x128xi32>
    %broadcast_in_dim3A_2265 = vector.shape_cast %broadcast_in_dim3A_2258 : vector<1x1xi32> to vector<1x1xi32>
    %broadcast_in_dim3A_2266 = vector.broadcast %broadcast_in_dim3A_2265 : vector<1x1xi32> to vector<64x128xi32>
    %mul3A_2267 = arith.muli %broadcast_in_dim3A_2266, %convert_element_type3A_2263 : vector<64x128xi32>
    %add3A_2268 = arith.addi %add3A_2246, %mul3A_2267 : vector<64x128xi32>
    %get3A_2269 = arith.constant 103 : index
    %get3A_2270 = arith.constant 0 : index
    %get3A_2271 = arith.constant 0 : index
    %get3A_2272 = vector.load %arg0[%get3A_2269, %get3A_2270, %get3A_2271] : memref<256x1x128xf32, #tpu.memory_space<vmem>>, vector<1x1x128xf32>
    %get3A_2273 = vector.shape_cast %get3A_2272 : vector<1x1x128xf32> to vector<1x128xf32>
    %gt3A_2274 = arith.constant 0.000000e+00 : f32
    %gt3A_2275 = vector.broadcast %gt3A_2274 : f32 to vector<1x128xf32>
    %gt3A_2276 = arith.cmpf ogt, %get3A_2273, %gt3A_2275 : vector<1x128xf32>
    %convert_element_type3A_2277 = arith.extui %gt3A_2276 : vector<1x128xi1> to vector<1x128xi32>
    %reduce_sum3A_2278 = arith.constant dense<0> : vector<1xi32>
    %reduce_sum3A_2279 = vector.multi_reduction <add>, %convert_element_type3A_2277, %reduce_sum3A_2278 [1] : vector<1x128xi32> to vector<1xi32>
    %broadcast_in_dim3A_2280 = vector.shape_cast %reduce_sum3A_2279 : vector<1xi32> to vector<1x1xi32>
    %add3A_2281 = arith.addi %add3A_2259, %broadcast_in_dim3A_2280 : vector<1x1xi32>
    %broadcast_in_dim3A_2282 = vector.shape_cast %add3A_2281 : vector<1x1xi32> to vector<1x1xi32>
    %broadcast_in_dim3A_2283 = vector.broadcast %broadcast_in_dim3A_2282 : vector<1x1xi32> to vector<64x128xi32>
    %le3A_2284 = arith.cmpi sle, %broadcast_in_dim3A_2283, %add3A : vector<64x128xi32>
    %convert_element_type3A_2285 = arith.extui %le3A_2284 : vector<64x128xi1> to vector<64x128xi32>
    %add3A_2286 = arith.addi %add3A_2264, %convert_element_type3A_2285 : vector<64x128xi32>
    %broadcast_in_dim3A_2287 = vector.shape_cast %broadcast_in_dim3A_2280 : vector<1x1xi32> to vector<1x1xi32>
    %broadcast_in_dim3A_2288 = vector.broadcast %broadcast_in_dim3A_2287 : vector<1x1xi32> to vector<64x128xi32>
    %mul3A_2289 = arith.muli %broadcast_in_dim3A_2288, %convert_element_type3A_2285 : vector<64x128xi32>
    %add3A_2290 = arith.addi %add3A_2268, %mul3A_2289 : vector<64x128xi32>
    %get3A_2291 = arith.constant 104 : index
    %get3A_2292 = arith.constant 0 : index
    %get3A_2293 = arith.constant 0 : index
    %get3A_2294 = vector.load %arg0[%get3A_2291, %get3A_2292, %get3A_2293] : memref<256x1x128xf32, #tpu.memory_space<vmem>>, vector<1x1x128xf32>
    %get3A_2295 = vector.shape_cast %get3A_2294 : vector<1x1x128xf32> to vector<1x128xf32>
    %gt3A_2296 = arith.constant 0.000000e+00 : f32
    %gt3A_2297 = vector.broadcast %gt3A_2296 : f32 to vector<1x128xf32>
    %gt3A_2298 = arith.cmpf ogt, %get3A_2295, %gt3A_2297 : vector<1x128xf32>
    %convert_element_type3A_2299 = arith.extui %gt3A_2298 : vector<1x128xi1> to vector<1x128xi32>
    %reduce_sum3A_2300 = arith.constant dense<0> : vector<1xi32>
    %reduce_sum3A_2301 = vector.multi_reduction <add>, %convert_element_type3A_2299, %reduce_sum3A_2300 [1] : vector<1x128xi32> to vector<1xi32>
    %broadcast_in_dim3A_2302 = vector.shape_cast %reduce_sum3A_2301 : vector<1xi32> to vector<1x1xi32>
    %add3A_2303 = arith.addi %add3A_2281, %broadcast_in_dim3A_2302 : vector<1x1xi32>
    %broadcast_in_dim3A_2304 = vector.shape_cast %add3A_2303 : vector<1x1xi32> to vector<1x1xi32>
    %broadcast_in_dim3A_2305 = vector.broadcast %broadcast_in_dim3A_2304 : vector<1x1xi32> to vector<64x128xi32>
    %le3A_2306 = arith.cmpi sle, %broadcast_in_dim3A_2305, %add3A : vector<64x128xi32>
    %convert_element_type3A_2307 = arith.extui %le3A_2306 : vector<64x128xi1> to vector<64x128xi32>
    %add3A_2308 = arith.addi %add3A_2286, %convert_element_type3A_2307 : vector<64x128xi32>
    %broadcast_in_dim3A_2309 = vector.shape_cast %broadcast_in_dim3A_2302 : vector<1x1xi32> to vector<1x1xi32>
    %broadcast_in_dim3A_2310 = vector.broadcast %broadcast_in_dim3A_2309 : vector<1x1xi32> to vector<64x128xi32>
    %mul3A_2311 = arith.muli %broadcast_in_dim3A_2310, %convert_element_type3A_2307 : vector<64x128xi32>
    %add3A_2312 = arith.addi %add3A_2290, %mul3A_2311 : vector<64x128xi32>
    %get3A_2313 = arith.constant 105 : index
    %get3A_2314 = arith.constant 0 : index
    %get3A_2315 = arith.constant 0 : index
    %get3A_2316 = vector.load %arg0[%get3A_2313, %get3A_2314, %get3A_2315] : memref<256x1x128xf32, #tpu.memory_space<vmem>>, vector<1x1x128xf32>
    %get3A_2317 = vector.shape_cast %get3A_2316 : vector<1x1x128xf32> to vector<1x128xf32>
    %gt3A_2318 = arith.constant 0.000000e+00 : f32
    %gt3A_2319 = vector.broadcast %gt3A_2318 : f32 to vector<1x128xf32>
    %gt3A_2320 = arith.cmpf ogt, %get3A_2317, %gt3A_2319 : vector<1x128xf32>
    %convert_element_type3A_2321 = arith.extui %gt3A_2320 : vector<1x128xi1> to vector<1x128xi32>
    %reduce_sum3A_2322 = arith.constant dense<0> : vector<1xi32>
    %reduce_sum3A_2323 = vector.multi_reduction <add>, %convert_element_type3A_2321, %reduce_sum3A_2322 [1] : vector<1x128xi32> to vector<1xi32>
    %broadcast_in_dim3A_2324 = vector.shape_cast %reduce_sum3A_2323 : vector<1xi32> to vector<1x1xi32>
    %add3A_2325 = arith.addi %add3A_2303, %broadcast_in_dim3A_2324 : vector<1x1xi32>
    %broadcast_in_dim3A_2326 = vector.shape_cast %add3A_2325 : vector<1x1xi32> to vector<1x1xi32>
    %broadcast_in_dim3A_2327 = vector.broadcast %broadcast_in_dim3A_2326 : vector<1x1xi32> to vector<64x128xi32>
    %le3A_2328 = arith.cmpi sle, %broadcast_in_dim3A_2327, %add3A : vector<64x128xi32>
    %convert_element_type3A_2329 = arith.extui %le3A_2328 : vector<64x128xi1> to vector<64x128xi32>
    %add3A_2330 = arith.addi %add3A_2308, %convert_element_type3A_2329 : vector<64x128xi32>
    %broadcast_in_dim3A_2331 = vector.shape_cast %broadcast_in_dim3A_2324 : vector<1x1xi32> to vector<1x1xi32>
    %broadcast_in_dim3A_2332 = vector.broadcast %broadcast_in_dim3A_2331 : vector<1x1xi32> to vector<64x128xi32>
    %mul3A_2333 = arith.muli %broadcast_in_dim3A_2332, %convert_element_type3A_2329 : vector<64x128xi32>
    %add3A_2334 = arith.addi %add3A_2312, %mul3A_2333 : vector<64x128xi32>
    %get3A_2335 = arith.constant 106 : index
    %get3A_2336 = arith.constant 0 : index
    %get3A_2337 = arith.constant 0 : index
    %get3A_2338 = vector.load %arg0[%get3A_2335, %get3A_2336, %get3A_2337] : memref<256x1x128xf32, #tpu.memory_space<vmem>>, vector<1x1x128xf32>
    %get3A_2339 = vector.shape_cast %get3A_2338 : vector<1x1x128xf32> to vector<1x128xf32>
    %gt3A_2340 = arith.constant 0.000000e+00 : f32
    %gt3A_2341 = vector.broadcast %gt3A_2340 : f32 to vector<1x128xf32>
    %gt3A_2342 = arith.cmpf ogt, %get3A_2339, %gt3A_2341 : vector<1x128xf32>
    %convert_element_type3A_2343 = arith.extui %gt3A_2342 : vector<1x128xi1> to vector<1x128xi32>
    %reduce_sum3A_2344 = arith.constant dense<0> : vector<1xi32>
    %reduce_sum3A_2345 = vector.multi_reduction <add>, %convert_element_type3A_2343, %reduce_sum3A_2344 [1] : vector<1x128xi32> to vector<1xi32>
    %broadcast_in_dim3A_2346 = vector.shape_cast %reduce_sum3A_2345 : vector<1xi32> to vector<1x1xi32>
    %add3A_2347 = arith.addi %add3A_2325, %broadcast_in_dim3A_2346 : vector<1x1xi32>
    %broadcast_in_dim3A_2348 = vector.shape_cast %add3A_2347 : vector<1x1xi32> to vector<1x1xi32>
    %broadcast_in_dim3A_2349 = vector.broadcast %broadcast_in_dim3A_2348 : vector<1x1xi32> to vector<64x128xi32>
    %le3A_2350 = arith.cmpi sle, %broadcast_in_dim3A_2349, %add3A : vector<64x128xi32>
    %convert_element_type3A_2351 = arith.extui %le3A_2350 : vector<64x128xi1> to vector<64x128xi32>
    %add3A_2352 = arith.addi %add3A_2330, %convert_element_type3A_2351 : vector<64x128xi32>
    %broadcast_in_dim3A_2353 = vector.shape_cast %broadcast_in_dim3A_2346 : vector<1x1xi32> to vector<1x1xi32>
    %broadcast_in_dim3A_2354 = vector.broadcast %broadcast_in_dim3A_2353 : vector<1x1xi32> to vector<64x128xi32>
    %mul3A_2355 = arith.muli %broadcast_in_dim3A_2354, %convert_element_type3A_2351 : vector<64x128xi32>
    %add3A_2356 = arith.addi %add3A_2334, %mul3A_2355 : vector<64x128xi32>
    %get3A_2357 = arith.constant 107 : index
    %get3A_2358 = arith.constant 0 : index
    %get3A_2359 = arith.constant 0 : index
    %get3A_2360 = vector.load %arg0[%get3A_2357, %get3A_2358, %get3A_2359] : memref<256x1x128xf32, #tpu.memory_space<vmem>>, vector<1x1x128xf32>
    %get3A_2361 = vector.shape_cast %get3A_2360 : vector<1x1x128xf32> to vector<1x128xf32>
    %gt3A_2362 = arith.constant 0.000000e+00 : f32
    %gt3A_2363 = vector.broadcast %gt3A_2362 : f32 to vector<1x128xf32>
    %gt3A_2364 = arith.cmpf ogt, %get3A_2361, %gt3A_2363 : vector<1x128xf32>
    %convert_element_type3A_2365 = arith.extui %gt3A_2364 : vector<1x128xi1> to vector<1x128xi32>
    %reduce_sum3A_2366 = arith.constant dense<0> : vector<1xi32>
    %reduce_sum3A_2367 = vector.multi_reduction <add>, %convert_element_type3A_2365, %reduce_sum3A_2366 [1] : vector<1x128xi32> to vector<1xi32>
    %broadcast_in_dim3A_2368 = vector.shape_cast %reduce_sum3A_2367 : vector<1xi32> to vector<1x1xi32>
    %add3A_2369 = arith.addi %add3A_2347, %broadcast_in_dim3A_2368 : vector<1x1xi32>
    %broadcast_in_dim3A_2370 = vector.shape_cast %add3A_2369 : vector<1x1xi32> to vector<1x1xi32>
    %broadcast_in_dim3A_2371 = vector.broadcast %broadcast_in_dim3A_2370 : vector<1x1xi32> to vector<64x128xi32>
    %le3A_2372 = arith.cmpi sle, %broadcast_in_dim3A_2371, %add3A : vector<64x128xi32>
    %convert_element_type3A_2373 = arith.extui %le3A_2372 : vector<64x128xi1> to vector<64x128xi32>
    %add3A_2374 = arith.addi %add3A_2352, %convert_element_type3A_2373 : vector<64x128xi32>
    %broadcast_in_dim3A_2375 = vector.shape_cast %broadcast_in_dim3A_2368 : vector<1x1xi32> to vector<1x1xi32>
    %broadcast_in_dim3A_2376 = vector.broadcast %broadcast_in_dim3A_2375 : vector<1x1xi32> to vector<64x128xi32>
    %mul3A_2377 = arith.muli %broadcast_in_dim3A_2376, %convert_element_type3A_2373 : vector<64x128xi32>
    %add3A_2378 = arith.addi %add3A_2356, %mul3A_2377 : vector<64x128xi32>
    %get3A_2379 = arith.constant 108 : index
    %get3A_2380 = arith.constant 0 : index
    %get3A_2381 = arith.constant 0 : index
    %get3A_2382 = vector.load %arg0[%get3A_2379, %get3A_2380, %get3A_2381] : memref<256x1x128xf32, #tpu.memory_space<vmem>>, vector<1x1x128xf32>
    %get3A_2383 = vector.shape_cast %get3A_2382 : vector<1x1x128xf32> to vector<1x128xf32>
    %gt3A_2384 = arith.constant 0.000000e+00 : f32
    %gt3A_2385 = vector.broadcast %gt3A_2384 : f32 to vector<1x128xf32>
    %gt3A_2386 = arith.cmpf ogt, %get3A_2383, %gt3A_2385 : vector<1x128xf32>
    %convert_element_type3A_2387 = arith.extui %gt3A_2386 : vector<1x128xi1> to vector<1x128xi32>
    %reduce_sum3A_2388 = arith.constant dense<0> : vector<1xi32>
    %reduce_sum3A_2389 = vector.multi_reduction <add>, %convert_element_type3A_2387, %reduce_sum3A_2388 [1] : vector<1x128xi32> to vector<1xi32>
    %broadcast_in_dim3A_2390 = vector.shape_cast %reduce_sum3A_2389 : vector<1xi32> to vector<1x1xi32>
    %add3A_2391 = arith.addi %add3A_2369, %broadcast_in_dim3A_2390 : vector<1x1xi32>
    %broadcast_in_dim3A_2392 = vector.shape_cast %add3A_2391 : vector<1x1xi32> to vector<1x1xi32>
    %broadcast_in_dim3A_2393 = vector.broadcast %broadcast_in_dim3A_2392 : vector<1x1xi32> to vector<64x128xi32>
    %le3A_2394 = arith.cmpi sle, %broadcast_in_dim3A_2393, %add3A : vector<64x128xi32>
    %convert_element_type3A_2395 = arith.extui %le3A_2394 : vector<64x128xi1> to vector<64x128xi32>
    %add3A_2396 = arith.addi %add3A_2374, %convert_element_type3A_2395 : vector<64x128xi32>
    %broadcast_in_dim3A_2397 = vector.shape_cast %broadcast_in_dim3A_2390 : vector<1x1xi32> to vector<1x1xi32>
    %broadcast_in_dim3A_2398 = vector.broadcast %broadcast_in_dim3A_2397 : vector<1x1xi32> to vector<64x128xi32>
    %mul3A_2399 = arith.muli %broadcast_in_dim3A_2398, %convert_element_type3A_2395 : vector<64x128xi32>
    %add3A_2400 = arith.addi %add3A_2378, %mul3A_2399 : vector<64x128xi32>
    %get3A_2401 = arith.constant 109 : index
    %get3A_2402 = arith.constant 0 : index
    %get3A_2403 = arith.constant 0 : index
    %get3A_2404 = vector.load %arg0[%get3A_2401, %get3A_2402, %get3A_2403] : memref<256x1x128xf32, #tpu.memory_space<vmem>>, vector<1x1x128xf32>
    %get3A_2405 = vector.shape_cast %get3A_2404 : vector<1x1x128xf32> to vector<1x128xf32>
    %gt3A_2406 = arith.constant 0.000000e+00 : f32
    %gt3A_2407 = vector.broadcast %gt3A_2406 : f32 to vector<1x128xf32>
    %gt3A_2408 = arith.cmpf ogt, %get3A_2405, %gt3A_2407 : vector<1x128xf32>
    %convert_element_type3A_2409 = arith.extui %gt3A_2408 : vector<1x128xi1> to vector<1x128xi32>
    %reduce_sum3A_2410 = arith.constant dense<0> : vector<1xi32>
    %reduce_sum3A_2411 = vector.multi_reduction <add>, %convert_element_type3A_2409, %reduce_sum3A_2410 [1] : vector<1x128xi32> to vector<1xi32>
    %broadcast_in_dim3A_2412 = vector.shape_cast %reduce_sum3A_2411 : vector<1xi32> to vector<1x1xi32>
    %add3A_2413 = arith.addi %add3A_2391, %broadcast_in_dim3A_2412 : vector<1x1xi32>
    %broadcast_in_dim3A_2414 = vector.shape_cast %add3A_2413 : vector<1x1xi32> to vector<1x1xi32>
    %broadcast_in_dim3A_2415 = vector.broadcast %broadcast_in_dim3A_2414 : vector<1x1xi32> to vector<64x128xi32>
    %le3A_2416 = arith.cmpi sle, %broadcast_in_dim3A_2415, %add3A : vector<64x128xi32>
    %convert_element_type3A_2417 = arith.extui %le3A_2416 : vector<64x128xi1> to vector<64x128xi32>
    %add3A_2418 = arith.addi %add3A_2396, %convert_element_type3A_2417 : vector<64x128xi32>
    %broadcast_in_dim3A_2419 = vector.shape_cast %broadcast_in_dim3A_2412 : vector<1x1xi32> to vector<1x1xi32>
    %broadcast_in_dim3A_2420 = vector.broadcast %broadcast_in_dim3A_2419 : vector<1x1xi32> to vector<64x128xi32>
    %mul3A_2421 = arith.muli %broadcast_in_dim3A_2420, %convert_element_type3A_2417 : vector<64x128xi32>
    %add3A_2422 = arith.addi %add3A_2400, %mul3A_2421 : vector<64x128xi32>
    %get3A_2423 = arith.constant 110 : index
    %get3A_2424 = arith.constant 0 : index
    %get3A_2425 = arith.constant 0 : index
    %get3A_2426 = vector.load %arg0[%get3A_2423, %get3A_2424, %get3A_2425] : memref<256x1x128xf32, #tpu.memory_space<vmem>>, vector<1x1x128xf32>
    %get3A_2427 = vector.shape_cast %get3A_2426 : vector<1x1x128xf32> to vector<1x128xf32>
    %gt3A_2428 = arith.constant 0.000000e+00 : f32
    %gt3A_2429 = vector.broadcast %gt3A_2428 : f32 to vector<1x128xf32>
    %gt3A_2430 = arith.cmpf ogt, %get3A_2427, %gt3A_2429 : vector<1x128xf32>
    %convert_element_type3A_2431 = arith.extui %gt3A_2430 : vector<1x128xi1> to vector<1x128xi32>
    %reduce_sum3A_2432 = arith.constant dense<0> : vector<1xi32>
    %reduce_sum3A_2433 = vector.multi_reduction <add>, %convert_element_type3A_2431, %reduce_sum3A_2432 [1] : vector<1x128xi32> to vector<1xi32>
    %broadcast_in_dim3A_2434 = vector.shape_cast %reduce_sum3A_2433 : vector<1xi32> to vector<1x1xi32>
    %add3A_2435 = arith.addi %add3A_2413, %broadcast_in_dim3A_2434 : vector<1x1xi32>
    %broadcast_in_dim3A_2436 = vector.shape_cast %add3A_2435 : vector<1x1xi32> to vector<1x1xi32>
    %broadcast_in_dim3A_2437 = vector.broadcast %broadcast_in_dim3A_2436 : vector<1x1xi32> to vector<64x128xi32>
    %le3A_2438 = arith.cmpi sle, %broadcast_in_dim3A_2437, %add3A : vector<64x128xi32>
    %convert_element_type3A_2439 = arith.extui %le3A_2438 : vector<64x128xi1> to vector<64x128xi32>
    %add3A_2440 = arith.addi %add3A_2418, %convert_element_type3A_2439 : vector<64x128xi32>
    %broadcast_in_dim3A_2441 = vector.shape_cast %broadcast_in_dim3A_2434 : vector<1x1xi32> to vector<1x1xi32>
    %broadcast_in_dim3A_2442 = vector.broadcast %broadcast_in_dim3A_2441 : vector<1x1xi32> to vector<64x128xi32>
    %mul3A_2443 = arith.muli %broadcast_in_dim3A_2442, %convert_element_type3A_2439 : vector<64x128xi32>
    %add3A_2444 = arith.addi %add3A_2422, %mul3A_2443 : vector<64x128xi32>
    %get3A_2445 = arith.constant 111 : index
    %get3A_2446 = arith.constant 0 : index
    %get3A_2447 = arith.constant 0 : index
    %get3A_2448 = vector.load %arg0[%get3A_2445, %get3A_2446, %get3A_2447] : memref<256x1x128xf32, #tpu.memory_space<vmem>>, vector<1x1x128xf32>
    %get3A_2449 = vector.shape_cast %get3A_2448 : vector<1x1x128xf32> to vector<1x128xf32>
    %gt3A_2450 = arith.constant 0.000000e+00 : f32
    %gt3A_2451 = vector.broadcast %gt3A_2450 : f32 to vector<1x128xf32>
    %gt3A_2452 = arith.cmpf ogt, %get3A_2449, %gt3A_2451 : vector<1x128xf32>
    %convert_element_type3A_2453 = arith.extui %gt3A_2452 : vector<1x128xi1> to vector<1x128xi32>
    %reduce_sum3A_2454 = arith.constant dense<0> : vector<1xi32>
    %reduce_sum3A_2455 = vector.multi_reduction <add>, %convert_element_type3A_2453, %reduce_sum3A_2454 [1] : vector<1x128xi32> to vector<1xi32>
    %broadcast_in_dim3A_2456 = vector.shape_cast %reduce_sum3A_2455 : vector<1xi32> to vector<1x1xi32>
    %add3A_2457 = arith.addi %add3A_2435, %broadcast_in_dim3A_2456 : vector<1x1xi32>
    %broadcast_in_dim3A_2458 = vector.shape_cast %add3A_2457 : vector<1x1xi32> to vector<1x1xi32>
    %broadcast_in_dim3A_2459 = vector.broadcast %broadcast_in_dim3A_2458 : vector<1x1xi32> to vector<64x128xi32>
    %le3A_2460 = arith.cmpi sle, %broadcast_in_dim3A_2459, %add3A : vector<64x128xi32>
    %convert_element_type3A_2461 = arith.extui %le3A_2460 : vector<64x128xi1> to vector<64x128xi32>
    %add3A_2462 = arith.addi %add3A_2440, %convert_element_type3A_2461 : vector<64x128xi32>
    %broadcast_in_dim3A_2463 = vector.shape_cast %broadcast_in_dim3A_2456 : vector<1x1xi32> to vector<1x1xi32>
    %broadcast_in_dim3A_2464 = vector.broadcast %broadcast_in_dim3A_2463 : vector<1x1xi32> to vector<64x128xi32>
    %mul3A_2465 = arith.muli %broadcast_in_dim3A_2464, %convert_element_type3A_2461 : vector<64x128xi32>
    %add3A_2466 = arith.addi %add3A_2444, %mul3A_2465 : vector<64x128xi32>
    %get3A_2467 = arith.constant 112 : index
    %get3A_2468 = arith.constant 0 : index
    %get3A_2469 = arith.constant 0 : index
    %get3A_2470 = vector.load %arg0[%get3A_2467, %get3A_2468, %get3A_2469] : memref<256x1x128xf32, #tpu.memory_space<vmem>>, vector<1x1x128xf32>
    %get3A_2471 = vector.shape_cast %get3A_2470 : vector<1x1x128xf32> to vector<1x128xf32>
    %gt3A_2472 = arith.constant 0.000000e+00 : f32
    %gt3A_2473 = vector.broadcast %gt3A_2472 : f32 to vector<1x128xf32>
    %gt3A_2474 = arith.cmpf ogt, %get3A_2471, %gt3A_2473 : vector<1x128xf32>
    %convert_element_type3A_2475 = arith.extui %gt3A_2474 : vector<1x128xi1> to vector<1x128xi32>
    %reduce_sum3A_2476 = arith.constant dense<0> : vector<1xi32>
    %reduce_sum3A_2477 = vector.multi_reduction <add>, %convert_element_type3A_2475, %reduce_sum3A_2476 [1] : vector<1x128xi32> to vector<1xi32>
    %broadcast_in_dim3A_2478 = vector.shape_cast %reduce_sum3A_2477 : vector<1xi32> to vector<1x1xi32>
    %add3A_2479 = arith.addi %add3A_2457, %broadcast_in_dim3A_2478 : vector<1x1xi32>
    %broadcast_in_dim3A_2480 = vector.shape_cast %add3A_2479 : vector<1x1xi32> to vector<1x1xi32>
    %broadcast_in_dim3A_2481 = vector.broadcast %broadcast_in_dim3A_2480 : vector<1x1xi32> to vector<64x128xi32>
    %le3A_2482 = arith.cmpi sle, %broadcast_in_dim3A_2481, %add3A : vector<64x128xi32>
    %convert_element_type3A_2483 = arith.extui %le3A_2482 : vector<64x128xi1> to vector<64x128xi32>
    %add3A_2484 = arith.addi %add3A_2462, %convert_element_type3A_2483 : vector<64x128xi32>
    %broadcast_in_dim3A_2485 = vector.shape_cast %broadcast_in_dim3A_2478 : vector<1x1xi32> to vector<1x1xi32>
    %broadcast_in_dim3A_2486 = vector.broadcast %broadcast_in_dim3A_2485 : vector<1x1xi32> to vector<64x128xi32>
    %mul3A_2487 = arith.muli %broadcast_in_dim3A_2486, %convert_element_type3A_2483 : vector<64x128xi32>
    %add3A_2488 = arith.addi %add3A_2466, %mul3A_2487 : vector<64x128xi32>
    %get3A_2489 = arith.constant 113 : index
    %get3A_2490 = arith.constant 0 : index
    %get3A_2491 = arith.constant 0 : index
    %get3A_2492 = vector.load %arg0[%get3A_2489, %get3A_2490, %get3A_2491] : memref<256x1x128xf32, #tpu.memory_space<vmem>>, vector<1x1x128xf32>
    %get3A_2493 = vector.shape_cast %get3A_2492 : vector<1x1x128xf32> to vector<1x128xf32>
    %gt3A_2494 = arith.constant 0.000000e+00 : f32
    %gt3A_2495 = vector.broadcast %gt3A_2494 : f32 to vector<1x128xf32>
    %gt3A_2496 = arith.cmpf ogt, %get3A_2493, %gt3A_2495 : vector<1x128xf32>
    %convert_element_type3A_2497 = arith.extui %gt3A_2496 : vector<1x128xi1> to vector<1x128xi32>
    %reduce_sum3A_2498 = arith.constant dense<0> : vector<1xi32>
    %reduce_sum3A_2499 = vector.multi_reduction <add>, %convert_element_type3A_2497, %reduce_sum3A_2498 [1] : vector<1x128xi32> to vector<1xi32>
    %broadcast_in_dim3A_2500 = vector.shape_cast %reduce_sum3A_2499 : vector<1xi32> to vector<1x1xi32>
    %add3A_2501 = arith.addi %add3A_2479, %broadcast_in_dim3A_2500 : vector<1x1xi32>
    %broadcast_in_dim3A_2502 = vector.shape_cast %add3A_2501 : vector<1x1xi32> to vector<1x1xi32>
    %broadcast_in_dim3A_2503 = vector.broadcast %broadcast_in_dim3A_2502 : vector<1x1xi32> to vector<64x128xi32>
    %le3A_2504 = arith.cmpi sle, %broadcast_in_dim3A_2503, %add3A : vector<64x128xi32>
    %convert_element_type3A_2505 = arith.extui %le3A_2504 : vector<64x128xi1> to vector<64x128xi32>
    %add3A_2506 = arith.addi %add3A_2484, %convert_element_type3A_2505 : vector<64x128xi32>
    %broadcast_in_dim3A_2507 = vector.shape_cast %broadcast_in_dim3A_2500 : vector<1x1xi32> to vector<1x1xi32>
    %broadcast_in_dim3A_2508 = vector.broadcast %broadcast_in_dim3A_2507 : vector<1x1xi32> to vector<64x128xi32>
    %mul3A_2509 = arith.muli %broadcast_in_dim3A_2508, %convert_element_type3A_2505 : vector<64x128xi32>
    %add3A_2510 = arith.addi %add3A_2488, %mul3A_2509 : vector<64x128xi32>
    %get3A_2511 = arith.constant 114 : index
    %get3A_2512 = arith.constant 0 : index
    %get3A_2513 = arith.constant 0 : index
    %get3A_2514 = vector.load %arg0[%get3A_2511, %get3A_2512, %get3A_2513] : memref<256x1x128xf32, #tpu.memory_space<vmem>>, vector<1x1x128xf32>
    %get3A_2515 = vector.shape_cast %get3A_2514 : vector<1x1x128xf32> to vector<1x128xf32>
    %gt3A_2516 = arith.constant 0.000000e+00 : f32
    %gt3A_2517 = vector.broadcast %gt3A_2516 : f32 to vector<1x128xf32>
    %gt3A_2518 = arith.cmpf ogt, %get3A_2515, %gt3A_2517 : vector<1x128xf32>
    %convert_element_type3A_2519 = arith.extui %gt3A_2518 : vector<1x128xi1> to vector<1x128xi32>
    %reduce_sum3A_2520 = arith.constant dense<0> : vector<1xi32>
    %reduce_sum3A_2521 = vector.multi_reduction <add>, %convert_element_type3A_2519, %reduce_sum3A_2520 [1] : vector<1x128xi32> to vector<1xi32>
    %broadcast_in_dim3A_2522 = vector.shape_cast %reduce_sum3A_2521 : vector<1xi32> to vector<1x1xi32>
    %add3A_2523 = arith.addi %add3A_2501, %broadcast_in_dim3A_2522 : vector<1x1xi32>
    %broadcast_in_dim3A_2524 = vector.shape_cast %add3A_2523 : vector<1x1xi32> to vector<1x1xi32>
    %broadcast_in_dim3A_2525 = vector.broadcast %broadcast_in_dim3A_2524 : vector<1x1xi32> to vector<64x128xi32>
    %le3A_2526 = arith.cmpi sle, %broadcast_in_dim3A_2525, %add3A : vector<64x128xi32>
    %convert_element_type3A_2527 = arith.extui %le3A_2526 : vector<64x128xi1> to vector<64x128xi32>
    %add3A_2528 = arith.addi %add3A_2506, %convert_element_type3A_2527 : vector<64x128xi32>
    %broadcast_in_dim3A_2529 = vector.shape_cast %broadcast_in_dim3A_2522 : vector<1x1xi32> to vector<1x1xi32>
    %broadcast_in_dim3A_2530 = vector.broadcast %broadcast_in_dim3A_2529 : vector<1x1xi32> to vector<64x128xi32>
    %mul3A_2531 = arith.muli %broadcast_in_dim3A_2530, %convert_element_type3A_2527 : vector<64x128xi32>
    %add3A_2532 = arith.addi %add3A_2510, %mul3A_2531 : vector<64x128xi32>
    %get3A_2533 = arith.constant 115 : index
    %get3A_2534 = arith.constant 0 : index
    %get3A_2535 = arith.constant 0 : index
    %get3A_2536 = vector.load %arg0[%get3A_2533, %get3A_2534, %get3A_2535] : memref<256x1x128xf32, #tpu.memory_space<vmem>>, vector<1x1x128xf32>
    %get3A_2537 = vector.shape_cast %get3A_2536 : vector<1x1x128xf32> to vector<1x128xf32>
    %gt3A_2538 = arith.constant 0.000000e+00 : f32
    %gt3A_2539 = vector.broadcast %gt3A_2538 : f32 to vector<1x128xf32>
    %gt3A_2540 = arith.cmpf ogt, %get3A_2537, %gt3A_2539 : vector<1x128xf32>
    %convert_element_type3A_2541 = arith.extui %gt3A_2540 : vector<1x128xi1> to vector<1x128xi32>
    %reduce_sum3A_2542 = arith.constant dense<0> : vector<1xi32>
    %reduce_sum3A_2543 = vector.multi_reduction <add>, %convert_element_type3A_2541, %reduce_sum3A_2542 [1] : vector<1x128xi32> to vector<1xi32>
    %broadcast_in_dim3A_2544 = vector.shape_cast %reduce_sum3A_2543 : vector<1xi32> to vector<1x1xi32>
    %add3A_2545 = arith.addi %add3A_2523, %broadcast_in_dim3A_2544 : vector<1x1xi32>
    %broadcast_in_dim3A_2546 = vector.shape_cast %add3A_2545 : vector<1x1xi32> to vector<1x1xi32>
    %broadcast_in_dim3A_2547 = vector.broadcast %broadcast_in_dim3A_2546 : vector<1x1xi32> to vector<64x128xi32>
    %le3A_2548 = arith.cmpi sle, %broadcast_in_dim3A_2547, %add3A : vector<64x128xi32>
    %convert_element_type3A_2549 = arith.extui %le3A_2548 : vector<64x128xi1> to vector<64x128xi32>
    %add3A_2550 = arith.addi %add3A_2528, %convert_element_type3A_2549 : vector<64x128xi32>
    %broadcast_in_dim3A_2551 = vector.shape_cast %broadcast_in_dim3A_2544 : vector<1x1xi32> to vector<1x1xi32>
    %broadcast_in_dim3A_2552 = vector.broadcast %broadcast_in_dim3A_2551 : vector<1x1xi32> to vector<64x128xi32>
    %mul3A_2553 = arith.muli %broadcast_in_dim3A_2552, %convert_element_type3A_2549 : vector<64x128xi32>
    %add3A_2554 = arith.addi %add3A_2532, %mul3A_2553 : vector<64x128xi32>
    %get3A_2555 = arith.constant 116 : index
    %get3A_2556 = arith.constant 0 : index
    %get3A_2557 = arith.constant 0 : index
    %get3A_2558 = vector.load %arg0[%get3A_2555, %get3A_2556, %get3A_2557] : memref<256x1x128xf32, #tpu.memory_space<vmem>>, vector<1x1x128xf32>
    %get3A_2559 = vector.shape_cast %get3A_2558 : vector<1x1x128xf32> to vector<1x128xf32>
    %gt3A_2560 = arith.constant 0.000000e+00 : f32
    %gt3A_2561 = vector.broadcast %gt3A_2560 : f32 to vector<1x128xf32>
    %gt3A_2562 = arith.cmpf ogt, %get3A_2559, %gt3A_2561 : vector<1x128xf32>
    %convert_element_type3A_2563 = arith.extui %gt3A_2562 : vector<1x128xi1> to vector<1x128xi32>
    %reduce_sum3A_2564 = arith.constant dense<0> : vector<1xi32>
    %reduce_sum3A_2565 = vector.multi_reduction <add>, %convert_element_type3A_2563, %reduce_sum3A_2564 [1] : vector<1x128xi32> to vector<1xi32>
    %broadcast_in_dim3A_2566 = vector.shape_cast %reduce_sum3A_2565 : vector<1xi32> to vector<1x1xi32>
    %add3A_2567 = arith.addi %add3A_2545, %broadcast_in_dim3A_2566 : vector<1x1xi32>
    %broadcast_in_dim3A_2568 = vector.shape_cast %add3A_2567 : vector<1x1xi32> to vector<1x1xi32>
    %broadcast_in_dim3A_2569 = vector.broadcast %broadcast_in_dim3A_2568 : vector<1x1xi32> to vector<64x128xi32>
    %le3A_2570 = arith.cmpi sle, %broadcast_in_dim3A_2569, %add3A : vector<64x128xi32>
    %convert_element_type3A_2571 = arith.extui %le3A_2570 : vector<64x128xi1> to vector<64x128xi32>
    %add3A_2572 = arith.addi %add3A_2550, %convert_element_type3A_2571 : vector<64x128xi32>
    %broadcast_in_dim3A_2573 = vector.shape_cast %broadcast_in_dim3A_2566 : vector<1x1xi32> to vector<1x1xi32>
    %broadcast_in_dim3A_2574 = vector.broadcast %broadcast_in_dim3A_2573 : vector<1x1xi32> to vector<64x128xi32>
    %mul3A_2575 = arith.muli %broadcast_in_dim3A_2574, %convert_element_type3A_2571 : vector<64x128xi32>
    %add3A_2576 = arith.addi %add3A_2554, %mul3A_2575 : vector<64x128xi32>
    %get3A_2577 = arith.constant 117 : index
    %get3A_2578 = arith.constant 0 : index
    %get3A_2579 = arith.constant 0 : index
    %get3A_2580 = vector.load %arg0[%get3A_2577, %get3A_2578, %get3A_2579] : memref<256x1x128xf32, #tpu.memory_space<vmem>>, vector<1x1x128xf32>
    %get3A_2581 = vector.shape_cast %get3A_2580 : vector<1x1x128xf32> to vector<1x128xf32>
    %gt3A_2582 = arith.constant 0.000000e+00 : f32
    %gt3A_2583 = vector.broadcast %gt3A_2582 : f32 to vector<1x128xf32>
    %gt3A_2584 = arith.cmpf ogt, %get3A_2581, %gt3A_2583 : vector<1x128xf32>
    %convert_element_type3A_2585 = arith.extui %gt3A_2584 : vector<1x128xi1> to vector<1x128xi32>
    %reduce_sum3A_2586 = arith.constant dense<0> : vector<1xi32>
    %reduce_sum3A_2587 = vector.multi_reduction <add>, %convert_element_type3A_2585, %reduce_sum3A_2586 [1] : vector<1x128xi32> to vector<1xi32>
    %broadcast_in_dim3A_2588 = vector.shape_cast %reduce_sum3A_2587 : vector<1xi32> to vector<1x1xi32>
    %add3A_2589 = arith.addi %add3A_2567, %broadcast_in_dim3A_2588 : vector<1x1xi32>
    %broadcast_in_dim3A_2590 = vector.shape_cast %add3A_2589 : vector<1x1xi32> to vector<1x1xi32>
    %broadcast_in_dim3A_2591 = vector.broadcast %broadcast_in_dim3A_2590 : vector<1x1xi32> to vector<64x128xi32>
    %le3A_2592 = arith.cmpi sle, %broadcast_in_dim3A_2591, %add3A : vector<64x128xi32>
    %convert_element_type3A_2593 = arith.extui %le3A_2592 : vector<64x128xi1> to vector<64x128xi32>
    %add3A_2594 = arith.addi %add3A_2572, %convert_element_type3A_2593 : vector<64x128xi32>
    %broadcast_in_dim3A_2595 = vector.shape_cast %broadcast_in_dim3A_2588 : vector<1x1xi32> to vector<1x1xi32>
    %broadcast_in_dim3A_2596 = vector.broadcast %broadcast_in_dim3A_2595 : vector<1x1xi32> to vector<64x128xi32>
    %mul3A_2597 = arith.muli %broadcast_in_dim3A_2596, %convert_element_type3A_2593 : vector<64x128xi32>
    %add3A_2598 = arith.addi %add3A_2576, %mul3A_2597 : vector<64x128xi32>
    %get3A_2599 = arith.constant 118 : index
    %get3A_2600 = arith.constant 0 : index
    %get3A_2601 = arith.constant 0 : index
    %get3A_2602 = vector.load %arg0[%get3A_2599, %get3A_2600, %get3A_2601] : memref<256x1x128xf32, #tpu.memory_space<vmem>>, vector<1x1x128xf32>
    %get3A_2603 = vector.shape_cast %get3A_2602 : vector<1x1x128xf32> to vector<1x128xf32>
    %gt3A_2604 = arith.constant 0.000000e+00 : f32
    %gt3A_2605 = vector.broadcast %gt3A_2604 : f32 to vector<1x128xf32>
    %gt3A_2606 = arith.cmpf ogt, %get3A_2603, %gt3A_2605 : vector<1x128xf32>
    %convert_element_type3A_2607 = arith.extui %gt3A_2606 : vector<1x128xi1> to vector<1x128xi32>
    %reduce_sum3A_2608 = arith.constant dense<0> : vector<1xi32>
    %reduce_sum3A_2609 = vector.multi_reduction <add>, %convert_element_type3A_2607, %reduce_sum3A_2608 [1] : vector<1x128xi32> to vector<1xi32>
    %broadcast_in_dim3A_2610 = vector.shape_cast %reduce_sum3A_2609 : vector<1xi32> to vector<1x1xi32>
    %add3A_2611 = arith.addi %add3A_2589, %broadcast_in_dim3A_2610 : vector<1x1xi32>
    %broadcast_in_dim3A_2612 = vector.shape_cast %add3A_2611 : vector<1x1xi32> to vector<1x1xi32>
    %broadcast_in_dim3A_2613 = vector.broadcast %broadcast_in_dim3A_2612 : vector<1x1xi32> to vector<64x128xi32>
    %le3A_2614 = arith.cmpi sle, %broadcast_in_dim3A_2613, %add3A : vector<64x128xi32>
    %convert_element_type3A_2615 = arith.extui %le3A_2614 : vector<64x128xi1> to vector<64x128xi32>
    %add3A_2616 = arith.addi %add3A_2594, %convert_element_type3A_2615 : vector<64x128xi32>
    %broadcast_in_dim3A_2617 = vector.shape_cast %broadcast_in_dim3A_2610 : vector<1x1xi32> to vector<1x1xi32>
    %broadcast_in_dim3A_2618 = vector.broadcast %broadcast_in_dim3A_2617 : vector<1x1xi32> to vector<64x128xi32>
    %mul3A_2619 = arith.muli %broadcast_in_dim3A_2618, %convert_element_type3A_2615 : vector<64x128xi32>
    %add3A_2620 = arith.addi %add3A_2598, %mul3A_2619 : vector<64x128xi32>
    %get3A_2621 = arith.constant 119 : index
    %get3A_2622 = arith.constant 0 : index
    %get3A_2623 = arith.constant 0 : index
    %get3A_2624 = vector.load %arg0[%get3A_2621, %get3A_2622, %get3A_2623] : memref<256x1x128xf32, #tpu.memory_space<vmem>>, vector<1x1x128xf32>
    %get3A_2625 = vector.shape_cast %get3A_2624 : vector<1x1x128xf32> to vector<1x128xf32>
    %gt3A_2626 = arith.constant 0.000000e+00 : f32
    %gt3A_2627 = vector.broadcast %gt3A_2626 : f32 to vector<1x128xf32>
    %gt3A_2628 = arith.cmpf ogt, %get3A_2625, %gt3A_2627 : vector<1x128xf32>
    %convert_element_type3A_2629 = arith.extui %gt3A_2628 : vector<1x128xi1> to vector<1x128xi32>
    %reduce_sum3A_2630 = arith.constant dense<0> : vector<1xi32>
    %reduce_sum3A_2631 = vector.multi_reduction <add>, %convert_element_type3A_2629, %reduce_sum3A_2630 [1] : vector<1x128xi32> to vector<1xi32>
    %broadcast_in_dim3A_2632 = vector.shape_cast %reduce_sum3A_2631 : vector<1xi32> to vector<1x1xi32>
    %add3A_2633 = arith.addi %add3A_2611, %broadcast_in_dim3A_2632 : vector<1x1xi32>
    %broadcast_in_dim3A_2634 = vector.shape_cast %add3A_2633 : vector<1x1xi32> to vector<1x1xi32>
    %broadcast_in_dim3A_2635 = vector.broadcast %broadcast_in_dim3A_2634 : vector<1x1xi32> to vector<64x128xi32>
    %le3A_2636 = arith.cmpi sle, %broadcast_in_dim3A_2635, %add3A : vector<64x128xi32>
    %convert_element_type3A_2637 = arith.extui %le3A_2636 : vector<64x128xi1> to vector<64x128xi32>
    %add3A_2638 = arith.addi %add3A_2616, %convert_element_type3A_2637 : vector<64x128xi32>
    %broadcast_in_dim3A_2639 = vector.shape_cast %broadcast_in_dim3A_2632 : vector<1x1xi32> to vector<1x1xi32>
    %broadcast_in_dim3A_2640 = vector.broadcast %broadcast_in_dim3A_2639 : vector<1x1xi32> to vector<64x128xi32>
    %mul3A_2641 = arith.muli %broadcast_in_dim3A_2640, %convert_element_type3A_2637 : vector<64x128xi32>
    %add3A_2642 = arith.addi %add3A_2620, %mul3A_2641 : vector<64x128xi32>
    %get3A_2643 = arith.constant 120 : index
    %get3A_2644 = arith.constant 0 : index
    %get3A_2645 = arith.constant 0 : index
    %get3A_2646 = vector.load %arg0[%get3A_2643, %get3A_2644, %get3A_2645] : memref<256x1x128xf32, #tpu.memory_space<vmem>>, vector<1x1x128xf32>
    %get3A_2647 = vector.shape_cast %get3A_2646 : vector<1x1x128xf32> to vector<1x128xf32>
    %gt3A_2648 = arith.constant 0.000000e+00 : f32
    %gt3A_2649 = vector.broadcast %gt3A_2648 : f32 to vector<1x128xf32>
    %gt3A_2650 = arith.cmpf ogt, %get3A_2647, %gt3A_2649 : vector<1x128xf32>
    %convert_element_type3A_2651 = arith.extui %gt3A_2650 : vector<1x128xi1> to vector<1x128xi32>
    %reduce_sum3A_2652 = arith.constant dense<0> : vector<1xi32>
    %reduce_sum3A_2653 = vector.multi_reduction <add>, %convert_element_type3A_2651, %reduce_sum3A_2652 [1] : vector<1x128xi32> to vector<1xi32>
    %broadcast_in_dim3A_2654 = vector.shape_cast %reduce_sum3A_2653 : vector<1xi32> to vector<1x1xi32>
    %add3A_2655 = arith.addi %add3A_2633, %broadcast_in_dim3A_2654 : vector<1x1xi32>
    %broadcast_in_dim3A_2656 = vector.shape_cast %add3A_2655 : vector<1x1xi32> to vector<1x1xi32>
    %broadcast_in_dim3A_2657 = vector.broadcast %broadcast_in_dim3A_2656 : vector<1x1xi32> to vector<64x128xi32>
    %le3A_2658 = arith.cmpi sle, %broadcast_in_dim3A_2657, %add3A : vector<64x128xi32>
    %convert_element_type3A_2659 = arith.extui %le3A_2658 : vector<64x128xi1> to vector<64x128xi32>
    %add3A_2660 = arith.addi %add3A_2638, %convert_element_type3A_2659 : vector<64x128xi32>
    %broadcast_in_dim3A_2661 = vector.shape_cast %broadcast_in_dim3A_2654 : vector<1x1xi32> to vector<1x1xi32>
    %broadcast_in_dim3A_2662 = vector.broadcast %broadcast_in_dim3A_2661 : vector<1x1xi32> to vector<64x128xi32>
    %mul3A_2663 = arith.muli %broadcast_in_dim3A_2662, %convert_element_type3A_2659 : vector<64x128xi32>
    %add3A_2664 = arith.addi %add3A_2642, %mul3A_2663 : vector<64x128xi32>
    %get3A_2665 = arith.constant 121 : index
    %get3A_2666 = arith.constant 0 : index
    %get3A_2667 = arith.constant 0 : index
    %get3A_2668 = vector.load %arg0[%get3A_2665, %get3A_2666, %get3A_2667] : memref<256x1x128xf32, #tpu.memory_space<vmem>>, vector<1x1x128xf32>
    %get3A_2669 = vector.shape_cast %get3A_2668 : vector<1x1x128xf32> to vector<1x128xf32>
    %gt3A_2670 = arith.constant 0.000000e+00 : f32
    %gt3A_2671 = vector.broadcast %gt3A_2670 : f32 to vector<1x128xf32>
    %gt3A_2672 = arith.cmpf ogt, %get3A_2669, %gt3A_2671 : vector<1x128xf32>
    %convert_element_type3A_2673 = arith.extui %gt3A_2672 : vector<1x128xi1> to vector<1x128xi32>
    %reduce_sum3A_2674 = arith.constant dense<0> : vector<1xi32>
    %reduce_sum3A_2675 = vector.multi_reduction <add>, %convert_element_type3A_2673, %reduce_sum3A_2674 [1] : vector<1x128xi32> to vector<1xi32>
    %broadcast_in_dim3A_2676 = vector.shape_cast %reduce_sum3A_2675 : vector<1xi32> to vector<1x1xi32>
    %add3A_2677 = arith.addi %add3A_2655, %broadcast_in_dim3A_2676 : vector<1x1xi32>
    %broadcast_in_dim3A_2678 = vector.shape_cast %add3A_2677 : vector<1x1xi32> to vector<1x1xi32>
    %broadcast_in_dim3A_2679 = vector.broadcast %broadcast_in_dim3A_2678 : vector<1x1xi32> to vector<64x128xi32>
    %le3A_2680 = arith.cmpi sle, %broadcast_in_dim3A_2679, %add3A : vector<64x128xi32>
    %convert_element_type3A_2681 = arith.extui %le3A_2680 : vector<64x128xi1> to vector<64x128xi32>
    %add3A_2682 = arith.addi %add3A_2660, %convert_element_type3A_2681 : vector<64x128xi32>
    %broadcast_in_dim3A_2683 = vector.shape_cast %broadcast_in_dim3A_2676 : vector<1x1xi32> to vector<1x1xi32>
    %broadcast_in_dim3A_2684 = vector.broadcast %broadcast_in_dim3A_2683 : vector<1x1xi32> to vector<64x128xi32>
    %mul3A_2685 = arith.muli %broadcast_in_dim3A_2684, %convert_element_type3A_2681 : vector<64x128xi32>
    %add3A_2686 = arith.addi %add3A_2664, %mul3A_2685 : vector<64x128xi32>
    %get3A_2687 = arith.constant 122 : index
    %get3A_2688 = arith.constant 0 : index
    %get3A_2689 = arith.constant 0 : index
    %get3A_2690 = vector.load %arg0[%get3A_2687, %get3A_2688, %get3A_2689] : memref<256x1x128xf32, #tpu.memory_space<vmem>>, vector<1x1x128xf32>
    %get3A_2691 = vector.shape_cast %get3A_2690 : vector<1x1x128xf32> to vector<1x128xf32>
    %gt3A_2692 = arith.constant 0.000000e+00 : f32
    %gt3A_2693 = vector.broadcast %gt3A_2692 : f32 to vector<1x128xf32>
    %gt3A_2694 = arith.cmpf ogt, %get3A_2691, %gt3A_2693 : vector<1x128xf32>
    %convert_element_type3A_2695 = arith.extui %gt3A_2694 : vector<1x128xi1> to vector<1x128xi32>
    %reduce_sum3A_2696 = arith.constant dense<0> : vector<1xi32>
    %reduce_sum3A_2697 = vector.multi_reduction <add>, %convert_element_type3A_2695, %reduce_sum3A_2696 [1] : vector<1x128xi32> to vector<1xi32>
    %broadcast_in_dim3A_2698 = vector.shape_cast %reduce_sum3A_2697 : vector<1xi32> to vector<1x1xi32>
    %add3A_2699 = arith.addi %add3A_2677, %broadcast_in_dim3A_2698 : vector<1x1xi32>
    %broadcast_in_dim3A_2700 = vector.shape_cast %add3A_2699 : vector<1x1xi32> to vector<1x1xi32>
    %broadcast_in_dim3A_2701 = vector.broadcast %broadcast_in_dim3A_2700 : vector<1x1xi32> to vector<64x128xi32>
    %le3A_2702 = arith.cmpi sle, %broadcast_in_dim3A_2701, %add3A : vector<64x128xi32>
    %convert_element_type3A_2703 = arith.extui %le3A_2702 : vector<64x128xi1> to vector<64x128xi32>
    %add3A_2704 = arith.addi %add3A_2682, %convert_element_type3A_2703 : vector<64x128xi32>
    %broadcast_in_dim3A_2705 = vector.shape_cast %broadcast_in_dim3A_2698 : vector<1x1xi32> to vector<1x1xi32>
    %broadcast_in_dim3A_2706 = vector.broadcast %broadcast_in_dim3A_2705 : vector<1x1xi32> to vector<64x128xi32>
    %mul3A_2707 = arith.muli %broadcast_in_dim3A_2706, %convert_element_type3A_2703 : vector<64x128xi32>
    %add3A_2708 = arith.addi %add3A_2686, %mul3A_2707 : vector<64x128xi32>
    %get3A_2709 = arith.constant 123 : index
    %get3A_2710 = arith.constant 0 : index
    %get3A_2711 = arith.constant 0 : index
    %get3A_2712 = vector.load %arg0[%get3A_2709, %get3A_2710, %get3A_2711] : memref<256x1x128xf32, #tpu.memory_space<vmem>>, vector<1x1x128xf32>
    %get3A_2713 = vector.shape_cast %get3A_2712 : vector<1x1x128xf32> to vector<1x128xf32>
    %gt3A_2714 = arith.constant 0.000000e+00 : f32
    %gt3A_2715 = vector.broadcast %gt3A_2714 : f32 to vector<1x128xf32>
    %gt3A_2716 = arith.cmpf ogt, %get3A_2713, %gt3A_2715 : vector<1x128xf32>
    %convert_element_type3A_2717 = arith.extui %gt3A_2716 : vector<1x128xi1> to vector<1x128xi32>
    %reduce_sum3A_2718 = arith.constant dense<0> : vector<1xi32>
    %reduce_sum3A_2719 = vector.multi_reduction <add>, %convert_element_type3A_2717, %reduce_sum3A_2718 [1] : vector<1x128xi32> to vector<1xi32>
    %broadcast_in_dim3A_2720 = vector.shape_cast %reduce_sum3A_2719 : vector<1xi32> to vector<1x1xi32>
    %add3A_2721 = arith.addi %add3A_2699, %broadcast_in_dim3A_2720 : vector<1x1xi32>
    %broadcast_in_dim3A_2722 = vector.shape_cast %add3A_2721 : vector<1x1xi32> to vector<1x1xi32>
    %broadcast_in_dim3A_2723 = vector.broadcast %broadcast_in_dim3A_2722 : vector<1x1xi32> to vector<64x128xi32>
    %le3A_2724 = arith.cmpi sle, %broadcast_in_dim3A_2723, %add3A : vector<64x128xi32>
    %convert_element_type3A_2725 = arith.extui %le3A_2724 : vector<64x128xi1> to vector<64x128xi32>
    %add3A_2726 = arith.addi %add3A_2704, %convert_element_type3A_2725 : vector<64x128xi32>
    %broadcast_in_dim3A_2727 = vector.shape_cast %broadcast_in_dim3A_2720 : vector<1x1xi32> to vector<1x1xi32>
    %broadcast_in_dim3A_2728 = vector.broadcast %broadcast_in_dim3A_2727 : vector<1x1xi32> to vector<64x128xi32>
    %mul3A_2729 = arith.muli %broadcast_in_dim3A_2728, %convert_element_type3A_2725 : vector<64x128xi32>
    %add3A_2730 = arith.addi %add3A_2708, %mul3A_2729 : vector<64x128xi32>
    %get3A_2731 = arith.constant 124 : index
    %get3A_2732 = arith.constant 0 : index
    %get3A_2733 = arith.constant 0 : index
    %get3A_2734 = vector.load %arg0[%get3A_2731, %get3A_2732, %get3A_2733] : memref<256x1x128xf32, #tpu.memory_space<vmem>>, vector<1x1x128xf32>
    %get3A_2735 = vector.shape_cast %get3A_2734 : vector<1x1x128xf32> to vector<1x128xf32>
    %gt3A_2736 = arith.constant 0.000000e+00 : f32
    %gt3A_2737 = vector.broadcast %gt3A_2736 : f32 to vector<1x128xf32>
    %gt3A_2738 = arith.cmpf ogt, %get3A_2735, %gt3A_2737 : vector<1x128xf32>
    %convert_element_type3A_2739 = arith.extui %gt3A_2738 : vector<1x128xi1> to vector<1x128xi32>
    %reduce_sum3A_2740 = arith.constant dense<0> : vector<1xi32>
    %reduce_sum3A_2741 = vector.multi_reduction <add>, %convert_element_type3A_2739, %reduce_sum3A_2740 [1] : vector<1x128xi32> to vector<1xi32>
    %broadcast_in_dim3A_2742 = vector.shape_cast %reduce_sum3A_2741 : vector<1xi32> to vector<1x1xi32>
    %add3A_2743 = arith.addi %add3A_2721, %broadcast_in_dim3A_2742 : vector<1x1xi32>
    %broadcast_in_dim3A_2744 = vector.shape_cast %add3A_2743 : vector<1x1xi32> to vector<1x1xi32>
    %broadcast_in_dim3A_2745 = vector.broadcast %broadcast_in_dim3A_2744 : vector<1x1xi32> to vector<64x128xi32>
    %le3A_2746 = arith.cmpi sle, %broadcast_in_dim3A_2745, %add3A : vector<64x128xi32>
    %convert_element_type3A_2747 = arith.extui %le3A_2746 : vector<64x128xi1> to vector<64x128xi32>
    %add3A_2748 = arith.addi %add3A_2726, %convert_element_type3A_2747 : vector<64x128xi32>
    %broadcast_in_dim3A_2749 = vector.shape_cast %broadcast_in_dim3A_2742 : vector<1x1xi32> to vector<1x1xi32>
    %broadcast_in_dim3A_2750 = vector.broadcast %broadcast_in_dim3A_2749 : vector<1x1xi32> to vector<64x128xi32>
    %mul3A_2751 = arith.muli %broadcast_in_dim3A_2750, %convert_element_type3A_2747 : vector<64x128xi32>
    %add3A_2752 = arith.addi %add3A_2730, %mul3A_2751 : vector<64x128xi32>
    %get3A_2753 = arith.constant 125 : index
    %get3A_2754 = arith.constant 0 : index
    %get3A_2755 = arith.constant 0 : index
    %get3A_2756 = vector.load %arg0[%get3A_2753, %get3A_2754, %get3A_2755] : memref<256x1x128xf32, #tpu.memory_space<vmem>>, vector<1x1x128xf32>
    %get3A_2757 = vector.shape_cast %get3A_2756 : vector<1x1x128xf32> to vector<1x128xf32>
    %gt3A_2758 = arith.constant 0.000000e+00 : f32
    %gt3A_2759 = vector.broadcast %gt3A_2758 : f32 to vector<1x128xf32>
    %gt3A_2760 = arith.cmpf ogt, %get3A_2757, %gt3A_2759 : vector<1x128xf32>
    %convert_element_type3A_2761 = arith.extui %gt3A_2760 : vector<1x128xi1> to vector<1x128xi32>
    %reduce_sum3A_2762 = arith.constant dense<0> : vector<1xi32>
    %reduce_sum3A_2763 = vector.multi_reduction <add>, %convert_element_type3A_2761, %reduce_sum3A_2762 [1] : vector<1x128xi32> to vector<1xi32>
    %broadcast_in_dim3A_2764 = vector.shape_cast %reduce_sum3A_2763 : vector<1xi32> to vector<1x1xi32>
    %add3A_2765 = arith.addi %add3A_2743, %broadcast_in_dim3A_2764 : vector<1x1xi32>
    %broadcast_in_dim3A_2766 = vector.shape_cast %add3A_2765 : vector<1x1xi32> to vector<1x1xi32>
    %broadcast_in_dim3A_2767 = vector.broadcast %broadcast_in_dim3A_2766 : vector<1x1xi32> to vector<64x128xi32>
    %le3A_2768 = arith.cmpi sle, %broadcast_in_dim3A_2767, %add3A : vector<64x128xi32>
    %convert_element_type3A_2769 = arith.extui %le3A_2768 : vector<64x128xi1> to vector<64x128xi32>
    %add3A_2770 = arith.addi %add3A_2748, %convert_element_type3A_2769 : vector<64x128xi32>
    %broadcast_in_dim3A_2771 = vector.shape_cast %broadcast_in_dim3A_2764 : vector<1x1xi32> to vector<1x1xi32>
    %broadcast_in_dim3A_2772 = vector.broadcast %broadcast_in_dim3A_2771 : vector<1x1xi32> to vector<64x128xi32>
    %mul3A_2773 = arith.muli %broadcast_in_dim3A_2772, %convert_element_type3A_2769 : vector<64x128xi32>
    %add3A_2774 = arith.addi %add3A_2752, %mul3A_2773 : vector<64x128xi32>
    %get3A_2775 = arith.constant 126 : index
    %get3A_2776 = arith.constant 0 : index
    %get3A_2777 = arith.constant 0 : index
    %get3A_2778 = vector.load %arg0[%get3A_2775, %get3A_2776, %get3A_2777] : memref<256x1x128xf32, #tpu.memory_space<vmem>>, vector<1x1x128xf32>
    %get3A_2779 = vector.shape_cast %get3A_2778 : vector<1x1x128xf32> to vector<1x128xf32>
    %gt3A_2780 = arith.constant 0.000000e+00 : f32
    %gt3A_2781 = vector.broadcast %gt3A_2780 : f32 to vector<1x128xf32>
    %gt3A_2782 = arith.cmpf ogt, %get3A_2779, %gt3A_2781 : vector<1x128xf32>
    %convert_element_type3A_2783 = arith.extui %gt3A_2782 : vector<1x128xi1> to vector<1x128xi32>
    %reduce_sum3A_2784 = arith.constant dense<0> : vector<1xi32>
    %reduce_sum3A_2785 = vector.multi_reduction <add>, %convert_element_type3A_2783, %reduce_sum3A_2784 [1] : vector<1x128xi32> to vector<1xi32>
    %broadcast_in_dim3A_2786 = vector.shape_cast %reduce_sum3A_2785 : vector<1xi32> to vector<1x1xi32>
    %add3A_2787 = arith.addi %add3A_2765, %broadcast_in_dim3A_2786 : vector<1x1xi32>
    %broadcast_in_dim3A_2788 = vector.shape_cast %add3A_2787 : vector<1x1xi32> to vector<1x1xi32>
    %broadcast_in_dim3A_2789 = vector.broadcast %broadcast_in_dim3A_2788 : vector<1x1xi32> to vector<64x128xi32>
    %le3A_2790 = arith.cmpi sle, %broadcast_in_dim3A_2789, %add3A : vector<64x128xi32>
    %convert_element_type3A_2791 = arith.extui %le3A_2790 : vector<64x128xi1> to vector<64x128xi32>
    %add3A_2792 = arith.addi %add3A_2770, %convert_element_type3A_2791 : vector<64x128xi32>
    %broadcast_in_dim3A_2793 = vector.shape_cast %broadcast_in_dim3A_2786 : vector<1x1xi32> to vector<1x1xi32>
    %broadcast_in_dim3A_2794 = vector.broadcast %broadcast_in_dim3A_2793 : vector<1x1xi32> to vector<64x128xi32>
    %mul3A_2795 = arith.muli %broadcast_in_dim3A_2794, %convert_element_type3A_2791 : vector<64x128xi32>
    %add3A_2796 = arith.addi %add3A_2774, %mul3A_2795 : vector<64x128xi32>
    %get3A_2797 = arith.constant 127 : index
    %get3A_2798 = arith.constant 0 : index
    %get3A_2799 = arith.constant 0 : index
    %get3A_2800 = vector.load %arg0[%get3A_2797, %get3A_2798, %get3A_2799] : memref<256x1x128xf32, #tpu.memory_space<vmem>>, vector<1x1x128xf32>
    %get3A_2801 = vector.shape_cast %get3A_2800 : vector<1x1x128xf32> to vector<1x128xf32>
    %gt3A_2802 = arith.constant 0.000000e+00 : f32
    %gt3A_2803 = vector.broadcast %gt3A_2802 : f32 to vector<1x128xf32>
    %gt3A_2804 = arith.cmpf ogt, %get3A_2801, %gt3A_2803 : vector<1x128xf32>
    %convert_element_type3A_2805 = arith.extui %gt3A_2804 : vector<1x128xi1> to vector<1x128xi32>
    %reduce_sum3A_2806 = arith.constant dense<0> : vector<1xi32>
    %reduce_sum3A_2807 = vector.multi_reduction <add>, %convert_element_type3A_2805, %reduce_sum3A_2806 [1] : vector<1x128xi32> to vector<1xi32>
    %broadcast_in_dim3A_2808 = vector.shape_cast %reduce_sum3A_2807 : vector<1xi32> to vector<1x1xi32>
    %add3A_2809 = arith.addi %add3A_2787, %broadcast_in_dim3A_2808 : vector<1x1xi32>
    %broadcast_in_dim3A_2810 = vector.shape_cast %add3A_2809 : vector<1x1xi32> to vector<1x1xi32>
    %broadcast_in_dim3A_2811 = vector.broadcast %broadcast_in_dim3A_2810 : vector<1x1xi32> to vector<64x128xi32>
    %le3A_2812 = arith.cmpi sle, %broadcast_in_dim3A_2811, %add3A : vector<64x128xi32>
    %convert_element_type3A_2813 = arith.extui %le3A_2812 : vector<64x128xi1> to vector<64x128xi32>
    %add3A_2814 = arith.addi %add3A_2792, %convert_element_type3A_2813 : vector<64x128xi32>
    %broadcast_in_dim3A_2815 = vector.shape_cast %broadcast_in_dim3A_2808 : vector<1x1xi32> to vector<1x1xi32>
    %broadcast_in_dim3A_2816 = vector.broadcast %broadcast_in_dim3A_2815 : vector<1x1xi32> to vector<64x128xi32>
    %mul3A_2817 = arith.muli %broadcast_in_dim3A_2816, %convert_element_type3A_2813 : vector<64x128xi32>
    %add3A_2818 = arith.addi %add3A_2796, %mul3A_2817 : vector<64x128xi32>
    %get3A_2819 = arith.constant 128 : index
    %get3A_2820 = arith.constant 0 : index
    %get3A_2821 = arith.constant 0 : index
    %get3A_2822 = vector.load %arg0[%get3A_2819, %get3A_2820, %get3A_2821] : memref<256x1x128xf32, #tpu.memory_space<vmem>>, vector<1x1x128xf32>
    %get3A_2823 = vector.shape_cast %get3A_2822 : vector<1x1x128xf32> to vector<1x128xf32>
    %gt3A_2824 = arith.constant 0.000000e+00 : f32
    %gt3A_2825 = vector.broadcast %gt3A_2824 : f32 to vector<1x128xf32>
    %gt3A_2826 = arith.cmpf ogt, %get3A_2823, %gt3A_2825 : vector<1x128xf32>
    %convert_element_type3A_2827 = arith.extui %gt3A_2826 : vector<1x128xi1> to vector<1x128xi32>
    %reduce_sum3A_2828 = arith.constant dense<0> : vector<1xi32>
    %reduce_sum3A_2829 = vector.multi_reduction <add>, %convert_element_type3A_2827, %reduce_sum3A_2828 [1] : vector<1x128xi32> to vector<1xi32>
    %broadcast_in_dim3A_2830 = vector.shape_cast %reduce_sum3A_2829 : vector<1xi32> to vector<1x1xi32>
    %add3A_2831 = arith.addi %add3A_2809, %broadcast_in_dim3A_2830 : vector<1x1xi32>
    %broadcast_in_dim3A_2832 = vector.shape_cast %add3A_2831 : vector<1x1xi32> to vector<1x1xi32>
    %broadcast_in_dim3A_2833 = vector.broadcast %broadcast_in_dim3A_2832 : vector<1x1xi32> to vector<64x128xi32>
    %le3A_2834 = arith.cmpi sle, %broadcast_in_dim3A_2833, %add3A : vector<64x128xi32>
    %convert_element_type3A_2835 = arith.extui %le3A_2834 : vector<64x128xi1> to vector<64x128xi32>
    %add3A_2836 = arith.addi %add3A_2814, %convert_element_type3A_2835 : vector<64x128xi32>
    %broadcast_in_dim3A_2837 = vector.shape_cast %broadcast_in_dim3A_2830 : vector<1x1xi32> to vector<1x1xi32>
    %broadcast_in_dim3A_2838 = vector.broadcast %broadcast_in_dim3A_2837 : vector<1x1xi32> to vector<64x128xi32>
    %mul3A_2839 = arith.muli %broadcast_in_dim3A_2838, %convert_element_type3A_2835 : vector<64x128xi32>
    %add3A_2840 = arith.addi %add3A_2818, %mul3A_2839 : vector<64x128xi32>
    %get3A_2841 = arith.constant 129 : index
    %get3A_2842 = arith.constant 0 : index
    %get3A_2843 = arith.constant 0 : index
    %get3A_2844 = vector.load %arg0[%get3A_2841, %get3A_2842, %get3A_2843] : memref<256x1x128xf32, #tpu.memory_space<vmem>>, vector<1x1x128xf32>
    %get3A_2845 = vector.shape_cast %get3A_2844 : vector<1x1x128xf32> to vector<1x128xf32>
    %gt3A_2846 = arith.constant 0.000000e+00 : f32
    %gt3A_2847 = vector.broadcast %gt3A_2846 : f32 to vector<1x128xf32>
    %gt3A_2848 = arith.cmpf ogt, %get3A_2845, %gt3A_2847 : vector<1x128xf32>
    %convert_element_type3A_2849 = arith.extui %gt3A_2848 : vector<1x128xi1> to vector<1x128xi32>
    %reduce_sum3A_2850 = arith.constant dense<0> : vector<1xi32>
    %reduce_sum3A_2851 = vector.multi_reduction <add>, %convert_element_type3A_2849, %reduce_sum3A_2850 [1] : vector<1x128xi32> to vector<1xi32>
    %broadcast_in_dim3A_2852 = vector.shape_cast %reduce_sum3A_2851 : vector<1xi32> to vector<1x1xi32>
    %add3A_2853 = arith.addi %add3A_2831, %broadcast_in_dim3A_2852 : vector<1x1xi32>
    %broadcast_in_dim3A_2854 = vector.shape_cast %add3A_2853 : vector<1x1xi32> to vector<1x1xi32>
    %broadcast_in_dim3A_2855 = vector.broadcast %broadcast_in_dim3A_2854 : vector<1x1xi32> to vector<64x128xi32>
    %le3A_2856 = arith.cmpi sle, %broadcast_in_dim3A_2855, %add3A : vector<64x128xi32>
    %convert_element_type3A_2857 = arith.extui %le3A_2856 : vector<64x128xi1> to vector<64x128xi32>
    %add3A_2858 = arith.addi %add3A_2836, %convert_element_type3A_2857 : vector<64x128xi32>
    %broadcast_in_dim3A_2859 = vector.shape_cast %broadcast_in_dim3A_2852 : vector<1x1xi32> to vector<1x1xi32>
    %broadcast_in_dim3A_2860 = vector.broadcast %broadcast_in_dim3A_2859 : vector<1x1xi32> to vector<64x128xi32>
    %mul3A_2861 = arith.muli %broadcast_in_dim3A_2860, %convert_element_type3A_2857 : vector<64x128xi32>
    %add3A_2862 = arith.addi %add3A_2840, %mul3A_2861 : vector<64x128xi32>
    %get3A_2863 = arith.constant 130 : index
    %get3A_2864 = arith.constant 0 : index
    %get3A_2865 = arith.constant 0 : index
    %get3A_2866 = vector.load %arg0[%get3A_2863, %get3A_2864, %get3A_2865] : memref<256x1x128xf32, #tpu.memory_space<vmem>>, vector<1x1x128xf32>
    %get3A_2867 = vector.shape_cast %get3A_2866 : vector<1x1x128xf32> to vector<1x128xf32>
    %gt3A_2868 = arith.constant 0.000000e+00 : f32
    %gt3A_2869 = vector.broadcast %gt3A_2868 : f32 to vector<1x128xf32>
    %gt3A_2870 = arith.cmpf ogt, %get3A_2867, %gt3A_2869 : vector<1x128xf32>
    %convert_element_type3A_2871 = arith.extui %gt3A_2870 : vector<1x128xi1> to vector<1x128xi32>
    %reduce_sum3A_2872 = arith.constant dense<0> : vector<1xi32>
    %reduce_sum3A_2873 = vector.multi_reduction <add>, %convert_element_type3A_2871, %reduce_sum3A_2872 [1] : vector<1x128xi32> to vector<1xi32>
    %broadcast_in_dim3A_2874 = vector.shape_cast %reduce_sum3A_2873 : vector<1xi32> to vector<1x1xi32>
    %add3A_2875 = arith.addi %add3A_2853, %broadcast_in_dim3A_2874 : vector<1x1xi32>
    %broadcast_in_dim3A_2876 = vector.shape_cast %add3A_2875 : vector<1x1xi32> to vector<1x1xi32>
    %broadcast_in_dim3A_2877 = vector.broadcast %broadcast_in_dim3A_2876 : vector<1x1xi32> to vector<64x128xi32>
    %le3A_2878 = arith.cmpi sle, %broadcast_in_dim3A_2877, %add3A : vector<64x128xi32>
    %convert_element_type3A_2879 = arith.extui %le3A_2878 : vector<64x128xi1> to vector<64x128xi32>
    %add3A_2880 = arith.addi %add3A_2858, %convert_element_type3A_2879 : vector<64x128xi32>
    %broadcast_in_dim3A_2881 = vector.shape_cast %broadcast_in_dim3A_2874 : vector<1x1xi32> to vector<1x1xi32>
    %broadcast_in_dim3A_2882 = vector.broadcast %broadcast_in_dim3A_2881 : vector<1x1xi32> to vector<64x128xi32>
    %mul3A_2883 = arith.muli %broadcast_in_dim3A_2882, %convert_element_type3A_2879 : vector<64x128xi32>
    %add3A_2884 = arith.addi %add3A_2862, %mul3A_2883 : vector<64x128xi32>
    %get3A_2885 = arith.constant 131 : index
    %get3A_2886 = arith.constant 0 : index
    %get3A_2887 = arith.constant 0 : index
    %get3A_2888 = vector.load %arg0[%get3A_2885, %get3A_2886, %get3A_2887] : memref<256x1x128xf32, #tpu.memory_space<vmem>>, vector<1x1x128xf32>
    %get3A_2889 = vector.shape_cast %get3A_2888 : vector<1x1x128xf32> to vector<1x128xf32>
    %gt3A_2890 = arith.constant 0.000000e+00 : f32
    %gt3A_2891 = vector.broadcast %gt3A_2890 : f32 to vector<1x128xf32>
    %gt3A_2892 = arith.cmpf ogt, %get3A_2889, %gt3A_2891 : vector<1x128xf32>
    %convert_element_type3A_2893 = arith.extui %gt3A_2892 : vector<1x128xi1> to vector<1x128xi32>
    %reduce_sum3A_2894 = arith.constant dense<0> : vector<1xi32>
    %reduce_sum3A_2895 = vector.multi_reduction <add>, %convert_element_type3A_2893, %reduce_sum3A_2894 [1] : vector<1x128xi32> to vector<1xi32>
    %broadcast_in_dim3A_2896 = vector.shape_cast %reduce_sum3A_2895 : vector<1xi32> to vector<1x1xi32>
    %add3A_2897 = arith.addi %add3A_2875, %broadcast_in_dim3A_2896 : vector<1x1xi32>
    %broadcast_in_dim3A_2898 = vector.shape_cast %add3A_2897 : vector<1x1xi32> to vector<1x1xi32>
    %broadcast_in_dim3A_2899 = vector.broadcast %broadcast_in_dim3A_2898 : vector<1x1xi32> to vector<64x128xi32>
    %le3A_2900 = arith.cmpi sle, %broadcast_in_dim3A_2899, %add3A : vector<64x128xi32>
    %convert_element_type3A_2901 = arith.extui %le3A_2900 : vector<64x128xi1> to vector<64x128xi32>
    %add3A_2902 = arith.addi %add3A_2880, %convert_element_type3A_2901 : vector<64x128xi32>
    %broadcast_in_dim3A_2903 = vector.shape_cast %broadcast_in_dim3A_2896 : vector<1x1xi32> to vector<1x1xi32>
    %broadcast_in_dim3A_2904 = vector.broadcast %broadcast_in_dim3A_2903 : vector<1x1xi32> to vector<64x128xi32>
    %mul3A_2905 = arith.muli %broadcast_in_dim3A_2904, %convert_element_type3A_2901 : vector<64x128xi32>
    %add3A_2906 = arith.addi %add3A_2884, %mul3A_2905 : vector<64x128xi32>
    %get3A_2907 = arith.constant 132 : index
    %get3A_2908 = arith.constant 0 : index
    %get3A_2909 = arith.constant 0 : index
    %get3A_2910 = vector.load %arg0[%get3A_2907, %get3A_2908, %get3A_2909] : memref<256x1x128xf32, #tpu.memory_space<vmem>>, vector<1x1x128xf32>
    %get3A_2911 = vector.shape_cast %get3A_2910 : vector<1x1x128xf32> to vector<1x128xf32>
    %gt3A_2912 = arith.constant 0.000000e+00 : f32
    %gt3A_2913 = vector.broadcast %gt3A_2912 : f32 to vector<1x128xf32>
    %gt3A_2914 = arith.cmpf ogt, %get3A_2911, %gt3A_2913 : vector<1x128xf32>
    %convert_element_type3A_2915 = arith.extui %gt3A_2914 : vector<1x128xi1> to vector<1x128xi32>
    %reduce_sum3A_2916 = arith.constant dense<0> : vector<1xi32>
    %reduce_sum3A_2917 = vector.multi_reduction <add>, %convert_element_type3A_2915, %reduce_sum3A_2916 [1] : vector<1x128xi32> to vector<1xi32>
    %broadcast_in_dim3A_2918 = vector.shape_cast %reduce_sum3A_2917 : vector<1xi32> to vector<1x1xi32>
    %add3A_2919 = arith.addi %add3A_2897, %broadcast_in_dim3A_2918 : vector<1x1xi32>
    %broadcast_in_dim3A_2920 = vector.shape_cast %add3A_2919 : vector<1x1xi32> to vector<1x1xi32>
    %broadcast_in_dim3A_2921 = vector.broadcast %broadcast_in_dim3A_2920 : vector<1x1xi32> to vector<64x128xi32>
    %le3A_2922 = arith.cmpi sle, %broadcast_in_dim3A_2921, %add3A : vector<64x128xi32>
    %convert_element_type3A_2923 = arith.extui %le3A_2922 : vector<64x128xi1> to vector<64x128xi32>
    %add3A_2924 = arith.addi %add3A_2902, %convert_element_type3A_2923 : vector<64x128xi32>
    %broadcast_in_dim3A_2925 = vector.shape_cast %broadcast_in_dim3A_2918 : vector<1x1xi32> to vector<1x1xi32>
    %broadcast_in_dim3A_2926 = vector.broadcast %broadcast_in_dim3A_2925 : vector<1x1xi32> to vector<64x128xi32>
    %mul3A_2927 = arith.muli %broadcast_in_dim3A_2926, %convert_element_type3A_2923 : vector<64x128xi32>
    %add3A_2928 = arith.addi %add3A_2906, %mul3A_2927 : vector<64x128xi32>
    %get3A_2929 = arith.constant 133 : index
    %get3A_2930 = arith.constant 0 : index
    %get3A_2931 = arith.constant 0 : index
    %get3A_2932 = vector.load %arg0[%get3A_2929, %get3A_2930, %get3A_2931] : memref<256x1x128xf32, #tpu.memory_space<vmem>>, vector<1x1x128xf32>
    %get3A_2933 = vector.shape_cast %get3A_2932 : vector<1x1x128xf32> to vector<1x128xf32>
    %gt3A_2934 = arith.constant 0.000000e+00 : f32
    %gt3A_2935 = vector.broadcast %gt3A_2934 : f32 to vector<1x128xf32>
    %gt3A_2936 = arith.cmpf ogt, %get3A_2933, %gt3A_2935 : vector<1x128xf32>
    %convert_element_type3A_2937 = arith.extui %gt3A_2936 : vector<1x128xi1> to vector<1x128xi32>
    %reduce_sum3A_2938 = arith.constant dense<0> : vector<1xi32>
    %reduce_sum3A_2939 = vector.multi_reduction <add>, %convert_element_type3A_2937, %reduce_sum3A_2938 [1] : vector<1x128xi32> to vector<1xi32>
    %broadcast_in_dim3A_2940 = vector.shape_cast %reduce_sum3A_2939 : vector<1xi32> to vector<1x1xi32>
    %add3A_2941 = arith.addi %add3A_2919, %broadcast_in_dim3A_2940 : vector<1x1xi32>
    %broadcast_in_dim3A_2942 = vector.shape_cast %add3A_2941 : vector<1x1xi32> to vector<1x1xi32>
    %broadcast_in_dim3A_2943 = vector.broadcast %broadcast_in_dim3A_2942 : vector<1x1xi32> to vector<64x128xi32>
    %le3A_2944 = arith.cmpi sle, %broadcast_in_dim3A_2943, %add3A : vector<64x128xi32>
    %convert_element_type3A_2945 = arith.extui %le3A_2944 : vector<64x128xi1> to vector<64x128xi32>
    %add3A_2946 = arith.addi %add3A_2924, %convert_element_type3A_2945 : vector<64x128xi32>
    %broadcast_in_dim3A_2947 = vector.shape_cast %broadcast_in_dim3A_2940 : vector<1x1xi32> to vector<1x1xi32>
    %broadcast_in_dim3A_2948 = vector.broadcast %broadcast_in_dim3A_2947 : vector<1x1xi32> to vector<64x128xi32>
    %mul3A_2949 = arith.muli %broadcast_in_dim3A_2948, %convert_element_type3A_2945 : vector<64x128xi32>
    %add3A_2950 = arith.addi %add3A_2928, %mul3A_2949 : vector<64x128xi32>
    %get3A_2951 = arith.constant 134 : index
    %get3A_2952 = arith.constant 0 : index
    %get3A_2953 = arith.constant 0 : index
    %get3A_2954 = vector.load %arg0[%get3A_2951, %get3A_2952, %get3A_2953] : memref<256x1x128xf32, #tpu.memory_space<vmem>>, vector<1x1x128xf32>
    %get3A_2955 = vector.shape_cast %get3A_2954 : vector<1x1x128xf32> to vector<1x128xf32>
    %gt3A_2956 = arith.constant 0.000000e+00 : f32
    %gt3A_2957 = vector.broadcast %gt3A_2956 : f32 to vector<1x128xf32>
    %gt3A_2958 = arith.cmpf ogt, %get3A_2955, %gt3A_2957 : vector<1x128xf32>
    %convert_element_type3A_2959 = arith.extui %gt3A_2958 : vector<1x128xi1> to vector<1x128xi32>
    %reduce_sum3A_2960 = arith.constant dense<0> : vector<1xi32>
    %reduce_sum3A_2961 = vector.multi_reduction <add>, %convert_element_type3A_2959, %reduce_sum3A_2960 [1] : vector<1x128xi32> to vector<1xi32>
    %broadcast_in_dim3A_2962 = vector.shape_cast %reduce_sum3A_2961 : vector<1xi32> to vector<1x1xi32>
    %add3A_2963 = arith.addi %add3A_2941, %broadcast_in_dim3A_2962 : vector<1x1xi32>
    %broadcast_in_dim3A_2964 = vector.shape_cast %add3A_2963 : vector<1x1xi32> to vector<1x1xi32>
    %broadcast_in_dim3A_2965 = vector.broadcast %broadcast_in_dim3A_2964 : vector<1x1xi32> to vector<64x128xi32>
    %le3A_2966 = arith.cmpi sle, %broadcast_in_dim3A_2965, %add3A : vector<64x128xi32>
    %convert_element_type3A_2967 = arith.extui %le3A_2966 : vector<64x128xi1> to vector<64x128xi32>
    %add3A_2968 = arith.addi %add3A_2946, %convert_element_type3A_2967 : vector<64x128xi32>
    %broadcast_in_dim3A_2969 = vector.shape_cast %broadcast_in_dim3A_2962 : vector<1x1xi32> to vector<1x1xi32>
    %broadcast_in_dim3A_2970 = vector.broadcast %broadcast_in_dim3A_2969 : vector<1x1xi32> to vector<64x128xi32>
    %mul3A_2971 = arith.muli %broadcast_in_dim3A_2970, %convert_element_type3A_2967 : vector<64x128xi32>
    %add3A_2972 = arith.addi %add3A_2950, %mul3A_2971 : vector<64x128xi32>
    %get3A_2973 = arith.constant 135 : index
    %get3A_2974 = arith.constant 0 : index
    %get3A_2975 = arith.constant 0 : index
    %get3A_2976 = vector.load %arg0[%get3A_2973, %get3A_2974, %get3A_2975] : memref<256x1x128xf32, #tpu.memory_space<vmem>>, vector<1x1x128xf32>
    %get3A_2977 = vector.shape_cast %get3A_2976 : vector<1x1x128xf32> to vector<1x128xf32>
    %gt3A_2978 = arith.constant 0.000000e+00 : f32
    %gt3A_2979 = vector.broadcast %gt3A_2978 : f32 to vector<1x128xf32>
    %gt3A_2980 = arith.cmpf ogt, %get3A_2977, %gt3A_2979 : vector<1x128xf32>
    %convert_element_type3A_2981 = arith.extui %gt3A_2980 : vector<1x128xi1> to vector<1x128xi32>
    %reduce_sum3A_2982 = arith.constant dense<0> : vector<1xi32>
    %reduce_sum3A_2983 = vector.multi_reduction <add>, %convert_element_type3A_2981, %reduce_sum3A_2982 [1] : vector<1x128xi32> to vector<1xi32>
    %broadcast_in_dim3A_2984 = vector.shape_cast %reduce_sum3A_2983 : vector<1xi32> to vector<1x1xi32>
    %add3A_2985 = arith.addi %add3A_2963, %broadcast_in_dim3A_2984 : vector<1x1xi32>
    %broadcast_in_dim3A_2986 = vector.shape_cast %add3A_2985 : vector<1x1xi32> to vector<1x1xi32>
    %broadcast_in_dim3A_2987 = vector.broadcast %broadcast_in_dim3A_2986 : vector<1x1xi32> to vector<64x128xi32>
    %le3A_2988 = arith.cmpi sle, %broadcast_in_dim3A_2987, %add3A : vector<64x128xi32>
    %convert_element_type3A_2989 = arith.extui %le3A_2988 : vector<64x128xi1> to vector<64x128xi32>
    %add3A_2990 = arith.addi %add3A_2968, %convert_element_type3A_2989 : vector<64x128xi32>
    %broadcast_in_dim3A_2991 = vector.shape_cast %broadcast_in_dim3A_2984 : vector<1x1xi32> to vector<1x1xi32>
    %broadcast_in_dim3A_2992 = vector.broadcast %broadcast_in_dim3A_2991 : vector<1x1xi32> to vector<64x128xi32>
    %mul3A_2993 = arith.muli %broadcast_in_dim3A_2992, %convert_element_type3A_2989 : vector<64x128xi32>
    %add3A_2994 = arith.addi %add3A_2972, %mul3A_2993 : vector<64x128xi32>
    %get3A_2995 = arith.constant 136 : index
    %get3A_2996 = arith.constant 0 : index
    %get3A_2997 = arith.constant 0 : index
    %get3A_2998 = vector.load %arg0[%get3A_2995, %get3A_2996, %get3A_2997] : memref<256x1x128xf32, #tpu.memory_space<vmem>>, vector<1x1x128xf32>
    %get3A_2999 = vector.shape_cast %get3A_2998 : vector<1x1x128xf32> to vector<1x128xf32>
    %gt3A_3000 = arith.constant 0.000000e+00 : f32
    %gt3A_3001 = vector.broadcast %gt3A_3000 : f32 to vector<1x128xf32>
    %gt3A_3002 = arith.cmpf ogt, %get3A_2999, %gt3A_3001 : vector<1x128xf32>
    %convert_element_type3A_3003 = arith.extui %gt3A_3002 : vector<1x128xi1> to vector<1x128xi32>
    %reduce_sum3A_3004 = arith.constant dense<0> : vector<1xi32>
    %reduce_sum3A_3005 = vector.multi_reduction <add>, %convert_element_type3A_3003, %reduce_sum3A_3004 [1] : vector<1x128xi32> to vector<1xi32>
    %broadcast_in_dim3A_3006 = vector.shape_cast %reduce_sum3A_3005 : vector<1xi32> to vector<1x1xi32>
    %add3A_3007 = arith.addi %add3A_2985, %broadcast_in_dim3A_3006 : vector<1x1xi32>
    %broadcast_in_dim3A_3008 = vector.shape_cast %add3A_3007 : vector<1x1xi32> to vector<1x1xi32>
    %broadcast_in_dim3A_3009 = vector.broadcast %broadcast_in_dim3A_3008 : vector<1x1xi32> to vector<64x128xi32>
    %le3A_3010 = arith.cmpi sle, %broadcast_in_dim3A_3009, %add3A : vector<64x128xi32>
    %convert_element_type3A_3011 = arith.extui %le3A_3010 : vector<64x128xi1> to vector<64x128xi32>
    %add3A_3012 = arith.addi %add3A_2990, %convert_element_type3A_3011 : vector<64x128xi32>
    %broadcast_in_dim3A_3013 = vector.shape_cast %broadcast_in_dim3A_3006 : vector<1x1xi32> to vector<1x1xi32>
    %broadcast_in_dim3A_3014 = vector.broadcast %broadcast_in_dim3A_3013 : vector<1x1xi32> to vector<64x128xi32>
    %mul3A_3015 = arith.muli %broadcast_in_dim3A_3014, %convert_element_type3A_3011 : vector<64x128xi32>
    %add3A_3016 = arith.addi %add3A_2994, %mul3A_3015 : vector<64x128xi32>
    %get3A_3017 = arith.constant 137 : index
    %get3A_3018 = arith.constant 0 : index
    %get3A_3019 = arith.constant 0 : index
    %get3A_3020 = vector.load %arg0[%get3A_3017, %get3A_3018, %get3A_3019] : memref<256x1x128xf32, #tpu.memory_space<vmem>>, vector<1x1x128xf32>
    %get3A_3021 = vector.shape_cast %get3A_3020 : vector<1x1x128xf32> to vector<1x128xf32>
    %gt3A_3022 = arith.constant 0.000000e+00 : f32
    %gt3A_3023 = vector.broadcast %gt3A_3022 : f32 to vector<1x128xf32>
    %gt3A_3024 = arith.cmpf ogt, %get3A_3021, %gt3A_3023 : vector<1x128xf32>
    %convert_element_type3A_3025 = arith.extui %gt3A_3024 : vector<1x128xi1> to vector<1x128xi32>
    %reduce_sum3A_3026 = arith.constant dense<0> : vector<1xi32>
    %reduce_sum3A_3027 = vector.multi_reduction <add>, %convert_element_type3A_3025, %reduce_sum3A_3026 [1] : vector<1x128xi32> to vector<1xi32>
    %broadcast_in_dim3A_3028 = vector.shape_cast %reduce_sum3A_3027 : vector<1xi32> to vector<1x1xi32>
    %add3A_3029 = arith.addi %add3A_3007, %broadcast_in_dim3A_3028 : vector<1x1xi32>
    %broadcast_in_dim3A_3030 = vector.shape_cast %add3A_3029 : vector<1x1xi32> to vector<1x1xi32>
    %broadcast_in_dim3A_3031 = vector.broadcast %broadcast_in_dim3A_3030 : vector<1x1xi32> to vector<64x128xi32>
    %le3A_3032 = arith.cmpi sle, %broadcast_in_dim3A_3031, %add3A : vector<64x128xi32>
    %convert_element_type3A_3033 = arith.extui %le3A_3032 : vector<64x128xi1> to vector<64x128xi32>
    %add3A_3034 = arith.addi %add3A_3012, %convert_element_type3A_3033 : vector<64x128xi32>
    %broadcast_in_dim3A_3035 = vector.shape_cast %broadcast_in_dim3A_3028 : vector<1x1xi32> to vector<1x1xi32>
    %broadcast_in_dim3A_3036 = vector.broadcast %broadcast_in_dim3A_3035 : vector<1x1xi32> to vector<64x128xi32>
    %mul3A_3037 = arith.muli %broadcast_in_dim3A_3036, %convert_element_type3A_3033 : vector<64x128xi32>
    %add3A_3038 = arith.addi %add3A_3016, %mul3A_3037 : vector<64x128xi32>
    %get3A_3039 = arith.constant 138 : index
    %get3A_3040 = arith.constant 0 : index
    %get3A_3041 = arith.constant 0 : index
    %get3A_3042 = vector.load %arg0[%get3A_3039, %get3A_3040, %get3A_3041] : memref<256x1x128xf32, #tpu.memory_space<vmem>>, vector<1x1x128xf32>
    %get3A_3043 = vector.shape_cast %get3A_3042 : vector<1x1x128xf32> to vector<1x128xf32>
    %gt3A_3044 = arith.constant 0.000000e+00 : f32
    %gt3A_3045 = vector.broadcast %gt3A_3044 : f32 to vector<1x128xf32>
    %gt3A_3046 = arith.cmpf ogt, %get3A_3043, %gt3A_3045 : vector<1x128xf32>
    %convert_element_type3A_3047 = arith.extui %gt3A_3046 : vector<1x128xi1> to vector<1x128xi32>
    %reduce_sum3A_3048 = arith.constant dense<0> : vector<1xi32>
    %reduce_sum3A_3049 = vector.multi_reduction <add>, %convert_element_type3A_3047, %reduce_sum3A_3048 [1] : vector<1x128xi32> to vector<1xi32>
    %broadcast_in_dim3A_3050 = vector.shape_cast %reduce_sum3A_3049 : vector<1xi32> to vector<1x1xi32>
    %add3A_3051 = arith.addi %add3A_3029, %broadcast_in_dim3A_3050 : vector<1x1xi32>
    %broadcast_in_dim3A_3052 = vector.shape_cast %add3A_3051 : vector<1x1xi32> to vector<1x1xi32>
    %broadcast_in_dim3A_3053 = vector.broadcast %broadcast_in_dim3A_3052 : vector<1x1xi32> to vector<64x128xi32>
    %le3A_3054 = arith.cmpi sle, %broadcast_in_dim3A_3053, %add3A : vector<64x128xi32>
    %convert_element_type3A_3055 = arith.extui %le3A_3054 : vector<64x128xi1> to vector<64x128xi32>
    %add3A_3056 = arith.addi %add3A_3034, %convert_element_type3A_3055 : vector<64x128xi32>
    %broadcast_in_dim3A_3057 = vector.shape_cast %broadcast_in_dim3A_3050 : vector<1x1xi32> to vector<1x1xi32>
    %broadcast_in_dim3A_3058 = vector.broadcast %broadcast_in_dim3A_3057 : vector<1x1xi32> to vector<64x128xi32>
    %mul3A_3059 = arith.muli %broadcast_in_dim3A_3058, %convert_element_type3A_3055 : vector<64x128xi32>
    %add3A_3060 = arith.addi %add3A_3038, %mul3A_3059 : vector<64x128xi32>
    %get3A_3061 = arith.constant 139 : index
    %get3A_3062 = arith.constant 0 : index
    %get3A_3063 = arith.constant 0 : index
    %get3A_3064 = vector.load %arg0[%get3A_3061, %get3A_3062, %get3A_3063] : memref<256x1x128xf32, #tpu.memory_space<vmem>>, vector<1x1x128xf32>
    %get3A_3065 = vector.shape_cast %get3A_3064 : vector<1x1x128xf32> to vector<1x128xf32>
    %gt3A_3066 = arith.constant 0.000000e+00 : f32
    %gt3A_3067 = vector.broadcast %gt3A_3066 : f32 to vector<1x128xf32>
    %gt3A_3068 = arith.cmpf ogt, %get3A_3065, %gt3A_3067 : vector<1x128xf32>
    %convert_element_type3A_3069 = arith.extui %gt3A_3068 : vector<1x128xi1> to vector<1x128xi32>
    %reduce_sum3A_3070 = arith.constant dense<0> : vector<1xi32>
    %reduce_sum3A_3071 = vector.multi_reduction <add>, %convert_element_type3A_3069, %reduce_sum3A_3070 [1] : vector<1x128xi32> to vector<1xi32>
    %broadcast_in_dim3A_3072 = vector.shape_cast %reduce_sum3A_3071 : vector<1xi32> to vector<1x1xi32>
    %add3A_3073 = arith.addi %add3A_3051, %broadcast_in_dim3A_3072 : vector<1x1xi32>
    %broadcast_in_dim3A_3074 = vector.shape_cast %add3A_3073 : vector<1x1xi32> to vector<1x1xi32>
    %broadcast_in_dim3A_3075 = vector.broadcast %broadcast_in_dim3A_3074 : vector<1x1xi32> to vector<64x128xi32>
    %le3A_3076 = arith.cmpi sle, %broadcast_in_dim3A_3075, %add3A : vector<64x128xi32>
    %convert_element_type3A_3077 = arith.extui %le3A_3076 : vector<64x128xi1> to vector<64x128xi32>
    %add3A_3078 = arith.addi %add3A_3056, %convert_element_type3A_3077 : vector<64x128xi32>
    %broadcast_in_dim3A_3079 = vector.shape_cast %broadcast_in_dim3A_3072 : vector<1x1xi32> to vector<1x1xi32>
    %broadcast_in_dim3A_3080 = vector.broadcast %broadcast_in_dim3A_3079 : vector<1x1xi32> to vector<64x128xi32>
    %mul3A_3081 = arith.muli %broadcast_in_dim3A_3080, %convert_element_type3A_3077 : vector<64x128xi32>
    %add3A_3082 = arith.addi %add3A_3060, %mul3A_3081 : vector<64x128xi32>
    %get3A_3083 = arith.constant 140 : index
    %get3A_3084 = arith.constant 0 : index
    %get3A_3085 = arith.constant 0 : index
    %get3A_3086 = vector.load %arg0[%get3A_3083, %get3A_3084, %get3A_3085] : memref<256x1x128xf32, #tpu.memory_space<vmem>>, vector<1x1x128xf32>
    %get3A_3087 = vector.shape_cast %get3A_3086 : vector<1x1x128xf32> to vector<1x128xf32>
    %gt3A_3088 = arith.constant 0.000000e+00 : f32
    %gt3A_3089 = vector.broadcast %gt3A_3088 : f32 to vector<1x128xf32>
    %gt3A_3090 = arith.cmpf ogt, %get3A_3087, %gt3A_3089 : vector<1x128xf32>
    %convert_element_type3A_3091 = arith.extui %gt3A_3090 : vector<1x128xi1> to vector<1x128xi32>
    %reduce_sum3A_3092 = arith.constant dense<0> : vector<1xi32>
    %reduce_sum3A_3093 = vector.multi_reduction <add>, %convert_element_type3A_3091, %reduce_sum3A_3092 [1] : vector<1x128xi32> to vector<1xi32>
    %broadcast_in_dim3A_3094 = vector.shape_cast %reduce_sum3A_3093 : vector<1xi32> to vector<1x1xi32>
    %add3A_3095 = arith.addi %add3A_3073, %broadcast_in_dim3A_3094 : vector<1x1xi32>
    %broadcast_in_dim3A_3096 = vector.shape_cast %add3A_3095 : vector<1x1xi32> to vector<1x1xi32>
    %broadcast_in_dim3A_3097 = vector.broadcast %broadcast_in_dim3A_3096 : vector<1x1xi32> to vector<64x128xi32>
    %le3A_3098 = arith.cmpi sle, %broadcast_in_dim3A_3097, %add3A : vector<64x128xi32>
    %convert_element_type3A_3099 = arith.extui %le3A_3098 : vector<64x128xi1> to vector<64x128xi32>
    %add3A_3100 = arith.addi %add3A_3078, %convert_element_type3A_3099 : vector<64x128xi32>
    %broadcast_in_dim3A_3101 = vector.shape_cast %broadcast_in_dim3A_3094 : vector<1x1xi32> to vector<1x1xi32>
    %broadcast_in_dim3A_3102 = vector.broadcast %broadcast_in_dim3A_3101 : vector<1x1xi32> to vector<64x128xi32>
    %mul3A_3103 = arith.muli %broadcast_in_dim3A_3102, %convert_element_type3A_3099 : vector<64x128xi32>
    %add3A_3104 = arith.addi %add3A_3082, %mul3A_3103 : vector<64x128xi32>
    %get3A_3105 = arith.constant 141 : index
    %get3A_3106 = arith.constant 0 : index
    %get3A_3107 = arith.constant 0 : index
    %get3A_3108 = vector.load %arg0[%get3A_3105, %get3A_3106, %get3A_3107] : memref<256x1x128xf32, #tpu.memory_space<vmem>>, vector<1x1x128xf32>
    %get3A_3109 = vector.shape_cast %get3A_3108 : vector<1x1x128xf32> to vector<1x128xf32>
    %gt3A_3110 = arith.constant 0.000000e+00 : f32
    %gt3A_3111 = vector.broadcast %gt3A_3110 : f32 to vector<1x128xf32>
    %gt3A_3112 = arith.cmpf ogt, %get3A_3109, %gt3A_3111 : vector<1x128xf32>
    %convert_element_type3A_3113 = arith.extui %gt3A_3112 : vector<1x128xi1> to vector<1x128xi32>
    %reduce_sum3A_3114 = arith.constant dense<0> : vector<1xi32>
    %reduce_sum3A_3115 = vector.multi_reduction <add>, %convert_element_type3A_3113, %reduce_sum3A_3114 [1] : vector<1x128xi32> to vector<1xi32>
    %broadcast_in_dim3A_3116 = vector.shape_cast %reduce_sum3A_3115 : vector<1xi32> to vector<1x1xi32>
    %add3A_3117 = arith.addi %add3A_3095, %broadcast_in_dim3A_3116 : vector<1x1xi32>
    %broadcast_in_dim3A_3118 = vector.shape_cast %add3A_3117 : vector<1x1xi32> to vector<1x1xi32>
    %broadcast_in_dim3A_3119 = vector.broadcast %broadcast_in_dim3A_3118 : vector<1x1xi32> to vector<64x128xi32>
    %le3A_3120 = arith.cmpi sle, %broadcast_in_dim3A_3119, %add3A : vector<64x128xi32>
    %convert_element_type3A_3121 = arith.extui %le3A_3120 : vector<64x128xi1> to vector<64x128xi32>
    %add3A_3122 = arith.addi %add3A_3100, %convert_element_type3A_3121 : vector<64x128xi32>
    %broadcast_in_dim3A_3123 = vector.shape_cast %broadcast_in_dim3A_3116 : vector<1x1xi32> to vector<1x1xi32>
    %broadcast_in_dim3A_3124 = vector.broadcast %broadcast_in_dim3A_3123 : vector<1x1xi32> to vector<64x128xi32>
    %mul3A_3125 = arith.muli %broadcast_in_dim3A_3124, %convert_element_type3A_3121 : vector<64x128xi32>
    %add3A_3126 = arith.addi %add3A_3104, %mul3A_3125 : vector<64x128xi32>
    %get3A_3127 = arith.constant 142 : index
    %get3A_3128 = arith.constant 0 : index
    %get3A_3129 = arith.constant 0 : index
    %get3A_3130 = vector.load %arg0[%get3A_3127, %get3A_3128, %get3A_3129] : memref<256x1x128xf32, #tpu.memory_space<vmem>>, vector<1x1x128xf32>
    %get3A_3131 = vector.shape_cast %get3A_3130 : vector<1x1x128xf32> to vector<1x128xf32>
    %gt3A_3132 = arith.constant 0.000000e+00 : f32
    %gt3A_3133 = vector.broadcast %gt3A_3132 : f32 to vector<1x128xf32>
    %gt3A_3134 = arith.cmpf ogt, %get3A_3131, %gt3A_3133 : vector<1x128xf32>
    %convert_element_type3A_3135 = arith.extui %gt3A_3134 : vector<1x128xi1> to vector<1x128xi32>
    %reduce_sum3A_3136 = arith.constant dense<0> : vector<1xi32>
    %reduce_sum3A_3137 = vector.multi_reduction <add>, %convert_element_type3A_3135, %reduce_sum3A_3136 [1] : vector<1x128xi32> to vector<1xi32>
    %broadcast_in_dim3A_3138 = vector.shape_cast %reduce_sum3A_3137 : vector<1xi32> to vector<1x1xi32>
    %add3A_3139 = arith.addi %add3A_3117, %broadcast_in_dim3A_3138 : vector<1x1xi32>
    %broadcast_in_dim3A_3140 = vector.shape_cast %add3A_3139 : vector<1x1xi32> to vector<1x1xi32>
    %broadcast_in_dim3A_3141 = vector.broadcast %broadcast_in_dim3A_3140 : vector<1x1xi32> to vector<64x128xi32>
    %le3A_3142 = arith.cmpi sle, %broadcast_in_dim3A_3141, %add3A : vector<64x128xi32>
    %convert_element_type3A_3143 = arith.extui %le3A_3142 : vector<64x128xi1> to vector<64x128xi32>
    %add3A_3144 = arith.addi %add3A_3122, %convert_element_type3A_3143 : vector<64x128xi32>
    %broadcast_in_dim3A_3145 = vector.shape_cast %broadcast_in_dim3A_3138 : vector<1x1xi32> to vector<1x1xi32>
    %broadcast_in_dim3A_3146 = vector.broadcast %broadcast_in_dim3A_3145 : vector<1x1xi32> to vector<64x128xi32>
    %mul3A_3147 = arith.muli %broadcast_in_dim3A_3146, %convert_element_type3A_3143 : vector<64x128xi32>
    %add3A_3148 = arith.addi %add3A_3126, %mul3A_3147 : vector<64x128xi32>
    %get3A_3149 = arith.constant 143 : index
    %get3A_3150 = arith.constant 0 : index
    %get3A_3151 = arith.constant 0 : index
    %get3A_3152 = vector.load %arg0[%get3A_3149, %get3A_3150, %get3A_3151] : memref<256x1x128xf32, #tpu.memory_space<vmem>>, vector<1x1x128xf32>
    %get3A_3153 = vector.shape_cast %get3A_3152 : vector<1x1x128xf32> to vector<1x128xf32>
    %gt3A_3154 = arith.constant 0.000000e+00 : f32
    %gt3A_3155 = vector.broadcast %gt3A_3154 : f32 to vector<1x128xf32>
    %gt3A_3156 = arith.cmpf ogt, %get3A_3153, %gt3A_3155 : vector<1x128xf32>
    %convert_element_type3A_3157 = arith.extui %gt3A_3156 : vector<1x128xi1> to vector<1x128xi32>
    %reduce_sum3A_3158 = arith.constant dense<0> : vector<1xi32>
    %reduce_sum3A_3159 = vector.multi_reduction <add>, %convert_element_type3A_3157, %reduce_sum3A_3158 [1] : vector<1x128xi32> to vector<1xi32>
    %broadcast_in_dim3A_3160 = vector.shape_cast %reduce_sum3A_3159 : vector<1xi32> to vector<1x1xi32>
    %add3A_3161 = arith.addi %add3A_3139, %broadcast_in_dim3A_3160 : vector<1x1xi32>
    %broadcast_in_dim3A_3162 = vector.shape_cast %add3A_3161 : vector<1x1xi32> to vector<1x1xi32>
    %broadcast_in_dim3A_3163 = vector.broadcast %broadcast_in_dim3A_3162 : vector<1x1xi32> to vector<64x128xi32>
    %le3A_3164 = arith.cmpi sle, %broadcast_in_dim3A_3163, %add3A : vector<64x128xi32>
    %convert_element_type3A_3165 = arith.extui %le3A_3164 : vector<64x128xi1> to vector<64x128xi32>
    %add3A_3166 = arith.addi %add3A_3144, %convert_element_type3A_3165 : vector<64x128xi32>
    %broadcast_in_dim3A_3167 = vector.shape_cast %broadcast_in_dim3A_3160 : vector<1x1xi32> to vector<1x1xi32>
    %broadcast_in_dim3A_3168 = vector.broadcast %broadcast_in_dim3A_3167 : vector<1x1xi32> to vector<64x128xi32>
    %mul3A_3169 = arith.muli %broadcast_in_dim3A_3168, %convert_element_type3A_3165 : vector<64x128xi32>
    %add3A_3170 = arith.addi %add3A_3148, %mul3A_3169 : vector<64x128xi32>
    %get3A_3171 = arith.constant 144 : index
    %get3A_3172 = arith.constant 0 : index
    %get3A_3173 = arith.constant 0 : index
    %get3A_3174 = vector.load %arg0[%get3A_3171, %get3A_3172, %get3A_3173] : memref<256x1x128xf32, #tpu.memory_space<vmem>>, vector<1x1x128xf32>
    %get3A_3175 = vector.shape_cast %get3A_3174 : vector<1x1x128xf32> to vector<1x128xf32>
    %gt3A_3176 = arith.constant 0.000000e+00 : f32
    %gt3A_3177 = vector.broadcast %gt3A_3176 : f32 to vector<1x128xf32>
    %gt3A_3178 = arith.cmpf ogt, %get3A_3175, %gt3A_3177 : vector<1x128xf32>
    %convert_element_type3A_3179 = arith.extui %gt3A_3178 : vector<1x128xi1> to vector<1x128xi32>
    %reduce_sum3A_3180 = arith.constant dense<0> : vector<1xi32>
    %reduce_sum3A_3181 = vector.multi_reduction <add>, %convert_element_type3A_3179, %reduce_sum3A_3180 [1] : vector<1x128xi32> to vector<1xi32>
    %broadcast_in_dim3A_3182 = vector.shape_cast %reduce_sum3A_3181 : vector<1xi32> to vector<1x1xi32>
    %add3A_3183 = arith.addi %add3A_3161, %broadcast_in_dim3A_3182 : vector<1x1xi32>
    %broadcast_in_dim3A_3184 = vector.shape_cast %add3A_3183 : vector<1x1xi32> to vector<1x1xi32>
    %broadcast_in_dim3A_3185 = vector.broadcast %broadcast_in_dim3A_3184 : vector<1x1xi32> to vector<64x128xi32>
    %le3A_3186 = arith.cmpi sle, %broadcast_in_dim3A_3185, %add3A : vector<64x128xi32>
    %convert_element_type3A_3187 = arith.extui %le3A_3186 : vector<64x128xi1> to vector<64x128xi32>
    %add3A_3188 = arith.addi %add3A_3166, %convert_element_type3A_3187 : vector<64x128xi32>
    %broadcast_in_dim3A_3189 = vector.shape_cast %broadcast_in_dim3A_3182 : vector<1x1xi32> to vector<1x1xi32>
    %broadcast_in_dim3A_3190 = vector.broadcast %broadcast_in_dim3A_3189 : vector<1x1xi32> to vector<64x128xi32>
    %mul3A_3191 = arith.muli %broadcast_in_dim3A_3190, %convert_element_type3A_3187 : vector<64x128xi32>
    %add3A_3192 = arith.addi %add3A_3170, %mul3A_3191 : vector<64x128xi32>
    %get3A_3193 = arith.constant 145 : index
    %get3A_3194 = arith.constant 0 : index
    %get3A_3195 = arith.constant 0 : index
    %get3A_3196 = vector.load %arg0[%get3A_3193, %get3A_3194, %get3A_3195] : memref<256x1x128xf32, #tpu.memory_space<vmem>>, vector<1x1x128xf32>
    %get3A_3197 = vector.shape_cast %get3A_3196 : vector<1x1x128xf32> to vector<1x128xf32>
    %gt3A_3198 = arith.constant 0.000000e+00 : f32
    %gt3A_3199 = vector.broadcast %gt3A_3198 : f32 to vector<1x128xf32>
    %gt3A_3200 = arith.cmpf ogt, %get3A_3197, %gt3A_3199 : vector<1x128xf32>
    %convert_element_type3A_3201 = arith.extui %gt3A_3200 : vector<1x128xi1> to vector<1x128xi32>
    %reduce_sum3A_3202 = arith.constant dense<0> : vector<1xi32>
    %reduce_sum3A_3203 = vector.multi_reduction <add>, %convert_element_type3A_3201, %reduce_sum3A_3202 [1] : vector<1x128xi32> to vector<1xi32>
    %broadcast_in_dim3A_3204 = vector.shape_cast %reduce_sum3A_3203 : vector<1xi32> to vector<1x1xi32>
    %add3A_3205 = arith.addi %add3A_3183, %broadcast_in_dim3A_3204 : vector<1x1xi32>
    %broadcast_in_dim3A_3206 = vector.shape_cast %add3A_3205 : vector<1x1xi32> to vector<1x1xi32>
    %broadcast_in_dim3A_3207 = vector.broadcast %broadcast_in_dim3A_3206 : vector<1x1xi32> to vector<64x128xi32>
    %le3A_3208 = arith.cmpi sle, %broadcast_in_dim3A_3207, %add3A : vector<64x128xi32>
    %convert_element_type3A_3209 = arith.extui %le3A_3208 : vector<64x128xi1> to vector<64x128xi32>
    %add3A_3210 = arith.addi %add3A_3188, %convert_element_type3A_3209 : vector<64x128xi32>
    %broadcast_in_dim3A_3211 = vector.shape_cast %broadcast_in_dim3A_3204 : vector<1x1xi32> to vector<1x1xi32>
    %broadcast_in_dim3A_3212 = vector.broadcast %broadcast_in_dim3A_3211 : vector<1x1xi32> to vector<64x128xi32>
    %mul3A_3213 = arith.muli %broadcast_in_dim3A_3212, %convert_element_type3A_3209 : vector<64x128xi32>
    %add3A_3214 = arith.addi %add3A_3192, %mul3A_3213 : vector<64x128xi32>
    %get3A_3215 = arith.constant 146 : index
    %get3A_3216 = arith.constant 0 : index
    %get3A_3217 = arith.constant 0 : index
    %get3A_3218 = vector.load %arg0[%get3A_3215, %get3A_3216, %get3A_3217] : memref<256x1x128xf32, #tpu.memory_space<vmem>>, vector<1x1x128xf32>
    %get3A_3219 = vector.shape_cast %get3A_3218 : vector<1x1x128xf32> to vector<1x128xf32>
    %gt3A_3220 = arith.constant 0.000000e+00 : f32
    %gt3A_3221 = vector.broadcast %gt3A_3220 : f32 to vector<1x128xf32>
    %gt3A_3222 = arith.cmpf ogt, %get3A_3219, %gt3A_3221 : vector<1x128xf32>
    %convert_element_type3A_3223 = arith.extui %gt3A_3222 : vector<1x128xi1> to vector<1x128xi32>
    %reduce_sum3A_3224 = arith.constant dense<0> : vector<1xi32>
    %reduce_sum3A_3225 = vector.multi_reduction <add>, %convert_element_type3A_3223, %reduce_sum3A_3224 [1] : vector<1x128xi32> to vector<1xi32>
    %broadcast_in_dim3A_3226 = vector.shape_cast %reduce_sum3A_3225 : vector<1xi32> to vector<1x1xi32>
    %add3A_3227 = arith.addi %add3A_3205, %broadcast_in_dim3A_3226 : vector<1x1xi32>
    %broadcast_in_dim3A_3228 = vector.shape_cast %add3A_3227 : vector<1x1xi32> to vector<1x1xi32>
    %broadcast_in_dim3A_3229 = vector.broadcast %broadcast_in_dim3A_3228 : vector<1x1xi32> to vector<64x128xi32>
    %le3A_3230 = arith.cmpi sle, %broadcast_in_dim3A_3229, %add3A : vector<64x128xi32>
    %convert_element_type3A_3231 = arith.extui %le3A_3230 : vector<64x128xi1> to vector<64x128xi32>
    %add3A_3232 = arith.addi %add3A_3210, %convert_element_type3A_3231 : vector<64x128xi32>
    %broadcast_in_dim3A_3233 = vector.shape_cast %broadcast_in_dim3A_3226 : vector<1x1xi32> to vector<1x1xi32>
    %broadcast_in_dim3A_3234 = vector.broadcast %broadcast_in_dim3A_3233 : vector<1x1xi32> to vector<64x128xi32>
    %mul3A_3235 = arith.muli %broadcast_in_dim3A_3234, %convert_element_type3A_3231 : vector<64x128xi32>
    %add3A_3236 = arith.addi %add3A_3214, %mul3A_3235 : vector<64x128xi32>
    %get3A_3237 = arith.constant 147 : index
    %get3A_3238 = arith.constant 0 : index
    %get3A_3239 = arith.constant 0 : index
    %get3A_3240 = vector.load %arg0[%get3A_3237, %get3A_3238, %get3A_3239] : memref<256x1x128xf32, #tpu.memory_space<vmem>>, vector<1x1x128xf32>
    %get3A_3241 = vector.shape_cast %get3A_3240 : vector<1x1x128xf32> to vector<1x128xf32>
    %gt3A_3242 = arith.constant 0.000000e+00 : f32
    %gt3A_3243 = vector.broadcast %gt3A_3242 : f32 to vector<1x128xf32>
    %gt3A_3244 = arith.cmpf ogt, %get3A_3241, %gt3A_3243 : vector<1x128xf32>
    %convert_element_type3A_3245 = arith.extui %gt3A_3244 : vector<1x128xi1> to vector<1x128xi32>
    %reduce_sum3A_3246 = arith.constant dense<0> : vector<1xi32>
    %reduce_sum3A_3247 = vector.multi_reduction <add>, %convert_element_type3A_3245, %reduce_sum3A_3246 [1] : vector<1x128xi32> to vector<1xi32>
    %broadcast_in_dim3A_3248 = vector.shape_cast %reduce_sum3A_3247 : vector<1xi32> to vector<1x1xi32>
    %add3A_3249 = arith.addi %add3A_3227, %broadcast_in_dim3A_3248 : vector<1x1xi32>
    %broadcast_in_dim3A_3250 = vector.shape_cast %add3A_3249 : vector<1x1xi32> to vector<1x1xi32>
    %broadcast_in_dim3A_3251 = vector.broadcast %broadcast_in_dim3A_3250 : vector<1x1xi32> to vector<64x128xi32>
    %le3A_3252 = arith.cmpi sle, %broadcast_in_dim3A_3251, %add3A : vector<64x128xi32>
    %convert_element_type3A_3253 = arith.extui %le3A_3252 : vector<64x128xi1> to vector<64x128xi32>
    %add3A_3254 = arith.addi %add3A_3232, %convert_element_type3A_3253 : vector<64x128xi32>
    %broadcast_in_dim3A_3255 = vector.shape_cast %broadcast_in_dim3A_3248 : vector<1x1xi32> to vector<1x1xi32>
    %broadcast_in_dim3A_3256 = vector.broadcast %broadcast_in_dim3A_3255 : vector<1x1xi32> to vector<64x128xi32>
    %mul3A_3257 = arith.muli %broadcast_in_dim3A_3256, %convert_element_type3A_3253 : vector<64x128xi32>
    %add3A_3258 = arith.addi %add3A_3236, %mul3A_3257 : vector<64x128xi32>
    %get3A_3259 = arith.constant 148 : index
    %get3A_3260 = arith.constant 0 : index
    %get3A_3261 = arith.constant 0 : index
    %get3A_3262 = vector.load %arg0[%get3A_3259, %get3A_3260, %get3A_3261] : memref<256x1x128xf32, #tpu.memory_space<vmem>>, vector<1x1x128xf32>
    %get3A_3263 = vector.shape_cast %get3A_3262 : vector<1x1x128xf32> to vector<1x128xf32>
    %gt3A_3264 = arith.constant 0.000000e+00 : f32
    %gt3A_3265 = vector.broadcast %gt3A_3264 : f32 to vector<1x128xf32>
    %gt3A_3266 = arith.cmpf ogt, %get3A_3263, %gt3A_3265 : vector<1x128xf32>
    %convert_element_type3A_3267 = arith.extui %gt3A_3266 : vector<1x128xi1> to vector<1x128xi32>
    %reduce_sum3A_3268 = arith.constant dense<0> : vector<1xi32>
    %reduce_sum3A_3269 = vector.multi_reduction <add>, %convert_element_type3A_3267, %reduce_sum3A_3268 [1] : vector<1x128xi32> to vector<1xi32>
    %broadcast_in_dim3A_3270 = vector.shape_cast %reduce_sum3A_3269 : vector<1xi32> to vector<1x1xi32>
    %add3A_3271 = arith.addi %add3A_3249, %broadcast_in_dim3A_3270 : vector<1x1xi32>
    %broadcast_in_dim3A_3272 = vector.shape_cast %add3A_3271 : vector<1x1xi32> to vector<1x1xi32>
    %broadcast_in_dim3A_3273 = vector.broadcast %broadcast_in_dim3A_3272 : vector<1x1xi32> to vector<64x128xi32>
    %le3A_3274 = arith.cmpi sle, %broadcast_in_dim3A_3273, %add3A : vector<64x128xi32>
    %convert_element_type3A_3275 = arith.extui %le3A_3274 : vector<64x128xi1> to vector<64x128xi32>
    %add3A_3276 = arith.addi %add3A_3254, %convert_element_type3A_3275 : vector<64x128xi32>
    %broadcast_in_dim3A_3277 = vector.shape_cast %broadcast_in_dim3A_3270 : vector<1x1xi32> to vector<1x1xi32>
    %broadcast_in_dim3A_3278 = vector.broadcast %broadcast_in_dim3A_3277 : vector<1x1xi32> to vector<64x128xi32>
    %mul3A_3279 = arith.muli %broadcast_in_dim3A_3278, %convert_element_type3A_3275 : vector<64x128xi32>
    %add3A_3280 = arith.addi %add3A_3258, %mul3A_3279 : vector<64x128xi32>
    %get3A_3281 = arith.constant 149 : index
    %get3A_3282 = arith.constant 0 : index
    %get3A_3283 = arith.constant 0 : index
    %get3A_3284 = vector.load %arg0[%get3A_3281, %get3A_3282, %get3A_3283] : memref<256x1x128xf32, #tpu.memory_space<vmem>>, vector<1x1x128xf32>
    %get3A_3285 = vector.shape_cast %get3A_3284 : vector<1x1x128xf32> to vector<1x128xf32>
    %gt3A_3286 = arith.constant 0.000000e+00 : f32
    %gt3A_3287 = vector.broadcast %gt3A_3286 : f32 to vector<1x128xf32>
    %gt3A_3288 = arith.cmpf ogt, %get3A_3285, %gt3A_3287 : vector<1x128xf32>
    %convert_element_type3A_3289 = arith.extui %gt3A_3288 : vector<1x128xi1> to vector<1x128xi32>
    %reduce_sum3A_3290 = arith.constant dense<0> : vector<1xi32>
    %reduce_sum3A_3291 = vector.multi_reduction <add>, %convert_element_type3A_3289, %reduce_sum3A_3290 [1] : vector<1x128xi32> to vector<1xi32>
    %broadcast_in_dim3A_3292 = vector.shape_cast %reduce_sum3A_3291 : vector<1xi32> to vector<1x1xi32>
    %add3A_3293 = arith.addi %add3A_3271, %broadcast_in_dim3A_3292 : vector<1x1xi32>
    %broadcast_in_dim3A_3294 = vector.shape_cast %add3A_3293 : vector<1x1xi32> to vector<1x1xi32>
    %broadcast_in_dim3A_3295 = vector.broadcast %broadcast_in_dim3A_3294 : vector<1x1xi32> to vector<64x128xi32>
    %le3A_3296 = arith.cmpi sle, %broadcast_in_dim3A_3295, %add3A : vector<64x128xi32>
    %convert_element_type3A_3297 = arith.extui %le3A_3296 : vector<64x128xi1> to vector<64x128xi32>
    %add3A_3298 = arith.addi %add3A_3276, %convert_element_type3A_3297 : vector<64x128xi32>
    %broadcast_in_dim3A_3299 = vector.shape_cast %broadcast_in_dim3A_3292 : vector<1x1xi32> to vector<1x1xi32>
    %broadcast_in_dim3A_3300 = vector.broadcast %broadcast_in_dim3A_3299 : vector<1x1xi32> to vector<64x128xi32>
    %mul3A_3301 = arith.muli %broadcast_in_dim3A_3300, %convert_element_type3A_3297 : vector<64x128xi32>
    %add3A_3302 = arith.addi %add3A_3280, %mul3A_3301 : vector<64x128xi32>
    %get3A_3303 = arith.constant 150 : index
    %get3A_3304 = arith.constant 0 : index
    %get3A_3305 = arith.constant 0 : index
    %get3A_3306 = vector.load %arg0[%get3A_3303, %get3A_3304, %get3A_3305] : memref<256x1x128xf32, #tpu.memory_space<vmem>>, vector<1x1x128xf32>
    %get3A_3307 = vector.shape_cast %get3A_3306 : vector<1x1x128xf32> to vector<1x128xf32>
    %gt3A_3308 = arith.constant 0.000000e+00 : f32
    %gt3A_3309 = vector.broadcast %gt3A_3308 : f32 to vector<1x128xf32>
    %gt3A_3310 = arith.cmpf ogt, %get3A_3307, %gt3A_3309 : vector<1x128xf32>
    %convert_element_type3A_3311 = arith.extui %gt3A_3310 : vector<1x128xi1> to vector<1x128xi32>
    %reduce_sum3A_3312 = arith.constant dense<0> : vector<1xi32>
    %reduce_sum3A_3313 = vector.multi_reduction <add>, %convert_element_type3A_3311, %reduce_sum3A_3312 [1] : vector<1x128xi32> to vector<1xi32>
    %broadcast_in_dim3A_3314 = vector.shape_cast %reduce_sum3A_3313 : vector<1xi32> to vector<1x1xi32>
    %add3A_3315 = arith.addi %add3A_3293, %broadcast_in_dim3A_3314 : vector<1x1xi32>
    %broadcast_in_dim3A_3316 = vector.shape_cast %add3A_3315 : vector<1x1xi32> to vector<1x1xi32>
    %broadcast_in_dim3A_3317 = vector.broadcast %broadcast_in_dim3A_3316 : vector<1x1xi32> to vector<64x128xi32>
    %le3A_3318 = arith.cmpi sle, %broadcast_in_dim3A_3317, %add3A : vector<64x128xi32>
    %convert_element_type3A_3319 = arith.extui %le3A_3318 : vector<64x128xi1> to vector<64x128xi32>
    %add3A_3320 = arith.addi %add3A_3298, %convert_element_type3A_3319 : vector<64x128xi32>
    %broadcast_in_dim3A_3321 = vector.shape_cast %broadcast_in_dim3A_3314 : vector<1x1xi32> to vector<1x1xi32>
    %broadcast_in_dim3A_3322 = vector.broadcast %broadcast_in_dim3A_3321 : vector<1x1xi32> to vector<64x128xi32>
    %mul3A_3323 = arith.muli %broadcast_in_dim3A_3322, %convert_element_type3A_3319 : vector<64x128xi32>
    %add3A_3324 = arith.addi %add3A_3302, %mul3A_3323 : vector<64x128xi32>
    %get3A_3325 = arith.constant 151 : index
    %get3A_3326 = arith.constant 0 : index
    %get3A_3327 = arith.constant 0 : index
    %get3A_3328 = vector.load %arg0[%get3A_3325, %get3A_3326, %get3A_3327] : memref<256x1x128xf32, #tpu.memory_space<vmem>>, vector<1x1x128xf32>
    %get3A_3329 = vector.shape_cast %get3A_3328 : vector<1x1x128xf32> to vector<1x128xf32>
    %gt3A_3330 = arith.constant 0.000000e+00 : f32
    %gt3A_3331 = vector.broadcast %gt3A_3330 : f32 to vector<1x128xf32>
    %gt3A_3332 = arith.cmpf ogt, %get3A_3329, %gt3A_3331 : vector<1x128xf32>
    %convert_element_type3A_3333 = arith.extui %gt3A_3332 : vector<1x128xi1> to vector<1x128xi32>
    %reduce_sum3A_3334 = arith.constant dense<0> : vector<1xi32>
    %reduce_sum3A_3335 = vector.multi_reduction <add>, %convert_element_type3A_3333, %reduce_sum3A_3334 [1] : vector<1x128xi32> to vector<1xi32>
    %broadcast_in_dim3A_3336 = vector.shape_cast %reduce_sum3A_3335 : vector<1xi32> to vector<1x1xi32>
    %add3A_3337 = arith.addi %add3A_3315, %broadcast_in_dim3A_3336 : vector<1x1xi32>
    %broadcast_in_dim3A_3338 = vector.shape_cast %add3A_3337 : vector<1x1xi32> to vector<1x1xi32>
    %broadcast_in_dim3A_3339 = vector.broadcast %broadcast_in_dim3A_3338 : vector<1x1xi32> to vector<64x128xi32>
    %le3A_3340 = arith.cmpi sle, %broadcast_in_dim3A_3339, %add3A : vector<64x128xi32>
    %convert_element_type3A_3341 = arith.extui %le3A_3340 : vector<64x128xi1> to vector<64x128xi32>
    %add3A_3342 = arith.addi %add3A_3320, %convert_element_type3A_3341 : vector<64x128xi32>
    %broadcast_in_dim3A_3343 = vector.shape_cast %broadcast_in_dim3A_3336 : vector<1x1xi32> to vector<1x1xi32>
    %broadcast_in_dim3A_3344 = vector.broadcast %broadcast_in_dim3A_3343 : vector<1x1xi32> to vector<64x128xi32>
    %mul3A_3345 = arith.muli %broadcast_in_dim3A_3344, %convert_element_type3A_3341 : vector<64x128xi32>
    %add3A_3346 = arith.addi %add3A_3324, %mul3A_3345 : vector<64x128xi32>
    %get3A_3347 = arith.constant 152 : index
    %get3A_3348 = arith.constant 0 : index
    %get3A_3349 = arith.constant 0 : index
    %get3A_3350 = vector.load %arg0[%get3A_3347, %get3A_3348, %get3A_3349] : memref<256x1x128xf32, #tpu.memory_space<vmem>>, vector<1x1x128xf32>
    %get3A_3351 = vector.shape_cast %get3A_3350 : vector<1x1x128xf32> to vector<1x128xf32>
    %gt3A_3352 = arith.constant 0.000000e+00 : f32
    %gt3A_3353 = vector.broadcast %gt3A_3352 : f32 to vector<1x128xf32>
    %gt3A_3354 = arith.cmpf ogt, %get3A_3351, %gt3A_3353 : vector<1x128xf32>
    %convert_element_type3A_3355 = arith.extui %gt3A_3354 : vector<1x128xi1> to vector<1x128xi32>
    %reduce_sum3A_3356 = arith.constant dense<0> : vector<1xi32>
    %reduce_sum3A_3357 = vector.multi_reduction <add>, %convert_element_type3A_3355, %reduce_sum3A_3356 [1] : vector<1x128xi32> to vector<1xi32>
    %broadcast_in_dim3A_3358 = vector.shape_cast %reduce_sum3A_3357 : vector<1xi32> to vector<1x1xi32>
    %add3A_3359 = arith.addi %add3A_3337, %broadcast_in_dim3A_3358 : vector<1x1xi32>
    %broadcast_in_dim3A_3360 = vector.shape_cast %add3A_3359 : vector<1x1xi32> to vector<1x1xi32>
    %broadcast_in_dim3A_3361 = vector.broadcast %broadcast_in_dim3A_3360 : vector<1x1xi32> to vector<64x128xi32>
    %le3A_3362 = arith.cmpi sle, %broadcast_in_dim3A_3361, %add3A : vector<64x128xi32>
    %convert_element_type3A_3363 = arith.extui %le3A_3362 : vector<64x128xi1> to vector<64x128xi32>
    %add3A_3364 = arith.addi %add3A_3342, %convert_element_type3A_3363 : vector<64x128xi32>
    %broadcast_in_dim3A_3365 = vector.shape_cast %broadcast_in_dim3A_3358 : vector<1x1xi32> to vector<1x1xi32>
    %broadcast_in_dim3A_3366 = vector.broadcast %broadcast_in_dim3A_3365 : vector<1x1xi32> to vector<64x128xi32>
    %mul3A_3367 = arith.muli %broadcast_in_dim3A_3366, %convert_element_type3A_3363 : vector<64x128xi32>
    %add3A_3368 = arith.addi %add3A_3346, %mul3A_3367 : vector<64x128xi32>
    %get3A_3369 = arith.constant 153 : index
    %get3A_3370 = arith.constant 0 : index
    %get3A_3371 = arith.constant 0 : index
    %get3A_3372 = vector.load %arg0[%get3A_3369, %get3A_3370, %get3A_3371] : memref<256x1x128xf32, #tpu.memory_space<vmem>>, vector<1x1x128xf32>
    %get3A_3373 = vector.shape_cast %get3A_3372 : vector<1x1x128xf32> to vector<1x128xf32>
    %gt3A_3374 = arith.constant 0.000000e+00 : f32
    %gt3A_3375 = vector.broadcast %gt3A_3374 : f32 to vector<1x128xf32>
    %gt3A_3376 = arith.cmpf ogt, %get3A_3373, %gt3A_3375 : vector<1x128xf32>
    %convert_element_type3A_3377 = arith.extui %gt3A_3376 : vector<1x128xi1> to vector<1x128xi32>
    %reduce_sum3A_3378 = arith.constant dense<0> : vector<1xi32>
    %reduce_sum3A_3379 = vector.multi_reduction <add>, %convert_element_type3A_3377, %reduce_sum3A_3378 [1] : vector<1x128xi32> to vector<1xi32>
    %broadcast_in_dim3A_3380 = vector.shape_cast %reduce_sum3A_3379 : vector<1xi32> to vector<1x1xi32>
    %add3A_3381 = arith.addi %add3A_3359, %broadcast_in_dim3A_3380 : vector<1x1xi32>
    %broadcast_in_dim3A_3382 = vector.shape_cast %add3A_3381 : vector<1x1xi32> to vector<1x1xi32>
    %broadcast_in_dim3A_3383 = vector.broadcast %broadcast_in_dim3A_3382 : vector<1x1xi32> to vector<64x128xi32>
    %le3A_3384 = arith.cmpi sle, %broadcast_in_dim3A_3383, %add3A : vector<64x128xi32>
    %convert_element_type3A_3385 = arith.extui %le3A_3384 : vector<64x128xi1> to vector<64x128xi32>
    %add3A_3386 = arith.addi %add3A_3364, %convert_element_type3A_3385 : vector<64x128xi32>
    %broadcast_in_dim3A_3387 = vector.shape_cast %broadcast_in_dim3A_3380 : vector<1x1xi32> to vector<1x1xi32>
    %broadcast_in_dim3A_3388 = vector.broadcast %broadcast_in_dim3A_3387 : vector<1x1xi32> to vector<64x128xi32>
    %mul3A_3389 = arith.muli %broadcast_in_dim3A_3388, %convert_element_type3A_3385 : vector<64x128xi32>
    %add3A_3390 = arith.addi %add3A_3368, %mul3A_3389 : vector<64x128xi32>
    %get3A_3391 = arith.constant 154 : index
    %get3A_3392 = arith.constant 0 : index
    %get3A_3393 = arith.constant 0 : index
    %get3A_3394 = vector.load %arg0[%get3A_3391, %get3A_3392, %get3A_3393] : memref<256x1x128xf32, #tpu.memory_space<vmem>>, vector<1x1x128xf32>
    %get3A_3395 = vector.shape_cast %get3A_3394 : vector<1x1x128xf32> to vector<1x128xf32>
    %gt3A_3396 = arith.constant 0.000000e+00 : f32
    %gt3A_3397 = vector.broadcast %gt3A_3396 : f32 to vector<1x128xf32>
    %gt3A_3398 = arith.cmpf ogt, %get3A_3395, %gt3A_3397 : vector<1x128xf32>
    %convert_element_type3A_3399 = arith.extui %gt3A_3398 : vector<1x128xi1> to vector<1x128xi32>
    %reduce_sum3A_3400 = arith.constant dense<0> : vector<1xi32>
    %reduce_sum3A_3401 = vector.multi_reduction <add>, %convert_element_type3A_3399, %reduce_sum3A_3400 [1] : vector<1x128xi32> to vector<1xi32>
    %broadcast_in_dim3A_3402 = vector.shape_cast %reduce_sum3A_3401 : vector<1xi32> to vector<1x1xi32>
    %add3A_3403 = arith.addi %add3A_3381, %broadcast_in_dim3A_3402 : vector<1x1xi32>
    %broadcast_in_dim3A_3404 = vector.shape_cast %add3A_3403 : vector<1x1xi32> to vector<1x1xi32>
    %broadcast_in_dim3A_3405 = vector.broadcast %broadcast_in_dim3A_3404 : vector<1x1xi32> to vector<64x128xi32>
    %le3A_3406 = arith.cmpi sle, %broadcast_in_dim3A_3405, %add3A : vector<64x128xi32>
    %convert_element_type3A_3407 = arith.extui %le3A_3406 : vector<64x128xi1> to vector<64x128xi32>
    %add3A_3408 = arith.addi %add3A_3386, %convert_element_type3A_3407 : vector<64x128xi32>
    %broadcast_in_dim3A_3409 = vector.shape_cast %broadcast_in_dim3A_3402 : vector<1x1xi32> to vector<1x1xi32>
    %broadcast_in_dim3A_3410 = vector.broadcast %broadcast_in_dim3A_3409 : vector<1x1xi32> to vector<64x128xi32>
    %mul3A_3411 = arith.muli %broadcast_in_dim3A_3410, %convert_element_type3A_3407 : vector<64x128xi32>
    %add3A_3412 = arith.addi %add3A_3390, %mul3A_3411 : vector<64x128xi32>
    %get3A_3413 = arith.constant 155 : index
    %get3A_3414 = arith.constant 0 : index
    %get3A_3415 = arith.constant 0 : index
    %get3A_3416 = vector.load %arg0[%get3A_3413, %get3A_3414, %get3A_3415] : memref<256x1x128xf32, #tpu.memory_space<vmem>>, vector<1x1x128xf32>
    %get3A_3417 = vector.shape_cast %get3A_3416 : vector<1x1x128xf32> to vector<1x128xf32>
    %gt3A_3418 = arith.constant 0.000000e+00 : f32
    %gt3A_3419 = vector.broadcast %gt3A_3418 : f32 to vector<1x128xf32>
    %gt3A_3420 = arith.cmpf ogt, %get3A_3417, %gt3A_3419 : vector<1x128xf32>
    %convert_element_type3A_3421 = arith.extui %gt3A_3420 : vector<1x128xi1> to vector<1x128xi32>
    %reduce_sum3A_3422 = arith.constant dense<0> : vector<1xi32>
    %reduce_sum3A_3423 = vector.multi_reduction <add>, %convert_element_type3A_3421, %reduce_sum3A_3422 [1] : vector<1x128xi32> to vector<1xi32>
    %broadcast_in_dim3A_3424 = vector.shape_cast %reduce_sum3A_3423 : vector<1xi32> to vector<1x1xi32>
    %add3A_3425 = arith.addi %add3A_3403, %broadcast_in_dim3A_3424 : vector<1x1xi32>
    %broadcast_in_dim3A_3426 = vector.shape_cast %add3A_3425 : vector<1x1xi32> to vector<1x1xi32>
    %broadcast_in_dim3A_3427 = vector.broadcast %broadcast_in_dim3A_3426 : vector<1x1xi32> to vector<64x128xi32>
    %le3A_3428 = arith.cmpi sle, %broadcast_in_dim3A_3427, %add3A : vector<64x128xi32>
    %convert_element_type3A_3429 = arith.extui %le3A_3428 : vector<64x128xi1> to vector<64x128xi32>
    %add3A_3430 = arith.addi %add3A_3408, %convert_element_type3A_3429 : vector<64x128xi32>
    %broadcast_in_dim3A_3431 = vector.shape_cast %broadcast_in_dim3A_3424 : vector<1x1xi32> to vector<1x1xi32>
    %broadcast_in_dim3A_3432 = vector.broadcast %broadcast_in_dim3A_3431 : vector<1x1xi32> to vector<64x128xi32>
    %mul3A_3433 = arith.muli %broadcast_in_dim3A_3432, %convert_element_type3A_3429 : vector<64x128xi32>
    %add3A_3434 = arith.addi %add3A_3412, %mul3A_3433 : vector<64x128xi32>
    %get3A_3435 = arith.constant 156 : index
    %get3A_3436 = arith.constant 0 : index
    %get3A_3437 = arith.constant 0 : index
    %get3A_3438 = vector.load %arg0[%get3A_3435, %get3A_3436, %get3A_3437] : memref<256x1x128xf32, #tpu.memory_space<vmem>>, vector<1x1x128xf32>
    %get3A_3439 = vector.shape_cast %get3A_3438 : vector<1x1x128xf32> to vector<1x128xf32>
    %gt3A_3440 = arith.constant 0.000000e+00 : f32
    %gt3A_3441 = vector.broadcast %gt3A_3440 : f32 to vector<1x128xf32>
    %gt3A_3442 = arith.cmpf ogt, %get3A_3439, %gt3A_3441 : vector<1x128xf32>
    %convert_element_type3A_3443 = arith.extui %gt3A_3442 : vector<1x128xi1> to vector<1x128xi32>
    %reduce_sum3A_3444 = arith.constant dense<0> : vector<1xi32>
    %reduce_sum3A_3445 = vector.multi_reduction <add>, %convert_element_type3A_3443, %reduce_sum3A_3444 [1] : vector<1x128xi32> to vector<1xi32>
    %broadcast_in_dim3A_3446 = vector.shape_cast %reduce_sum3A_3445 : vector<1xi32> to vector<1x1xi32>
    %add3A_3447 = arith.addi %add3A_3425, %broadcast_in_dim3A_3446 : vector<1x1xi32>
    %broadcast_in_dim3A_3448 = vector.shape_cast %add3A_3447 : vector<1x1xi32> to vector<1x1xi32>
    %broadcast_in_dim3A_3449 = vector.broadcast %broadcast_in_dim3A_3448 : vector<1x1xi32> to vector<64x128xi32>
    %le3A_3450 = arith.cmpi sle, %broadcast_in_dim3A_3449, %add3A : vector<64x128xi32>
    %convert_element_type3A_3451 = arith.extui %le3A_3450 : vector<64x128xi1> to vector<64x128xi32>
    %add3A_3452 = arith.addi %add3A_3430, %convert_element_type3A_3451 : vector<64x128xi32>
    %broadcast_in_dim3A_3453 = vector.shape_cast %broadcast_in_dim3A_3446 : vector<1x1xi32> to vector<1x1xi32>
    %broadcast_in_dim3A_3454 = vector.broadcast %broadcast_in_dim3A_3453 : vector<1x1xi32> to vector<64x128xi32>
    %mul3A_3455 = arith.muli %broadcast_in_dim3A_3454, %convert_element_type3A_3451 : vector<64x128xi32>
    %add3A_3456 = arith.addi %add3A_3434, %mul3A_3455 : vector<64x128xi32>
    %get3A_3457 = arith.constant 157 : index
    %get3A_3458 = arith.constant 0 : index
    %get3A_3459 = arith.constant 0 : index
    %get3A_3460 = vector.load %arg0[%get3A_3457, %get3A_3458, %get3A_3459] : memref<256x1x128xf32, #tpu.memory_space<vmem>>, vector<1x1x128xf32>
    %get3A_3461 = vector.shape_cast %get3A_3460 : vector<1x1x128xf32> to vector<1x128xf32>
    %gt3A_3462 = arith.constant 0.000000e+00 : f32
    %gt3A_3463 = vector.broadcast %gt3A_3462 : f32 to vector<1x128xf32>
    %gt3A_3464 = arith.cmpf ogt, %get3A_3461, %gt3A_3463 : vector<1x128xf32>
    %convert_element_type3A_3465 = arith.extui %gt3A_3464 : vector<1x128xi1> to vector<1x128xi32>
    %reduce_sum3A_3466 = arith.constant dense<0> : vector<1xi32>
    %reduce_sum3A_3467 = vector.multi_reduction <add>, %convert_element_type3A_3465, %reduce_sum3A_3466 [1] : vector<1x128xi32> to vector<1xi32>
    %broadcast_in_dim3A_3468 = vector.shape_cast %reduce_sum3A_3467 : vector<1xi32> to vector<1x1xi32>
    %add3A_3469 = arith.addi %add3A_3447, %broadcast_in_dim3A_3468 : vector<1x1xi32>
    %broadcast_in_dim3A_3470 = vector.shape_cast %add3A_3469 : vector<1x1xi32> to vector<1x1xi32>
    %broadcast_in_dim3A_3471 = vector.broadcast %broadcast_in_dim3A_3470 : vector<1x1xi32> to vector<64x128xi32>
    %le3A_3472 = arith.cmpi sle, %broadcast_in_dim3A_3471, %add3A : vector<64x128xi32>
    %convert_element_type3A_3473 = arith.extui %le3A_3472 : vector<64x128xi1> to vector<64x128xi32>
    %add3A_3474 = arith.addi %add3A_3452, %convert_element_type3A_3473 : vector<64x128xi32>
    %broadcast_in_dim3A_3475 = vector.shape_cast %broadcast_in_dim3A_3468 : vector<1x1xi32> to vector<1x1xi32>
    %broadcast_in_dim3A_3476 = vector.broadcast %broadcast_in_dim3A_3475 : vector<1x1xi32> to vector<64x128xi32>
    %mul3A_3477 = arith.muli %broadcast_in_dim3A_3476, %convert_element_type3A_3473 : vector<64x128xi32>
    %add3A_3478 = arith.addi %add3A_3456, %mul3A_3477 : vector<64x128xi32>
    %get3A_3479 = arith.constant 158 : index
    %get3A_3480 = arith.constant 0 : index
    %get3A_3481 = arith.constant 0 : index
    %get3A_3482 = vector.load %arg0[%get3A_3479, %get3A_3480, %get3A_3481] : memref<256x1x128xf32, #tpu.memory_space<vmem>>, vector<1x1x128xf32>
    %get3A_3483 = vector.shape_cast %get3A_3482 : vector<1x1x128xf32> to vector<1x128xf32>
    %gt3A_3484 = arith.constant 0.000000e+00 : f32
    %gt3A_3485 = vector.broadcast %gt3A_3484 : f32 to vector<1x128xf32>
    %gt3A_3486 = arith.cmpf ogt, %get3A_3483, %gt3A_3485 : vector<1x128xf32>
    %convert_element_type3A_3487 = arith.extui %gt3A_3486 : vector<1x128xi1> to vector<1x128xi32>
    %reduce_sum3A_3488 = arith.constant dense<0> : vector<1xi32>
    %reduce_sum3A_3489 = vector.multi_reduction <add>, %convert_element_type3A_3487, %reduce_sum3A_3488 [1] : vector<1x128xi32> to vector<1xi32>
    %broadcast_in_dim3A_3490 = vector.shape_cast %reduce_sum3A_3489 : vector<1xi32> to vector<1x1xi32>
    %add3A_3491 = arith.addi %add3A_3469, %broadcast_in_dim3A_3490 : vector<1x1xi32>
    %broadcast_in_dim3A_3492 = vector.shape_cast %add3A_3491 : vector<1x1xi32> to vector<1x1xi32>
    %broadcast_in_dim3A_3493 = vector.broadcast %broadcast_in_dim3A_3492 : vector<1x1xi32> to vector<64x128xi32>
    %le3A_3494 = arith.cmpi sle, %broadcast_in_dim3A_3493, %add3A : vector<64x128xi32>
    %convert_element_type3A_3495 = arith.extui %le3A_3494 : vector<64x128xi1> to vector<64x128xi32>
    %add3A_3496 = arith.addi %add3A_3474, %convert_element_type3A_3495 : vector<64x128xi32>
    %broadcast_in_dim3A_3497 = vector.shape_cast %broadcast_in_dim3A_3490 : vector<1x1xi32> to vector<1x1xi32>
    %broadcast_in_dim3A_3498 = vector.broadcast %broadcast_in_dim3A_3497 : vector<1x1xi32> to vector<64x128xi32>
    %mul3A_3499 = arith.muli %broadcast_in_dim3A_3498, %convert_element_type3A_3495 : vector<64x128xi32>
    %add3A_3500 = arith.addi %add3A_3478, %mul3A_3499 : vector<64x128xi32>
    %get3A_3501 = arith.constant 159 : index
    %get3A_3502 = arith.constant 0 : index
    %get3A_3503 = arith.constant 0 : index
    %get3A_3504 = vector.load %arg0[%get3A_3501, %get3A_3502, %get3A_3503] : memref<256x1x128xf32, #tpu.memory_space<vmem>>, vector<1x1x128xf32>
    %get3A_3505 = vector.shape_cast %get3A_3504 : vector<1x1x128xf32> to vector<1x128xf32>
    %gt3A_3506 = arith.constant 0.000000e+00 : f32
    %gt3A_3507 = vector.broadcast %gt3A_3506 : f32 to vector<1x128xf32>
    %gt3A_3508 = arith.cmpf ogt, %get3A_3505, %gt3A_3507 : vector<1x128xf32>
    %convert_element_type3A_3509 = arith.extui %gt3A_3508 : vector<1x128xi1> to vector<1x128xi32>
    %reduce_sum3A_3510 = arith.constant dense<0> : vector<1xi32>
    %reduce_sum3A_3511 = vector.multi_reduction <add>, %convert_element_type3A_3509, %reduce_sum3A_3510 [1] : vector<1x128xi32> to vector<1xi32>
    %broadcast_in_dim3A_3512 = vector.shape_cast %reduce_sum3A_3511 : vector<1xi32> to vector<1x1xi32>
    %add3A_3513 = arith.addi %add3A_3491, %broadcast_in_dim3A_3512 : vector<1x1xi32>
    %broadcast_in_dim3A_3514 = vector.shape_cast %add3A_3513 : vector<1x1xi32> to vector<1x1xi32>
    %broadcast_in_dim3A_3515 = vector.broadcast %broadcast_in_dim3A_3514 : vector<1x1xi32> to vector<64x128xi32>
    %le3A_3516 = arith.cmpi sle, %broadcast_in_dim3A_3515, %add3A : vector<64x128xi32>
    %convert_element_type3A_3517 = arith.extui %le3A_3516 : vector<64x128xi1> to vector<64x128xi32>
    %add3A_3518 = arith.addi %add3A_3496, %convert_element_type3A_3517 : vector<64x128xi32>
    %broadcast_in_dim3A_3519 = vector.shape_cast %broadcast_in_dim3A_3512 : vector<1x1xi32> to vector<1x1xi32>
    %broadcast_in_dim3A_3520 = vector.broadcast %broadcast_in_dim3A_3519 : vector<1x1xi32> to vector<64x128xi32>
    %mul3A_3521 = arith.muli %broadcast_in_dim3A_3520, %convert_element_type3A_3517 : vector<64x128xi32>
    %add3A_3522 = arith.addi %add3A_3500, %mul3A_3521 : vector<64x128xi32>
    %get3A_3523 = arith.constant 160 : index
    %get3A_3524 = arith.constant 0 : index
    %get3A_3525 = arith.constant 0 : index
    %get3A_3526 = vector.load %arg0[%get3A_3523, %get3A_3524, %get3A_3525] : memref<256x1x128xf32, #tpu.memory_space<vmem>>, vector<1x1x128xf32>
    %get3A_3527 = vector.shape_cast %get3A_3526 : vector<1x1x128xf32> to vector<1x128xf32>
    %gt3A_3528 = arith.constant 0.000000e+00 : f32
    %gt3A_3529 = vector.broadcast %gt3A_3528 : f32 to vector<1x128xf32>
    %gt3A_3530 = arith.cmpf ogt, %get3A_3527, %gt3A_3529 : vector<1x128xf32>
    %convert_element_type3A_3531 = arith.extui %gt3A_3530 : vector<1x128xi1> to vector<1x128xi32>
    %reduce_sum3A_3532 = arith.constant dense<0> : vector<1xi32>
    %reduce_sum3A_3533 = vector.multi_reduction <add>, %convert_element_type3A_3531, %reduce_sum3A_3532 [1] : vector<1x128xi32> to vector<1xi32>
    %broadcast_in_dim3A_3534 = vector.shape_cast %reduce_sum3A_3533 : vector<1xi32> to vector<1x1xi32>
    %add3A_3535 = arith.addi %add3A_3513, %broadcast_in_dim3A_3534 : vector<1x1xi32>
    %broadcast_in_dim3A_3536 = vector.shape_cast %add3A_3535 : vector<1x1xi32> to vector<1x1xi32>
    %broadcast_in_dim3A_3537 = vector.broadcast %broadcast_in_dim3A_3536 : vector<1x1xi32> to vector<64x128xi32>
    %le3A_3538 = arith.cmpi sle, %broadcast_in_dim3A_3537, %add3A : vector<64x128xi32>
    %convert_element_type3A_3539 = arith.extui %le3A_3538 : vector<64x128xi1> to vector<64x128xi32>
    %add3A_3540 = arith.addi %add3A_3518, %convert_element_type3A_3539 : vector<64x128xi32>
    %broadcast_in_dim3A_3541 = vector.shape_cast %broadcast_in_dim3A_3534 : vector<1x1xi32> to vector<1x1xi32>
    %broadcast_in_dim3A_3542 = vector.broadcast %broadcast_in_dim3A_3541 : vector<1x1xi32> to vector<64x128xi32>
    %mul3A_3543 = arith.muli %broadcast_in_dim3A_3542, %convert_element_type3A_3539 : vector<64x128xi32>
    %add3A_3544 = arith.addi %add3A_3522, %mul3A_3543 : vector<64x128xi32>
    %get3A_3545 = arith.constant 161 : index
    %get3A_3546 = arith.constant 0 : index
    %get3A_3547 = arith.constant 0 : index
    %get3A_3548 = vector.load %arg0[%get3A_3545, %get3A_3546, %get3A_3547] : memref<256x1x128xf32, #tpu.memory_space<vmem>>, vector<1x1x128xf32>
    %get3A_3549 = vector.shape_cast %get3A_3548 : vector<1x1x128xf32> to vector<1x128xf32>
    %gt3A_3550 = arith.constant 0.000000e+00 : f32
    %gt3A_3551 = vector.broadcast %gt3A_3550 : f32 to vector<1x128xf32>
    %gt3A_3552 = arith.cmpf ogt, %get3A_3549, %gt3A_3551 : vector<1x128xf32>
    %convert_element_type3A_3553 = arith.extui %gt3A_3552 : vector<1x128xi1> to vector<1x128xi32>
    %reduce_sum3A_3554 = arith.constant dense<0> : vector<1xi32>
    %reduce_sum3A_3555 = vector.multi_reduction <add>, %convert_element_type3A_3553, %reduce_sum3A_3554 [1] : vector<1x128xi32> to vector<1xi32>
    %broadcast_in_dim3A_3556 = vector.shape_cast %reduce_sum3A_3555 : vector<1xi32> to vector<1x1xi32>
    %add3A_3557 = arith.addi %add3A_3535, %broadcast_in_dim3A_3556 : vector<1x1xi32>
    %broadcast_in_dim3A_3558 = vector.shape_cast %add3A_3557 : vector<1x1xi32> to vector<1x1xi32>
    %broadcast_in_dim3A_3559 = vector.broadcast %broadcast_in_dim3A_3558 : vector<1x1xi32> to vector<64x128xi32>
    %le3A_3560 = arith.cmpi sle, %broadcast_in_dim3A_3559, %add3A : vector<64x128xi32>
    %convert_element_type3A_3561 = arith.extui %le3A_3560 : vector<64x128xi1> to vector<64x128xi32>
    %add3A_3562 = arith.addi %add3A_3540, %convert_element_type3A_3561 : vector<64x128xi32>
    %broadcast_in_dim3A_3563 = vector.shape_cast %broadcast_in_dim3A_3556 : vector<1x1xi32> to vector<1x1xi32>
    %broadcast_in_dim3A_3564 = vector.broadcast %broadcast_in_dim3A_3563 : vector<1x1xi32> to vector<64x128xi32>
    %mul3A_3565 = arith.muli %broadcast_in_dim3A_3564, %convert_element_type3A_3561 : vector<64x128xi32>
    %add3A_3566 = arith.addi %add3A_3544, %mul3A_3565 : vector<64x128xi32>
    %get3A_3567 = arith.constant 162 : index
    %get3A_3568 = arith.constant 0 : index
    %get3A_3569 = arith.constant 0 : index
    %get3A_3570 = vector.load %arg0[%get3A_3567, %get3A_3568, %get3A_3569] : memref<256x1x128xf32, #tpu.memory_space<vmem>>, vector<1x1x128xf32>
    %get3A_3571 = vector.shape_cast %get3A_3570 : vector<1x1x128xf32> to vector<1x128xf32>
    %gt3A_3572 = arith.constant 0.000000e+00 : f32
    %gt3A_3573 = vector.broadcast %gt3A_3572 : f32 to vector<1x128xf32>
    %gt3A_3574 = arith.cmpf ogt, %get3A_3571, %gt3A_3573 : vector<1x128xf32>
    %convert_element_type3A_3575 = arith.extui %gt3A_3574 : vector<1x128xi1> to vector<1x128xi32>
    %reduce_sum3A_3576 = arith.constant dense<0> : vector<1xi32>
    %reduce_sum3A_3577 = vector.multi_reduction <add>, %convert_element_type3A_3575, %reduce_sum3A_3576 [1] : vector<1x128xi32> to vector<1xi32>
    %broadcast_in_dim3A_3578 = vector.shape_cast %reduce_sum3A_3577 : vector<1xi32> to vector<1x1xi32>
    %add3A_3579 = arith.addi %add3A_3557, %broadcast_in_dim3A_3578 : vector<1x1xi32>
    %broadcast_in_dim3A_3580 = vector.shape_cast %add3A_3579 : vector<1x1xi32> to vector<1x1xi32>
    %broadcast_in_dim3A_3581 = vector.broadcast %broadcast_in_dim3A_3580 : vector<1x1xi32> to vector<64x128xi32>
    %le3A_3582 = arith.cmpi sle, %broadcast_in_dim3A_3581, %add3A : vector<64x128xi32>
    %convert_element_type3A_3583 = arith.extui %le3A_3582 : vector<64x128xi1> to vector<64x128xi32>
    %add3A_3584 = arith.addi %add3A_3562, %convert_element_type3A_3583 : vector<64x128xi32>
    %broadcast_in_dim3A_3585 = vector.shape_cast %broadcast_in_dim3A_3578 : vector<1x1xi32> to vector<1x1xi32>
    %broadcast_in_dim3A_3586 = vector.broadcast %broadcast_in_dim3A_3585 : vector<1x1xi32> to vector<64x128xi32>
    %mul3A_3587 = arith.muli %broadcast_in_dim3A_3586, %convert_element_type3A_3583 : vector<64x128xi32>
    %add3A_3588 = arith.addi %add3A_3566, %mul3A_3587 : vector<64x128xi32>
    %get3A_3589 = arith.constant 163 : index
    %get3A_3590 = arith.constant 0 : index
    %get3A_3591 = arith.constant 0 : index
    %get3A_3592 = vector.load %arg0[%get3A_3589, %get3A_3590, %get3A_3591] : memref<256x1x128xf32, #tpu.memory_space<vmem>>, vector<1x1x128xf32>
    %get3A_3593 = vector.shape_cast %get3A_3592 : vector<1x1x128xf32> to vector<1x128xf32>
    %gt3A_3594 = arith.constant 0.000000e+00 : f32
    %gt3A_3595 = vector.broadcast %gt3A_3594 : f32 to vector<1x128xf32>
    %gt3A_3596 = arith.cmpf ogt, %get3A_3593, %gt3A_3595 : vector<1x128xf32>
    %convert_element_type3A_3597 = arith.extui %gt3A_3596 : vector<1x128xi1> to vector<1x128xi32>
    %reduce_sum3A_3598 = arith.constant dense<0> : vector<1xi32>
    %reduce_sum3A_3599 = vector.multi_reduction <add>, %convert_element_type3A_3597, %reduce_sum3A_3598 [1] : vector<1x128xi32> to vector<1xi32>
    %broadcast_in_dim3A_3600 = vector.shape_cast %reduce_sum3A_3599 : vector<1xi32> to vector<1x1xi32>
    %add3A_3601 = arith.addi %add3A_3579, %broadcast_in_dim3A_3600 : vector<1x1xi32>
    %broadcast_in_dim3A_3602 = vector.shape_cast %add3A_3601 : vector<1x1xi32> to vector<1x1xi32>
    %broadcast_in_dim3A_3603 = vector.broadcast %broadcast_in_dim3A_3602 : vector<1x1xi32> to vector<64x128xi32>
    %le3A_3604 = arith.cmpi sle, %broadcast_in_dim3A_3603, %add3A : vector<64x128xi32>
    %convert_element_type3A_3605 = arith.extui %le3A_3604 : vector<64x128xi1> to vector<64x128xi32>
    %add3A_3606 = arith.addi %add3A_3584, %convert_element_type3A_3605 : vector<64x128xi32>
    %broadcast_in_dim3A_3607 = vector.shape_cast %broadcast_in_dim3A_3600 : vector<1x1xi32> to vector<1x1xi32>
    %broadcast_in_dim3A_3608 = vector.broadcast %broadcast_in_dim3A_3607 : vector<1x1xi32> to vector<64x128xi32>
    %mul3A_3609 = arith.muli %broadcast_in_dim3A_3608, %convert_element_type3A_3605 : vector<64x128xi32>
    %add3A_3610 = arith.addi %add3A_3588, %mul3A_3609 : vector<64x128xi32>
    %get3A_3611 = arith.constant 164 : index
    %get3A_3612 = arith.constant 0 : index
    %get3A_3613 = arith.constant 0 : index
    %get3A_3614 = vector.load %arg0[%get3A_3611, %get3A_3612, %get3A_3613] : memref<256x1x128xf32, #tpu.memory_space<vmem>>, vector<1x1x128xf32>
    %get3A_3615 = vector.shape_cast %get3A_3614 : vector<1x1x128xf32> to vector<1x128xf32>
    %gt3A_3616 = arith.constant 0.000000e+00 : f32
    %gt3A_3617 = vector.broadcast %gt3A_3616 : f32 to vector<1x128xf32>
    %gt3A_3618 = arith.cmpf ogt, %get3A_3615, %gt3A_3617 : vector<1x128xf32>
    %convert_element_type3A_3619 = arith.extui %gt3A_3618 : vector<1x128xi1> to vector<1x128xi32>
    %reduce_sum3A_3620 = arith.constant dense<0> : vector<1xi32>
    %reduce_sum3A_3621 = vector.multi_reduction <add>, %convert_element_type3A_3619, %reduce_sum3A_3620 [1] : vector<1x128xi32> to vector<1xi32>
    %broadcast_in_dim3A_3622 = vector.shape_cast %reduce_sum3A_3621 : vector<1xi32> to vector<1x1xi32>
    %add3A_3623 = arith.addi %add3A_3601, %broadcast_in_dim3A_3622 : vector<1x1xi32>
    %broadcast_in_dim3A_3624 = vector.shape_cast %add3A_3623 : vector<1x1xi32> to vector<1x1xi32>
    %broadcast_in_dim3A_3625 = vector.broadcast %broadcast_in_dim3A_3624 : vector<1x1xi32> to vector<64x128xi32>
    %le3A_3626 = arith.cmpi sle, %broadcast_in_dim3A_3625, %add3A : vector<64x128xi32>
    %convert_element_type3A_3627 = arith.extui %le3A_3626 : vector<64x128xi1> to vector<64x128xi32>
    %add3A_3628 = arith.addi %add3A_3606, %convert_element_type3A_3627 : vector<64x128xi32>
    %broadcast_in_dim3A_3629 = vector.shape_cast %broadcast_in_dim3A_3622 : vector<1x1xi32> to vector<1x1xi32>
    %broadcast_in_dim3A_3630 = vector.broadcast %broadcast_in_dim3A_3629 : vector<1x1xi32> to vector<64x128xi32>
    %mul3A_3631 = arith.muli %broadcast_in_dim3A_3630, %convert_element_type3A_3627 : vector<64x128xi32>
    %add3A_3632 = arith.addi %add3A_3610, %mul3A_3631 : vector<64x128xi32>
    %get3A_3633 = arith.constant 165 : index
    %get3A_3634 = arith.constant 0 : index
    %get3A_3635 = arith.constant 0 : index
    %get3A_3636 = vector.load %arg0[%get3A_3633, %get3A_3634, %get3A_3635] : memref<256x1x128xf32, #tpu.memory_space<vmem>>, vector<1x1x128xf32>
    %get3A_3637 = vector.shape_cast %get3A_3636 : vector<1x1x128xf32> to vector<1x128xf32>
    %gt3A_3638 = arith.constant 0.000000e+00 : f32
    %gt3A_3639 = vector.broadcast %gt3A_3638 : f32 to vector<1x128xf32>
    %gt3A_3640 = arith.cmpf ogt, %get3A_3637, %gt3A_3639 : vector<1x128xf32>
    %convert_element_type3A_3641 = arith.extui %gt3A_3640 : vector<1x128xi1> to vector<1x128xi32>
    %reduce_sum3A_3642 = arith.constant dense<0> : vector<1xi32>
    %reduce_sum3A_3643 = vector.multi_reduction <add>, %convert_element_type3A_3641, %reduce_sum3A_3642 [1] : vector<1x128xi32> to vector<1xi32>
    %broadcast_in_dim3A_3644 = vector.shape_cast %reduce_sum3A_3643 : vector<1xi32> to vector<1x1xi32>
    %add3A_3645 = arith.addi %add3A_3623, %broadcast_in_dim3A_3644 : vector<1x1xi32>
    %broadcast_in_dim3A_3646 = vector.shape_cast %add3A_3645 : vector<1x1xi32> to vector<1x1xi32>
    %broadcast_in_dim3A_3647 = vector.broadcast %broadcast_in_dim3A_3646 : vector<1x1xi32> to vector<64x128xi32>
    %le3A_3648 = arith.cmpi sle, %broadcast_in_dim3A_3647, %add3A : vector<64x128xi32>
    %convert_element_type3A_3649 = arith.extui %le3A_3648 : vector<64x128xi1> to vector<64x128xi32>
    %add3A_3650 = arith.addi %add3A_3628, %convert_element_type3A_3649 : vector<64x128xi32>
    %broadcast_in_dim3A_3651 = vector.shape_cast %broadcast_in_dim3A_3644 : vector<1x1xi32> to vector<1x1xi32>
    %broadcast_in_dim3A_3652 = vector.broadcast %broadcast_in_dim3A_3651 : vector<1x1xi32> to vector<64x128xi32>
    %mul3A_3653 = arith.muli %broadcast_in_dim3A_3652, %convert_element_type3A_3649 : vector<64x128xi32>
    %add3A_3654 = arith.addi %add3A_3632, %mul3A_3653 : vector<64x128xi32>
    %get3A_3655 = arith.constant 166 : index
    %get3A_3656 = arith.constant 0 : index
    %get3A_3657 = arith.constant 0 : index
    %get3A_3658 = vector.load %arg0[%get3A_3655, %get3A_3656, %get3A_3657] : memref<256x1x128xf32, #tpu.memory_space<vmem>>, vector<1x1x128xf32>
    %get3A_3659 = vector.shape_cast %get3A_3658 : vector<1x1x128xf32> to vector<1x128xf32>
    %gt3A_3660 = arith.constant 0.000000e+00 : f32
    %gt3A_3661 = vector.broadcast %gt3A_3660 : f32 to vector<1x128xf32>
    %gt3A_3662 = arith.cmpf ogt, %get3A_3659, %gt3A_3661 : vector<1x128xf32>
    %convert_element_type3A_3663 = arith.extui %gt3A_3662 : vector<1x128xi1> to vector<1x128xi32>
    %reduce_sum3A_3664 = arith.constant dense<0> : vector<1xi32>
    %reduce_sum3A_3665 = vector.multi_reduction <add>, %convert_element_type3A_3663, %reduce_sum3A_3664 [1] : vector<1x128xi32> to vector<1xi32>
    %broadcast_in_dim3A_3666 = vector.shape_cast %reduce_sum3A_3665 : vector<1xi32> to vector<1x1xi32>
    %add3A_3667 = arith.addi %add3A_3645, %broadcast_in_dim3A_3666 : vector<1x1xi32>
    %broadcast_in_dim3A_3668 = vector.shape_cast %add3A_3667 : vector<1x1xi32> to vector<1x1xi32>
    %broadcast_in_dim3A_3669 = vector.broadcast %broadcast_in_dim3A_3668 : vector<1x1xi32> to vector<64x128xi32>
    %le3A_3670 = arith.cmpi sle, %broadcast_in_dim3A_3669, %add3A : vector<64x128xi32>
    %convert_element_type3A_3671 = arith.extui %le3A_3670 : vector<64x128xi1> to vector<64x128xi32>
    %add3A_3672 = arith.addi %add3A_3650, %convert_element_type3A_3671 : vector<64x128xi32>
    %broadcast_in_dim3A_3673 = vector.shape_cast %broadcast_in_dim3A_3666 : vector<1x1xi32> to vector<1x1xi32>
    %broadcast_in_dim3A_3674 = vector.broadcast %broadcast_in_dim3A_3673 : vector<1x1xi32> to vector<64x128xi32>
    %mul3A_3675 = arith.muli %broadcast_in_dim3A_3674, %convert_element_type3A_3671 : vector<64x128xi32>
    %add3A_3676 = arith.addi %add3A_3654, %mul3A_3675 : vector<64x128xi32>
    %get3A_3677 = arith.constant 167 : index
    %get3A_3678 = arith.constant 0 : index
    %get3A_3679 = arith.constant 0 : index
    %get3A_3680 = vector.load %arg0[%get3A_3677, %get3A_3678, %get3A_3679] : memref<256x1x128xf32, #tpu.memory_space<vmem>>, vector<1x1x128xf32>
    %get3A_3681 = vector.shape_cast %get3A_3680 : vector<1x1x128xf32> to vector<1x128xf32>
    %gt3A_3682 = arith.constant 0.000000e+00 : f32
    %gt3A_3683 = vector.broadcast %gt3A_3682 : f32 to vector<1x128xf32>
    %gt3A_3684 = arith.cmpf ogt, %get3A_3681, %gt3A_3683 : vector<1x128xf32>
    %convert_element_type3A_3685 = arith.extui %gt3A_3684 : vector<1x128xi1> to vector<1x128xi32>
    %reduce_sum3A_3686 = arith.constant dense<0> : vector<1xi32>
    %reduce_sum3A_3687 = vector.multi_reduction <add>, %convert_element_type3A_3685, %reduce_sum3A_3686 [1] : vector<1x128xi32> to vector<1xi32>
    %broadcast_in_dim3A_3688 = vector.shape_cast %reduce_sum3A_3687 : vector<1xi32> to vector<1x1xi32>
    %add3A_3689 = arith.addi %add3A_3667, %broadcast_in_dim3A_3688 : vector<1x1xi32>
    %broadcast_in_dim3A_3690 = vector.shape_cast %add3A_3689 : vector<1x1xi32> to vector<1x1xi32>
    %broadcast_in_dim3A_3691 = vector.broadcast %broadcast_in_dim3A_3690 : vector<1x1xi32> to vector<64x128xi32>
    %le3A_3692 = arith.cmpi sle, %broadcast_in_dim3A_3691, %add3A : vector<64x128xi32>
    %convert_element_type3A_3693 = arith.extui %le3A_3692 : vector<64x128xi1> to vector<64x128xi32>
    %add3A_3694 = arith.addi %add3A_3672, %convert_element_type3A_3693 : vector<64x128xi32>
    %broadcast_in_dim3A_3695 = vector.shape_cast %broadcast_in_dim3A_3688 : vector<1x1xi32> to vector<1x1xi32>
    %broadcast_in_dim3A_3696 = vector.broadcast %broadcast_in_dim3A_3695 : vector<1x1xi32> to vector<64x128xi32>
    %mul3A_3697 = arith.muli %broadcast_in_dim3A_3696, %convert_element_type3A_3693 : vector<64x128xi32>
    %add3A_3698 = arith.addi %add3A_3676, %mul3A_3697 : vector<64x128xi32>
    %get3A_3699 = arith.constant 168 : index
    %get3A_3700 = arith.constant 0 : index
    %get3A_3701 = arith.constant 0 : index
    %get3A_3702 = vector.load %arg0[%get3A_3699, %get3A_3700, %get3A_3701] : memref<256x1x128xf32, #tpu.memory_space<vmem>>, vector<1x1x128xf32>
    %get3A_3703 = vector.shape_cast %get3A_3702 : vector<1x1x128xf32> to vector<1x128xf32>
    %gt3A_3704 = arith.constant 0.000000e+00 : f32
    %gt3A_3705 = vector.broadcast %gt3A_3704 : f32 to vector<1x128xf32>
    %gt3A_3706 = arith.cmpf ogt, %get3A_3703, %gt3A_3705 : vector<1x128xf32>
    %convert_element_type3A_3707 = arith.extui %gt3A_3706 : vector<1x128xi1> to vector<1x128xi32>
    %reduce_sum3A_3708 = arith.constant dense<0> : vector<1xi32>
    %reduce_sum3A_3709 = vector.multi_reduction <add>, %convert_element_type3A_3707, %reduce_sum3A_3708 [1] : vector<1x128xi32> to vector<1xi32>
    %broadcast_in_dim3A_3710 = vector.shape_cast %reduce_sum3A_3709 : vector<1xi32> to vector<1x1xi32>
    %add3A_3711 = arith.addi %add3A_3689, %broadcast_in_dim3A_3710 : vector<1x1xi32>
    %broadcast_in_dim3A_3712 = vector.shape_cast %add3A_3711 : vector<1x1xi32> to vector<1x1xi32>
    %broadcast_in_dim3A_3713 = vector.broadcast %broadcast_in_dim3A_3712 : vector<1x1xi32> to vector<64x128xi32>
    %le3A_3714 = arith.cmpi sle, %broadcast_in_dim3A_3713, %add3A : vector<64x128xi32>
    %convert_element_type3A_3715 = arith.extui %le3A_3714 : vector<64x128xi1> to vector<64x128xi32>
    %add3A_3716 = arith.addi %add3A_3694, %convert_element_type3A_3715 : vector<64x128xi32>
    %broadcast_in_dim3A_3717 = vector.shape_cast %broadcast_in_dim3A_3710 : vector<1x1xi32> to vector<1x1xi32>
    %broadcast_in_dim3A_3718 = vector.broadcast %broadcast_in_dim3A_3717 : vector<1x1xi32> to vector<64x128xi32>
    %mul3A_3719 = arith.muli %broadcast_in_dim3A_3718, %convert_element_type3A_3715 : vector<64x128xi32>
    %add3A_3720 = arith.addi %add3A_3698, %mul3A_3719 : vector<64x128xi32>
    %get3A_3721 = arith.constant 169 : index
    %get3A_3722 = arith.constant 0 : index
    %get3A_3723 = arith.constant 0 : index
    %get3A_3724 = vector.load %arg0[%get3A_3721, %get3A_3722, %get3A_3723] : memref<256x1x128xf32, #tpu.memory_space<vmem>>, vector<1x1x128xf32>
    %get3A_3725 = vector.shape_cast %get3A_3724 : vector<1x1x128xf32> to vector<1x128xf32>
    %gt3A_3726 = arith.constant 0.000000e+00 : f32
    %gt3A_3727 = vector.broadcast %gt3A_3726 : f32 to vector<1x128xf32>
    %gt3A_3728 = arith.cmpf ogt, %get3A_3725, %gt3A_3727 : vector<1x128xf32>
    %convert_element_type3A_3729 = arith.extui %gt3A_3728 : vector<1x128xi1> to vector<1x128xi32>
    %reduce_sum3A_3730 = arith.constant dense<0> : vector<1xi32>
    %reduce_sum3A_3731 = vector.multi_reduction <add>, %convert_element_type3A_3729, %reduce_sum3A_3730 [1] : vector<1x128xi32> to vector<1xi32>
    %broadcast_in_dim3A_3732 = vector.shape_cast %reduce_sum3A_3731 : vector<1xi32> to vector<1x1xi32>
    %add3A_3733 = arith.addi %add3A_3711, %broadcast_in_dim3A_3732 : vector<1x1xi32>
    %broadcast_in_dim3A_3734 = vector.shape_cast %add3A_3733 : vector<1x1xi32> to vector<1x1xi32>
    %broadcast_in_dim3A_3735 = vector.broadcast %broadcast_in_dim3A_3734 : vector<1x1xi32> to vector<64x128xi32>
    %le3A_3736 = arith.cmpi sle, %broadcast_in_dim3A_3735, %add3A : vector<64x128xi32>
    %convert_element_type3A_3737 = arith.extui %le3A_3736 : vector<64x128xi1> to vector<64x128xi32>
    %add3A_3738 = arith.addi %add3A_3716, %convert_element_type3A_3737 : vector<64x128xi32>
    %broadcast_in_dim3A_3739 = vector.shape_cast %broadcast_in_dim3A_3732 : vector<1x1xi32> to vector<1x1xi32>
    %broadcast_in_dim3A_3740 = vector.broadcast %broadcast_in_dim3A_3739 : vector<1x1xi32> to vector<64x128xi32>
    %mul3A_3741 = arith.muli %broadcast_in_dim3A_3740, %convert_element_type3A_3737 : vector<64x128xi32>
    %add3A_3742 = arith.addi %add3A_3720, %mul3A_3741 : vector<64x128xi32>
    %get3A_3743 = arith.constant 170 : index
    %get3A_3744 = arith.constant 0 : index
    %get3A_3745 = arith.constant 0 : index
    %get3A_3746 = vector.load %arg0[%get3A_3743, %get3A_3744, %get3A_3745] : memref<256x1x128xf32, #tpu.memory_space<vmem>>, vector<1x1x128xf32>
    %get3A_3747 = vector.shape_cast %get3A_3746 : vector<1x1x128xf32> to vector<1x128xf32>
    %gt3A_3748 = arith.constant 0.000000e+00 : f32
    %gt3A_3749 = vector.broadcast %gt3A_3748 : f32 to vector<1x128xf32>
    %gt3A_3750 = arith.cmpf ogt, %get3A_3747, %gt3A_3749 : vector<1x128xf32>
    %convert_element_type3A_3751 = arith.extui %gt3A_3750 : vector<1x128xi1> to vector<1x128xi32>
    %reduce_sum3A_3752 = arith.constant dense<0> : vector<1xi32>
    %reduce_sum3A_3753 = vector.multi_reduction <add>, %convert_element_type3A_3751, %reduce_sum3A_3752 [1] : vector<1x128xi32> to vector<1xi32>
    %broadcast_in_dim3A_3754 = vector.shape_cast %reduce_sum3A_3753 : vector<1xi32> to vector<1x1xi32>
    %add3A_3755 = arith.addi %add3A_3733, %broadcast_in_dim3A_3754 : vector<1x1xi32>
    %broadcast_in_dim3A_3756 = vector.shape_cast %add3A_3755 : vector<1x1xi32> to vector<1x1xi32>
    %broadcast_in_dim3A_3757 = vector.broadcast %broadcast_in_dim3A_3756 : vector<1x1xi32> to vector<64x128xi32>
    %le3A_3758 = arith.cmpi sle, %broadcast_in_dim3A_3757, %add3A : vector<64x128xi32>
    %convert_element_type3A_3759 = arith.extui %le3A_3758 : vector<64x128xi1> to vector<64x128xi32>
    %add3A_3760 = arith.addi %add3A_3738, %convert_element_type3A_3759 : vector<64x128xi32>
    %broadcast_in_dim3A_3761 = vector.shape_cast %broadcast_in_dim3A_3754 : vector<1x1xi32> to vector<1x1xi32>
    %broadcast_in_dim3A_3762 = vector.broadcast %broadcast_in_dim3A_3761 : vector<1x1xi32> to vector<64x128xi32>
    %mul3A_3763 = arith.muli %broadcast_in_dim3A_3762, %convert_element_type3A_3759 : vector<64x128xi32>
    %add3A_3764 = arith.addi %add3A_3742, %mul3A_3763 : vector<64x128xi32>
    %get3A_3765 = arith.constant 171 : index
    %get3A_3766 = arith.constant 0 : index
    %get3A_3767 = arith.constant 0 : index
    %get3A_3768 = vector.load %arg0[%get3A_3765, %get3A_3766, %get3A_3767] : memref<256x1x128xf32, #tpu.memory_space<vmem>>, vector<1x1x128xf32>
    %get3A_3769 = vector.shape_cast %get3A_3768 : vector<1x1x128xf32> to vector<1x128xf32>
    %gt3A_3770 = arith.constant 0.000000e+00 : f32
    %gt3A_3771 = vector.broadcast %gt3A_3770 : f32 to vector<1x128xf32>
    %gt3A_3772 = arith.cmpf ogt, %get3A_3769, %gt3A_3771 : vector<1x128xf32>
    %convert_element_type3A_3773 = arith.extui %gt3A_3772 : vector<1x128xi1> to vector<1x128xi32>
    %reduce_sum3A_3774 = arith.constant dense<0> : vector<1xi32>
    %reduce_sum3A_3775 = vector.multi_reduction <add>, %convert_element_type3A_3773, %reduce_sum3A_3774 [1] : vector<1x128xi32> to vector<1xi32>
    %broadcast_in_dim3A_3776 = vector.shape_cast %reduce_sum3A_3775 : vector<1xi32> to vector<1x1xi32>
    %add3A_3777 = arith.addi %add3A_3755, %broadcast_in_dim3A_3776 : vector<1x1xi32>
    %broadcast_in_dim3A_3778 = vector.shape_cast %add3A_3777 : vector<1x1xi32> to vector<1x1xi32>
    %broadcast_in_dim3A_3779 = vector.broadcast %broadcast_in_dim3A_3778 : vector<1x1xi32> to vector<64x128xi32>
    %le3A_3780 = arith.cmpi sle, %broadcast_in_dim3A_3779, %add3A : vector<64x128xi32>
    %convert_element_type3A_3781 = arith.extui %le3A_3780 : vector<64x128xi1> to vector<64x128xi32>
    %add3A_3782 = arith.addi %add3A_3760, %convert_element_type3A_3781 : vector<64x128xi32>
    %broadcast_in_dim3A_3783 = vector.shape_cast %broadcast_in_dim3A_3776 : vector<1x1xi32> to vector<1x1xi32>
    %broadcast_in_dim3A_3784 = vector.broadcast %broadcast_in_dim3A_3783 : vector<1x1xi32> to vector<64x128xi32>
    %mul3A_3785 = arith.muli %broadcast_in_dim3A_3784, %convert_element_type3A_3781 : vector<64x128xi32>
    %add3A_3786 = arith.addi %add3A_3764, %mul3A_3785 : vector<64x128xi32>
    %get3A_3787 = arith.constant 172 : index
    %get3A_3788 = arith.constant 0 : index
    %get3A_3789 = arith.constant 0 : index
    %get3A_3790 = vector.load %arg0[%get3A_3787, %get3A_3788, %get3A_3789] : memref<256x1x128xf32, #tpu.memory_space<vmem>>, vector<1x1x128xf32>
    %get3A_3791 = vector.shape_cast %get3A_3790 : vector<1x1x128xf32> to vector<1x128xf32>
    %gt3A_3792 = arith.constant 0.000000e+00 : f32
    %gt3A_3793 = vector.broadcast %gt3A_3792 : f32 to vector<1x128xf32>
    %gt3A_3794 = arith.cmpf ogt, %get3A_3791, %gt3A_3793 : vector<1x128xf32>
    %convert_element_type3A_3795 = arith.extui %gt3A_3794 : vector<1x128xi1> to vector<1x128xi32>
    %reduce_sum3A_3796 = arith.constant dense<0> : vector<1xi32>
    %reduce_sum3A_3797 = vector.multi_reduction <add>, %convert_element_type3A_3795, %reduce_sum3A_3796 [1] : vector<1x128xi32> to vector<1xi32>
    %broadcast_in_dim3A_3798 = vector.shape_cast %reduce_sum3A_3797 : vector<1xi32> to vector<1x1xi32>
    %add3A_3799 = arith.addi %add3A_3777, %broadcast_in_dim3A_3798 : vector<1x1xi32>
    %broadcast_in_dim3A_3800 = vector.shape_cast %add3A_3799 : vector<1x1xi32> to vector<1x1xi32>
    %broadcast_in_dim3A_3801 = vector.broadcast %broadcast_in_dim3A_3800 : vector<1x1xi32> to vector<64x128xi32>
    %le3A_3802 = arith.cmpi sle, %broadcast_in_dim3A_3801, %add3A : vector<64x128xi32>
    %convert_element_type3A_3803 = arith.extui %le3A_3802 : vector<64x128xi1> to vector<64x128xi32>
    %add3A_3804 = arith.addi %add3A_3782, %convert_element_type3A_3803 : vector<64x128xi32>
    %broadcast_in_dim3A_3805 = vector.shape_cast %broadcast_in_dim3A_3798 : vector<1x1xi32> to vector<1x1xi32>
    %broadcast_in_dim3A_3806 = vector.broadcast %broadcast_in_dim3A_3805 : vector<1x1xi32> to vector<64x128xi32>
    %mul3A_3807 = arith.muli %broadcast_in_dim3A_3806, %convert_element_type3A_3803 : vector<64x128xi32>
    %add3A_3808 = arith.addi %add3A_3786, %mul3A_3807 : vector<64x128xi32>
    %get3A_3809 = arith.constant 173 : index
    %get3A_3810 = arith.constant 0 : index
    %get3A_3811 = arith.constant 0 : index
    %get3A_3812 = vector.load %arg0[%get3A_3809, %get3A_3810, %get3A_3811] : memref<256x1x128xf32, #tpu.memory_space<vmem>>, vector<1x1x128xf32>
    %get3A_3813 = vector.shape_cast %get3A_3812 : vector<1x1x128xf32> to vector<1x128xf32>
    %gt3A_3814 = arith.constant 0.000000e+00 : f32
    %gt3A_3815 = vector.broadcast %gt3A_3814 : f32 to vector<1x128xf32>
    %gt3A_3816 = arith.cmpf ogt, %get3A_3813, %gt3A_3815 : vector<1x128xf32>
    %convert_element_type3A_3817 = arith.extui %gt3A_3816 : vector<1x128xi1> to vector<1x128xi32>
    %reduce_sum3A_3818 = arith.constant dense<0> : vector<1xi32>
    %reduce_sum3A_3819 = vector.multi_reduction <add>, %convert_element_type3A_3817, %reduce_sum3A_3818 [1] : vector<1x128xi32> to vector<1xi32>
    %broadcast_in_dim3A_3820 = vector.shape_cast %reduce_sum3A_3819 : vector<1xi32> to vector<1x1xi32>
    %add3A_3821 = arith.addi %add3A_3799, %broadcast_in_dim3A_3820 : vector<1x1xi32>
    %broadcast_in_dim3A_3822 = vector.shape_cast %add3A_3821 : vector<1x1xi32> to vector<1x1xi32>
    %broadcast_in_dim3A_3823 = vector.broadcast %broadcast_in_dim3A_3822 : vector<1x1xi32> to vector<64x128xi32>
    %le3A_3824 = arith.cmpi sle, %broadcast_in_dim3A_3823, %add3A : vector<64x128xi32>
    %convert_element_type3A_3825 = arith.extui %le3A_3824 : vector<64x128xi1> to vector<64x128xi32>
    %add3A_3826 = arith.addi %add3A_3804, %convert_element_type3A_3825 : vector<64x128xi32>
    %broadcast_in_dim3A_3827 = vector.shape_cast %broadcast_in_dim3A_3820 : vector<1x1xi32> to vector<1x1xi32>
    %broadcast_in_dim3A_3828 = vector.broadcast %broadcast_in_dim3A_3827 : vector<1x1xi32> to vector<64x128xi32>
    %mul3A_3829 = arith.muli %broadcast_in_dim3A_3828, %convert_element_type3A_3825 : vector<64x128xi32>
    %add3A_3830 = arith.addi %add3A_3808, %mul3A_3829 : vector<64x128xi32>
    %get3A_3831 = arith.constant 174 : index
    %get3A_3832 = arith.constant 0 : index
    %get3A_3833 = arith.constant 0 : index
    %get3A_3834 = vector.load %arg0[%get3A_3831, %get3A_3832, %get3A_3833] : memref<256x1x128xf32, #tpu.memory_space<vmem>>, vector<1x1x128xf32>
    %get3A_3835 = vector.shape_cast %get3A_3834 : vector<1x1x128xf32> to vector<1x128xf32>
    %gt3A_3836 = arith.constant 0.000000e+00 : f32
    %gt3A_3837 = vector.broadcast %gt3A_3836 : f32 to vector<1x128xf32>
    %gt3A_3838 = arith.cmpf ogt, %get3A_3835, %gt3A_3837 : vector<1x128xf32>
    %convert_element_type3A_3839 = arith.extui %gt3A_3838 : vector<1x128xi1> to vector<1x128xi32>
    %reduce_sum3A_3840 = arith.constant dense<0> : vector<1xi32>
    %reduce_sum3A_3841 = vector.multi_reduction <add>, %convert_element_type3A_3839, %reduce_sum3A_3840 [1] : vector<1x128xi32> to vector<1xi32>
    %broadcast_in_dim3A_3842 = vector.shape_cast %reduce_sum3A_3841 : vector<1xi32> to vector<1x1xi32>
    %add3A_3843 = arith.addi %add3A_3821, %broadcast_in_dim3A_3842 : vector<1x1xi32>
    %broadcast_in_dim3A_3844 = vector.shape_cast %add3A_3843 : vector<1x1xi32> to vector<1x1xi32>
    %broadcast_in_dim3A_3845 = vector.broadcast %broadcast_in_dim3A_3844 : vector<1x1xi32> to vector<64x128xi32>
    %le3A_3846 = arith.cmpi sle, %broadcast_in_dim3A_3845, %add3A : vector<64x128xi32>
    %convert_element_type3A_3847 = arith.extui %le3A_3846 : vector<64x128xi1> to vector<64x128xi32>
    %add3A_3848 = arith.addi %add3A_3826, %convert_element_type3A_3847 : vector<64x128xi32>
    %broadcast_in_dim3A_3849 = vector.shape_cast %broadcast_in_dim3A_3842 : vector<1x1xi32> to vector<1x1xi32>
    %broadcast_in_dim3A_3850 = vector.broadcast %broadcast_in_dim3A_3849 : vector<1x1xi32> to vector<64x128xi32>
    %mul3A_3851 = arith.muli %broadcast_in_dim3A_3850, %convert_element_type3A_3847 : vector<64x128xi32>
    %add3A_3852 = arith.addi %add3A_3830, %mul3A_3851 : vector<64x128xi32>
    %get3A_3853 = arith.constant 175 : index
    %get3A_3854 = arith.constant 0 : index
    %get3A_3855 = arith.constant 0 : index
    %get3A_3856 = vector.load %arg0[%get3A_3853, %get3A_3854, %get3A_3855] : memref<256x1x128xf32, #tpu.memory_space<vmem>>, vector<1x1x128xf32>
    %get3A_3857 = vector.shape_cast %get3A_3856 : vector<1x1x128xf32> to vector<1x128xf32>
    %gt3A_3858 = arith.constant 0.000000e+00 : f32
    %gt3A_3859 = vector.broadcast %gt3A_3858 : f32 to vector<1x128xf32>
    %gt3A_3860 = arith.cmpf ogt, %get3A_3857, %gt3A_3859 : vector<1x128xf32>
    %convert_element_type3A_3861 = arith.extui %gt3A_3860 : vector<1x128xi1> to vector<1x128xi32>
    %reduce_sum3A_3862 = arith.constant dense<0> : vector<1xi32>
    %reduce_sum3A_3863 = vector.multi_reduction <add>, %convert_element_type3A_3861, %reduce_sum3A_3862 [1] : vector<1x128xi32> to vector<1xi32>
    %broadcast_in_dim3A_3864 = vector.shape_cast %reduce_sum3A_3863 : vector<1xi32> to vector<1x1xi32>
    %add3A_3865 = arith.addi %add3A_3843, %broadcast_in_dim3A_3864 : vector<1x1xi32>
    %broadcast_in_dim3A_3866 = vector.shape_cast %add3A_3865 : vector<1x1xi32> to vector<1x1xi32>
    %broadcast_in_dim3A_3867 = vector.broadcast %broadcast_in_dim3A_3866 : vector<1x1xi32> to vector<64x128xi32>
    %le3A_3868 = arith.cmpi sle, %broadcast_in_dim3A_3867, %add3A : vector<64x128xi32>
    %convert_element_type3A_3869 = arith.extui %le3A_3868 : vector<64x128xi1> to vector<64x128xi32>
    %add3A_3870 = arith.addi %add3A_3848, %convert_element_type3A_3869 : vector<64x128xi32>
    %broadcast_in_dim3A_3871 = vector.shape_cast %broadcast_in_dim3A_3864 : vector<1x1xi32> to vector<1x1xi32>
    %broadcast_in_dim3A_3872 = vector.broadcast %broadcast_in_dim3A_3871 : vector<1x1xi32> to vector<64x128xi32>
    %mul3A_3873 = arith.muli %broadcast_in_dim3A_3872, %convert_element_type3A_3869 : vector<64x128xi32>
    %add3A_3874 = arith.addi %add3A_3852, %mul3A_3873 : vector<64x128xi32>
    %get3A_3875 = arith.constant 176 : index
    %get3A_3876 = arith.constant 0 : index
    %get3A_3877 = arith.constant 0 : index
    %get3A_3878 = vector.load %arg0[%get3A_3875, %get3A_3876, %get3A_3877] : memref<256x1x128xf32, #tpu.memory_space<vmem>>, vector<1x1x128xf32>
    %get3A_3879 = vector.shape_cast %get3A_3878 : vector<1x1x128xf32> to vector<1x128xf32>
    %gt3A_3880 = arith.constant 0.000000e+00 : f32
    %gt3A_3881 = vector.broadcast %gt3A_3880 : f32 to vector<1x128xf32>
    %gt3A_3882 = arith.cmpf ogt, %get3A_3879, %gt3A_3881 : vector<1x128xf32>
    %convert_element_type3A_3883 = arith.extui %gt3A_3882 : vector<1x128xi1> to vector<1x128xi32>
    %reduce_sum3A_3884 = arith.constant dense<0> : vector<1xi32>
    %reduce_sum3A_3885 = vector.multi_reduction <add>, %convert_element_type3A_3883, %reduce_sum3A_3884 [1] : vector<1x128xi32> to vector<1xi32>
    %broadcast_in_dim3A_3886 = vector.shape_cast %reduce_sum3A_3885 : vector<1xi32> to vector<1x1xi32>
    %add3A_3887 = arith.addi %add3A_3865, %broadcast_in_dim3A_3886 : vector<1x1xi32>
    %broadcast_in_dim3A_3888 = vector.shape_cast %add3A_3887 : vector<1x1xi32> to vector<1x1xi32>
    %broadcast_in_dim3A_3889 = vector.broadcast %broadcast_in_dim3A_3888 : vector<1x1xi32> to vector<64x128xi32>
    %le3A_3890 = arith.cmpi sle, %broadcast_in_dim3A_3889, %add3A : vector<64x128xi32>
    %convert_element_type3A_3891 = arith.extui %le3A_3890 : vector<64x128xi1> to vector<64x128xi32>
    %add3A_3892 = arith.addi %add3A_3870, %convert_element_type3A_3891 : vector<64x128xi32>
    %broadcast_in_dim3A_3893 = vector.shape_cast %broadcast_in_dim3A_3886 : vector<1x1xi32> to vector<1x1xi32>
    %broadcast_in_dim3A_3894 = vector.broadcast %broadcast_in_dim3A_3893 : vector<1x1xi32> to vector<64x128xi32>
    %mul3A_3895 = arith.muli %broadcast_in_dim3A_3894, %convert_element_type3A_3891 : vector<64x128xi32>
    %add3A_3896 = arith.addi %add3A_3874, %mul3A_3895 : vector<64x128xi32>
    %get3A_3897 = arith.constant 177 : index
    %get3A_3898 = arith.constant 0 : index
    %get3A_3899 = arith.constant 0 : index
    %get3A_3900 = vector.load %arg0[%get3A_3897, %get3A_3898, %get3A_3899] : memref<256x1x128xf32, #tpu.memory_space<vmem>>, vector<1x1x128xf32>
    %get3A_3901 = vector.shape_cast %get3A_3900 : vector<1x1x128xf32> to vector<1x128xf32>
    %gt3A_3902 = arith.constant 0.000000e+00 : f32
    %gt3A_3903 = vector.broadcast %gt3A_3902 : f32 to vector<1x128xf32>
    %gt3A_3904 = arith.cmpf ogt, %get3A_3901, %gt3A_3903 : vector<1x128xf32>
    %convert_element_type3A_3905 = arith.extui %gt3A_3904 : vector<1x128xi1> to vector<1x128xi32>
    %reduce_sum3A_3906 = arith.constant dense<0> : vector<1xi32>
    %reduce_sum3A_3907 = vector.multi_reduction <add>, %convert_element_type3A_3905, %reduce_sum3A_3906 [1] : vector<1x128xi32> to vector<1xi32>
    %broadcast_in_dim3A_3908 = vector.shape_cast %reduce_sum3A_3907 : vector<1xi32> to vector<1x1xi32>
    %add3A_3909 = arith.addi %add3A_3887, %broadcast_in_dim3A_3908 : vector<1x1xi32>
    %broadcast_in_dim3A_3910 = vector.shape_cast %add3A_3909 : vector<1x1xi32> to vector<1x1xi32>
    %broadcast_in_dim3A_3911 = vector.broadcast %broadcast_in_dim3A_3910 : vector<1x1xi32> to vector<64x128xi32>
    %le3A_3912 = arith.cmpi sle, %broadcast_in_dim3A_3911, %add3A : vector<64x128xi32>
    %convert_element_type3A_3913 = arith.extui %le3A_3912 : vector<64x128xi1> to vector<64x128xi32>
    %add3A_3914 = arith.addi %add3A_3892, %convert_element_type3A_3913 : vector<64x128xi32>
    %broadcast_in_dim3A_3915 = vector.shape_cast %broadcast_in_dim3A_3908 : vector<1x1xi32> to vector<1x1xi32>
    %broadcast_in_dim3A_3916 = vector.broadcast %broadcast_in_dim3A_3915 : vector<1x1xi32> to vector<64x128xi32>
    %mul3A_3917 = arith.muli %broadcast_in_dim3A_3916, %convert_element_type3A_3913 : vector<64x128xi32>
    %add3A_3918 = arith.addi %add3A_3896, %mul3A_3917 : vector<64x128xi32>
    %get3A_3919 = arith.constant 178 : index
    %get3A_3920 = arith.constant 0 : index
    %get3A_3921 = arith.constant 0 : index
    %get3A_3922 = vector.load %arg0[%get3A_3919, %get3A_3920, %get3A_3921] : memref<256x1x128xf32, #tpu.memory_space<vmem>>, vector<1x1x128xf32>
    %get3A_3923 = vector.shape_cast %get3A_3922 : vector<1x1x128xf32> to vector<1x128xf32>
    %gt3A_3924 = arith.constant 0.000000e+00 : f32
    %gt3A_3925 = vector.broadcast %gt3A_3924 : f32 to vector<1x128xf32>
    %gt3A_3926 = arith.cmpf ogt, %get3A_3923, %gt3A_3925 : vector<1x128xf32>
    %convert_element_type3A_3927 = arith.extui %gt3A_3926 : vector<1x128xi1> to vector<1x128xi32>
    %reduce_sum3A_3928 = arith.constant dense<0> : vector<1xi32>
    %reduce_sum3A_3929 = vector.multi_reduction <add>, %convert_element_type3A_3927, %reduce_sum3A_3928 [1] : vector<1x128xi32> to vector<1xi32>
    %broadcast_in_dim3A_3930 = vector.shape_cast %reduce_sum3A_3929 : vector<1xi32> to vector<1x1xi32>
    %add3A_3931 = arith.addi %add3A_3909, %broadcast_in_dim3A_3930 : vector<1x1xi32>
    %broadcast_in_dim3A_3932 = vector.shape_cast %add3A_3931 : vector<1x1xi32> to vector<1x1xi32>
    %broadcast_in_dim3A_3933 = vector.broadcast %broadcast_in_dim3A_3932 : vector<1x1xi32> to vector<64x128xi32>
    %le3A_3934 = arith.cmpi sle, %broadcast_in_dim3A_3933, %add3A : vector<64x128xi32>
    %convert_element_type3A_3935 = arith.extui %le3A_3934 : vector<64x128xi1> to vector<64x128xi32>
    %add3A_3936 = arith.addi %add3A_3914, %convert_element_type3A_3935 : vector<64x128xi32>
    %broadcast_in_dim3A_3937 = vector.shape_cast %broadcast_in_dim3A_3930 : vector<1x1xi32> to vector<1x1xi32>
    %broadcast_in_dim3A_3938 = vector.broadcast %broadcast_in_dim3A_3937 : vector<1x1xi32> to vector<64x128xi32>
    %mul3A_3939 = arith.muli %broadcast_in_dim3A_3938, %convert_element_type3A_3935 : vector<64x128xi32>
    %add3A_3940 = arith.addi %add3A_3918, %mul3A_3939 : vector<64x128xi32>
    %get3A_3941 = arith.constant 179 : index
    %get3A_3942 = arith.constant 0 : index
    %get3A_3943 = arith.constant 0 : index
    %get3A_3944 = vector.load %arg0[%get3A_3941, %get3A_3942, %get3A_3943] : memref<256x1x128xf32, #tpu.memory_space<vmem>>, vector<1x1x128xf32>
    %get3A_3945 = vector.shape_cast %get3A_3944 : vector<1x1x128xf32> to vector<1x128xf32>
    %gt3A_3946 = arith.constant 0.000000e+00 : f32
    %gt3A_3947 = vector.broadcast %gt3A_3946 : f32 to vector<1x128xf32>
    %gt3A_3948 = arith.cmpf ogt, %get3A_3945, %gt3A_3947 : vector<1x128xf32>
    %convert_element_type3A_3949 = arith.extui %gt3A_3948 : vector<1x128xi1> to vector<1x128xi32>
    %reduce_sum3A_3950 = arith.constant dense<0> : vector<1xi32>
    %reduce_sum3A_3951 = vector.multi_reduction <add>, %convert_element_type3A_3949, %reduce_sum3A_3950 [1] : vector<1x128xi32> to vector<1xi32>
    %broadcast_in_dim3A_3952 = vector.shape_cast %reduce_sum3A_3951 : vector<1xi32> to vector<1x1xi32>
    %add3A_3953 = arith.addi %add3A_3931, %broadcast_in_dim3A_3952 : vector<1x1xi32>
    %broadcast_in_dim3A_3954 = vector.shape_cast %add3A_3953 : vector<1x1xi32> to vector<1x1xi32>
    %broadcast_in_dim3A_3955 = vector.broadcast %broadcast_in_dim3A_3954 : vector<1x1xi32> to vector<64x128xi32>
    %le3A_3956 = arith.cmpi sle, %broadcast_in_dim3A_3955, %add3A : vector<64x128xi32>
    %convert_element_type3A_3957 = arith.extui %le3A_3956 : vector<64x128xi1> to vector<64x128xi32>
    %add3A_3958 = arith.addi %add3A_3936, %convert_element_type3A_3957 : vector<64x128xi32>
    %broadcast_in_dim3A_3959 = vector.shape_cast %broadcast_in_dim3A_3952 : vector<1x1xi32> to vector<1x1xi32>
    %broadcast_in_dim3A_3960 = vector.broadcast %broadcast_in_dim3A_3959 : vector<1x1xi32> to vector<64x128xi32>
    %mul3A_3961 = arith.muli %broadcast_in_dim3A_3960, %convert_element_type3A_3957 : vector<64x128xi32>
    %add3A_3962 = arith.addi %add3A_3940, %mul3A_3961 : vector<64x128xi32>
    %get3A_3963 = arith.constant 180 : index
    %get3A_3964 = arith.constant 0 : index
    %get3A_3965 = arith.constant 0 : index
    %get3A_3966 = vector.load %arg0[%get3A_3963, %get3A_3964, %get3A_3965] : memref<256x1x128xf32, #tpu.memory_space<vmem>>, vector<1x1x128xf32>
    %get3A_3967 = vector.shape_cast %get3A_3966 : vector<1x1x128xf32> to vector<1x128xf32>
    %gt3A_3968 = arith.constant 0.000000e+00 : f32
    %gt3A_3969 = vector.broadcast %gt3A_3968 : f32 to vector<1x128xf32>
    %gt3A_3970 = arith.cmpf ogt, %get3A_3967, %gt3A_3969 : vector<1x128xf32>
    %convert_element_type3A_3971 = arith.extui %gt3A_3970 : vector<1x128xi1> to vector<1x128xi32>
    %reduce_sum3A_3972 = arith.constant dense<0> : vector<1xi32>
    %reduce_sum3A_3973 = vector.multi_reduction <add>, %convert_element_type3A_3971, %reduce_sum3A_3972 [1] : vector<1x128xi32> to vector<1xi32>
    %broadcast_in_dim3A_3974 = vector.shape_cast %reduce_sum3A_3973 : vector<1xi32> to vector<1x1xi32>
    %add3A_3975 = arith.addi %add3A_3953, %broadcast_in_dim3A_3974 : vector<1x1xi32>
    %broadcast_in_dim3A_3976 = vector.shape_cast %add3A_3975 : vector<1x1xi32> to vector<1x1xi32>
    %broadcast_in_dim3A_3977 = vector.broadcast %broadcast_in_dim3A_3976 : vector<1x1xi32> to vector<64x128xi32>
    %le3A_3978 = arith.cmpi sle, %broadcast_in_dim3A_3977, %add3A : vector<64x128xi32>
    %convert_element_type3A_3979 = arith.extui %le3A_3978 : vector<64x128xi1> to vector<64x128xi32>
    %add3A_3980 = arith.addi %add3A_3958, %convert_element_type3A_3979 : vector<64x128xi32>
    %broadcast_in_dim3A_3981 = vector.shape_cast %broadcast_in_dim3A_3974 : vector<1x1xi32> to vector<1x1xi32>
    %broadcast_in_dim3A_3982 = vector.broadcast %broadcast_in_dim3A_3981 : vector<1x1xi32> to vector<64x128xi32>
    %mul3A_3983 = arith.muli %broadcast_in_dim3A_3982, %convert_element_type3A_3979 : vector<64x128xi32>
    %add3A_3984 = arith.addi %add3A_3962, %mul3A_3983 : vector<64x128xi32>
    %get3A_3985 = arith.constant 181 : index
    %get3A_3986 = arith.constant 0 : index
    %get3A_3987 = arith.constant 0 : index
    %get3A_3988 = vector.load %arg0[%get3A_3985, %get3A_3986, %get3A_3987] : memref<256x1x128xf32, #tpu.memory_space<vmem>>, vector<1x1x128xf32>
    %get3A_3989 = vector.shape_cast %get3A_3988 : vector<1x1x128xf32> to vector<1x128xf32>
    %gt3A_3990 = arith.constant 0.000000e+00 : f32
    %gt3A_3991 = vector.broadcast %gt3A_3990 : f32 to vector<1x128xf32>
    %gt3A_3992 = arith.cmpf ogt, %get3A_3989, %gt3A_3991 : vector<1x128xf32>
    %convert_element_type3A_3993 = arith.extui %gt3A_3992 : vector<1x128xi1> to vector<1x128xi32>
    %reduce_sum3A_3994 = arith.constant dense<0> : vector<1xi32>
    %reduce_sum3A_3995 = vector.multi_reduction <add>, %convert_element_type3A_3993, %reduce_sum3A_3994 [1] : vector<1x128xi32> to vector<1xi32>
    %broadcast_in_dim3A_3996 = vector.shape_cast %reduce_sum3A_3995 : vector<1xi32> to vector<1x1xi32>
    %add3A_3997 = arith.addi %add3A_3975, %broadcast_in_dim3A_3996 : vector<1x1xi32>
    %broadcast_in_dim3A_3998 = vector.shape_cast %add3A_3997 : vector<1x1xi32> to vector<1x1xi32>
    %broadcast_in_dim3A_3999 = vector.broadcast %broadcast_in_dim3A_3998 : vector<1x1xi32> to vector<64x128xi32>
    %le3A_4000 = arith.cmpi sle, %broadcast_in_dim3A_3999, %add3A : vector<64x128xi32>
    %convert_element_type3A_4001 = arith.extui %le3A_4000 : vector<64x128xi1> to vector<64x128xi32>
    %add3A_4002 = arith.addi %add3A_3980, %convert_element_type3A_4001 : vector<64x128xi32>
    %broadcast_in_dim3A_4003 = vector.shape_cast %broadcast_in_dim3A_3996 : vector<1x1xi32> to vector<1x1xi32>
    %broadcast_in_dim3A_4004 = vector.broadcast %broadcast_in_dim3A_4003 : vector<1x1xi32> to vector<64x128xi32>
    %mul3A_4005 = arith.muli %broadcast_in_dim3A_4004, %convert_element_type3A_4001 : vector<64x128xi32>
    %add3A_4006 = arith.addi %add3A_3984, %mul3A_4005 : vector<64x128xi32>
    %get3A_4007 = arith.constant 182 : index
    %get3A_4008 = arith.constant 0 : index
    %get3A_4009 = arith.constant 0 : index
    %get3A_4010 = vector.load %arg0[%get3A_4007, %get3A_4008, %get3A_4009] : memref<256x1x128xf32, #tpu.memory_space<vmem>>, vector<1x1x128xf32>
    %get3A_4011 = vector.shape_cast %get3A_4010 : vector<1x1x128xf32> to vector<1x128xf32>
    %gt3A_4012 = arith.constant 0.000000e+00 : f32
    %gt3A_4013 = vector.broadcast %gt3A_4012 : f32 to vector<1x128xf32>
    %gt3A_4014 = arith.cmpf ogt, %get3A_4011, %gt3A_4013 : vector<1x128xf32>
    %convert_element_type3A_4015 = arith.extui %gt3A_4014 : vector<1x128xi1> to vector<1x128xi32>
    %reduce_sum3A_4016 = arith.constant dense<0> : vector<1xi32>
    %reduce_sum3A_4017 = vector.multi_reduction <add>, %convert_element_type3A_4015, %reduce_sum3A_4016 [1] : vector<1x128xi32> to vector<1xi32>
    %broadcast_in_dim3A_4018 = vector.shape_cast %reduce_sum3A_4017 : vector<1xi32> to vector<1x1xi32>
    %add3A_4019 = arith.addi %add3A_3997, %broadcast_in_dim3A_4018 : vector<1x1xi32>
    %broadcast_in_dim3A_4020 = vector.shape_cast %add3A_4019 : vector<1x1xi32> to vector<1x1xi32>
    %broadcast_in_dim3A_4021 = vector.broadcast %broadcast_in_dim3A_4020 : vector<1x1xi32> to vector<64x128xi32>
    %le3A_4022 = arith.cmpi sle, %broadcast_in_dim3A_4021, %add3A : vector<64x128xi32>
    %convert_element_type3A_4023 = arith.extui %le3A_4022 : vector<64x128xi1> to vector<64x128xi32>
    %add3A_4024 = arith.addi %add3A_4002, %convert_element_type3A_4023 : vector<64x128xi32>
    %broadcast_in_dim3A_4025 = vector.shape_cast %broadcast_in_dim3A_4018 : vector<1x1xi32> to vector<1x1xi32>
    %broadcast_in_dim3A_4026 = vector.broadcast %broadcast_in_dim3A_4025 : vector<1x1xi32> to vector<64x128xi32>
    %mul3A_4027 = arith.muli %broadcast_in_dim3A_4026, %convert_element_type3A_4023 : vector<64x128xi32>
    %add3A_4028 = arith.addi %add3A_4006, %mul3A_4027 : vector<64x128xi32>
    %get3A_4029 = arith.constant 183 : index
    %get3A_4030 = arith.constant 0 : index
    %get3A_4031 = arith.constant 0 : index
    %get3A_4032 = vector.load %arg0[%get3A_4029, %get3A_4030, %get3A_4031] : memref<256x1x128xf32, #tpu.memory_space<vmem>>, vector<1x1x128xf32>
    %get3A_4033 = vector.shape_cast %get3A_4032 : vector<1x1x128xf32> to vector<1x128xf32>
    %gt3A_4034 = arith.constant 0.000000e+00 : f32
    %gt3A_4035 = vector.broadcast %gt3A_4034 : f32 to vector<1x128xf32>
    %gt3A_4036 = arith.cmpf ogt, %get3A_4033, %gt3A_4035 : vector<1x128xf32>
    %convert_element_type3A_4037 = arith.extui %gt3A_4036 : vector<1x128xi1> to vector<1x128xi32>
    %reduce_sum3A_4038 = arith.constant dense<0> : vector<1xi32>
    %reduce_sum3A_4039 = vector.multi_reduction <add>, %convert_element_type3A_4037, %reduce_sum3A_4038 [1] : vector<1x128xi32> to vector<1xi32>
    %broadcast_in_dim3A_4040 = vector.shape_cast %reduce_sum3A_4039 : vector<1xi32> to vector<1x1xi32>
    %add3A_4041 = arith.addi %add3A_4019, %broadcast_in_dim3A_4040 : vector<1x1xi32>
    %broadcast_in_dim3A_4042 = vector.shape_cast %add3A_4041 : vector<1x1xi32> to vector<1x1xi32>
    %broadcast_in_dim3A_4043 = vector.broadcast %broadcast_in_dim3A_4042 : vector<1x1xi32> to vector<64x128xi32>
    %le3A_4044 = arith.cmpi sle, %broadcast_in_dim3A_4043, %add3A : vector<64x128xi32>
    %convert_element_type3A_4045 = arith.extui %le3A_4044 : vector<64x128xi1> to vector<64x128xi32>
    %add3A_4046 = arith.addi %add3A_4024, %convert_element_type3A_4045 : vector<64x128xi32>
    %broadcast_in_dim3A_4047 = vector.shape_cast %broadcast_in_dim3A_4040 : vector<1x1xi32> to vector<1x1xi32>
    %broadcast_in_dim3A_4048 = vector.broadcast %broadcast_in_dim3A_4047 : vector<1x1xi32> to vector<64x128xi32>
    %mul3A_4049 = arith.muli %broadcast_in_dim3A_4048, %convert_element_type3A_4045 : vector<64x128xi32>
    %add3A_4050 = arith.addi %add3A_4028, %mul3A_4049 : vector<64x128xi32>
    %get3A_4051 = arith.constant 184 : index
    %get3A_4052 = arith.constant 0 : index
    %get3A_4053 = arith.constant 0 : index
    %get3A_4054 = vector.load %arg0[%get3A_4051, %get3A_4052, %get3A_4053] : memref<256x1x128xf32, #tpu.memory_space<vmem>>, vector<1x1x128xf32>
    %get3A_4055 = vector.shape_cast %get3A_4054 : vector<1x1x128xf32> to vector<1x128xf32>
    %gt3A_4056 = arith.constant 0.000000e+00 : f32
    %gt3A_4057 = vector.broadcast %gt3A_4056 : f32 to vector<1x128xf32>
    %gt3A_4058 = arith.cmpf ogt, %get3A_4055, %gt3A_4057 : vector<1x128xf32>
    %convert_element_type3A_4059 = arith.extui %gt3A_4058 : vector<1x128xi1> to vector<1x128xi32>
    %reduce_sum3A_4060 = arith.constant dense<0> : vector<1xi32>
    %reduce_sum3A_4061 = vector.multi_reduction <add>, %convert_element_type3A_4059, %reduce_sum3A_4060 [1] : vector<1x128xi32> to vector<1xi32>
    %broadcast_in_dim3A_4062 = vector.shape_cast %reduce_sum3A_4061 : vector<1xi32> to vector<1x1xi32>
    %add3A_4063 = arith.addi %add3A_4041, %broadcast_in_dim3A_4062 : vector<1x1xi32>
    %broadcast_in_dim3A_4064 = vector.shape_cast %add3A_4063 : vector<1x1xi32> to vector<1x1xi32>
    %broadcast_in_dim3A_4065 = vector.broadcast %broadcast_in_dim3A_4064 : vector<1x1xi32> to vector<64x128xi32>
    %le3A_4066 = arith.cmpi sle, %broadcast_in_dim3A_4065, %add3A : vector<64x128xi32>
    %convert_element_type3A_4067 = arith.extui %le3A_4066 : vector<64x128xi1> to vector<64x128xi32>
    %add3A_4068 = arith.addi %add3A_4046, %convert_element_type3A_4067 : vector<64x128xi32>
    %broadcast_in_dim3A_4069 = vector.shape_cast %broadcast_in_dim3A_4062 : vector<1x1xi32> to vector<1x1xi32>
    %broadcast_in_dim3A_4070 = vector.broadcast %broadcast_in_dim3A_4069 : vector<1x1xi32> to vector<64x128xi32>
    %mul3A_4071 = arith.muli %broadcast_in_dim3A_4070, %convert_element_type3A_4067 : vector<64x128xi32>
    %add3A_4072 = arith.addi %add3A_4050, %mul3A_4071 : vector<64x128xi32>
    %get3A_4073 = arith.constant 185 : index
    %get3A_4074 = arith.constant 0 : index
    %get3A_4075 = arith.constant 0 : index
    %get3A_4076 = vector.load %arg0[%get3A_4073, %get3A_4074, %get3A_4075] : memref<256x1x128xf32, #tpu.memory_space<vmem>>, vector<1x1x128xf32>
    %get3A_4077 = vector.shape_cast %get3A_4076 : vector<1x1x128xf32> to vector<1x128xf32>
    %gt3A_4078 = arith.constant 0.000000e+00 : f32
    %gt3A_4079 = vector.broadcast %gt3A_4078 : f32 to vector<1x128xf32>
    %gt3A_4080 = arith.cmpf ogt, %get3A_4077, %gt3A_4079 : vector<1x128xf32>
    %convert_element_type3A_4081 = arith.extui %gt3A_4080 : vector<1x128xi1> to vector<1x128xi32>
    %reduce_sum3A_4082 = arith.constant dense<0> : vector<1xi32>
    %reduce_sum3A_4083 = vector.multi_reduction <add>, %convert_element_type3A_4081, %reduce_sum3A_4082 [1] : vector<1x128xi32> to vector<1xi32>
    %broadcast_in_dim3A_4084 = vector.shape_cast %reduce_sum3A_4083 : vector<1xi32> to vector<1x1xi32>
    %add3A_4085 = arith.addi %add3A_4063, %broadcast_in_dim3A_4084 : vector<1x1xi32>
    %broadcast_in_dim3A_4086 = vector.shape_cast %add3A_4085 : vector<1x1xi32> to vector<1x1xi32>
    %broadcast_in_dim3A_4087 = vector.broadcast %broadcast_in_dim3A_4086 : vector<1x1xi32> to vector<64x128xi32>
    %le3A_4088 = arith.cmpi sle, %broadcast_in_dim3A_4087, %add3A : vector<64x128xi32>
    %convert_element_type3A_4089 = arith.extui %le3A_4088 : vector<64x128xi1> to vector<64x128xi32>
    %add3A_4090 = arith.addi %add3A_4068, %convert_element_type3A_4089 : vector<64x128xi32>
    %broadcast_in_dim3A_4091 = vector.shape_cast %broadcast_in_dim3A_4084 : vector<1x1xi32> to vector<1x1xi32>
    %broadcast_in_dim3A_4092 = vector.broadcast %broadcast_in_dim3A_4091 : vector<1x1xi32> to vector<64x128xi32>
    %mul3A_4093 = arith.muli %broadcast_in_dim3A_4092, %convert_element_type3A_4089 : vector<64x128xi32>
    %add3A_4094 = arith.addi %add3A_4072, %mul3A_4093 : vector<64x128xi32>
    %get3A_4095 = arith.constant 186 : index
    %get3A_4096 = arith.constant 0 : index
    %get3A_4097 = arith.constant 0 : index
    %get3A_4098 = vector.load %arg0[%get3A_4095, %get3A_4096, %get3A_4097] : memref<256x1x128xf32, #tpu.memory_space<vmem>>, vector<1x1x128xf32>
    %get3A_4099 = vector.shape_cast %get3A_4098 : vector<1x1x128xf32> to vector<1x128xf32>
    %gt3A_4100 = arith.constant 0.000000e+00 : f32
    %gt3A_4101 = vector.broadcast %gt3A_4100 : f32 to vector<1x128xf32>
    %gt3A_4102 = arith.cmpf ogt, %get3A_4099, %gt3A_4101 : vector<1x128xf32>
    %convert_element_type3A_4103 = arith.extui %gt3A_4102 : vector<1x128xi1> to vector<1x128xi32>
    %reduce_sum3A_4104 = arith.constant dense<0> : vector<1xi32>
    %reduce_sum3A_4105 = vector.multi_reduction <add>, %convert_element_type3A_4103, %reduce_sum3A_4104 [1] : vector<1x128xi32> to vector<1xi32>
    %broadcast_in_dim3A_4106 = vector.shape_cast %reduce_sum3A_4105 : vector<1xi32> to vector<1x1xi32>
    %add3A_4107 = arith.addi %add3A_4085, %broadcast_in_dim3A_4106 : vector<1x1xi32>
    %broadcast_in_dim3A_4108 = vector.shape_cast %add3A_4107 : vector<1x1xi32> to vector<1x1xi32>
    %broadcast_in_dim3A_4109 = vector.broadcast %broadcast_in_dim3A_4108 : vector<1x1xi32> to vector<64x128xi32>
    %le3A_4110 = arith.cmpi sle, %broadcast_in_dim3A_4109, %add3A : vector<64x128xi32>
    %convert_element_type3A_4111 = arith.extui %le3A_4110 : vector<64x128xi1> to vector<64x128xi32>
    %add3A_4112 = arith.addi %add3A_4090, %convert_element_type3A_4111 : vector<64x128xi32>
    %broadcast_in_dim3A_4113 = vector.shape_cast %broadcast_in_dim3A_4106 : vector<1x1xi32> to vector<1x1xi32>
    %broadcast_in_dim3A_4114 = vector.broadcast %broadcast_in_dim3A_4113 : vector<1x1xi32> to vector<64x128xi32>
    %mul3A_4115 = arith.muli %broadcast_in_dim3A_4114, %convert_element_type3A_4111 : vector<64x128xi32>
    %add3A_4116 = arith.addi %add3A_4094, %mul3A_4115 : vector<64x128xi32>
    %get3A_4117 = arith.constant 187 : index
    %get3A_4118 = arith.constant 0 : index
    %get3A_4119 = arith.constant 0 : index
    %get3A_4120 = vector.load %arg0[%get3A_4117, %get3A_4118, %get3A_4119] : memref<256x1x128xf32, #tpu.memory_space<vmem>>, vector<1x1x128xf32>
    %get3A_4121 = vector.shape_cast %get3A_4120 : vector<1x1x128xf32> to vector<1x128xf32>
    %gt3A_4122 = arith.constant 0.000000e+00 : f32
    %gt3A_4123 = vector.broadcast %gt3A_4122 : f32 to vector<1x128xf32>
    %gt3A_4124 = arith.cmpf ogt, %get3A_4121, %gt3A_4123 : vector<1x128xf32>
    %convert_element_type3A_4125 = arith.extui %gt3A_4124 : vector<1x128xi1> to vector<1x128xi32>
    %reduce_sum3A_4126 = arith.constant dense<0> : vector<1xi32>
    %reduce_sum3A_4127 = vector.multi_reduction <add>, %convert_element_type3A_4125, %reduce_sum3A_4126 [1] : vector<1x128xi32> to vector<1xi32>
    %broadcast_in_dim3A_4128 = vector.shape_cast %reduce_sum3A_4127 : vector<1xi32> to vector<1x1xi32>
    %add3A_4129 = arith.addi %add3A_4107, %broadcast_in_dim3A_4128 : vector<1x1xi32>
    %broadcast_in_dim3A_4130 = vector.shape_cast %add3A_4129 : vector<1x1xi32> to vector<1x1xi32>
    %broadcast_in_dim3A_4131 = vector.broadcast %broadcast_in_dim3A_4130 : vector<1x1xi32> to vector<64x128xi32>
    %le3A_4132 = arith.cmpi sle, %broadcast_in_dim3A_4131, %add3A : vector<64x128xi32>
    %convert_element_type3A_4133 = arith.extui %le3A_4132 : vector<64x128xi1> to vector<64x128xi32>
    %add3A_4134 = arith.addi %add3A_4112, %convert_element_type3A_4133 : vector<64x128xi32>
    %broadcast_in_dim3A_4135 = vector.shape_cast %broadcast_in_dim3A_4128 : vector<1x1xi32> to vector<1x1xi32>
    %broadcast_in_dim3A_4136 = vector.broadcast %broadcast_in_dim3A_4135 : vector<1x1xi32> to vector<64x128xi32>
    %mul3A_4137 = arith.muli %broadcast_in_dim3A_4136, %convert_element_type3A_4133 : vector<64x128xi32>
    %add3A_4138 = arith.addi %add3A_4116, %mul3A_4137 : vector<64x128xi32>
    %get3A_4139 = arith.constant 188 : index
    %get3A_4140 = arith.constant 0 : index
    %get3A_4141 = arith.constant 0 : index
    %get3A_4142 = vector.load %arg0[%get3A_4139, %get3A_4140, %get3A_4141] : memref<256x1x128xf32, #tpu.memory_space<vmem>>, vector<1x1x128xf32>
    %get3A_4143 = vector.shape_cast %get3A_4142 : vector<1x1x128xf32> to vector<1x128xf32>
    %gt3A_4144 = arith.constant 0.000000e+00 : f32
    %gt3A_4145 = vector.broadcast %gt3A_4144 : f32 to vector<1x128xf32>
    %gt3A_4146 = arith.cmpf ogt, %get3A_4143, %gt3A_4145 : vector<1x128xf32>
    %convert_element_type3A_4147 = arith.extui %gt3A_4146 : vector<1x128xi1> to vector<1x128xi32>
    %reduce_sum3A_4148 = arith.constant dense<0> : vector<1xi32>
    %reduce_sum3A_4149 = vector.multi_reduction <add>, %convert_element_type3A_4147, %reduce_sum3A_4148 [1] : vector<1x128xi32> to vector<1xi32>
    %broadcast_in_dim3A_4150 = vector.shape_cast %reduce_sum3A_4149 : vector<1xi32> to vector<1x1xi32>
    %add3A_4151 = arith.addi %add3A_4129, %broadcast_in_dim3A_4150 : vector<1x1xi32>
    %broadcast_in_dim3A_4152 = vector.shape_cast %add3A_4151 : vector<1x1xi32> to vector<1x1xi32>
    %broadcast_in_dim3A_4153 = vector.broadcast %broadcast_in_dim3A_4152 : vector<1x1xi32> to vector<64x128xi32>
    %le3A_4154 = arith.cmpi sle, %broadcast_in_dim3A_4153, %add3A : vector<64x128xi32>
    %convert_element_type3A_4155 = arith.extui %le3A_4154 : vector<64x128xi1> to vector<64x128xi32>
    %add3A_4156 = arith.addi %add3A_4134, %convert_element_type3A_4155 : vector<64x128xi32>
    %broadcast_in_dim3A_4157 = vector.shape_cast %broadcast_in_dim3A_4150 : vector<1x1xi32> to vector<1x1xi32>
    %broadcast_in_dim3A_4158 = vector.broadcast %broadcast_in_dim3A_4157 : vector<1x1xi32> to vector<64x128xi32>
    %mul3A_4159 = arith.muli %broadcast_in_dim3A_4158, %convert_element_type3A_4155 : vector<64x128xi32>
    %add3A_4160 = arith.addi %add3A_4138, %mul3A_4159 : vector<64x128xi32>
    %get3A_4161 = arith.constant 189 : index
    %get3A_4162 = arith.constant 0 : index
    %get3A_4163 = arith.constant 0 : index
    %get3A_4164 = vector.load %arg0[%get3A_4161, %get3A_4162, %get3A_4163] : memref<256x1x128xf32, #tpu.memory_space<vmem>>, vector<1x1x128xf32>
    %get3A_4165 = vector.shape_cast %get3A_4164 : vector<1x1x128xf32> to vector<1x128xf32>
    %gt3A_4166 = arith.constant 0.000000e+00 : f32
    %gt3A_4167 = vector.broadcast %gt3A_4166 : f32 to vector<1x128xf32>
    %gt3A_4168 = arith.cmpf ogt, %get3A_4165, %gt3A_4167 : vector<1x128xf32>
    %convert_element_type3A_4169 = arith.extui %gt3A_4168 : vector<1x128xi1> to vector<1x128xi32>
    %reduce_sum3A_4170 = arith.constant dense<0> : vector<1xi32>
    %reduce_sum3A_4171 = vector.multi_reduction <add>, %convert_element_type3A_4169, %reduce_sum3A_4170 [1] : vector<1x128xi32> to vector<1xi32>
    %broadcast_in_dim3A_4172 = vector.shape_cast %reduce_sum3A_4171 : vector<1xi32> to vector<1x1xi32>
    %add3A_4173 = arith.addi %add3A_4151, %broadcast_in_dim3A_4172 : vector<1x1xi32>
    %broadcast_in_dim3A_4174 = vector.shape_cast %add3A_4173 : vector<1x1xi32> to vector<1x1xi32>
    %broadcast_in_dim3A_4175 = vector.broadcast %broadcast_in_dim3A_4174 : vector<1x1xi32> to vector<64x128xi32>
    %le3A_4176 = arith.cmpi sle, %broadcast_in_dim3A_4175, %add3A : vector<64x128xi32>
    %convert_element_type3A_4177 = arith.extui %le3A_4176 : vector<64x128xi1> to vector<64x128xi32>
    %add3A_4178 = arith.addi %add3A_4156, %convert_element_type3A_4177 : vector<64x128xi32>
    %broadcast_in_dim3A_4179 = vector.shape_cast %broadcast_in_dim3A_4172 : vector<1x1xi32> to vector<1x1xi32>
    %broadcast_in_dim3A_4180 = vector.broadcast %broadcast_in_dim3A_4179 : vector<1x1xi32> to vector<64x128xi32>
    %mul3A_4181 = arith.muli %broadcast_in_dim3A_4180, %convert_element_type3A_4177 : vector<64x128xi32>
    %add3A_4182 = arith.addi %add3A_4160, %mul3A_4181 : vector<64x128xi32>
    %get3A_4183 = arith.constant 190 : index
    %get3A_4184 = arith.constant 0 : index
    %get3A_4185 = arith.constant 0 : index
    %get3A_4186 = vector.load %arg0[%get3A_4183, %get3A_4184, %get3A_4185] : memref<256x1x128xf32, #tpu.memory_space<vmem>>, vector<1x1x128xf32>
    %get3A_4187 = vector.shape_cast %get3A_4186 : vector<1x1x128xf32> to vector<1x128xf32>
    %gt3A_4188 = arith.constant 0.000000e+00 : f32
    %gt3A_4189 = vector.broadcast %gt3A_4188 : f32 to vector<1x128xf32>
    %gt3A_4190 = arith.cmpf ogt, %get3A_4187, %gt3A_4189 : vector<1x128xf32>
    %convert_element_type3A_4191 = arith.extui %gt3A_4190 : vector<1x128xi1> to vector<1x128xi32>
    %reduce_sum3A_4192 = arith.constant dense<0> : vector<1xi32>
    %reduce_sum3A_4193 = vector.multi_reduction <add>, %convert_element_type3A_4191, %reduce_sum3A_4192 [1] : vector<1x128xi32> to vector<1xi32>
    %broadcast_in_dim3A_4194 = vector.shape_cast %reduce_sum3A_4193 : vector<1xi32> to vector<1x1xi32>
    %add3A_4195 = arith.addi %add3A_4173, %broadcast_in_dim3A_4194 : vector<1x1xi32>
    %broadcast_in_dim3A_4196 = vector.shape_cast %add3A_4195 : vector<1x1xi32> to vector<1x1xi32>
    %broadcast_in_dim3A_4197 = vector.broadcast %broadcast_in_dim3A_4196 : vector<1x1xi32> to vector<64x128xi32>
    %le3A_4198 = arith.cmpi sle, %broadcast_in_dim3A_4197, %add3A : vector<64x128xi32>
    %convert_element_type3A_4199 = arith.extui %le3A_4198 : vector<64x128xi1> to vector<64x128xi32>
    %add3A_4200 = arith.addi %add3A_4178, %convert_element_type3A_4199 : vector<64x128xi32>
    %broadcast_in_dim3A_4201 = vector.shape_cast %broadcast_in_dim3A_4194 : vector<1x1xi32> to vector<1x1xi32>
    %broadcast_in_dim3A_4202 = vector.broadcast %broadcast_in_dim3A_4201 : vector<1x1xi32> to vector<64x128xi32>
    %mul3A_4203 = arith.muli %broadcast_in_dim3A_4202, %convert_element_type3A_4199 : vector<64x128xi32>
    %add3A_4204 = arith.addi %add3A_4182, %mul3A_4203 : vector<64x128xi32>
    %get3A_4205 = arith.constant 191 : index
    %get3A_4206 = arith.constant 0 : index
    %get3A_4207 = arith.constant 0 : index
    %get3A_4208 = vector.load %arg0[%get3A_4205, %get3A_4206, %get3A_4207] : memref<256x1x128xf32, #tpu.memory_space<vmem>>, vector<1x1x128xf32>
    %get3A_4209 = vector.shape_cast %get3A_4208 : vector<1x1x128xf32> to vector<1x128xf32>
    %gt3A_4210 = arith.constant 0.000000e+00 : f32
    %gt3A_4211 = vector.broadcast %gt3A_4210 : f32 to vector<1x128xf32>
    %gt3A_4212 = arith.cmpf ogt, %get3A_4209, %gt3A_4211 : vector<1x128xf32>
    %convert_element_type3A_4213 = arith.extui %gt3A_4212 : vector<1x128xi1> to vector<1x128xi32>
    %reduce_sum3A_4214 = arith.constant dense<0> : vector<1xi32>
    %reduce_sum3A_4215 = vector.multi_reduction <add>, %convert_element_type3A_4213, %reduce_sum3A_4214 [1] : vector<1x128xi32> to vector<1xi32>
    %broadcast_in_dim3A_4216 = vector.shape_cast %reduce_sum3A_4215 : vector<1xi32> to vector<1x1xi32>
    %add3A_4217 = arith.addi %add3A_4195, %broadcast_in_dim3A_4216 : vector<1x1xi32>
    %broadcast_in_dim3A_4218 = vector.shape_cast %add3A_4217 : vector<1x1xi32> to vector<1x1xi32>
    %broadcast_in_dim3A_4219 = vector.broadcast %broadcast_in_dim3A_4218 : vector<1x1xi32> to vector<64x128xi32>
    %le3A_4220 = arith.cmpi sle, %broadcast_in_dim3A_4219, %add3A : vector<64x128xi32>
    %convert_element_type3A_4221 = arith.extui %le3A_4220 : vector<64x128xi1> to vector<64x128xi32>
    %add3A_4222 = arith.addi %add3A_4200, %convert_element_type3A_4221 : vector<64x128xi32>
    %broadcast_in_dim3A_4223 = vector.shape_cast %broadcast_in_dim3A_4216 : vector<1x1xi32> to vector<1x1xi32>
    %broadcast_in_dim3A_4224 = vector.broadcast %broadcast_in_dim3A_4223 : vector<1x1xi32> to vector<64x128xi32>
    %mul3A_4225 = arith.muli %broadcast_in_dim3A_4224, %convert_element_type3A_4221 : vector<64x128xi32>
    %add3A_4226 = arith.addi %add3A_4204, %mul3A_4225 : vector<64x128xi32>
    %get3A_4227 = arith.constant 192 : index
    %get3A_4228 = arith.constant 0 : index
    %get3A_4229 = arith.constant 0 : index
    %get3A_4230 = vector.load %arg0[%get3A_4227, %get3A_4228, %get3A_4229] : memref<256x1x128xf32, #tpu.memory_space<vmem>>, vector<1x1x128xf32>
    %get3A_4231 = vector.shape_cast %get3A_4230 : vector<1x1x128xf32> to vector<1x128xf32>
    %gt3A_4232 = arith.constant 0.000000e+00 : f32
    %gt3A_4233 = vector.broadcast %gt3A_4232 : f32 to vector<1x128xf32>
    %gt3A_4234 = arith.cmpf ogt, %get3A_4231, %gt3A_4233 : vector<1x128xf32>
    %convert_element_type3A_4235 = arith.extui %gt3A_4234 : vector<1x128xi1> to vector<1x128xi32>
    %reduce_sum3A_4236 = arith.constant dense<0> : vector<1xi32>
    %reduce_sum3A_4237 = vector.multi_reduction <add>, %convert_element_type3A_4235, %reduce_sum3A_4236 [1] : vector<1x128xi32> to vector<1xi32>
    %broadcast_in_dim3A_4238 = vector.shape_cast %reduce_sum3A_4237 : vector<1xi32> to vector<1x1xi32>
    %add3A_4239 = arith.addi %add3A_4217, %broadcast_in_dim3A_4238 : vector<1x1xi32>
    %broadcast_in_dim3A_4240 = vector.shape_cast %add3A_4239 : vector<1x1xi32> to vector<1x1xi32>
    %broadcast_in_dim3A_4241 = vector.broadcast %broadcast_in_dim3A_4240 : vector<1x1xi32> to vector<64x128xi32>
    %le3A_4242 = arith.cmpi sle, %broadcast_in_dim3A_4241, %add3A : vector<64x128xi32>
    %convert_element_type3A_4243 = arith.extui %le3A_4242 : vector<64x128xi1> to vector<64x128xi32>
    %add3A_4244 = arith.addi %add3A_4222, %convert_element_type3A_4243 : vector<64x128xi32>
    %broadcast_in_dim3A_4245 = vector.shape_cast %broadcast_in_dim3A_4238 : vector<1x1xi32> to vector<1x1xi32>
    %broadcast_in_dim3A_4246 = vector.broadcast %broadcast_in_dim3A_4245 : vector<1x1xi32> to vector<64x128xi32>
    %mul3A_4247 = arith.muli %broadcast_in_dim3A_4246, %convert_element_type3A_4243 : vector<64x128xi32>
    %add3A_4248 = arith.addi %add3A_4226, %mul3A_4247 : vector<64x128xi32>
    %get3A_4249 = arith.constant 193 : index
    %get3A_4250 = arith.constant 0 : index
    %get3A_4251 = arith.constant 0 : index
    %get3A_4252 = vector.load %arg0[%get3A_4249, %get3A_4250, %get3A_4251] : memref<256x1x128xf32, #tpu.memory_space<vmem>>, vector<1x1x128xf32>
    %get3A_4253 = vector.shape_cast %get3A_4252 : vector<1x1x128xf32> to vector<1x128xf32>
    %gt3A_4254 = arith.constant 0.000000e+00 : f32
    %gt3A_4255 = vector.broadcast %gt3A_4254 : f32 to vector<1x128xf32>
    %gt3A_4256 = arith.cmpf ogt, %get3A_4253, %gt3A_4255 : vector<1x128xf32>
    %convert_element_type3A_4257 = arith.extui %gt3A_4256 : vector<1x128xi1> to vector<1x128xi32>
    %reduce_sum3A_4258 = arith.constant dense<0> : vector<1xi32>
    %reduce_sum3A_4259 = vector.multi_reduction <add>, %convert_element_type3A_4257, %reduce_sum3A_4258 [1] : vector<1x128xi32> to vector<1xi32>
    %broadcast_in_dim3A_4260 = vector.shape_cast %reduce_sum3A_4259 : vector<1xi32> to vector<1x1xi32>
    %add3A_4261 = arith.addi %add3A_4239, %broadcast_in_dim3A_4260 : vector<1x1xi32>
    %broadcast_in_dim3A_4262 = vector.shape_cast %add3A_4261 : vector<1x1xi32> to vector<1x1xi32>
    %broadcast_in_dim3A_4263 = vector.broadcast %broadcast_in_dim3A_4262 : vector<1x1xi32> to vector<64x128xi32>
    %le3A_4264 = arith.cmpi sle, %broadcast_in_dim3A_4263, %add3A : vector<64x128xi32>
    %convert_element_type3A_4265 = arith.extui %le3A_4264 : vector<64x128xi1> to vector<64x128xi32>
    %add3A_4266 = arith.addi %add3A_4244, %convert_element_type3A_4265 : vector<64x128xi32>
    %broadcast_in_dim3A_4267 = vector.shape_cast %broadcast_in_dim3A_4260 : vector<1x1xi32> to vector<1x1xi32>
    %broadcast_in_dim3A_4268 = vector.broadcast %broadcast_in_dim3A_4267 : vector<1x1xi32> to vector<64x128xi32>
    %mul3A_4269 = arith.muli %broadcast_in_dim3A_4268, %convert_element_type3A_4265 : vector<64x128xi32>
    %add3A_4270 = arith.addi %add3A_4248, %mul3A_4269 : vector<64x128xi32>
    %get3A_4271 = arith.constant 194 : index
    %get3A_4272 = arith.constant 0 : index
    %get3A_4273 = arith.constant 0 : index
    %get3A_4274 = vector.load %arg0[%get3A_4271, %get3A_4272, %get3A_4273] : memref<256x1x128xf32, #tpu.memory_space<vmem>>, vector<1x1x128xf32>
    %get3A_4275 = vector.shape_cast %get3A_4274 : vector<1x1x128xf32> to vector<1x128xf32>
    %gt3A_4276 = arith.constant 0.000000e+00 : f32
    %gt3A_4277 = vector.broadcast %gt3A_4276 : f32 to vector<1x128xf32>
    %gt3A_4278 = arith.cmpf ogt, %get3A_4275, %gt3A_4277 : vector<1x128xf32>
    %convert_element_type3A_4279 = arith.extui %gt3A_4278 : vector<1x128xi1> to vector<1x128xi32>
    %reduce_sum3A_4280 = arith.constant dense<0> : vector<1xi32>
    %reduce_sum3A_4281 = vector.multi_reduction <add>, %convert_element_type3A_4279, %reduce_sum3A_4280 [1] : vector<1x128xi32> to vector<1xi32>
    %broadcast_in_dim3A_4282 = vector.shape_cast %reduce_sum3A_4281 : vector<1xi32> to vector<1x1xi32>
    %add3A_4283 = arith.addi %add3A_4261, %broadcast_in_dim3A_4282 : vector<1x1xi32>
    %broadcast_in_dim3A_4284 = vector.shape_cast %add3A_4283 : vector<1x1xi32> to vector<1x1xi32>
    %broadcast_in_dim3A_4285 = vector.broadcast %broadcast_in_dim3A_4284 : vector<1x1xi32> to vector<64x128xi32>
    %le3A_4286 = arith.cmpi sle, %broadcast_in_dim3A_4285, %add3A : vector<64x128xi32>
    %convert_element_type3A_4287 = arith.extui %le3A_4286 : vector<64x128xi1> to vector<64x128xi32>
    %add3A_4288 = arith.addi %add3A_4266, %convert_element_type3A_4287 : vector<64x128xi32>
    %broadcast_in_dim3A_4289 = vector.shape_cast %broadcast_in_dim3A_4282 : vector<1x1xi32> to vector<1x1xi32>
    %broadcast_in_dim3A_4290 = vector.broadcast %broadcast_in_dim3A_4289 : vector<1x1xi32> to vector<64x128xi32>
    %mul3A_4291 = arith.muli %broadcast_in_dim3A_4290, %convert_element_type3A_4287 : vector<64x128xi32>
    %add3A_4292 = arith.addi %add3A_4270, %mul3A_4291 : vector<64x128xi32>
    %get3A_4293 = arith.constant 195 : index
    %get3A_4294 = arith.constant 0 : index
    %get3A_4295 = arith.constant 0 : index
    %get3A_4296 = vector.load %arg0[%get3A_4293, %get3A_4294, %get3A_4295] : memref<256x1x128xf32, #tpu.memory_space<vmem>>, vector<1x1x128xf32>
    %get3A_4297 = vector.shape_cast %get3A_4296 : vector<1x1x128xf32> to vector<1x128xf32>
    %gt3A_4298 = arith.constant 0.000000e+00 : f32
    %gt3A_4299 = vector.broadcast %gt3A_4298 : f32 to vector<1x128xf32>
    %gt3A_4300 = arith.cmpf ogt, %get3A_4297, %gt3A_4299 : vector<1x128xf32>
    %convert_element_type3A_4301 = arith.extui %gt3A_4300 : vector<1x128xi1> to vector<1x128xi32>
    %reduce_sum3A_4302 = arith.constant dense<0> : vector<1xi32>
    %reduce_sum3A_4303 = vector.multi_reduction <add>, %convert_element_type3A_4301, %reduce_sum3A_4302 [1] : vector<1x128xi32> to vector<1xi32>
    %broadcast_in_dim3A_4304 = vector.shape_cast %reduce_sum3A_4303 : vector<1xi32> to vector<1x1xi32>
    %add3A_4305 = arith.addi %add3A_4283, %broadcast_in_dim3A_4304 : vector<1x1xi32>
    %broadcast_in_dim3A_4306 = vector.shape_cast %add3A_4305 : vector<1x1xi32> to vector<1x1xi32>
    %broadcast_in_dim3A_4307 = vector.broadcast %broadcast_in_dim3A_4306 : vector<1x1xi32> to vector<64x128xi32>
    %le3A_4308 = arith.cmpi sle, %broadcast_in_dim3A_4307, %add3A : vector<64x128xi32>
    %convert_element_type3A_4309 = arith.extui %le3A_4308 : vector<64x128xi1> to vector<64x128xi32>
    %add3A_4310 = arith.addi %add3A_4288, %convert_element_type3A_4309 : vector<64x128xi32>
    %broadcast_in_dim3A_4311 = vector.shape_cast %broadcast_in_dim3A_4304 : vector<1x1xi32> to vector<1x1xi32>
    %broadcast_in_dim3A_4312 = vector.broadcast %broadcast_in_dim3A_4311 : vector<1x1xi32> to vector<64x128xi32>
    %mul3A_4313 = arith.muli %broadcast_in_dim3A_4312, %convert_element_type3A_4309 : vector<64x128xi32>
    %add3A_4314 = arith.addi %add3A_4292, %mul3A_4313 : vector<64x128xi32>
    %get3A_4315 = arith.constant 196 : index
    %get3A_4316 = arith.constant 0 : index
    %get3A_4317 = arith.constant 0 : index
    %get3A_4318 = vector.load %arg0[%get3A_4315, %get3A_4316, %get3A_4317] : memref<256x1x128xf32, #tpu.memory_space<vmem>>, vector<1x1x128xf32>
    %get3A_4319 = vector.shape_cast %get3A_4318 : vector<1x1x128xf32> to vector<1x128xf32>
    %gt3A_4320 = arith.constant 0.000000e+00 : f32
    %gt3A_4321 = vector.broadcast %gt3A_4320 : f32 to vector<1x128xf32>
    %gt3A_4322 = arith.cmpf ogt, %get3A_4319, %gt3A_4321 : vector<1x128xf32>
    %convert_element_type3A_4323 = arith.extui %gt3A_4322 : vector<1x128xi1> to vector<1x128xi32>
    %reduce_sum3A_4324 = arith.constant dense<0> : vector<1xi32>
    %reduce_sum3A_4325 = vector.multi_reduction <add>, %convert_element_type3A_4323, %reduce_sum3A_4324 [1] : vector<1x128xi32> to vector<1xi32>
    %broadcast_in_dim3A_4326 = vector.shape_cast %reduce_sum3A_4325 : vector<1xi32> to vector<1x1xi32>
    %add3A_4327 = arith.addi %add3A_4305, %broadcast_in_dim3A_4326 : vector<1x1xi32>
    %broadcast_in_dim3A_4328 = vector.shape_cast %add3A_4327 : vector<1x1xi32> to vector<1x1xi32>
    %broadcast_in_dim3A_4329 = vector.broadcast %broadcast_in_dim3A_4328 : vector<1x1xi32> to vector<64x128xi32>
    %le3A_4330 = arith.cmpi sle, %broadcast_in_dim3A_4329, %add3A : vector<64x128xi32>
    %convert_element_type3A_4331 = arith.extui %le3A_4330 : vector<64x128xi1> to vector<64x128xi32>
    %add3A_4332 = arith.addi %add3A_4310, %convert_element_type3A_4331 : vector<64x128xi32>
    %broadcast_in_dim3A_4333 = vector.shape_cast %broadcast_in_dim3A_4326 : vector<1x1xi32> to vector<1x1xi32>
    %broadcast_in_dim3A_4334 = vector.broadcast %broadcast_in_dim3A_4333 : vector<1x1xi32> to vector<64x128xi32>
    %mul3A_4335 = arith.muli %broadcast_in_dim3A_4334, %convert_element_type3A_4331 : vector<64x128xi32>
    %add3A_4336 = arith.addi %add3A_4314, %mul3A_4335 : vector<64x128xi32>
    %get3A_4337 = arith.constant 197 : index
    %get3A_4338 = arith.constant 0 : index
    %get3A_4339 = arith.constant 0 : index
    %get3A_4340 = vector.load %arg0[%get3A_4337, %get3A_4338, %get3A_4339] : memref<256x1x128xf32, #tpu.memory_space<vmem>>, vector<1x1x128xf32>
    %get3A_4341 = vector.shape_cast %get3A_4340 : vector<1x1x128xf32> to vector<1x128xf32>
    %gt3A_4342 = arith.constant 0.000000e+00 : f32
    %gt3A_4343 = vector.broadcast %gt3A_4342 : f32 to vector<1x128xf32>
    %gt3A_4344 = arith.cmpf ogt, %get3A_4341, %gt3A_4343 : vector<1x128xf32>
    %convert_element_type3A_4345 = arith.extui %gt3A_4344 : vector<1x128xi1> to vector<1x128xi32>
    %reduce_sum3A_4346 = arith.constant dense<0> : vector<1xi32>
    %reduce_sum3A_4347 = vector.multi_reduction <add>, %convert_element_type3A_4345, %reduce_sum3A_4346 [1] : vector<1x128xi32> to vector<1xi32>
    %broadcast_in_dim3A_4348 = vector.shape_cast %reduce_sum3A_4347 : vector<1xi32> to vector<1x1xi32>
    %add3A_4349 = arith.addi %add3A_4327, %broadcast_in_dim3A_4348 : vector<1x1xi32>
    %broadcast_in_dim3A_4350 = vector.shape_cast %add3A_4349 : vector<1x1xi32> to vector<1x1xi32>
    %broadcast_in_dim3A_4351 = vector.broadcast %broadcast_in_dim3A_4350 : vector<1x1xi32> to vector<64x128xi32>
    %le3A_4352 = arith.cmpi sle, %broadcast_in_dim3A_4351, %add3A : vector<64x128xi32>
    %convert_element_type3A_4353 = arith.extui %le3A_4352 : vector<64x128xi1> to vector<64x128xi32>
    %add3A_4354 = arith.addi %add3A_4332, %convert_element_type3A_4353 : vector<64x128xi32>
    %broadcast_in_dim3A_4355 = vector.shape_cast %broadcast_in_dim3A_4348 : vector<1x1xi32> to vector<1x1xi32>
    %broadcast_in_dim3A_4356 = vector.broadcast %broadcast_in_dim3A_4355 : vector<1x1xi32> to vector<64x128xi32>
    %mul3A_4357 = arith.muli %broadcast_in_dim3A_4356, %convert_element_type3A_4353 : vector<64x128xi32>
    %add3A_4358 = arith.addi %add3A_4336, %mul3A_4357 : vector<64x128xi32>
    %get3A_4359 = arith.constant 198 : index
    %get3A_4360 = arith.constant 0 : index
    %get3A_4361 = arith.constant 0 : index
    %get3A_4362 = vector.load %arg0[%get3A_4359, %get3A_4360, %get3A_4361] : memref<256x1x128xf32, #tpu.memory_space<vmem>>, vector<1x1x128xf32>
    %get3A_4363 = vector.shape_cast %get3A_4362 : vector<1x1x128xf32> to vector<1x128xf32>
    %gt3A_4364 = arith.constant 0.000000e+00 : f32
    %gt3A_4365 = vector.broadcast %gt3A_4364 : f32 to vector<1x128xf32>
    %gt3A_4366 = arith.cmpf ogt, %get3A_4363, %gt3A_4365 : vector<1x128xf32>
    %convert_element_type3A_4367 = arith.extui %gt3A_4366 : vector<1x128xi1> to vector<1x128xi32>
    %reduce_sum3A_4368 = arith.constant dense<0> : vector<1xi32>
    %reduce_sum3A_4369 = vector.multi_reduction <add>, %convert_element_type3A_4367, %reduce_sum3A_4368 [1] : vector<1x128xi32> to vector<1xi32>
    %broadcast_in_dim3A_4370 = vector.shape_cast %reduce_sum3A_4369 : vector<1xi32> to vector<1x1xi32>
    %add3A_4371 = arith.addi %add3A_4349, %broadcast_in_dim3A_4370 : vector<1x1xi32>
    %broadcast_in_dim3A_4372 = vector.shape_cast %add3A_4371 : vector<1x1xi32> to vector<1x1xi32>
    %broadcast_in_dim3A_4373 = vector.broadcast %broadcast_in_dim3A_4372 : vector<1x1xi32> to vector<64x128xi32>
    %le3A_4374 = arith.cmpi sle, %broadcast_in_dim3A_4373, %add3A : vector<64x128xi32>
    %convert_element_type3A_4375 = arith.extui %le3A_4374 : vector<64x128xi1> to vector<64x128xi32>
    %add3A_4376 = arith.addi %add3A_4354, %convert_element_type3A_4375 : vector<64x128xi32>
    %broadcast_in_dim3A_4377 = vector.shape_cast %broadcast_in_dim3A_4370 : vector<1x1xi32> to vector<1x1xi32>
    %broadcast_in_dim3A_4378 = vector.broadcast %broadcast_in_dim3A_4377 : vector<1x1xi32> to vector<64x128xi32>
    %mul3A_4379 = arith.muli %broadcast_in_dim3A_4378, %convert_element_type3A_4375 : vector<64x128xi32>
    %add3A_4380 = arith.addi %add3A_4358, %mul3A_4379 : vector<64x128xi32>
    %get3A_4381 = arith.constant 199 : index
    %get3A_4382 = arith.constant 0 : index
    %get3A_4383 = arith.constant 0 : index
    %get3A_4384 = vector.load %arg0[%get3A_4381, %get3A_4382, %get3A_4383] : memref<256x1x128xf32, #tpu.memory_space<vmem>>, vector<1x1x128xf32>
    %get3A_4385 = vector.shape_cast %get3A_4384 : vector<1x1x128xf32> to vector<1x128xf32>
    %gt3A_4386 = arith.constant 0.000000e+00 : f32
    %gt3A_4387 = vector.broadcast %gt3A_4386 : f32 to vector<1x128xf32>
    %gt3A_4388 = arith.cmpf ogt, %get3A_4385, %gt3A_4387 : vector<1x128xf32>
    %convert_element_type3A_4389 = arith.extui %gt3A_4388 : vector<1x128xi1> to vector<1x128xi32>
    %reduce_sum3A_4390 = arith.constant dense<0> : vector<1xi32>
    %reduce_sum3A_4391 = vector.multi_reduction <add>, %convert_element_type3A_4389, %reduce_sum3A_4390 [1] : vector<1x128xi32> to vector<1xi32>
    %broadcast_in_dim3A_4392 = vector.shape_cast %reduce_sum3A_4391 : vector<1xi32> to vector<1x1xi32>
    %add3A_4393 = arith.addi %add3A_4371, %broadcast_in_dim3A_4392 : vector<1x1xi32>
    %broadcast_in_dim3A_4394 = vector.shape_cast %add3A_4393 : vector<1x1xi32> to vector<1x1xi32>
    %broadcast_in_dim3A_4395 = vector.broadcast %broadcast_in_dim3A_4394 : vector<1x1xi32> to vector<64x128xi32>
    %le3A_4396 = arith.cmpi sle, %broadcast_in_dim3A_4395, %add3A : vector<64x128xi32>
    %convert_element_type3A_4397 = arith.extui %le3A_4396 : vector<64x128xi1> to vector<64x128xi32>
    %add3A_4398 = arith.addi %add3A_4376, %convert_element_type3A_4397 : vector<64x128xi32>
    %broadcast_in_dim3A_4399 = vector.shape_cast %broadcast_in_dim3A_4392 : vector<1x1xi32> to vector<1x1xi32>
    %broadcast_in_dim3A_4400 = vector.broadcast %broadcast_in_dim3A_4399 : vector<1x1xi32> to vector<64x128xi32>
    %mul3A_4401 = arith.muli %broadcast_in_dim3A_4400, %convert_element_type3A_4397 : vector<64x128xi32>
    %add3A_4402 = arith.addi %add3A_4380, %mul3A_4401 : vector<64x128xi32>
    %get3A_4403 = arith.constant 200 : index
    %get3A_4404 = arith.constant 0 : index
    %get3A_4405 = arith.constant 0 : index
    %get3A_4406 = vector.load %arg0[%get3A_4403, %get3A_4404, %get3A_4405] : memref<256x1x128xf32, #tpu.memory_space<vmem>>, vector<1x1x128xf32>
    %get3A_4407 = vector.shape_cast %get3A_4406 : vector<1x1x128xf32> to vector<1x128xf32>
    %gt3A_4408 = arith.constant 0.000000e+00 : f32
    %gt3A_4409 = vector.broadcast %gt3A_4408 : f32 to vector<1x128xf32>
    %gt3A_4410 = arith.cmpf ogt, %get3A_4407, %gt3A_4409 : vector<1x128xf32>
    %convert_element_type3A_4411 = arith.extui %gt3A_4410 : vector<1x128xi1> to vector<1x128xi32>
    %reduce_sum3A_4412 = arith.constant dense<0> : vector<1xi32>
    %reduce_sum3A_4413 = vector.multi_reduction <add>, %convert_element_type3A_4411, %reduce_sum3A_4412 [1] : vector<1x128xi32> to vector<1xi32>
    %broadcast_in_dim3A_4414 = vector.shape_cast %reduce_sum3A_4413 : vector<1xi32> to vector<1x1xi32>
    %add3A_4415 = arith.addi %add3A_4393, %broadcast_in_dim3A_4414 : vector<1x1xi32>
    %broadcast_in_dim3A_4416 = vector.shape_cast %add3A_4415 : vector<1x1xi32> to vector<1x1xi32>
    %broadcast_in_dim3A_4417 = vector.broadcast %broadcast_in_dim3A_4416 : vector<1x1xi32> to vector<64x128xi32>
    %le3A_4418 = arith.cmpi sle, %broadcast_in_dim3A_4417, %add3A : vector<64x128xi32>
    %convert_element_type3A_4419 = arith.extui %le3A_4418 : vector<64x128xi1> to vector<64x128xi32>
    %add3A_4420 = arith.addi %add3A_4398, %convert_element_type3A_4419 : vector<64x128xi32>
    %broadcast_in_dim3A_4421 = vector.shape_cast %broadcast_in_dim3A_4414 : vector<1x1xi32> to vector<1x1xi32>
    %broadcast_in_dim3A_4422 = vector.broadcast %broadcast_in_dim3A_4421 : vector<1x1xi32> to vector<64x128xi32>
    %mul3A_4423 = arith.muli %broadcast_in_dim3A_4422, %convert_element_type3A_4419 : vector<64x128xi32>
    %add3A_4424 = arith.addi %add3A_4402, %mul3A_4423 : vector<64x128xi32>
    %get3A_4425 = arith.constant 201 : index
    %get3A_4426 = arith.constant 0 : index
    %get3A_4427 = arith.constant 0 : index
    %get3A_4428 = vector.load %arg0[%get3A_4425, %get3A_4426, %get3A_4427] : memref<256x1x128xf32, #tpu.memory_space<vmem>>, vector<1x1x128xf32>
    %get3A_4429 = vector.shape_cast %get3A_4428 : vector<1x1x128xf32> to vector<1x128xf32>
    %gt3A_4430 = arith.constant 0.000000e+00 : f32
    %gt3A_4431 = vector.broadcast %gt3A_4430 : f32 to vector<1x128xf32>
    %gt3A_4432 = arith.cmpf ogt, %get3A_4429, %gt3A_4431 : vector<1x128xf32>
    %convert_element_type3A_4433 = arith.extui %gt3A_4432 : vector<1x128xi1> to vector<1x128xi32>
    %reduce_sum3A_4434 = arith.constant dense<0> : vector<1xi32>
    %reduce_sum3A_4435 = vector.multi_reduction <add>, %convert_element_type3A_4433, %reduce_sum3A_4434 [1] : vector<1x128xi32> to vector<1xi32>
    %broadcast_in_dim3A_4436 = vector.shape_cast %reduce_sum3A_4435 : vector<1xi32> to vector<1x1xi32>
    %add3A_4437 = arith.addi %add3A_4415, %broadcast_in_dim3A_4436 : vector<1x1xi32>
    %broadcast_in_dim3A_4438 = vector.shape_cast %add3A_4437 : vector<1x1xi32> to vector<1x1xi32>
    %broadcast_in_dim3A_4439 = vector.broadcast %broadcast_in_dim3A_4438 : vector<1x1xi32> to vector<64x128xi32>
    %le3A_4440 = arith.cmpi sle, %broadcast_in_dim3A_4439, %add3A : vector<64x128xi32>
    %convert_element_type3A_4441 = arith.extui %le3A_4440 : vector<64x128xi1> to vector<64x128xi32>
    %add3A_4442 = arith.addi %add3A_4420, %convert_element_type3A_4441 : vector<64x128xi32>
    %broadcast_in_dim3A_4443 = vector.shape_cast %broadcast_in_dim3A_4436 : vector<1x1xi32> to vector<1x1xi32>
    %broadcast_in_dim3A_4444 = vector.broadcast %broadcast_in_dim3A_4443 : vector<1x1xi32> to vector<64x128xi32>
    %mul3A_4445 = arith.muli %broadcast_in_dim3A_4444, %convert_element_type3A_4441 : vector<64x128xi32>
    %add3A_4446 = arith.addi %add3A_4424, %mul3A_4445 : vector<64x128xi32>
    %get3A_4447 = arith.constant 202 : index
    %get3A_4448 = arith.constant 0 : index
    %get3A_4449 = arith.constant 0 : index
    %get3A_4450 = vector.load %arg0[%get3A_4447, %get3A_4448, %get3A_4449] : memref<256x1x128xf32, #tpu.memory_space<vmem>>, vector<1x1x128xf32>
    %get3A_4451 = vector.shape_cast %get3A_4450 : vector<1x1x128xf32> to vector<1x128xf32>
    %gt3A_4452 = arith.constant 0.000000e+00 : f32
    %gt3A_4453 = vector.broadcast %gt3A_4452 : f32 to vector<1x128xf32>
    %gt3A_4454 = arith.cmpf ogt, %get3A_4451, %gt3A_4453 : vector<1x128xf32>
    %convert_element_type3A_4455 = arith.extui %gt3A_4454 : vector<1x128xi1> to vector<1x128xi32>
    %reduce_sum3A_4456 = arith.constant dense<0> : vector<1xi32>
    %reduce_sum3A_4457 = vector.multi_reduction <add>, %convert_element_type3A_4455, %reduce_sum3A_4456 [1] : vector<1x128xi32> to vector<1xi32>
    %broadcast_in_dim3A_4458 = vector.shape_cast %reduce_sum3A_4457 : vector<1xi32> to vector<1x1xi32>
    %add3A_4459 = arith.addi %add3A_4437, %broadcast_in_dim3A_4458 : vector<1x1xi32>
    %broadcast_in_dim3A_4460 = vector.shape_cast %add3A_4459 : vector<1x1xi32> to vector<1x1xi32>
    %broadcast_in_dim3A_4461 = vector.broadcast %broadcast_in_dim3A_4460 : vector<1x1xi32> to vector<64x128xi32>
    %le3A_4462 = arith.cmpi sle, %broadcast_in_dim3A_4461, %add3A : vector<64x128xi32>
    %convert_element_type3A_4463 = arith.extui %le3A_4462 : vector<64x128xi1> to vector<64x128xi32>
    %add3A_4464 = arith.addi %add3A_4442, %convert_element_type3A_4463 : vector<64x128xi32>
    %broadcast_in_dim3A_4465 = vector.shape_cast %broadcast_in_dim3A_4458 : vector<1x1xi32> to vector<1x1xi32>
    %broadcast_in_dim3A_4466 = vector.broadcast %broadcast_in_dim3A_4465 : vector<1x1xi32> to vector<64x128xi32>
    %mul3A_4467 = arith.muli %broadcast_in_dim3A_4466, %convert_element_type3A_4463 : vector<64x128xi32>
    %add3A_4468 = arith.addi %add3A_4446, %mul3A_4467 : vector<64x128xi32>
    %get3A_4469 = arith.constant 203 : index
    %get3A_4470 = arith.constant 0 : index
    %get3A_4471 = arith.constant 0 : index
    %get3A_4472 = vector.load %arg0[%get3A_4469, %get3A_4470, %get3A_4471] : memref<256x1x128xf32, #tpu.memory_space<vmem>>, vector<1x1x128xf32>
    %get3A_4473 = vector.shape_cast %get3A_4472 : vector<1x1x128xf32> to vector<1x128xf32>
    %gt3A_4474 = arith.constant 0.000000e+00 : f32
    %gt3A_4475 = vector.broadcast %gt3A_4474 : f32 to vector<1x128xf32>
    %gt3A_4476 = arith.cmpf ogt, %get3A_4473, %gt3A_4475 : vector<1x128xf32>
    %convert_element_type3A_4477 = arith.extui %gt3A_4476 : vector<1x128xi1> to vector<1x128xi32>
    %reduce_sum3A_4478 = arith.constant dense<0> : vector<1xi32>
    %reduce_sum3A_4479 = vector.multi_reduction <add>, %convert_element_type3A_4477, %reduce_sum3A_4478 [1] : vector<1x128xi32> to vector<1xi32>
    %broadcast_in_dim3A_4480 = vector.shape_cast %reduce_sum3A_4479 : vector<1xi32> to vector<1x1xi32>
    %add3A_4481 = arith.addi %add3A_4459, %broadcast_in_dim3A_4480 : vector<1x1xi32>
    %broadcast_in_dim3A_4482 = vector.shape_cast %add3A_4481 : vector<1x1xi32> to vector<1x1xi32>
    %broadcast_in_dim3A_4483 = vector.broadcast %broadcast_in_dim3A_4482 : vector<1x1xi32> to vector<64x128xi32>
    %le3A_4484 = arith.cmpi sle, %broadcast_in_dim3A_4483, %add3A : vector<64x128xi32>
    %convert_element_type3A_4485 = arith.extui %le3A_4484 : vector<64x128xi1> to vector<64x128xi32>
    %add3A_4486 = arith.addi %add3A_4464, %convert_element_type3A_4485 : vector<64x128xi32>
    %broadcast_in_dim3A_4487 = vector.shape_cast %broadcast_in_dim3A_4480 : vector<1x1xi32> to vector<1x1xi32>
    %broadcast_in_dim3A_4488 = vector.broadcast %broadcast_in_dim3A_4487 : vector<1x1xi32> to vector<64x128xi32>
    %mul3A_4489 = arith.muli %broadcast_in_dim3A_4488, %convert_element_type3A_4485 : vector<64x128xi32>
    %add3A_4490 = arith.addi %add3A_4468, %mul3A_4489 : vector<64x128xi32>
    %get3A_4491 = arith.constant 204 : index
    %get3A_4492 = arith.constant 0 : index
    %get3A_4493 = arith.constant 0 : index
    %get3A_4494 = vector.load %arg0[%get3A_4491, %get3A_4492, %get3A_4493] : memref<256x1x128xf32, #tpu.memory_space<vmem>>, vector<1x1x128xf32>
    %get3A_4495 = vector.shape_cast %get3A_4494 : vector<1x1x128xf32> to vector<1x128xf32>
    %gt3A_4496 = arith.constant 0.000000e+00 : f32
    %gt3A_4497 = vector.broadcast %gt3A_4496 : f32 to vector<1x128xf32>
    %gt3A_4498 = arith.cmpf ogt, %get3A_4495, %gt3A_4497 : vector<1x128xf32>
    %convert_element_type3A_4499 = arith.extui %gt3A_4498 : vector<1x128xi1> to vector<1x128xi32>
    %reduce_sum3A_4500 = arith.constant dense<0> : vector<1xi32>
    %reduce_sum3A_4501 = vector.multi_reduction <add>, %convert_element_type3A_4499, %reduce_sum3A_4500 [1] : vector<1x128xi32> to vector<1xi32>
    %broadcast_in_dim3A_4502 = vector.shape_cast %reduce_sum3A_4501 : vector<1xi32> to vector<1x1xi32>
    %add3A_4503 = arith.addi %add3A_4481, %broadcast_in_dim3A_4502 : vector<1x1xi32>
    %broadcast_in_dim3A_4504 = vector.shape_cast %add3A_4503 : vector<1x1xi32> to vector<1x1xi32>
    %broadcast_in_dim3A_4505 = vector.broadcast %broadcast_in_dim3A_4504 : vector<1x1xi32> to vector<64x128xi32>
    %le3A_4506 = arith.cmpi sle, %broadcast_in_dim3A_4505, %add3A : vector<64x128xi32>
    %convert_element_type3A_4507 = arith.extui %le3A_4506 : vector<64x128xi1> to vector<64x128xi32>
    %add3A_4508 = arith.addi %add3A_4486, %convert_element_type3A_4507 : vector<64x128xi32>
    %broadcast_in_dim3A_4509 = vector.shape_cast %broadcast_in_dim3A_4502 : vector<1x1xi32> to vector<1x1xi32>
    %broadcast_in_dim3A_4510 = vector.broadcast %broadcast_in_dim3A_4509 : vector<1x1xi32> to vector<64x128xi32>
    %mul3A_4511 = arith.muli %broadcast_in_dim3A_4510, %convert_element_type3A_4507 : vector<64x128xi32>
    %add3A_4512 = arith.addi %add3A_4490, %mul3A_4511 : vector<64x128xi32>
    %get3A_4513 = arith.constant 205 : index
    %get3A_4514 = arith.constant 0 : index
    %get3A_4515 = arith.constant 0 : index
    %get3A_4516 = vector.load %arg0[%get3A_4513, %get3A_4514, %get3A_4515] : memref<256x1x128xf32, #tpu.memory_space<vmem>>, vector<1x1x128xf32>
    %get3A_4517 = vector.shape_cast %get3A_4516 : vector<1x1x128xf32> to vector<1x128xf32>
    %gt3A_4518 = arith.constant 0.000000e+00 : f32
    %gt3A_4519 = vector.broadcast %gt3A_4518 : f32 to vector<1x128xf32>
    %gt3A_4520 = arith.cmpf ogt, %get3A_4517, %gt3A_4519 : vector<1x128xf32>
    %convert_element_type3A_4521 = arith.extui %gt3A_4520 : vector<1x128xi1> to vector<1x128xi32>
    %reduce_sum3A_4522 = arith.constant dense<0> : vector<1xi32>
    %reduce_sum3A_4523 = vector.multi_reduction <add>, %convert_element_type3A_4521, %reduce_sum3A_4522 [1] : vector<1x128xi32> to vector<1xi32>
    %broadcast_in_dim3A_4524 = vector.shape_cast %reduce_sum3A_4523 : vector<1xi32> to vector<1x1xi32>
    %add3A_4525 = arith.addi %add3A_4503, %broadcast_in_dim3A_4524 : vector<1x1xi32>
    %broadcast_in_dim3A_4526 = vector.shape_cast %add3A_4525 : vector<1x1xi32> to vector<1x1xi32>
    %broadcast_in_dim3A_4527 = vector.broadcast %broadcast_in_dim3A_4526 : vector<1x1xi32> to vector<64x128xi32>
    %le3A_4528 = arith.cmpi sle, %broadcast_in_dim3A_4527, %add3A : vector<64x128xi32>
    %convert_element_type3A_4529 = arith.extui %le3A_4528 : vector<64x128xi1> to vector<64x128xi32>
    %add3A_4530 = arith.addi %add3A_4508, %convert_element_type3A_4529 : vector<64x128xi32>
    %broadcast_in_dim3A_4531 = vector.shape_cast %broadcast_in_dim3A_4524 : vector<1x1xi32> to vector<1x1xi32>
    %broadcast_in_dim3A_4532 = vector.broadcast %broadcast_in_dim3A_4531 : vector<1x1xi32> to vector<64x128xi32>
    %mul3A_4533 = arith.muli %broadcast_in_dim3A_4532, %convert_element_type3A_4529 : vector<64x128xi32>
    %add3A_4534 = arith.addi %add3A_4512, %mul3A_4533 : vector<64x128xi32>
    %get3A_4535 = arith.constant 206 : index
    %get3A_4536 = arith.constant 0 : index
    %get3A_4537 = arith.constant 0 : index
    %get3A_4538 = vector.load %arg0[%get3A_4535, %get3A_4536, %get3A_4537] : memref<256x1x128xf32, #tpu.memory_space<vmem>>, vector<1x1x128xf32>
    %get3A_4539 = vector.shape_cast %get3A_4538 : vector<1x1x128xf32> to vector<1x128xf32>
    %gt3A_4540 = arith.constant 0.000000e+00 : f32
    %gt3A_4541 = vector.broadcast %gt3A_4540 : f32 to vector<1x128xf32>
    %gt3A_4542 = arith.cmpf ogt, %get3A_4539, %gt3A_4541 : vector<1x128xf32>
    %convert_element_type3A_4543 = arith.extui %gt3A_4542 : vector<1x128xi1> to vector<1x128xi32>
    %reduce_sum3A_4544 = arith.constant dense<0> : vector<1xi32>
    %reduce_sum3A_4545 = vector.multi_reduction <add>, %convert_element_type3A_4543, %reduce_sum3A_4544 [1] : vector<1x128xi32> to vector<1xi32>
    %broadcast_in_dim3A_4546 = vector.shape_cast %reduce_sum3A_4545 : vector<1xi32> to vector<1x1xi32>
    %add3A_4547 = arith.addi %add3A_4525, %broadcast_in_dim3A_4546 : vector<1x1xi32>
    %broadcast_in_dim3A_4548 = vector.shape_cast %add3A_4547 : vector<1x1xi32> to vector<1x1xi32>
    %broadcast_in_dim3A_4549 = vector.broadcast %broadcast_in_dim3A_4548 : vector<1x1xi32> to vector<64x128xi32>
    %le3A_4550 = arith.cmpi sle, %broadcast_in_dim3A_4549, %add3A : vector<64x128xi32>
    %convert_element_type3A_4551 = arith.extui %le3A_4550 : vector<64x128xi1> to vector<64x128xi32>
    %add3A_4552 = arith.addi %add3A_4530, %convert_element_type3A_4551 : vector<64x128xi32>
    %broadcast_in_dim3A_4553 = vector.shape_cast %broadcast_in_dim3A_4546 : vector<1x1xi32> to vector<1x1xi32>
    %broadcast_in_dim3A_4554 = vector.broadcast %broadcast_in_dim3A_4553 : vector<1x1xi32> to vector<64x128xi32>
    %mul3A_4555 = arith.muli %broadcast_in_dim3A_4554, %convert_element_type3A_4551 : vector<64x128xi32>
    %add3A_4556 = arith.addi %add3A_4534, %mul3A_4555 : vector<64x128xi32>
    %get3A_4557 = arith.constant 207 : index
    %get3A_4558 = arith.constant 0 : index
    %get3A_4559 = arith.constant 0 : index
    %get3A_4560 = vector.load %arg0[%get3A_4557, %get3A_4558, %get3A_4559] : memref<256x1x128xf32, #tpu.memory_space<vmem>>, vector<1x1x128xf32>
    %get3A_4561 = vector.shape_cast %get3A_4560 : vector<1x1x128xf32> to vector<1x128xf32>
    %gt3A_4562 = arith.constant 0.000000e+00 : f32
    %gt3A_4563 = vector.broadcast %gt3A_4562 : f32 to vector<1x128xf32>
    %gt3A_4564 = arith.cmpf ogt, %get3A_4561, %gt3A_4563 : vector<1x128xf32>
    %convert_element_type3A_4565 = arith.extui %gt3A_4564 : vector<1x128xi1> to vector<1x128xi32>
    %reduce_sum3A_4566 = arith.constant dense<0> : vector<1xi32>
    %reduce_sum3A_4567 = vector.multi_reduction <add>, %convert_element_type3A_4565, %reduce_sum3A_4566 [1] : vector<1x128xi32> to vector<1xi32>
    %broadcast_in_dim3A_4568 = vector.shape_cast %reduce_sum3A_4567 : vector<1xi32> to vector<1x1xi32>
    %add3A_4569 = arith.addi %add3A_4547, %broadcast_in_dim3A_4568 : vector<1x1xi32>
    %broadcast_in_dim3A_4570 = vector.shape_cast %add3A_4569 : vector<1x1xi32> to vector<1x1xi32>
    %broadcast_in_dim3A_4571 = vector.broadcast %broadcast_in_dim3A_4570 : vector<1x1xi32> to vector<64x128xi32>
    %le3A_4572 = arith.cmpi sle, %broadcast_in_dim3A_4571, %add3A : vector<64x128xi32>
    %convert_element_type3A_4573 = arith.extui %le3A_4572 : vector<64x128xi1> to vector<64x128xi32>
    %add3A_4574 = arith.addi %add3A_4552, %convert_element_type3A_4573 : vector<64x128xi32>
    %broadcast_in_dim3A_4575 = vector.shape_cast %broadcast_in_dim3A_4568 : vector<1x1xi32> to vector<1x1xi32>
    %broadcast_in_dim3A_4576 = vector.broadcast %broadcast_in_dim3A_4575 : vector<1x1xi32> to vector<64x128xi32>
    %mul3A_4577 = arith.muli %broadcast_in_dim3A_4576, %convert_element_type3A_4573 : vector<64x128xi32>
    %add3A_4578 = arith.addi %add3A_4556, %mul3A_4577 : vector<64x128xi32>
    %get3A_4579 = arith.constant 208 : index
    %get3A_4580 = arith.constant 0 : index
    %get3A_4581 = arith.constant 0 : index
    %get3A_4582 = vector.load %arg0[%get3A_4579, %get3A_4580, %get3A_4581] : memref<256x1x128xf32, #tpu.memory_space<vmem>>, vector<1x1x128xf32>
    %get3A_4583 = vector.shape_cast %get3A_4582 : vector<1x1x128xf32> to vector<1x128xf32>
    %gt3A_4584 = arith.constant 0.000000e+00 : f32
    %gt3A_4585 = vector.broadcast %gt3A_4584 : f32 to vector<1x128xf32>
    %gt3A_4586 = arith.cmpf ogt, %get3A_4583, %gt3A_4585 : vector<1x128xf32>
    %convert_element_type3A_4587 = arith.extui %gt3A_4586 : vector<1x128xi1> to vector<1x128xi32>
    %reduce_sum3A_4588 = arith.constant dense<0> : vector<1xi32>
    %reduce_sum3A_4589 = vector.multi_reduction <add>, %convert_element_type3A_4587, %reduce_sum3A_4588 [1] : vector<1x128xi32> to vector<1xi32>
    %broadcast_in_dim3A_4590 = vector.shape_cast %reduce_sum3A_4589 : vector<1xi32> to vector<1x1xi32>
    %add3A_4591 = arith.addi %add3A_4569, %broadcast_in_dim3A_4590 : vector<1x1xi32>
    %broadcast_in_dim3A_4592 = vector.shape_cast %add3A_4591 : vector<1x1xi32> to vector<1x1xi32>
    %broadcast_in_dim3A_4593 = vector.broadcast %broadcast_in_dim3A_4592 : vector<1x1xi32> to vector<64x128xi32>
    %le3A_4594 = arith.cmpi sle, %broadcast_in_dim3A_4593, %add3A : vector<64x128xi32>
    %convert_element_type3A_4595 = arith.extui %le3A_4594 : vector<64x128xi1> to vector<64x128xi32>
    %add3A_4596 = arith.addi %add3A_4574, %convert_element_type3A_4595 : vector<64x128xi32>
    %broadcast_in_dim3A_4597 = vector.shape_cast %broadcast_in_dim3A_4590 : vector<1x1xi32> to vector<1x1xi32>
    %broadcast_in_dim3A_4598 = vector.broadcast %broadcast_in_dim3A_4597 : vector<1x1xi32> to vector<64x128xi32>
    %mul3A_4599 = arith.muli %broadcast_in_dim3A_4598, %convert_element_type3A_4595 : vector<64x128xi32>
    %add3A_4600 = arith.addi %add3A_4578, %mul3A_4599 : vector<64x128xi32>
    %get3A_4601 = arith.constant 209 : index
    %get3A_4602 = arith.constant 0 : index
    %get3A_4603 = arith.constant 0 : index
    %get3A_4604 = vector.load %arg0[%get3A_4601, %get3A_4602, %get3A_4603] : memref<256x1x128xf32, #tpu.memory_space<vmem>>, vector<1x1x128xf32>
    %get3A_4605 = vector.shape_cast %get3A_4604 : vector<1x1x128xf32> to vector<1x128xf32>
    %gt3A_4606 = arith.constant 0.000000e+00 : f32
    %gt3A_4607 = vector.broadcast %gt3A_4606 : f32 to vector<1x128xf32>
    %gt3A_4608 = arith.cmpf ogt, %get3A_4605, %gt3A_4607 : vector<1x128xf32>
    %convert_element_type3A_4609 = arith.extui %gt3A_4608 : vector<1x128xi1> to vector<1x128xi32>
    %reduce_sum3A_4610 = arith.constant dense<0> : vector<1xi32>
    %reduce_sum3A_4611 = vector.multi_reduction <add>, %convert_element_type3A_4609, %reduce_sum3A_4610 [1] : vector<1x128xi32> to vector<1xi32>
    %broadcast_in_dim3A_4612 = vector.shape_cast %reduce_sum3A_4611 : vector<1xi32> to vector<1x1xi32>
    %add3A_4613 = arith.addi %add3A_4591, %broadcast_in_dim3A_4612 : vector<1x1xi32>
    %broadcast_in_dim3A_4614 = vector.shape_cast %add3A_4613 : vector<1x1xi32> to vector<1x1xi32>
    %broadcast_in_dim3A_4615 = vector.broadcast %broadcast_in_dim3A_4614 : vector<1x1xi32> to vector<64x128xi32>
    %le3A_4616 = arith.cmpi sle, %broadcast_in_dim3A_4615, %add3A : vector<64x128xi32>
    %convert_element_type3A_4617 = arith.extui %le3A_4616 : vector<64x128xi1> to vector<64x128xi32>
    %add3A_4618 = arith.addi %add3A_4596, %convert_element_type3A_4617 : vector<64x128xi32>
    %broadcast_in_dim3A_4619 = vector.shape_cast %broadcast_in_dim3A_4612 : vector<1x1xi32> to vector<1x1xi32>
    %broadcast_in_dim3A_4620 = vector.broadcast %broadcast_in_dim3A_4619 : vector<1x1xi32> to vector<64x128xi32>
    %mul3A_4621 = arith.muli %broadcast_in_dim3A_4620, %convert_element_type3A_4617 : vector<64x128xi32>
    %add3A_4622 = arith.addi %add3A_4600, %mul3A_4621 : vector<64x128xi32>
    %get3A_4623 = arith.constant 210 : index
    %get3A_4624 = arith.constant 0 : index
    %get3A_4625 = arith.constant 0 : index
    %get3A_4626 = vector.load %arg0[%get3A_4623, %get3A_4624, %get3A_4625] : memref<256x1x128xf32, #tpu.memory_space<vmem>>, vector<1x1x128xf32>
    %get3A_4627 = vector.shape_cast %get3A_4626 : vector<1x1x128xf32> to vector<1x128xf32>
    %gt3A_4628 = arith.constant 0.000000e+00 : f32
    %gt3A_4629 = vector.broadcast %gt3A_4628 : f32 to vector<1x128xf32>
    %gt3A_4630 = arith.cmpf ogt, %get3A_4627, %gt3A_4629 : vector<1x128xf32>
    %convert_element_type3A_4631 = arith.extui %gt3A_4630 : vector<1x128xi1> to vector<1x128xi32>
    %reduce_sum3A_4632 = arith.constant dense<0> : vector<1xi32>
    %reduce_sum3A_4633 = vector.multi_reduction <add>, %convert_element_type3A_4631, %reduce_sum3A_4632 [1] : vector<1x128xi32> to vector<1xi32>
    %broadcast_in_dim3A_4634 = vector.shape_cast %reduce_sum3A_4633 : vector<1xi32> to vector<1x1xi32>
    %add3A_4635 = arith.addi %add3A_4613, %broadcast_in_dim3A_4634 : vector<1x1xi32>
    %broadcast_in_dim3A_4636 = vector.shape_cast %add3A_4635 : vector<1x1xi32> to vector<1x1xi32>
    %broadcast_in_dim3A_4637 = vector.broadcast %broadcast_in_dim3A_4636 : vector<1x1xi32> to vector<64x128xi32>
    %le3A_4638 = arith.cmpi sle, %broadcast_in_dim3A_4637, %add3A : vector<64x128xi32>
    %convert_element_type3A_4639 = arith.extui %le3A_4638 : vector<64x128xi1> to vector<64x128xi32>
    %add3A_4640 = arith.addi %add3A_4618, %convert_element_type3A_4639 : vector<64x128xi32>
    %broadcast_in_dim3A_4641 = vector.shape_cast %broadcast_in_dim3A_4634 : vector<1x1xi32> to vector<1x1xi32>
    %broadcast_in_dim3A_4642 = vector.broadcast %broadcast_in_dim3A_4641 : vector<1x1xi32> to vector<64x128xi32>
    %mul3A_4643 = arith.muli %broadcast_in_dim3A_4642, %convert_element_type3A_4639 : vector<64x128xi32>
    %add3A_4644 = arith.addi %add3A_4622, %mul3A_4643 : vector<64x128xi32>
    %get3A_4645 = arith.constant 211 : index
    %get3A_4646 = arith.constant 0 : index
    %get3A_4647 = arith.constant 0 : index
    %get3A_4648 = vector.load %arg0[%get3A_4645, %get3A_4646, %get3A_4647] : memref<256x1x128xf32, #tpu.memory_space<vmem>>, vector<1x1x128xf32>
    %get3A_4649 = vector.shape_cast %get3A_4648 : vector<1x1x128xf32> to vector<1x128xf32>
    %gt3A_4650 = arith.constant 0.000000e+00 : f32
    %gt3A_4651 = vector.broadcast %gt3A_4650 : f32 to vector<1x128xf32>
    %gt3A_4652 = arith.cmpf ogt, %get3A_4649, %gt3A_4651 : vector<1x128xf32>
    %convert_element_type3A_4653 = arith.extui %gt3A_4652 : vector<1x128xi1> to vector<1x128xi32>
    %reduce_sum3A_4654 = arith.constant dense<0> : vector<1xi32>
    %reduce_sum3A_4655 = vector.multi_reduction <add>, %convert_element_type3A_4653, %reduce_sum3A_4654 [1] : vector<1x128xi32> to vector<1xi32>
    %broadcast_in_dim3A_4656 = vector.shape_cast %reduce_sum3A_4655 : vector<1xi32> to vector<1x1xi32>
    %add3A_4657 = arith.addi %add3A_4635, %broadcast_in_dim3A_4656 : vector<1x1xi32>
    %broadcast_in_dim3A_4658 = vector.shape_cast %add3A_4657 : vector<1x1xi32> to vector<1x1xi32>
    %broadcast_in_dim3A_4659 = vector.broadcast %broadcast_in_dim3A_4658 : vector<1x1xi32> to vector<64x128xi32>
    %le3A_4660 = arith.cmpi sle, %broadcast_in_dim3A_4659, %add3A : vector<64x128xi32>
    %convert_element_type3A_4661 = arith.extui %le3A_4660 : vector<64x128xi1> to vector<64x128xi32>
    %add3A_4662 = arith.addi %add3A_4640, %convert_element_type3A_4661 : vector<64x128xi32>
    %broadcast_in_dim3A_4663 = vector.shape_cast %broadcast_in_dim3A_4656 : vector<1x1xi32> to vector<1x1xi32>
    %broadcast_in_dim3A_4664 = vector.broadcast %broadcast_in_dim3A_4663 : vector<1x1xi32> to vector<64x128xi32>
    %mul3A_4665 = arith.muli %broadcast_in_dim3A_4664, %convert_element_type3A_4661 : vector<64x128xi32>
    %add3A_4666 = arith.addi %add3A_4644, %mul3A_4665 : vector<64x128xi32>
    %get3A_4667 = arith.constant 212 : index
    %get3A_4668 = arith.constant 0 : index
    %get3A_4669 = arith.constant 0 : index
    %get3A_4670 = vector.load %arg0[%get3A_4667, %get3A_4668, %get3A_4669] : memref<256x1x128xf32, #tpu.memory_space<vmem>>, vector<1x1x128xf32>
    %get3A_4671 = vector.shape_cast %get3A_4670 : vector<1x1x128xf32> to vector<1x128xf32>
    %gt3A_4672 = arith.constant 0.000000e+00 : f32
    %gt3A_4673 = vector.broadcast %gt3A_4672 : f32 to vector<1x128xf32>
    %gt3A_4674 = arith.cmpf ogt, %get3A_4671, %gt3A_4673 : vector<1x128xf32>
    %convert_element_type3A_4675 = arith.extui %gt3A_4674 : vector<1x128xi1> to vector<1x128xi32>
    %reduce_sum3A_4676 = arith.constant dense<0> : vector<1xi32>
    %reduce_sum3A_4677 = vector.multi_reduction <add>, %convert_element_type3A_4675, %reduce_sum3A_4676 [1] : vector<1x128xi32> to vector<1xi32>
    %broadcast_in_dim3A_4678 = vector.shape_cast %reduce_sum3A_4677 : vector<1xi32> to vector<1x1xi32>
    %add3A_4679 = arith.addi %add3A_4657, %broadcast_in_dim3A_4678 : vector<1x1xi32>
    %broadcast_in_dim3A_4680 = vector.shape_cast %add3A_4679 : vector<1x1xi32> to vector<1x1xi32>
    %broadcast_in_dim3A_4681 = vector.broadcast %broadcast_in_dim3A_4680 : vector<1x1xi32> to vector<64x128xi32>
    %le3A_4682 = arith.cmpi sle, %broadcast_in_dim3A_4681, %add3A : vector<64x128xi32>
    %convert_element_type3A_4683 = arith.extui %le3A_4682 : vector<64x128xi1> to vector<64x128xi32>
    %add3A_4684 = arith.addi %add3A_4662, %convert_element_type3A_4683 : vector<64x128xi32>
    %broadcast_in_dim3A_4685 = vector.shape_cast %broadcast_in_dim3A_4678 : vector<1x1xi32> to vector<1x1xi32>
    %broadcast_in_dim3A_4686 = vector.broadcast %broadcast_in_dim3A_4685 : vector<1x1xi32> to vector<64x128xi32>
    %mul3A_4687 = arith.muli %broadcast_in_dim3A_4686, %convert_element_type3A_4683 : vector<64x128xi32>
    %add3A_4688 = arith.addi %add3A_4666, %mul3A_4687 : vector<64x128xi32>
    %get3A_4689 = arith.constant 213 : index
    %get3A_4690 = arith.constant 0 : index
    %get3A_4691 = arith.constant 0 : index
    %get3A_4692 = vector.load %arg0[%get3A_4689, %get3A_4690, %get3A_4691] : memref<256x1x128xf32, #tpu.memory_space<vmem>>, vector<1x1x128xf32>
    %get3A_4693 = vector.shape_cast %get3A_4692 : vector<1x1x128xf32> to vector<1x128xf32>
    %gt3A_4694 = arith.constant 0.000000e+00 : f32
    %gt3A_4695 = vector.broadcast %gt3A_4694 : f32 to vector<1x128xf32>
    %gt3A_4696 = arith.cmpf ogt, %get3A_4693, %gt3A_4695 : vector<1x128xf32>
    %convert_element_type3A_4697 = arith.extui %gt3A_4696 : vector<1x128xi1> to vector<1x128xi32>
    %reduce_sum3A_4698 = arith.constant dense<0> : vector<1xi32>
    %reduce_sum3A_4699 = vector.multi_reduction <add>, %convert_element_type3A_4697, %reduce_sum3A_4698 [1] : vector<1x128xi32> to vector<1xi32>
    %broadcast_in_dim3A_4700 = vector.shape_cast %reduce_sum3A_4699 : vector<1xi32> to vector<1x1xi32>
    %add3A_4701 = arith.addi %add3A_4679, %broadcast_in_dim3A_4700 : vector<1x1xi32>
    %broadcast_in_dim3A_4702 = vector.shape_cast %add3A_4701 : vector<1x1xi32> to vector<1x1xi32>
    %broadcast_in_dim3A_4703 = vector.broadcast %broadcast_in_dim3A_4702 : vector<1x1xi32> to vector<64x128xi32>
    %le3A_4704 = arith.cmpi sle, %broadcast_in_dim3A_4703, %add3A : vector<64x128xi32>
    %convert_element_type3A_4705 = arith.extui %le3A_4704 : vector<64x128xi1> to vector<64x128xi32>
    %add3A_4706 = arith.addi %add3A_4684, %convert_element_type3A_4705 : vector<64x128xi32>
    %broadcast_in_dim3A_4707 = vector.shape_cast %broadcast_in_dim3A_4700 : vector<1x1xi32> to vector<1x1xi32>
    %broadcast_in_dim3A_4708 = vector.broadcast %broadcast_in_dim3A_4707 : vector<1x1xi32> to vector<64x128xi32>
    %mul3A_4709 = arith.muli %broadcast_in_dim3A_4708, %convert_element_type3A_4705 : vector<64x128xi32>
    %add3A_4710 = arith.addi %add3A_4688, %mul3A_4709 : vector<64x128xi32>
    %get3A_4711 = arith.constant 214 : index
    %get3A_4712 = arith.constant 0 : index
    %get3A_4713 = arith.constant 0 : index
    %get3A_4714 = vector.load %arg0[%get3A_4711, %get3A_4712, %get3A_4713] : memref<256x1x128xf32, #tpu.memory_space<vmem>>, vector<1x1x128xf32>
    %get3A_4715 = vector.shape_cast %get3A_4714 : vector<1x1x128xf32> to vector<1x128xf32>
    %gt3A_4716 = arith.constant 0.000000e+00 : f32
    %gt3A_4717 = vector.broadcast %gt3A_4716 : f32 to vector<1x128xf32>
    %gt3A_4718 = arith.cmpf ogt, %get3A_4715, %gt3A_4717 : vector<1x128xf32>
    %convert_element_type3A_4719 = arith.extui %gt3A_4718 : vector<1x128xi1> to vector<1x128xi32>
    %reduce_sum3A_4720 = arith.constant dense<0> : vector<1xi32>
    %reduce_sum3A_4721 = vector.multi_reduction <add>, %convert_element_type3A_4719, %reduce_sum3A_4720 [1] : vector<1x128xi32> to vector<1xi32>
    %broadcast_in_dim3A_4722 = vector.shape_cast %reduce_sum3A_4721 : vector<1xi32> to vector<1x1xi32>
    %add3A_4723 = arith.addi %add3A_4701, %broadcast_in_dim3A_4722 : vector<1x1xi32>
    %broadcast_in_dim3A_4724 = vector.shape_cast %add3A_4723 : vector<1x1xi32> to vector<1x1xi32>
    %broadcast_in_dim3A_4725 = vector.broadcast %broadcast_in_dim3A_4724 : vector<1x1xi32> to vector<64x128xi32>
    %le3A_4726 = arith.cmpi sle, %broadcast_in_dim3A_4725, %add3A : vector<64x128xi32>
    %convert_element_type3A_4727 = arith.extui %le3A_4726 : vector<64x128xi1> to vector<64x128xi32>
    %add3A_4728 = arith.addi %add3A_4706, %convert_element_type3A_4727 : vector<64x128xi32>
    %broadcast_in_dim3A_4729 = vector.shape_cast %broadcast_in_dim3A_4722 : vector<1x1xi32> to vector<1x1xi32>
    %broadcast_in_dim3A_4730 = vector.broadcast %broadcast_in_dim3A_4729 : vector<1x1xi32> to vector<64x128xi32>
    %mul3A_4731 = arith.muli %broadcast_in_dim3A_4730, %convert_element_type3A_4727 : vector<64x128xi32>
    %add3A_4732 = arith.addi %add3A_4710, %mul3A_4731 : vector<64x128xi32>
    %get3A_4733 = arith.constant 215 : index
    %get3A_4734 = arith.constant 0 : index
    %get3A_4735 = arith.constant 0 : index
    %get3A_4736 = vector.load %arg0[%get3A_4733, %get3A_4734, %get3A_4735] : memref<256x1x128xf32, #tpu.memory_space<vmem>>, vector<1x1x128xf32>
    %get3A_4737 = vector.shape_cast %get3A_4736 : vector<1x1x128xf32> to vector<1x128xf32>
    %gt3A_4738 = arith.constant 0.000000e+00 : f32
    %gt3A_4739 = vector.broadcast %gt3A_4738 : f32 to vector<1x128xf32>
    %gt3A_4740 = arith.cmpf ogt, %get3A_4737, %gt3A_4739 : vector<1x128xf32>
    %convert_element_type3A_4741 = arith.extui %gt3A_4740 : vector<1x128xi1> to vector<1x128xi32>
    %reduce_sum3A_4742 = arith.constant dense<0> : vector<1xi32>
    %reduce_sum3A_4743 = vector.multi_reduction <add>, %convert_element_type3A_4741, %reduce_sum3A_4742 [1] : vector<1x128xi32> to vector<1xi32>
    %broadcast_in_dim3A_4744 = vector.shape_cast %reduce_sum3A_4743 : vector<1xi32> to vector<1x1xi32>
    %add3A_4745 = arith.addi %add3A_4723, %broadcast_in_dim3A_4744 : vector<1x1xi32>
    %broadcast_in_dim3A_4746 = vector.shape_cast %add3A_4745 : vector<1x1xi32> to vector<1x1xi32>
    %broadcast_in_dim3A_4747 = vector.broadcast %broadcast_in_dim3A_4746 : vector<1x1xi32> to vector<64x128xi32>
    %le3A_4748 = arith.cmpi sle, %broadcast_in_dim3A_4747, %add3A : vector<64x128xi32>
    %convert_element_type3A_4749 = arith.extui %le3A_4748 : vector<64x128xi1> to vector<64x128xi32>
    %add3A_4750 = arith.addi %add3A_4728, %convert_element_type3A_4749 : vector<64x128xi32>
    %broadcast_in_dim3A_4751 = vector.shape_cast %broadcast_in_dim3A_4744 : vector<1x1xi32> to vector<1x1xi32>
    %broadcast_in_dim3A_4752 = vector.broadcast %broadcast_in_dim3A_4751 : vector<1x1xi32> to vector<64x128xi32>
    %mul3A_4753 = arith.muli %broadcast_in_dim3A_4752, %convert_element_type3A_4749 : vector<64x128xi32>
    %add3A_4754 = arith.addi %add3A_4732, %mul3A_4753 : vector<64x128xi32>
    %get3A_4755 = arith.constant 216 : index
    %get3A_4756 = arith.constant 0 : index
    %get3A_4757 = arith.constant 0 : index
    %get3A_4758 = vector.load %arg0[%get3A_4755, %get3A_4756, %get3A_4757] : memref<256x1x128xf32, #tpu.memory_space<vmem>>, vector<1x1x128xf32>
    %get3A_4759 = vector.shape_cast %get3A_4758 : vector<1x1x128xf32> to vector<1x128xf32>
    %gt3A_4760 = arith.constant 0.000000e+00 : f32
    %gt3A_4761 = vector.broadcast %gt3A_4760 : f32 to vector<1x128xf32>
    %gt3A_4762 = arith.cmpf ogt, %get3A_4759, %gt3A_4761 : vector<1x128xf32>
    %convert_element_type3A_4763 = arith.extui %gt3A_4762 : vector<1x128xi1> to vector<1x128xi32>
    %reduce_sum3A_4764 = arith.constant dense<0> : vector<1xi32>
    %reduce_sum3A_4765 = vector.multi_reduction <add>, %convert_element_type3A_4763, %reduce_sum3A_4764 [1] : vector<1x128xi32> to vector<1xi32>
    %broadcast_in_dim3A_4766 = vector.shape_cast %reduce_sum3A_4765 : vector<1xi32> to vector<1x1xi32>
    %add3A_4767 = arith.addi %add3A_4745, %broadcast_in_dim3A_4766 : vector<1x1xi32>
    %broadcast_in_dim3A_4768 = vector.shape_cast %add3A_4767 : vector<1x1xi32> to vector<1x1xi32>
    %broadcast_in_dim3A_4769 = vector.broadcast %broadcast_in_dim3A_4768 : vector<1x1xi32> to vector<64x128xi32>
    %le3A_4770 = arith.cmpi sle, %broadcast_in_dim3A_4769, %add3A : vector<64x128xi32>
    %convert_element_type3A_4771 = arith.extui %le3A_4770 : vector<64x128xi1> to vector<64x128xi32>
    %add3A_4772 = arith.addi %add3A_4750, %convert_element_type3A_4771 : vector<64x128xi32>
    %broadcast_in_dim3A_4773 = vector.shape_cast %broadcast_in_dim3A_4766 : vector<1x1xi32> to vector<1x1xi32>
    %broadcast_in_dim3A_4774 = vector.broadcast %broadcast_in_dim3A_4773 : vector<1x1xi32> to vector<64x128xi32>
    %mul3A_4775 = arith.muli %broadcast_in_dim3A_4774, %convert_element_type3A_4771 : vector<64x128xi32>
    %add3A_4776 = arith.addi %add3A_4754, %mul3A_4775 : vector<64x128xi32>
    %get3A_4777 = arith.constant 217 : index
    %get3A_4778 = arith.constant 0 : index
    %get3A_4779 = arith.constant 0 : index
    %get3A_4780 = vector.load %arg0[%get3A_4777, %get3A_4778, %get3A_4779] : memref<256x1x128xf32, #tpu.memory_space<vmem>>, vector<1x1x128xf32>
    %get3A_4781 = vector.shape_cast %get3A_4780 : vector<1x1x128xf32> to vector<1x128xf32>
    %gt3A_4782 = arith.constant 0.000000e+00 : f32
    %gt3A_4783 = vector.broadcast %gt3A_4782 : f32 to vector<1x128xf32>
    %gt3A_4784 = arith.cmpf ogt, %get3A_4781, %gt3A_4783 : vector<1x128xf32>
    %convert_element_type3A_4785 = arith.extui %gt3A_4784 : vector<1x128xi1> to vector<1x128xi32>
    %reduce_sum3A_4786 = arith.constant dense<0> : vector<1xi32>
    %reduce_sum3A_4787 = vector.multi_reduction <add>, %convert_element_type3A_4785, %reduce_sum3A_4786 [1] : vector<1x128xi32> to vector<1xi32>
    %broadcast_in_dim3A_4788 = vector.shape_cast %reduce_sum3A_4787 : vector<1xi32> to vector<1x1xi32>
    %add3A_4789 = arith.addi %add3A_4767, %broadcast_in_dim3A_4788 : vector<1x1xi32>
    %broadcast_in_dim3A_4790 = vector.shape_cast %add3A_4789 : vector<1x1xi32> to vector<1x1xi32>
    %broadcast_in_dim3A_4791 = vector.broadcast %broadcast_in_dim3A_4790 : vector<1x1xi32> to vector<64x128xi32>
    %le3A_4792 = arith.cmpi sle, %broadcast_in_dim3A_4791, %add3A : vector<64x128xi32>
    %convert_element_type3A_4793 = arith.extui %le3A_4792 : vector<64x128xi1> to vector<64x128xi32>
    %add3A_4794 = arith.addi %add3A_4772, %convert_element_type3A_4793 : vector<64x128xi32>
    %broadcast_in_dim3A_4795 = vector.shape_cast %broadcast_in_dim3A_4788 : vector<1x1xi32> to vector<1x1xi32>
    %broadcast_in_dim3A_4796 = vector.broadcast %broadcast_in_dim3A_4795 : vector<1x1xi32> to vector<64x128xi32>
    %mul3A_4797 = arith.muli %broadcast_in_dim3A_4796, %convert_element_type3A_4793 : vector<64x128xi32>
    %add3A_4798 = arith.addi %add3A_4776, %mul3A_4797 : vector<64x128xi32>
    %get3A_4799 = arith.constant 218 : index
    %get3A_4800 = arith.constant 0 : index
    %get3A_4801 = arith.constant 0 : index
    %get3A_4802 = vector.load %arg0[%get3A_4799, %get3A_4800, %get3A_4801] : memref<256x1x128xf32, #tpu.memory_space<vmem>>, vector<1x1x128xf32>
    %get3A_4803 = vector.shape_cast %get3A_4802 : vector<1x1x128xf32> to vector<1x128xf32>
    %gt3A_4804 = arith.constant 0.000000e+00 : f32
    %gt3A_4805 = vector.broadcast %gt3A_4804 : f32 to vector<1x128xf32>
    %gt3A_4806 = arith.cmpf ogt, %get3A_4803, %gt3A_4805 : vector<1x128xf32>
    %convert_element_type3A_4807 = arith.extui %gt3A_4806 : vector<1x128xi1> to vector<1x128xi32>
    %reduce_sum3A_4808 = arith.constant dense<0> : vector<1xi32>
    %reduce_sum3A_4809 = vector.multi_reduction <add>, %convert_element_type3A_4807, %reduce_sum3A_4808 [1] : vector<1x128xi32> to vector<1xi32>
    %broadcast_in_dim3A_4810 = vector.shape_cast %reduce_sum3A_4809 : vector<1xi32> to vector<1x1xi32>
    %add3A_4811 = arith.addi %add3A_4789, %broadcast_in_dim3A_4810 : vector<1x1xi32>
    %broadcast_in_dim3A_4812 = vector.shape_cast %add3A_4811 : vector<1x1xi32> to vector<1x1xi32>
    %broadcast_in_dim3A_4813 = vector.broadcast %broadcast_in_dim3A_4812 : vector<1x1xi32> to vector<64x128xi32>
    %le3A_4814 = arith.cmpi sle, %broadcast_in_dim3A_4813, %add3A : vector<64x128xi32>
    %convert_element_type3A_4815 = arith.extui %le3A_4814 : vector<64x128xi1> to vector<64x128xi32>
    %add3A_4816 = arith.addi %add3A_4794, %convert_element_type3A_4815 : vector<64x128xi32>
    %broadcast_in_dim3A_4817 = vector.shape_cast %broadcast_in_dim3A_4810 : vector<1x1xi32> to vector<1x1xi32>
    %broadcast_in_dim3A_4818 = vector.broadcast %broadcast_in_dim3A_4817 : vector<1x1xi32> to vector<64x128xi32>
    %mul3A_4819 = arith.muli %broadcast_in_dim3A_4818, %convert_element_type3A_4815 : vector<64x128xi32>
    %add3A_4820 = arith.addi %add3A_4798, %mul3A_4819 : vector<64x128xi32>
    %get3A_4821 = arith.constant 219 : index
    %get3A_4822 = arith.constant 0 : index
    %get3A_4823 = arith.constant 0 : index
    %get3A_4824 = vector.load %arg0[%get3A_4821, %get3A_4822, %get3A_4823] : memref<256x1x128xf32, #tpu.memory_space<vmem>>, vector<1x1x128xf32>
    %get3A_4825 = vector.shape_cast %get3A_4824 : vector<1x1x128xf32> to vector<1x128xf32>
    %gt3A_4826 = arith.constant 0.000000e+00 : f32
    %gt3A_4827 = vector.broadcast %gt3A_4826 : f32 to vector<1x128xf32>
    %gt3A_4828 = arith.cmpf ogt, %get3A_4825, %gt3A_4827 : vector<1x128xf32>
    %convert_element_type3A_4829 = arith.extui %gt3A_4828 : vector<1x128xi1> to vector<1x128xi32>
    %reduce_sum3A_4830 = arith.constant dense<0> : vector<1xi32>
    %reduce_sum3A_4831 = vector.multi_reduction <add>, %convert_element_type3A_4829, %reduce_sum3A_4830 [1] : vector<1x128xi32> to vector<1xi32>
    %broadcast_in_dim3A_4832 = vector.shape_cast %reduce_sum3A_4831 : vector<1xi32> to vector<1x1xi32>
    %add3A_4833 = arith.addi %add3A_4811, %broadcast_in_dim3A_4832 : vector<1x1xi32>
    %broadcast_in_dim3A_4834 = vector.shape_cast %add3A_4833 : vector<1x1xi32> to vector<1x1xi32>
    %broadcast_in_dim3A_4835 = vector.broadcast %broadcast_in_dim3A_4834 : vector<1x1xi32> to vector<64x128xi32>
    %le3A_4836 = arith.cmpi sle, %broadcast_in_dim3A_4835, %add3A : vector<64x128xi32>
    %convert_element_type3A_4837 = arith.extui %le3A_4836 : vector<64x128xi1> to vector<64x128xi32>
    %add3A_4838 = arith.addi %add3A_4816, %convert_element_type3A_4837 : vector<64x128xi32>
    %broadcast_in_dim3A_4839 = vector.shape_cast %broadcast_in_dim3A_4832 : vector<1x1xi32> to vector<1x1xi32>
    %broadcast_in_dim3A_4840 = vector.broadcast %broadcast_in_dim3A_4839 : vector<1x1xi32> to vector<64x128xi32>
    %mul3A_4841 = arith.muli %broadcast_in_dim3A_4840, %convert_element_type3A_4837 : vector<64x128xi32>
    %add3A_4842 = arith.addi %add3A_4820, %mul3A_4841 : vector<64x128xi32>
    %get3A_4843 = arith.constant 220 : index
    %get3A_4844 = arith.constant 0 : index
    %get3A_4845 = arith.constant 0 : index
    %get3A_4846 = vector.load %arg0[%get3A_4843, %get3A_4844, %get3A_4845] : memref<256x1x128xf32, #tpu.memory_space<vmem>>, vector<1x1x128xf32>
    %get3A_4847 = vector.shape_cast %get3A_4846 : vector<1x1x128xf32> to vector<1x128xf32>
    %gt3A_4848 = arith.constant 0.000000e+00 : f32
    %gt3A_4849 = vector.broadcast %gt3A_4848 : f32 to vector<1x128xf32>
    %gt3A_4850 = arith.cmpf ogt, %get3A_4847, %gt3A_4849 : vector<1x128xf32>
    %convert_element_type3A_4851 = arith.extui %gt3A_4850 : vector<1x128xi1> to vector<1x128xi32>
    %reduce_sum3A_4852 = arith.constant dense<0> : vector<1xi32>
    %reduce_sum3A_4853 = vector.multi_reduction <add>, %convert_element_type3A_4851, %reduce_sum3A_4852 [1] : vector<1x128xi32> to vector<1xi32>
    %broadcast_in_dim3A_4854 = vector.shape_cast %reduce_sum3A_4853 : vector<1xi32> to vector<1x1xi32>
    %add3A_4855 = arith.addi %add3A_4833, %broadcast_in_dim3A_4854 : vector<1x1xi32>
    %broadcast_in_dim3A_4856 = vector.shape_cast %add3A_4855 : vector<1x1xi32> to vector<1x1xi32>
    %broadcast_in_dim3A_4857 = vector.broadcast %broadcast_in_dim3A_4856 : vector<1x1xi32> to vector<64x128xi32>
    %le3A_4858 = arith.cmpi sle, %broadcast_in_dim3A_4857, %add3A : vector<64x128xi32>
    %convert_element_type3A_4859 = arith.extui %le3A_4858 : vector<64x128xi1> to vector<64x128xi32>
    %add3A_4860 = arith.addi %add3A_4838, %convert_element_type3A_4859 : vector<64x128xi32>
    %broadcast_in_dim3A_4861 = vector.shape_cast %broadcast_in_dim3A_4854 : vector<1x1xi32> to vector<1x1xi32>
    %broadcast_in_dim3A_4862 = vector.broadcast %broadcast_in_dim3A_4861 : vector<1x1xi32> to vector<64x128xi32>
    %mul3A_4863 = arith.muli %broadcast_in_dim3A_4862, %convert_element_type3A_4859 : vector<64x128xi32>
    %add3A_4864 = arith.addi %add3A_4842, %mul3A_4863 : vector<64x128xi32>
    %get3A_4865 = arith.constant 221 : index
    %get3A_4866 = arith.constant 0 : index
    %get3A_4867 = arith.constant 0 : index
    %get3A_4868 = vector.load %arg0[%get3A_4865, %get3A_4866, %get3A_4867] : memref<256x1x128xf32, #tpu.memory_space<vmem>>, vector<1x1x128xf32>
    %get3A_4869 = vector.shape_cast %get3A_4868 : vector<1x1x128xf32> to vector<1x128xf32>
    %gt3A_4870 = arith.constant 0.000000e+00 : f32
    %gt3A_4871 = vector.broadcast %gt3A_4870 : f32 to vector<1x128xf32>
    %gt3A_4872 = arith.cmpf ogt, %get3A_4869, %gt3A_4871 : vector<1x128xf32>
    %convert_element_type3A_4873 = arith.extui %gt3A_4872 : vector<1x128xi1> to vector<1x128xi32>
    %reduce_sum3A_4874 = arith.constant dense<0> : vector<1xi32>
    %reduce_sum3A_4875 = vector.multi_reduction <add>, %convert_element_type3A_4873, %reduce_sum3A_4874 [1] : vector<1x128xi32> to vector<1xi32>
    %broadcast_in_dim3A_4876 = vector.shape_cast %reduce_sum3A_4875 : vector<1xi32> to vector<1x1xi32>
    %add3A_4877 = arith.addi %add3A_4855, %broadcast_in_dim3A_4876 : vector<1x1xi32>
    %broadcast_in_dim3A_4878 = vector.shape_cast %add3A_4877 : vector<1x1xi32> to vector<1x1xi32>
    %broadcast_in_dim3A_4879 = vector.broadcast %broadcast_in_dim3A_4878 : vector<1x1xi32> to vector<64x128xi32>
    %le3A_4880 = arith.cmpi sle, %broadcast_in_dim3A_4879, %add3A : vector<64x128xi32>
    %convert_element_type3A_4881 = arith.extui %le3A_4880 : vector<64x128xi1> to vector<64x128xi32>
    %add3A_4882 = arith.addi %add3A_4860, %convert_element_type3A_4881 : vector<64x128xi32>
    %broadcast_in_dim3A_4883 = vector.shape_cast %broadcast_in_dim3A_4876 : vector<1x1xi32> to vector<1x1xi32>
    %broadcast_in_dim3A_4884 = vector.broadcast %broadcast_in_dim3A_4883 : vector<1x1xi32> to vector<64x128xi32>
    %mul3A_4885 = arith.muli %broadcast_in_dim3A_4884, %convert_element_type3A_4881 : vector<64x128xi32>
    %add3A_4886 = arith.addi %add3A_4864, %mul3A_4885 : vector<64x128xi32>
    %get3A_4887 = arith.constant 222 : index
    %get3A_4888 = arith.constant 0 : index
    %get3A_4889 = arith.constant 0 : index
    %get3A_4890 = vector.load %arg0[%get3A_4887, %get3A_4888, %get3A_4889] : memref<256x1x128xf32, #tpu.memory_space<vmem>>, vector<1x1x128xf32>
    %get3A_4891 = vector.shape_cast %get3A_4890 : vector<1x1x128xf32> to vector<1x128xf32>
    %gt3A_4892 = arith.constant 0.000000e+00 : f32
    %gt3A_4893 = vector.broadcast %gt3A_4892 : f32 to vector<1x128xf32>
    %gt3A_4894 = arith.cmpf ogt, %get3A_4891, %gt3A_4893 : vector<1x128xf32>
    %convert_element_type3A_4895 = arith.extui %gt3A_4894 : vector<1x128xi1> to vector<1x128xi32>
    %reduce_sum3A_4896 = arith.constant dense<0> : vector<1xi32>
    %reduce_sum3A_4897 = vector.multi_reduction <add>, %convert_element_type3A_4895, %reduce_sum3A_4896 [1] : vector<1x128xi32> to vector<1xi32>
    %broadcast_in_dim3A_4898 = vector.shape_cast %reduce_sum3A_4897 : vector<1xi32> to vector<1x1xi32>
    %add3A_4899 = arith.addi %add3A_4877, %broadcast_in_dim3A_4898 : vector<1x1xi32>
    %broadcast_in_dim3A_4900 = vector.shape_cast %add3A_4899 : vector<1x1xi32> to vector<1x1xi32>
    %broadcast_in_dim3A_4901 = vector.broadcast %broadcast_in_dim3A_4900 : vector<1x1xi32> to vector<64x128xi32>
    %le3A_4902 = arith.cmpi sle, %broadcast_in_dim3A_4901, %add3A : vector<64x128xi32>
    %convert_element_type3A_4903 = arith.extui %le3A_4902 : vector<64x128xi1> to vector<64x128xi32>
    %add3A_4904 = arith.addi %add3A_4882, %convert_element_type3A_4903 : vector<64x128xi32>
    %broadcast_in_dim3A_4905 = vector.shape_cast %broadcast_in_dim3A_4898 : vector<1x1xi32> to vector<1x1xi32>
    %broadcast_in_dim3A_4906 = vector.broadcast %broadcast_in_dim3A_4905 : vector<1x1xi32> to vector<64x128xi32>
    %mul3A_4907 = arith.muli %broadcast_in_dim3A_4906, %convert_element_type3A_4903 : vector<64x128xi32>
    %add3A_4908 = arith.addi %add3A_4886, %mul3A_4907 : vector<64x128xi32>
    %get3A_4909 = arith.constant 223 : index
    %get3A_4910 = arith.constant 0 : index
    %get3A_4911 = arith.constant 0 : index
    %get3A_4912 = vector.load %arg0[%get3A_4909, %get3A_4910, %get3A_4911] : memref<256x1x128xf32, #tpu.memory_space<vmem>>, vector<1x1x128xf32>
    %get3A_4913 = vector.shape_cast %get3A_4912 : vector<1x1x128xf32> to vector<1x128xf32>
    %gt3A_4914 = arith.constant 0.000000e+00 : f32
    %gt3A_4915 = vector.broadcast %gt3A_4914 : f32 to vector<1x128xf32>
    %gt3A_4916 = arith.cmpf ogt, %get3A_4913, %gt3A_4915 : vector<1x128xf32>
    %convert_element_type3A_4917 = arith.extui %gt3A_4916 : vector<1x128xi1> to vector<1x128xi32>
    %reduce_sum3A_4918 = arith.constant dense<0> : vector<1xi32>
    %reduce_sum3A_4919 = vector.multi_reduction <add>, %convert_element_type3A_4917, %reduce_sum3A_4918 [1] : vector<1x128xi32> to vector<1xi32>
    %broadcast_in_dim3A_4920 = vector.shape_cast %reduce_sum3A_4919 : vector<1xi32> to vector<1x1xi32>
    %add3A_4921 = arith.addi %add3A_4899, %broadcast_in_dim3A_4920 : vector<1x1xi32>
    %broadcast_in_dim3A_4922 = vector.shape_cast %add3A_4921 : vector<1x1xi32> to vector<1x1xi32>
    %broadcast_in_dim3A_4923 = vector.broadcast %broadcast_in_dim3A_4922 : vector<1x1xi32> to vector<64x128xi32>
    %le3A_4924 = arith.cmpi sle, %broadcast_in_dim3A_4923, %add3A : vector<64x128xi32>
    %convert_element_type3A_4925 = arith.extui %le3A_4924 : vector<64x128xi1> to vector<64x128xi32>
    %add3A_4926 = arith.addi %add3A_4904, %convert_element_type3A_4925 : vector<64x128xi32>
    %broadcast_in_dim3A_4927 = vector.shape_cast %broadcast_in_dim3A_4920 : vector<1x1xi32> to vector<1x1xi32>
    %broadcast_in_dim3A_4928 = vector.broadcast %broadcast_in_dim3A_4927 : vector<1x1xi32> to vector<64x128xi32>
    %mul3A_4929 = arith.muli %broadcast_in_dim3A_4928, %convert_element_type3A_4925 : vector<64x128xi32>
    %add3A_4930 = arith.addi %add3A_4908, %mul3A_4929 : vector<64x128xi32>
    %get3A_4931 = arith.constant 224 : index
    %get3A_4932 = arith.constant 0 : index
    %get3A_4933 = arith.constant 0 : index
    %get3A_4934 = vector.load %arg0[%get3A_4931, %get3A_4932, %get3A_4933] : memref<256x1x128xf32, #tpu.memory_space<vmem>>, vector<1x1x128xf32>
    %get3A_4935 = vector.shape_cast %get3A_4934 : vector<1x1x128xf32> to vector<1x128xf32>
    %gt3A_4936 = arith.constant 0.000000e+00 : f32
    %gt3A_4937 = vector.broadcast %gt3A_4936 : f32 to vector<1x128xf32>
    %gt3A_4938 = arith.cmpf ogt, %get3A_4935, %gt3A_4937 : vector<1x128xf32>
    %convert_element_type3A_4939 = arith.extui %gt3A_4938 : vector<1x128xi1> to vector<1x128xi32>
    %reduce_sum3A_4940 = arith.constant dense<0> : vector<1xi32>
    %reduce_sum3A_4941 = vector.multi_reduction <add>, %convert_element_type3A_4939, %reduce_sum3A_4940 [1] : vector<1x128xi32> to vector<1xi32>
    %broadcast_in_dim3A_4942 = vector.shape_cast %reduce_sum3A_4941 : vector<1xi32> to vector<1x1xi32>
    %add3A_4943 = arith.addi %add3A_4921, %broadcast_in_dim3A_4942 : vector<1x1xi32>
    %broadcast_in_dim3A_4944 = vector.shape_cast %add3A_4943 : vector<1x1xi32> to vector<1x1xi32>
    %broadcast_in_dim3A_4945 = vector.broadcast %broadcast_in_dim3A_4944 : vector<1x1xi32> to vector<64x128xi32>
    %le3A_4946 = arith.cmpi sle, %broadcast_in_dim3A_4945, %add3A : vector<64x128xi32>
    %convert_element_type3A_4947 = arith.extui %le3A_4946 : vector<64x128xi1> to vector<64x128xi32>
    %add3A_4948 = arith.addi %add3A_4926, %convert_element_type3A_4947 : vector<64x128xi32>
    %broadcast_in_dim3A_4949 = vector.shape_cast %broadcast_in_dim3A_4942 : vector<1x1xi32> to vector<1x1xi32>
    %broadcast_in_dim3A_4950 = vector.broadcast %broadcast_in_dim3A_4949 : vector<1x1xi32> to vector<64x128xi32>
    %mul3A_4951 = arith.muli %broadcast_in_dim3A_4950, %convert_element_type3A_4947 : vector<64x128xi32>
    %add3A_4952 = arith.addi %add3A_4930, %mul3A_4951 : vector<64x128xi32>
    %get3A_4953 = arith.constant 225 : index
    %get3A_4954 = arith.constant 0 : index
    %get3A_4955 = arith.constant 0 : index
    %get3A_4956 = vector.load %arg0[%get3A_4953, %get3A_4954, %get3A_4955] : memref<256x1x128xf32, #tpu.memory_space<vmem>>, vector<1x1x128xf32>
    %get3A_4957 = vector.shape_cast %get3A_4956 : vector<1x1x128xf32> to vector<1x128xf32>
    %gt3A_4958 = arith.constant 0.000000e+00 : f32
    %gt3A_4959 = vector.broadcast %gt3A_4958 : f32 to vector<1x128xf32>
    %gt3A_4960 = arith.cmpf ogt, %get3A_4957, %gt3A_4959 : vector<1x128xf32>
    %convert_element_type3A_4961 = arith.extui %gt3A_4960 : vector<1x128xi1> to vector<1x128xi32>
    %reduce_sum3A_4962 = arith.constant dense<0> : vector<1xi32>
    %reduce_sum3A_4963 = vector.multi_reduction <add>, %convert_element_type3A_4961, %reduce_sum3A_4962 [1] : vector<1x128xi32> to vector<1xi32>
    %broadcast_in_dim3A_4964 = vector.shape_cast %reduce_sum3A_4963 : vector<1xi32> to vector<1x1xi32>
    %add3A_4965 = arith.addi %add3A_4943, %broadcast_in_dim3A_4964 : vector<1x1xi32>
    %broadcast_in_dim3A_4966 = vector.shape_cast %add3A_4965 : vector<1x1xi32> to vector<1x1xi32>
    %broadcast_in_dim3A_4967 = vector.broadcast %broadcast_in_dim3A_4966 : vector<1x1xi32> to vector<64x128xi32>
    %le3A_4968 = arith.cmpi sle, %broadcast_in_dim3A_4967, %add3A : vector<64x128xi32>
    %convert_element_type3A_4969 = arith.extui %le3A_4968 : vector<64x128xi1> to vector<64x128xi32>
    %add3A_4970 = arith.addi %add3A_4948, %convert_element_type3A_4969 : vector<64x128xi32>
    %broadcast_in_dim3A_4971 = vector.shape_cast %broadcast_in_dim3A_4964 : vector<1x1xi32> to vector<1x1xi32>
    %broadcast_in_dim3A_4972 = vector.broadcast %broadcast_in_dim3A_4971 : vector<1x1xi32> to vector<64x128xi32>
    %mul3A_4973 = arith.muli %broadcast_in_dim3A_4972, %convert_element_type3A_4969 : vector<64x128xi32>
    %add3A_4974 = arith.addi %add3A_4952, %mul3A_4973 : vector<64x128xi32>
    %get3A_4975 = arith.constant 226 : index
    %get3A_4976 = arith.constant 0 : index
    %get3A_4977 = arith.constant 0 : index
    %get3A_4978 = vector.load %arg0[%get3A_4975, %get3A_4976, %get3A_4977] : memref<256x1x128xf32, #tpu.memory_space<vmem>>, vector<1x1x128xf32>
    %get3A_4979 = vector.shape_cast %get3A_4978 : vector<1x1x128xf32> to vector<1x128xf32>
    %gt3A_4980 = arith.constant 0.000000e+00 : f32
    %gt3A_4981 = vector.broadcast %gt3A_4980 : f32 to vector<1x128xf32>
    %gt3A_4982 = arith.cmpf ogt, %get3A_4979, %gt3A_4981 : vector<1x128xf32>
    %convert_element_type3A_4983 = arith.extui %gt3A_4982 : vector<1x128xi1> to vector<1x128xi32>
    %reduce_sum3A_4984 = arith.constant dense<0> : vector<1xi32>
    %reduce_sum3A_4985 = vector.multi_reduction <add>, %convert_element_type3A_4983, %reduce_sum3A_4984 [1] : vector<1x128xi32> to vector<1xi32>
    %broadcast_in_dim3A_4986 = vector.shape_cast %reduce_sum3A_4985 : vector<1xi32> to vector<1x1xi32>
    %add3A_4987 = arith.addi %add3A_4965, %broadcast_in_dim3A_4986 : vector<1x1xi32>
    %broadcast_in_dim3A_4988 = vector.shape_cast %add3A_4987 : vector<1x1xi32> to vector<1x1xi32>
    %broadcast_in_dim3A_4989 = vector.broadcast %broadcast_in_dim3A_4988 : vector<1x1xi32> to vector<64x128xi32>
    %le3A_4990 = arith.cmpi sle, %broadcast_in_dim3A_4989, %add3A : vector<64x128xi32>
    %convert_element_type3A_4991 = arith.extui %le3A_4990 : vector<64x128xi1> to vector<64x128xi32>
    %add3A_4992 = arith.addi %add3A_4970, %convert_element_type3A_4991 : vector<64x128xi32>
    %broadcast_in_dim3A_4993 = vector.shape_cast %broadcast_in_dim3A_4986 : vector<1x1xi32> to vector<1x1xi32>
    %broadcast_in_dim3A_4994 = vector.broadcast %broadcast_in_dim3A_4993 : vector<1x1xi32> to vector<64x128xi32>
    %mul3A_4995 = arith.muli %broadcast_in_dim3A_4994, %convert_element_type3A_4991 : vector<64x128xi32>
    %add3A_4996 = arith.addi %add3A_4974, %mul3A_4995 : vector<64x128xi32>
    %get3A_4997 = arith.constant 227 : index
    %get3A_4998 = arith.constant 0 : index
    %get3A_4999 = arith.constant 0 : index
    %get3A_5000 = vector.load %arg0[%get3A_4997, %get3A_4998, %get3A_4999] : memref<256x1x128xf32, #tpu.memory_space<vmem>>, vector<1x1x128xf32>
    %get3A_5001 = vector.shape_cast %get3A_5000 : vector<1x1x128xf32> to vector<1x128xf32>
    %gt3A_5002 = arith.constant 0.000000e+00 : f32
    %gt3A_5003 = vector.broadcast %gt3A_5002 : f32 to vector<1x128xf32>
    %gt3A_5004 = arith.cmpf ogt, %get3A_5001, %gt3A_5003 : vector<1x128xf32>
    %convert_element_type3A_5005 = arith.extui %gt3A_5004 : vector<1x128xi1> to vector<1x128xi32>
    %reduce_sum3A_5006 = arith.constant dense<0> : vector<1xi32>
    %reduce_sum3A_5007 = vector.multi_reduction <add>, %convert_element_type3A_5005, %reduce_sum3A_5006 [1] : vector<1x128xi32> to vector<1xi32>
    %broadcast_in_dim3A_5008 = vector.shape_cast %reduce_sum3A_5007 : vector<1xi32> to vector<1x1xi32>
    %add3A_5009 = arith.addi %add3A_4987, %broadcast_in_dim3A_5008 : vector<1x1xi32>
    %broadcast_in_dim3A_5010 = vector.shape_cast %add3A_5009 : vector<1x1xi32> to vector<1x1xi32>
    %broadcast_in_dim3A_5011 = vector.broadcast %broadcast_in_dim3A_5010 : vector<1x1xi32> to vector<64x128xi32>
    %le3A_5012 = arith.cmpi sle, %broadcast_in_dim3A_5011, %add3A : vector<64x128xi32>
    %convert_element_type3A_5013 = arith.extui %le3A_5012 : vector<64x128xi1> to vector<64x128xi32>
    %add3A_5014 = arith.addi %add3A_4992, %convert_element_type3A_5013 : vector<64x128xi32>
    %broadcast_in_dim3A_5015 = vector.shape_cast %broadcast_in_dim3A_5008 : vector<1x1xi32> to vector<1x1xi32>
    %broadcast_in_dim3A_5016 = vector.broadcast %broadcast_in_dim3A_5015 : vector<1x1xi32> to vector<64x128xi32>
    %mul3A_5017 = arith.muli %broadcast_in_dim3A_5016, %convert_element_type3A_5013 : vector<64x128xi32>
    %add3A_5018 = arith.addi %add3A_4996, %mul3A_5017 : vector<64x128xi32>
    %get3A_5019 = arith.constant 228 : index
    %get3A_5020 = arith.constant 0 : index
    %get3A_5021 = arith.constant 0 : index
    %get3A_5022 = vector.load %arg0[%get3A_5019, %get3A_5020, %get3A_5021] : memref<256x1x128xf32, #tpu.memory_space<vmem>>, vector<1x1x128xf32>
    %get3A_5023 = vector.shape_cast %get3A_5022 : vector<1x1x128xf32> to vector<1x128xf32>
    %gt3A_5024 = arith.constant 0.000000e+00 : f32
    %gt3A_5025 = vector.broadcast %gt3A_5024 : f32 to vector<1x128xf32>
    %gt3A_5026 = arith.cmpf ogt, %get3A_5023, %gt3A_5025 : vector<1x128xf32>
    %convert_element_type3A_5027 = arith.extui %gt3A_5026 : vector<1x128xi1> to vector<1x128xi32>
    %reduce_sum3A_5028 = arith.constant dense<0> : vector<1xi32>
    %reduce_sum3A_5029 = vector.multi_reduction <add>, %convert_element_type3A_5027, %reduce_sum3A_5028 [1] : vector<1x128xi32> to vector<1xi32>
    %broadcast_in_dim3A_5030 = vector.shape_cast %reduce_sum3A_5029 : vector<1xi32> to vector<1x1xi32>
    %add3A_5031 = arith.addi %add3A_5009, %broadcast_in_dim3A_5030 : vector<1x1xi32>
    %broadcast_in_dim3A_5032 = vector.shape_cast %add3A_5031 : vector<1x1xi32> to vector<1x1xi32>
    %broadcast_in_dim3A_5033 = vector.broadcast %broadcast_in_dim3A_5032 : vector<1x1xi32> to vector<64x128xi32>
    %le3A_5034 = arith.cmpi sle, %broadcast_in_dim3A_5033, %add3A : vector<64x128xi32>
    %convert_element_type3A_5035 = arith.extui %le3A_5034 : vector<64x128xi1> to vector<64x128xi32>
    %add3A_5036 = arith.addi %add3A_5014, %convert_element_type3A_5035 : vector<64x128xi32>
    %broadcast_in_dim3A_5037 = vector.shape_cast %broadcast_in_dim3A_5030 : vector<1x1xi32> to vector<1x1xi32>
    %broadcast_in_dim3A_5038 = vector.broadcast %broadcast_in_dim3A_5037 : vector<1x1xi32> to vector<64x128xi32>
    %mul3A_5039 = arith.muli %broadcast_in_dim3A_5038, %convert_element_type3A_5035 : vector<64x128xi32>
    %add3A_5040 = arith.addi %add3A_5018, %mul3A_5039 : vector<64x128xi32>
    %get3A_5041 = arith.constant 229 : index
    %get3A_5042 = arith.constant 0 : index
    %get3A_5043 = arith.constant 0 : index
    %get3A_5044 = vector.load %arg0[%get3A_5041, %get3A_5042, %get3A_5043] : memref<256x1x128xf32, #tpu.memory_space<vmem>>, vector<1x1x128xf32>
    %get3A_5045 = vector.shape_cast %get3A_5044 : vector<1x1x128xf32> to vector<1x128xf32>
    %gt3A_5046 = arith.constant 0.000000e+00 : f32
    %gt3A_5047 = vector.broadcast %gt3A_5046 : f32 to vector<1x128xf32>
    %gt3A_5048 = arith.cmpf ogt, %get3A_5045, %gt3A_5047 : vector<1x128xf32>
    %convert_element_type3A_5049 = arith.extui %gt3A_5048 : vector<1x128xi1> to vector<1x128xi32>
    %reduce_sum3A_5050 = arith.constant dense<0> : vector<1xi32>
    %reduce_sum3A_5051 = vector.multi_reduction <add>, %convert_element_type3A_5049, %reduce_sum3A_5050 [1] : vector<1x128xi32> to vector<1xi32>
    %broadcast_in_dim3A_5052 = vector.shape_cast %reduce_sum3A_5051 : vector<1xi32> to vector<1x1xi32>
    %add3A_5053 = arith.addi %add3A_5031, %broadcast_in_dim3A_5052 : vector<1x1xi32>
    %broadcast_in_dim3A_5054 = vector.shape_cast %add3A_5053 : vector<1x1xi32> to vector<1x1xi32>
    %broadcast_in_dim3A_5055 = vector.broadcast %broadcast_in_dim3A_5054 : vector<1x1xi32> to vector<64x128xi32>
    %le3A_5056 = arith.cmpi sle, %broadcast_in_dim3A_5055, %add3A : vector<64x128xi32>
    %convert_element_type3A_5057 = arith.extui %le3A_5056 : vector<64x128xi1> to vector<64x128xi32>
    %add3A_5058 = arith.addi %add3A_5036, %convert_element_type3A_5057 : vector<64x128xi32>
    %broadcast_in_dim3A_5059 = vector.shape_cast %broadcast_in_dim3A_5052 : vector<1x1xi32> to vector<1x1xi32>
    %broadcast_in_dim3A_5060 = vector.broadcast %broadcast_in_dim3A_5059 : vector<1x1xi32> to vector<64x128xi32>
    %mul3A_5061 = arith.muli %broadcast_in_dim3A_5060, %convert_element_type3A_5057 : vector<64x128xi32>
    %add3A_5062 = arith.addi %add3A_5040, %mul3A_5061 : vector<64x128xi32>
    %get3A_5063 = arith.constant 230 : index
    %get3A_5064 = arith.constant 0 : index
    %get3A_5065 = arith.constant 0 : index
    %get3A_5066 = vector.load %arg0[%get3A_5063, %get3A_5064, %get3A_5065] : memref<256x1x128xf32, #tpu.memory_space<vmem>>, vector<1x1x128xf32>
    %get3A_5067 = vector.shape_cast %get3A_5066 : vector<1x1x128xf32> to vector<1x128xf32>
    %gt3A_5068 = arith.constant 0.000000e+00 : f32
    %gt3A_5069 = vector.broadcast %gt3A_5068 : f32 to vector<1x128xf32>
    %gt3A_5070 = arith.cmpf ogt, %get3A_5067, %gt3A_5069 : vector<1x128xf32>
    %convert_element_type3A_5071 = arith.extui %gt3A_5070 : vector<1x128xi1> to vector<1x128xi32>
    %reduce_sum3A_5072 = arith.constant dense<0> : vector<1xi32>
    %reduce_sum3A_5073 = vector.multi_reduction <add>, %convert_element_type3A_5071, %reduce_sum3A_5072 [1] : vector<1x128xi32> to vector<1xi32>
    %broadcast_in_dim3A_5074 = vector.shape_cast %reduce_sum3A_5073 : vector<1xi32> to vector<1x1xi32>
    %add3A_5075 = arith.addi %add3A_5053, %broadcast_in_dim3A_5074 : vector<1x1xi32>
    %broadcast_in_dim3A_5076 = vector.shape_cast %add3A_5075 : vector<1x1xi32> to vector<1x1xi32>
    %broadcast_in_dim3A_5077 = vector.broadcast %broadcast_in_dim3A_5076 : vector<1x1xi32> to vector<64x128xi32>
    %le3A_5078 = arith.cmpi sle, %broadcast_in_dim3A_5077, %add3A : vector<64x128xi32>
    %convert_element_type3A_5079 = arith.extui %le3A_5078 : vector<64x128xi1> to vector<64x128xi32>
    %add3A_5080 = arith.addi %add3A_5058, %convert_element_type3A_5079 : vector<64x128xi32>
    %broadcast_in_dim3A_5081 = vector.shape_cast %broadcast_in_dim3A_5074 : vector<1x1xi32> to vector<1x1xi32>
    %broadcast_in_dim3A_5082 = vector.broadcast %broadcast_in_dim3A_5081 : vector<1x1xi32> to vector<64x128xi32>
    %mul3A_5083 = arith.muli %broadcast_in_dim3A_5082, %convert_element_type3A_5079 : vector<64x128xi32>
    %add3A_5084 = arith.addi %add3A_5062, %mul3A_5083 : vector<64x128xi32>
    %get3A_5085 = arith.constant 231 : index
    %get3A_5086 = arith.constant 0 : index
    %get3A_5087 = arith.constant 0 : index
    %get3A_5088 = vector.load %arg0[%get3A_5085, %get3A_5086, %get3A_5087] : memref<256x1x128xf32, #tpu.memory_space<vmem>>, vector<1x1x128xf32>
    %get3A_5089 = vector.shape_cast %get3A_5088 : vector<1x1x128xf32> to vector<1x128xf32>
    %gt3A_5090 = arith.constant 0.000000e+00 : f32
    %gt3A_5091 = vector.broadcast %gt3A_5090 : f32 to vector<1x128xf32>
    %gt3A_5092 = arith.cmpf ogt, %get3A_5089, %gt3A_5091 : vector<1x128xf32>
    %convert_element_type3A_5093 = arith.extui %gt3A_5092 : vector<1x128xi1> to vector<1x128xi32>
    %reduce_sum3A_5094 = arith.constant dense<0> : vector<1xi32>
    %reduce_sum3A_5095 = vector.multi_reduction <add>, %convert_element_type3A_5093, %reduce_sum3A_5094 [1] : vector<1x128xi32> to vector<1xi32>
    %broadcast_in_dim3A_5096 = vector.shape_cast %reduce_sum3A_5095 : vector<1xi32> to vector<1x1xi32>
    %add3A_5097 = arith.addi %add3A_5075, %broadcast_in_dim3A_5096 : vector<1x1xi32>
    %broadcast_in_dim3A_5098 = vector.shape_cast %add3A_5097 : vector<1x1xi32> to vector<1x1xi32>
    %broadcast_in_dim3A_5099 = vector.broadcast %broadcast_in_dim3A_5098 : vector<1x1xi32> to vector<64x128xi32>
    %le3A_5100 = arith.cmpi sle, %broadcast_in_dim3A_5099, %add3A : vector<64x128xi32>
    %convert_element_type3A_5101 = arith.extui %le3A_5100 : vector<64x128xi1> to vector<64x128xi32>
    %add3A_5102 = arith.addi %add3A_5080, %convert_element_type3A_5101 : vector<64x128xi32>
    %broadcast_in_dim3A_5103 = vector.shape_cast %broadcast_in_dim3A_5096 : vector<1x1xi32> to vector<1x1xi32>
    %broadcast_in_dim3A_5104 = vector.broadcast %broadcast_in_dim3A_5103 : vector<1x1xi32> to vector<64x128xi32>
    %mul3A_5105 = arith.muli %broadcast_in_dim3A_5104, %convert_element_type3A_5101 : vector<64x128xi32>
    %add3A_5106 = arith.addi %add3A_5084, %mul3A_5105 : vector<64x128xi32>
    %get3A_5107 = arith.constant 232 : index
    %get3A_5108 = arith.constant 0 : index
    %get3A_5109 = arith.constant 0 : index
    %get3A_5110 = vector.load %arg0[%get3A_5107, %get3A_5108, %get3A_5109] : memref<256x1x128xf32, #tpu.memory_space<vmem>>, vector<1x1x128xf32>
    %get3A_5111 = vector.shape_cast %get3A_5110 : vector<1x1x128xf32> to vector<1x128xf32>
    %gt3A_5112 = arith.constant 0.000000e+00 : f32
    %gt3A_5113 = vector.broadcast %gt3A_5112 : f32 to vector<1x128xf32>
    %gt3A_5114 = arith.cmpf ogt, %get3A_5111, %gt3A_5113 : vector<1x128xf32>
    %convert_element_type3A_5115 = arith.extui %gt3A_5114 : vector<1x128xi1> to vector<1x128xi32>
    %reduce_sum3A_5116 = arith.constant dense<0> : vector<1xi32>
    %reduce_sum3A_5117 = vector.multi_reduction <add>, %convert_element_type3A_5115, %reduce_sum3A_5116 [1] : vector<1x128xi32> to vector<1xi32>
    %broadcast_in_dim3A_5118 = vector.shape_cast %reduce_sum3A_5117 : vector<1xi32> to vector<1x1xi32>
    %add3A_5119 = arith.addi %add3A_5097, %broadcast_in_dim3A_5118 : vector<1x1xi32>
    %broadcast_in_dim3A_5120 = vector.shape_cast %add3A_5119 : vector<1x1xi32> to vector<1x1xi32>
    %broadcast_in_dim3A_5121 = vector.broadcast %broadcast_in_dim3A_5120 : vector<1x1xi32> to vector<64x128xi32>
    %le3A_5122 = arith.cmpi sle, %broadcast_in_dim3A_5121, %add3A : vector<64x128xi32>
    %convert_element_type3A_5123 = arith.extui %le3A_5122 : vector<64x128xi1> to vector<64x128xi32>
    %add3A_5124 = arith.addi %add3A_5102, %convert_element_type3A_5123 : vector<64x128xi32>
    %broadcast_in_dim3A_5125 = vector.shape_cast %broadcast_in_dim3A_5118 : vector<1x1xi32> to vector<1x1xi32>
    %broadcast_in_dim3A_5126 = vector.broadcast %broadcast_in_dim3A_5125 : vector<1x1xi32> to vector<64x128xi32>
    %mul3A_5127 = arith.muli %broadcast_in_dim3A_5126, %convert_element_type3A_5123 : vector<64x128xi32>
    %add3A_5128 = arith.addi %add3A_5106, %mul3A_5127 : vector<64x128xi32>
    %get3A_5129 = arith.constant 233 : index
    %get3A_5130 = arith.constant 0 : index
    %get3A_5131 = arith.constant 0 : index
    %get3A_5132 = vector.load %arg0[%get3A_5129, %get3A_5130, %get3A_5131] : memref<256x1x128xf32, #tpu.memory_space<vmem>>, vector<1x1x128xf32>
    %get3A_5133 = vector.shape_cast %get3A_5132 : vector<1x1x128xf32> to vector<1x128xf32>
    %gt3A_5134 = arith.constant 0.000000e+00 : f32
    %gt3A_5135 = vector.broadcast %gt3A_5134 : f32 to vector<1x128xf32>
    %gt3A_5136 = arith.cmpf ogt, %get3A_5133, %gt3A_5135 : vector<1x128xf32>
    %convert_element_type3A_5137 = arith.extui %gt3A_5136 : vector<1x128xi1> to vector<1x128xi32>
    %reduce_sum3A_5138 = arith.constant dense<0> : vector<1xi32>
    %reduce_sum3A_5139 = vector.multi_reduction <add>, %convert_element_type3A_5137, %reduce_sum3A_5138 [1] : vector<1x128xi32> to vector<1xi32>
    %broadcast_in_dim3A_5140 = vector.shape_cast %reduce_sum3A_5139 : vector<1xi32> to vector<1x1xi32>
    %add3A_5141 = arith.addi %add3A_5119, %broadcast_in_dim3A_5140 : vector<1x1xi32>
    %broadcast_in_dim3A_5142 = vector.shape_cast %add3A_5141 : vector<1x1xi32> to vector<1x1xi32>
    %broadcast_in_dim3A_5143 = vector.broadcast %broadcast_in_dim3A_5142 : vector<1x1xi32> to vector<64x128xi32>
    %le3A_5144 = arith.cmpi sle, %broadcast_in_dim3A_5143, %add3A : vector<64x128xi32>
    %convert_element_type3A_5145 = arith.extui %le3A_5144 : vector<64x128xi1> to vector<64x128xi32>
    %add3A_5146 = arith.addi %add3A_5124, %convert_element_type3A_5145 : vector<64x128xi32>
    %broadcast_in_dim3A_5147 = vector.shape_cast %broadcast_in_dim3A_5140 : vector<1x1xi32> to vector<1x1xi32>
    %broadcast_in_dim3A_5148 = vector.broadcast %broadcast_in_dim3A_5147 : vector<1x1xi32> to vector<64x128xi32>
    %mul3A_5149 = arith.muli %broadcast_in_dim3A_5148, %convert_element_type3A_5145 : vector<64x128xi32>
    %add3A_5150 = arith.addi %add3A_5128, %mul3A_5149 : vector<64x128xi32>
    %get3A_5151 = arith.constant 234 : index
    %get3A_5152 = arith.constant 0 : index
    %get3A_5153 = arith.constant 0 : index
    %get3A_5154 = vector.load %arg0[%get3A_5151, %get3A_5152, %get3A_5153] : memref<256x1x128xf32, #tpu.memory_space<vmem>>, vector<1x1x128xf32>
    %get3A_5155 = vector.shape_cast %get3A_5154 : vector<1x1x128xf32> to vector<1x128xf32>
    %gt3A_5156 = arith.constant 0.000000e+00 : f32
    %gt3A_5157 = vector.broadcast %gt3A_5156 : f32 to vector<1x128xf32>
    %gt3A_5158 = arith.cmpf ogt, %get3A_5155, %gt3A_5157 : vector<1x128xf32>
    %convert_element_type3A_5159 = arith.extui %gt3A_5158 : vector<1x128xi1> to vector<1x128xi32>
    %reduce_sum3A_5160 = arith.constant dense<0> : vector<1xi32>
    %reduce_sum3A_5161 = vector.multi_reduction <add>, %convert_element_type3A_5159, %reduce_sum3A_5160 [1] : vector<1x128xi32> to vector<1xi32>
    %broadcast_in_dim3A_5162 = vector.shape_cast %reduce_sum3A_5161 : vector<1xi32> to vector<1x1xi32>
    %add3A_5163 = arith.addi %add3A_5141, %broadcast_in_dim3A_5162 : vector<1x1xi32>
    %broadcast_in_dim3A_5164 = vector.shape_cast %add3A_5163 : vector<1x1xi32> to vector<1x1xi32>
    %broadcast_in_dim3A_5165 = vector.broadcast %broadcast_in_dim3A_5164 : vector<1x1xi32> to vector<64x128xi32>
    %le3A_5166 = arith.cmpi sle, %broadcast_in_dim3A_5165, %add3A : vector<64x128xi32>
    %convert_element_type3A_5167 = arith.extui %le3A_5166 : vector<64x128xi1> to vector<64x128xi32>
    %add3A_5168 = arith.addi %add3A_5146, %convert_element_type3A_5167 : vector<64x128xi32>
    %broadcast_in_dim3A_5169 = vector.shape_cast %broadcast_in_dim3A_5162 : vector<1x1xi32> to vector<1x1xi32>
    %broadcast_in_dim3A_5170 = vector.broadcast %broadcast_in_dim3A_5169 : vector<1x1xi32> to vector<64x128xi32>
    %mul3A_5171 = arith.muli %broadcast_in_dim3A_5170, %convert_element_type3A_5167 : vector<64x128xi32>
    %add3A_5172 = arith.addi %add3A_5150, %mul3A_5171 : vector<64x128xi32>
    %get3A_5173 = arith.constant 235 : index
    %get3A_5174 = arith.constant 0 : index
    %get3A_5175 = arith.constant 0 : index
    %get3A_5176 = vector.load %arg0[%get3A_5173, %get3A_5174, %get3A_5175] : memref<256x1x128xf32, #tpu.memory_space<vmem>>, vector<1x1x128xf32>
    %get3A_5177 = vector.shape_cast %get3A_5176 : vector<1x1x128xf32> to vector<1x128xf32>
    %gt3A_5178 = arith.constant 0.000000e+00 : f32
    %gt3A_5179 = vector.broadcast %gt3A_5178 : f32 to vector<1x128xf32>
    %gt3A_5180 = arith.cmpf ogt, %get3A_5177, %gt3A_5179 : vector<1x128xf32>
    %convert_element_type3A_5181 = arith.extui %gt3A_5180 : vector<1x128xi1> to vector<1x128xi32>
    %reduce_sum3A_5182 = arith.constant dense<0> : vector<1xi32>
    %reduce_sum3A_5183 = vector.multi_reduction <add>, %convert_element_type3A_5181, %reduce_sum3A_5182 [1] : vector<1x128xi32> to vector<1xi32>
    %broadcast_in_dim3A_5184 = vector.shape_cast %reduce_sum3A_5183 : vector<1xi32> to vector<1x1xi32>
    %add3A_5185 = arith.addi %add3A_5163, %broadcast_in_dim3A_5184 : vector<1x1xi32>
    %broadcast_in_dim3A_5186 = vector.shape_cast %add3A_5185 : vector<1x1xi32> to vector<1x1xi32>
    %broadcast_in_dim3A_5187 = vector.broadcast %broadcast_in_dim3A_5186 : vector<1x1xi32> to vector<64x128xi32>
    %le3A_5188 = arith.cmpi sle, %broadcast_in_dim3A_5187, %add3A : vector<64x128xi32>
    %convert_element_type3A_5189 = arith.extui %le3A_5188 : vector<64x128xi1> to vector<64x128xi32>
    %add3A_5190 = arith.addi %add3A_5168, %convert_element_type3A_5189 : vector<64x128xi32>
    %broadcast_in_dim3A_5191 = vector.shape_cast %broadcast_in_dim3A_5184 : vector<1x1xi32> to vector<1x1xi32>
    %broadcast_in_dim3A_5192 = vector.broadcast %broadcast_in_dim3A_5191 : vector<1x1xi32> to vector<64x128xi32>
    %mul3A_5193 = arith.muli %broadcast_in_dim3A_5192, %convert_element_type3A_5189 : vector<64x128xi32>
    %add3A_5194 = arith.addi %add3A_5172, %mul3A_5193 : vector<64x128xi32>
    %get3A_5195 = arith.constant 236 : index
    %get3A_5196 = arith.constant 0 : index
    %get3A_5197 = arith.constant 0 : index
    %get3A_5198 = vector.load %arg0[%get3A_5195, %get3A_5196, %get3A_5197] : memref<256x1x128xf32, #tpu.memory_space<vmem>>, vector<1x1x128xf32>
    %get3A_5199 = vector.shape_cast %get3A_5198 : vector<1x1x128xf32> to vector<1x128xf32>
    %gt3A_5200 = arith.constant 0.000000e+00 : f32
    %gt3A_5201 = vector.broadcast %gt3A_5200 : f32 to vector<1x128xf32>
    %gt3A_5202 = arith.cmpf ogt, %get3A_5199, %gt3A_5201 : vector<1x128xf32>
    %convert_element_type3A_5203 = arith.extui %gt3A_5202 : vector<1x128xi1> to vector<1x128xi32>
    %reduce_sum3A_5204 = arith.constant dense<0> : vector<1xi32>
    %reduce_sum3A_5205 = vector.multi_reduction <add>, %convert_element_type3A_5203, %reduce_sum3A_5204 [1] : vector<1x128xi32> to vector<1xi32>
    %broadcast_in_dim3A_5206 = vector.shape_cast %reduce_sum3A_5205 : vector<1xi32> to vector<1x1xi32>
    %add3A_5207 = arith.addi %add3A_5185, %broadcast_in_dim3A_5206 : vector<1x1xi32>
    %broadcast_in_dim3A_5208 = vector.shape_cast %add3A_5207 : vector<1x1xi32> to vector<1x1xi32>
    %broadcast_in_dim3A_5209 = vector.broadcast %broadcast_in_dim3A_5208 : vector<1x1xi32> to vector<64x128xi32>
    %le3A_5210 = arith.cmpi sle, %broadcast_in_dim3A_5209, %add3A : vector<64x128xi32>
    %convert_element_type3A_5211 = arith.extui %le3A_5210 : vector<64x128xi1> to vector<64x128xi32>
    %add3A_5212 = arith.addi %add3A_5190, %convert_element_type3A_5211 : vector<64x128xi32>
    %broadcast_in_dim3A_5213 = vector.shape_cast %broadcast_in_dim3A_5206 : vector<1x1xi32> to vector<1x1xi32>
    %broadcast_in_dim3A_5214 = vector.broadcast %broadcast_in_dim3A_5213 : vector<1x1xi32> to vector<64x128xi32>
    %mul3A_5215 = arith.muli %broadcast_in_dim3A_5214, %convert_element_type3A_5211 : vector<64x128xi32>
    %add3A_5216 = arith.addi %add3A_5194, %mul3A_5215 : vector<64x128xi32>
    %get3A_5217 = arith.constant 237 : index
    %get3A_5218 = arith.constant 0 : index
    %get3A_5219 = arith.constant 0 : index
    %get3A_5220 = vector.load %arg0[%get3A_5217, %get3A_5218, %get3A_5219] : memref<256x1x128xf32, #tpu.memory_space<vmem>>, vector<1x1x128xf32>
    %get3A_5221 = vector.shape_cast %get3A_5220 : vector<1x1x128xf32> to vector<1x128xf32>
    %gt3A_5222 = arith.constant 0.000000e+00 : f32
    %gt3A_5223 = vector.broadcast %gt3A_5222 : f32 to vector<1x128xf32>
    %gt3A_5224 = arith.cmpf ogt, %get3A_5221, %gt3A_5223 : vector<1x128xf32>
    %convert_element_type3A_5225 = arith.extui %gt3A_5224 : vector<1x128xi1> to vector<1x128xi32>
    %reduce_sum3A_5226 = arith.constant dense<0> : vector<1xi32>
    %reduce_sum3A_5227 = vector.multi_reduction <add>, %convert_element_type3A_5225, %reduce_sum3A_5226 [1] : vector<1x128xi32> to vector<1xi32>
    %broadcast_in_dim3A_5228 = vector.shape_cast %reduce_sum3A_5227 : vector<1xi32> to vector<1x1xi32>
    %add3A_5229 = arith.addi %add3A_5207, %broadcast_in_dim3A_5228 : vector<1x1xi32>
    %broadcast_in_dim3A_5230 = vector.shape_cast %add3A_5229 : vector<1x1xi32> to vector<1x1xi32>
    %broadcast_in_dim3A_5231 = vector.broadcast %broadcast_in_dim3A_5230 : vector<1x1xi32> to vector<64x128xi32>
    %le3A_5232 = arith.cmpi sle, %broadcast_in_dim3A_5231, %add3A : vector<64x128xi32>
    %convert_element_type3A_5233 = arith.extui %le3A_5232 : vector<64x128xi1> to vector<64x128xi32>
    %add3A_5234 = arith.addi %add3A_5212, %convert_element_type3A_5233 : vector<64x128xi32>
    %broadcast_in_dim3A_5235 = vector.shape_cast %broadcast_in_dim3A_5228 : vector<1x1xi32> to vector<1x1xi32>
    %broadcast_in_dim3A_5236 = vector.broadcast %broadcast_in_dim3A_5235 : vector<1x1xi32> to vector<64x128xi32>
    %mul3A_5237 = arith.muli %broadcast_in_dim3A_5236, %convert_element_type3A_5233 : vector<64x128xi32>
    %add3A_5238 = arith.addi %add3A_5216, %mul3A_5237 : vector<64x128xi32>
    %get3A_5239 = arith.constant 238 : index
    %get3A_5240 = arith.constant 0 : index
    %get3A_5241 = arith.constant 0 : index
    %get3A_5242 = vector.load %arg0[%get3A_5239, %get3A_5240, %get3A_5241] : memref<256x1x128xf32, #tpu.memory_space<vmem>>, vector<1x1x128xf32>
    %get3A_5243 = vector.shape_cast %get3A_5242 : vector<1x1x128xf32> to vector<1x128xf32>
    %gt3A_5244 = arith.constant 0.000000e+00 : f32
    %gt3A_5245 = vector.broadcast %gt3A_5244 : f32 to vector<1x128xf32>
    %gt3A_5246 = arith.cmpf ogt, %get3A_5243, %gt3A_5245 : vector<1x128xf32>
    %convert_element_type3A_5247 = arith.extui %gt3A_5246 : vector<1x128xi1> to vector<1x128xi32>
    %reduce_sum3A_5248 = arith.constant dense<0> : vector<1xi32>
    %reduce_sum3A_5249 = vector.multi_reduction <add>, %convert_element_type3A_5247, %reduce_sum3A_5248 [1] : vector<1x128xi32> to vector<1xi32>
    %broadcast_in_dim3A_5250 = vector.shape_cast %reduce_sum3A_5249 : vector<1xi32> to vector<1x1xi32>
    %add3A_5251 = arith.addi %add3A_5229, %broadcast_in_dim3A_5250 : vector<1x1xi32>
    %broadcast_in_dim3A_5252 = vector.shape_cast %add3A_5251 : vector<1x1xi32> to vector<1x1xi32>
    %broadcast_in_dim3A_5253 = vector.broadcast %broadcast_in_dim3A_5252 : vector<1x1xi32> to vector<64x128xi32>
    %le3A_5254 = arith.cmpi sle, %broadcast_in_dim3A_5253, %add3A : vector<64x128xi32>
    %convert_element_type3A_5255 = arith.extui %le3A_5254 : vector<64x128xi1> to vector<64x128xi32>
    %add3A_5256 = arith.addi %add3A_5234, %convert_element_type3A_5255 : vector<64x128xi32>
    %broadcast_in_dim3A_5257 = vector.shape_cast %broadcast_in_dim3A_5250 : vector<1x1xi32> to vector<1x1xi32>
    %broadcast_in_dim3A_5258 = vector.broadcast %broadcast_in_dim3A_5257 : vector<1x1xi32> to vector<64x128xi32>
    %mul3A_5259 = arith.muli %broadcast_in_dim3A_5258, %convert_element_type3A_5255 : vector<64x128xi32>
    %add3A_5260 = arith.addi %add3A_5238, %mul3A_5259 : vector<64x128xi32>
    %get3A_5261 = arith.constant 239 : index
    %get3A_5262 = arith.constant 0 : index
    %get3A_5263 = arith.constant 0 : index
    %get3A_5264 = vector.load %arg0[%get3A_5261, %get3A_5262, %get3A_5263] : memref<256x1x128xf32, #tpu.memory_space<vmem>>, vector<1x1x128xf32>
    %get3A_5265 = vector.shape_cast %get3A_5264 : vector<1x1x128xf32> to vector<1x128xf32>
    %gt3A_5266 = arith.constant 0.000000e+00 : f32
    %gt3A_5267 = vector.broadcast %gt3A_5266 : f32 to vector<1x128xf32>
    %gt3A_5268 = arith.cmpf ogt, %get3A_5265, %gt3A_5267 : vector<1x128xf32>
    %convert_element_type3A_5269 = arith.extui %gt3A_5268 : vector<1x128xi1> to vector<1x128xi32>
    %reduce_sum3A_5270 = arith.constant dense<0> : vector<1xi32>
    %reduce_sum3A_5271 = vector.multi_reduction <add>, %convert_element_type3A_5269, %reduce_sum3A_5270 [1] : vector<1x128xi32> to vector<1xi32>
    %broadcast_in_dim3A_5272 = vector.shape_cast %reduce_sum3A_5271 : vector<1xi32> to vector<1x1xi32>
    %add3A_5273 = arith.addi %add3A_5251, %broadcast_in_dim3A_5272 : vector<1x1xi32>
    %broadcast_in_dim3A_5274 = vector.shape_cast %add3A_5273 : vector<1x1xi32> to vector<1x1xi32>
    %broadcast_in_dim3A_5275 = vector.broadcast %broadcast_in_dim3A_5274 : vector<1x1xi32> to vector<64x128xi32>
    %le3A_5276 = arith.cmpi sle, %broadcast_in_dim3A_5275, %add3A : vector<64x128xi32>
    %convert_element_type3A_5277 = arith.extui %le3A_5276 : vector<64x128xi1> to vector<64x128xi32>
    %add3A_5278 = arith.addi %add3A_5256, %convert_element_type3A_5277 : vector<64x128xi32>
    %broadcast_in_dim3A_5279 = vector.shape_cast %broadcast_in_dim3A_5272 : vector<1x1xi32> to vector<1x1xi32>
    %broadcast_in_dim3A_5280 = vector.broadcast %broadcast_in_dim3A_5279 : vector<1x1xi32> to vector<64x128xi32>
    %mul3A_5281 = arith.muli %broadcast_in_dim3A_5280, %convert_element_type3A_5277 : vector<64x128xi32>
    %add3A_5282 = arith.addi %add3A_5260, %mul3A_5281 : vector<64x128xi32>
    %get3A_5283 = arith.constant 240 : index
    %get3A_5284 = arith.constant 0 : index
    %get3A_5285 = arith.constant 0 : index
    %get3A_5286 = vector.load %arg0[%get3A_5283, %get3A_5284, %get3A_5285] : memref<256x1x128xf32, #tpu.memory_space<vmem>>, vector<1x1x128xf32>
    %get3A_5287 = vector.shape_cast %get3A_5286 : vector<1x1x128xf32> to vector<1x128xf32>
    %gt3A_5288 = arith.constant 0.000000e+00 : f32
    %gt3A_5289 = vector.broadcast %gt3A_5288 : f32 to vector<1x128xf32>
    %gt3A_5290 = arith.cmpf ogt, %get3A_5287, %gt3A_5289 : vector<1x128xf32>
    %convert_element_type3A_5291 = arith.extui %gt3A_5290 : vector<1x128xi1> to vector<1x128xi32>
    %reduce_sum3A_5292 = arith.constant dense<0> : vector<1xi32>
    %reduce_sum3A_5293 = vector.multi_reduction <add>, %convert_element_type3A_5291, %reduce_sum3A_5292 [1] : vector<1x128xi32> to vector<1xi32>
    %broadcast_in_dim3A_5294 = vector.shape_cast %reduce_sum3A_5293 : vector<1xi32> to vector<1x1xi32>
    %add3A_5295 = arith.addi %add3A_5273, %broadcast_in_dim3A_5294 : vector<1x1xi32>
    %broadcast_in_dim3A_5296 = vector.shape_cast %add3A_5295 : vector<1x1xi32> to vector<1x1xi32>
    %broadcast_in_dim3A_5297 = vector.broadcast %broadcast_in_dim3A_5296 : vector<1x1xi32> to vector<64x128xi32>
    %le3A_5298 = arith.cmpi sle, %broadcast_in_dim3A_5297, %add3A : vector<64x128xi32>
    %convert_element_type3A_5299 = arith.extui %le3A_5298 : vector<64x128xi1> to vector<64x128xi32>
    %add3A_5300 = arith.addi %add3A_5278, %convert_element_type3A_5299 : vector<64x128xi32>
    %broadcast_in_dim3A_5301 = vector.shape_cast %broadcast_in_dim3A_5294 : vector<1x1xi32> to vector<1x1xi32>
    %broadcast_in_dim3A_5302 = vector.broadcast %broadcast_in_dim3A_5301 : vector<1x1xi32> to vector<64x128xi32>
    %mul3A_5303 = arith.muli %broadcast_in_dim3A_5302, %convert_element_type3A_5299 : vector<64x128xi32>
    %add3A_5304 = arith.addi %add3A_5282, %mul3A_5303 : vector<64x128xi32>
    %get3A_5305 = arith.constant 241 : index
    %get3A_5306 = arith.constant 0 : index
    %get3A_5307 = arith.constant 0 : index
    %get3A_5308 = vector.load %arg0[%get3A_5305, %get3A_5306, %get3A_5307] : memref<256x1x128xf32, #tpu.memory_space<vmem>>, vector<1x1x128xf32>
    %get3A_5309 = vector.shape_cast %get3A_5308 : vector<1x1x128xf32> to vector<1x128xf32>
    %gt3A_5310 = arith.constant 0.000000e+00 : f32
    %gt3A_5311 = vector.broadcast %gt3A_5310 : f32 to vector<1x128xf32>
    %gt3A_5312 = arith.cmpf ogt, %get3A_5309, %gt3A_5311 : vector<1x128xf32>
    %convert_element_type3A_5313 = arith.extui %gt3A_5312 : vector<1x128xi1> to vector<1x128xi32>
    %reduce_sum3A_5314 = arith.constant dense<0> : vector<1xi32>
    %reduce_sum3A_5315 = vector.multi_reduction <add>, %convert_element_type3A_5313, %reduce_sum3A_5314 [1] : vector<1x128xi32> to vector<1xi32>
    %broadcast_in_dim3A_5316 = vector.shape_cast %reduce_sum3A_5315 : vector<1xi32> to vector<1x1xi32>
    %add3A_5317 = arith.addi %add3A_5295, %broadcast_in_dim3A_5316 : vector<1x1xi32>
    %broadcast_in_dim3A_5318 = vector.shape_cast %add3A_5317 : vector<1x1xi32> to vector<1x1xi32>
    %broadcast_in_dim3A_5319 = vector.broadcast %broadcast_in_dim3A_5318 : vector<1x1xi32> to vector<64x128xi32>
    %le3A_5320 = arith.cmpi sle, %broadcast_in_dim3A_5319, %add3A : vector<64x128xi32>
    %convert_element_type3A_5321 = arith.extui %le3A_5320 : vector<64x128xi1> to vector<64x128xi32>
    %add3A_5322 = arith.addi %add3A_5300, %convert_element_type3A_5321 : vector<64x128xi32>
    %broadcast_in_dim3A_5323 = vector.shape_cast %broadcast_in_dim3A_5316 : vector<1x1xi32> to vector<1x1xi32>
    %broadcast_in_dim3A_5324 = vector.broadcast %broadcast_in_dim3A_5323 : vector<1x1xi32> to vector<64x128xi32>
    %mul3A_5325 = arith.muli %broadcast_in_dim3A_5324, %convert_element_type3A_5321 : vector<64x128xi32>
    %add3A_5326 = arith.addi %add3A_5304, %mul3A_5325 : vector<64x128xi32>
    %get3A_5327 = arith.constant 242 : index
    %get3A_5328 = arith.constant 0 : index
    %get3A_5329 = arith.constant 0 : index
    %get3A_5330 = vector.load %arg0[%get3A_5327, %get3A_5328, %get3A_5329] : memref<256x1x128xf32, #tpu.memory_space<vmem>>, vector<1x1x128xf32>
    %get3A_5331 = vector.shape_cast %get3A_5330 : vector<1x1x128xf32> to vector<1x128xf32>
    %gt3A_5332 = arith.constant 0.000000e+00 : f32
    %gt3A_5333 = vector.broadcast %gt3A_5332 : f32 to vector<1x128xf32>
    %gt3A_5334 = arith.cmpf ogt, %get3A_5331, %gt3A_5333 : vector<1x128xf32>
    %convert_element_type3A_5335 = arith.extui %gt3A_5334 : vector<1x128xi1> to vector<1x128xi32>
    %reduce_sum3A_5336 = arith.constant dense<0> : vector<1xi32>
    %reduce_sum3A_5337 = vector.multi_reduction <add>, %convert_element_type3A_5335, %reduce_sum3A_5336 [1] : vector<1x128xi32> to vector<1xi32>
    %broadcast_in_dim3A_5338 = vector.shape_cast %reduce_sum3A_5337 : vector<1xi32> to vector<1x1xi32>
    %add3A_5339 = arith.addi %add3A_5317, %broadcast_in_dim3A_5338 : vector<1x1xi32>
    %broadcast_in_dim3A_5340 = vector.shape_cast %add3A_5339 : vector<1x1xi32> to vector<1x1xi32>
    %broadcast_in_dim3A_5341 = vector.broadcast %broadcast_in_dim3A_5340 : vector<1x1xi32> to vector<64x128xi32>
    %le3A_5342 = arith.cmpi sle, %broadcast_in_dim3A_5341, %add3A : vector<64x128xi32>
    %convert_element_type3A_5343 = arith.extui %le3A_5342 : vector<64x128xi1> to vector<64x128xi32>
    %add3A_5344 = arith.addi %add3A_5322, %convert_element_type3A_5343 : vector<64x128xi32>
    %broadcast_in_dim3A_5345 = vector.shape_cast %broadcast_in_dim3A_5338 : vector<1x1xi32> to vector<1x1xi32>
    %broadcast_in_dim3A_5346 = vector.broadcast %broadcast_in_dim3A_5345 : vector<1x1xi32> to vector<64x128xi32>
    %mul3A_5347 = arith.muli %broadcast_in_dim3A_5346, %convert_element_type3A_5343 : vector<64x128xi32>
    %add3A_5348 = arith.addi %add3A_5326, %mul3A_5347 : vector<64x128xi32>
    %get3A_5349 = arith.constant 243 : index
    %get3A_5350 = arith.constant 0 : index
    %get3A_5351 = arith.constant 0 : index
    %get3A_5352 = vector.load %arg0[%get3A_5349, %get3A_5350, %get3A_5351] : memref<256x1x128xf32, #tpu.memory_space<vmem>>, vector<1x1x128xf32>
    %get3A_5353 = vector.shape_cast %get3A_5352 : vector<1x1x128xf32> to vector<1x128xf32>
    %gt3A_5354 = arith.constant 0.000000e+00 : f32
    %gt3A_5355 = vector.broadcast %gt3A_5354 : f32 to vector<1x128xf32>
    %gt3A_5356 = arith.cmpf ogt, %get3A_5353, %gt3A_5355 : vector<1x128xf32>
    %convert_element_type3A_5357 = arith.extui %gt3A_5356 : vector<1x128xi1> to vector<1x128xi32>
    %reduce_sum3A_5358 = arith.constant dense<0> : vector<1xi32>
    %reduce_sum3A_5359 = vector.multi_reduction <add>, %convert_element_type3A_5357, %reduce_sum3A_5358 [1] : vector<1x128xi32> to vector<1xi32>
    %broadcast_in_dim3A_5360 = vector.shape_cast %reduce_sum3A_5359 : vector<1xi32> to vector<1x1xi32>
    %add3A_5361 = arith.addi %add3A_5339, %broadcast_in_dim3A_5360 : vector<1x1xi32>
    %broadcast_in_dim3A_5362 = vector.shape_cast %add3A_5361 : vector<1x1xi32> to vector<1x1xi32>
    %broadcast_in_dim3A_5363 = vector.broadcast %broadcast_in_dim3A_5362 : vector<1x1xi32> to vector<64x128xi32>
    %le3A_5364 = arith.cmpi sle, %broadcast_in_dim3A_5363, %add3A : vector<64x128xi32>
    %convert_element_type3A_5365 = arith.extui %le3A_5364 : vector<64x128xi1> to vector<64x128xi32>
    %add3A_5366 = arith.addi %add3A_5344, %convert_element_type3A_5365 : vector<64x128xi32>
    %broadcast_in_dim3A_5367 = vector.shape_cast %broadcast_in_dim3A_5360 : vector<1x1xi32> to vector<1x1xi32>
    %broadcast_in_dim3A_5368 = vector.broadcast %broadcast_in_dim3A_5367 : vector<1x1xi32> to vector<64x128xi32>
    %mul3A_5369 = arith.muli %broadcast_in_dim3A_5368, %convert_element_type3A_5365 : vector<64x128xi32>
    %add3A_5370 = arith.addi %add3A_5348, %mul3A_5369 : vector<64x128xi32>
    %get3A_5371 = arith.constant 244 : index
    %get3A_5372 = arith.constant 0 : index
    %get3A_5373 = arith.constant 0 : index
    %get3A_5374 = vector.load %arg0[%get3A_5371, %get3A_5372, %get3A_5373] : memref<256x1x128xf32, #tpu.memory_space<vmem>>, vector<1x1x128xf32>
    %get3A_5375 = vector.shape_cast %get3A_5374 : vector<1x1x128xf32> to vector<1x128xf32>
    %gt3A_5376 = arith.constant 0.000000e+00 : f32
    %gt3A_5377 = vector.broadcast %gt3A_5376 : f32 to vector<1x128xf32>
    %gt3A_5378 = arith.cmpf ogt, %get3A_5375, %gt3A_5377 : vector<1x128xf32>
    %convert_element_type3A_5379 = arith.extui %gt3A_5378 : vector<1x128xi1> to vector<1x128xi32>
    %reduce_sum3A_5380 = arith.constant dense<0> : vector<1xi32>
    %reduce_sum3A_5381 = vector.multi_reduction <add>, %convert_element_type3A_5379, %reduce_sum3A_5380 [1] : vector<1x128xi32> to vector<1xi32>
    %broadcast_in_dim3A_5382 = vector.shape_cast %reduce_sum3A_5381 : vector<1xi32> to vector<1x1xi32>
    %add3A_5383 = arith.addi %add3A_5361, %broadcast_in_dim3A_5382 : vector<1x1xi32>
    %broadcast_in_dim3A_5384 = vector.shape_cast %add3A_5383 : vector<1x1xi32> to vector<1x1xi32>
    %broadcast_in_dim3A_5385 = vector.broadcast %broadcast_in_dim3A_5384 : vector<1x1xi32> to vector<64x128xi32>
    %le3A_5386 = arith.cmpi sle, %broadcast_in_dim3A_5385, %add3A : vector<64x128xi32>
    %convert_element_type3A_5387 = arith.extui %le3A_5386 : vector<64x128xi1> to vector<64x128xi32>
    %add3A_5388 = arith.addi %add3A_5366, %convert_element_type3A_5387 : vector<64x128xi32>
    %broadcast_in_dim3A_5389 = vector.shape_cast %broadcast_in_dim3A_5382 : vector<1x1xi32> to vector<1x1xi32>
    %broadcast_in_dim3A_5390 = vector.broadcast %broadcast_in_dim3A_5389 : vector<1x1xi32> to vector<64x128xi32>
    %mul3A_5391 = arith.muli %broadcast_in_dim3A_5390, %convert_element_type3A_5387 : vector<64x128xi32>
    %add3A_5392 = arith.addi %add3A_5370, %mul3A_5391 : vector<64x128xi32>
    %get3A_5393 = arith.constant 245 : index
    %get3A_5394 = arith.constant 0 : index
    %get3A_5395 = arith.constant 0 : index
    %get3A_5396 = vector.load %arg0[%get3A_5393, %get3A_5394, %get3A_5395] : memref<256x1x128xf32, #tpu.memory_space<vmem>>, vector<1x1x128xf32>
    %get3A_5397 = vector.shape_cast %get3A_5396 : vector<1x1x128xf32> to vector<1x128xf32>
    %gt3A_5398 = arith.constant 0.000000e+00 : f32
    %gt3A_5399 = vector.broadcast %gt3A_5398 : f32 to vector<1x128xf32>
    %gt3A_5400 = arith.cmpf ogt, %get3A_5397, %gt3A_5399 : vector<1x128xf32>
    %convert_element_type3A_5401 = arith.extui %gt3A_5400 : vector<1x128xi1> to vector<1x128xi32>
    %reduce_sum3A_5402 = arith.constant dense<0> : vector<1xi32>
    %reduce_sum3A_5403 = vector.multi_reduction <add>, %convert_element_type3A_5401, %reduce_sum3A_5402 [1] : vector<1x128xi32> to vector<1xi32>
    %broadcast_in_dim3A_5404 = vector.shape_cast %reduce_sum3A_5403 : vector<1xi32> to vector<1x1xi32>
    %add3A_5405 = arith.addi %add3A_5383, %broadcast_in_dim3A_5404 : vector<1x1xi32>
    %broadcast_in_dim3A_5406 = vector.shape_cast %add3A_5405 : vector<1x1xi32> to vector<1x1xi32>
    %broadcast_in_dim3A_5407 = vector.broadcast %broadcast_in_dim3A_5406 : vector<1x1xi32> to vector<64x128xi32>
    %le3A_5408 = arith.cmpi sle, %broadcast_in_dim3A_5407, %add3A : vector<64x128xi32>
    %convert_element_type3A_5409 = arith.extui %le3A_5408 : vector<64x128xi1> to vector<64x128xi32>
    %add3A_5410 = arith.addi %add3A_5388, %convert_element_type3A_5409 : vector<64x128xi32>
    %broadcast_in_dim3A_5411 = vector.shape_cast %broadcast_in_dim3A_5404 : vector<1x1xi32> to vector<1x1xi32>
    %broadcast_in_dim3A_5412 = vector.broadcast %broadcast_in_dim3A_5411 : vector<1x1xi32> to vector<64x128xi32>
    %mul3A_5413 = arith.muli %broadcast_in_dim3A_5412, %convert_element_type3A_5409 : vector<64x128xi32>
    %add3A_5414 = arith.addi %add3A_5392, %mul3A_5413 : vector<64x128xi32>
    %get3A_5415 = arith.constant 246 : index
    %get3A_5416 = arith.constant 0 : index
    %get3A_5417 = arith.constant 0 : index
    %get3A_5418 = vector.load %arg0[%get3A_5415, %get3A_5416, %get3A_5417] : memref<256x1x128xf32, #tpu.memory_space<vmem>>, vector<1x1x128xf32>
    %get3A_5419 = vector.shape_cast %get3A_5418 : vector<1x1x128xf32> to vector<1x128xf32>
    %gt3A_5420 = arith.constant 0.000000e+00 : f32
    %gt3A_5421 = vector.broadcast %gt3A_5420 : f32 to vector<1x128xf32>
    %gt3A_5422 = arith.cmpf ogt, %get3A_5419, %gt3A_5421 : vector<1x128xf32>
    %convert_element_type3A_5423 = arith.extui %gt3A_5422 : vector<1x128xi1> to vector<1x128xi32>
    %reduce_sum3A_5424 = arith.constant dense<0> : vector<1xi32>
    %reduce_sum3A_5425 = vector.multi_reduction <add>, %convert_element_type3A_5423, %reduce_sum3A_5424 [1] : vector<1x128xi32> to vector<1xi32>
    %broadcast_in_dim3A_5426 = vector.shape_cast %reduce_sum3A_5425 : vector<1xi32> to vector<1x1xi32>
    %add3A_5427 = arith.addi %add3A_5405, %broadcast_in_dim3A_5426 : vector<1x1xi32>
    %broadcast_in_dim3A_5428 = vector.shape_cast %add3A_5427 : vector<1x1xi32> to vector<1x1xi32>
    %broadcast_in_dim3A_5429 = vector.broadcast %broadcast_in_dim3A_5428 : vector<1x1xi32> to vector<64x128xi32>
    %le3A_5430 = arith.cmpi sle, %broadcast_in_dim3A_5429, %add3A : vector<64x128xi32>
    %convert_element_type3A_5431 = arith.extui %le3A_5430 : vector<64x128xi1> to vector<64x128xi32>
    %add3A_5432 = arith.addi %add3A_5410, %convert_element_type3A_5431 : vector<64x128xi32>
    %broadcast_in_dim3A_5433 = vector.shape_cast %broadcast_in_dim3A_5426 : vector<1x1xi32> to vector<1x1xi32>
    %broadcast_in_dim3A_5434 = vector.broadcast %broadcast_in_dim3A_5433 : vector<1x1xi32> to vector<64x128xi32>
    %mul3A_5435 = arith.muli %broadcast_in_dim3A_5434, %convert_element_type3A_5431 : vector<64x128xi32>
    %add3A_5436 = arith.addi %add3A_5414, %mul3A_5435 : vector<64x128xi32>
    %get3A_5437 = arith.constant 247 : index
    %get3A_5438 = arith.constant 0 : index
    %get3A_5439 = arith.constant 0 : index
    %get3A_5440 = vector.load %arg0[%get3A_5437, %get3A_5438, %get3A_5439] : memref<256x1x128xf32, #tpu.memory_space<vmem>>, vector<1x1x128xf32>
    %get3A_5441 = vector.shape_cast %get3A_5440 : vector<1x1x128xf32> to vector<1x128xf32>
    %gt3A_5442 = arith.constant 0.000000e+00 : f32
    %gt3A_5443 = vector.broadcast %gt3A_5442 : f32 to vector<1x128xf32>
    %gt3A_5444 = arith.cmpf ogt, %get3A_5441, %gt3A_5443 : vector<1x128xf32>
    %convert_element_type3A_5445 = arith.extui %gt3A_5444 : vector<1x128xi1> to vector<1x128xi32>
    %reduce_sum3A_5446 = arith.constant dense<0> : vector<1xi32>
    %reduce_sum3A_5447 = vector.multi_reduction <add>, %convert_element_type3A_5445, %reduce_sum3A_5446 [1] : vector<1x128xi32> to vector<1xi32>
    %broadcast_in_dim3A_5448 = vector.shape_cast %reduce_sum3A_5447 : vector<1xi32> to vector<1x1xi32>
    %add3A_5449 = arith.addi %add3A_5427, %broadcast_in_dim3A_5448 : vector<1x1xi32>
    %broadcast_in_dim3A_5450 = vector.shape_cast %add3A_5449 : vector<1x1xi32> to vector<1x1xi32>
    %broadcast_in_dim3A_5451 = vector.broadcast %broadcast_in_dim3A_5450 : vector<1x1xi32> to vector<64x128xi32>
    %le3A_5452 = arith.cmpi sle, %broadcast_in_dim3A_5451, %add3A : vector<64x128xi32>
    %convert_element_type3A_5453 = arith.extui %le3A_5452 : vector<64x128xi1> to vector<64x128xi32>
    %add3A_5454 = arith.addi %add3A_5432, %convert_element_type3A_5453 : vector<64x128xi32>
    %broadcast_in_dim3A_5455 = vector.shape_cast %broadcast_in_dim3A_5448 : vector<1x1xi32> to vector<1x1xi32>
    %broadcast_in_dim3A_5456 = vector.broadcast %broadcast_in_dim3A_5455 : vector<1x1xi32> to vector<64x128xi32>
    %mul3A_5457 = arith.muli %broadcast_in_dim3A_5456, %convert_element_type3A_5453 : vector<64x128xi32>
    %add3A_5458 = arith.addi %add3A_5436, %mul3A_5457 : vector<64x128xi32>
    %get3A_5459 = arith.constant 248 : index
    %get3A_5460 = arith.constant 0 : index
    %get3A_5461 = arith.constant 0 : index
    %get3A_5462 = vector.load %arg0[%get3A_5459, %get3A_5460, %get3A_5461] : memref<256x1x128xf32, #tpu.memory_space<vmem>>, vector<1x1x128xf32>
    %get3A_5463 = vector.shape_cast %get3A_5462 : vector<1x1x128xf32> to vector<1x128xf32>
    %gt3A_5464 = arith.constant 0.000000e+00 : f32
    %gt3A_5465 = vector.broadcast %gt3A_5464 : f32 to vector<1x128xf32>
    %gt3A_5466 = arith.cmpf ogt, %get3A_5463, %gt3A_5465 : vector<1x128xf32>
    %convert_element_type3A_5467 = arith.extui %gt3A_5466 : vector<1x128xi1> to vector<1x128xi32>
    %reduce_sum3A_5468 = arith.constant dense<0> : vector<1xi32>
    %reduce_sum3A_5469 = vector.multi_reduction <add>, %convert_element_type3A_5467, %reduce_sum3A_5468 [1] : vector<1x128xi32> to vector<1xi32>
    %broadcast_in_dim3A_5470 = vector.shape_cast %reduce_sum3A_5469 : vector<1xi32> to vector<1x1xi32>
    %add3A_5471 = arith.addi %add3A_5449, %broadcast_in_dim3A_5470 : vector<1x1xi32>
    %broadcast_in_dim3A_5472 = vector.shape_cast %add3A_5471 : vector<1x1xi32> to vector<1x1xi32>
    %broadcast_in_dim3A_5473 = vector.broadcast %broadcast_in_dim3A_5472 : vector<1x1xi32> to vector<64x128xi32>
    %le3A_5474 = arith.cmpi sle, %broadcast_in_dim3A_5473, %add3A : vector<64x128xi32>
    %convert_element_type3A_5475 = arith.extui %le3A_5474 : vector<64x128xi1> to vector<64x128xi32>
    %add3A_5476 = arith.addi %add3A_5454, %convert_element_type3A_5475 : vector<64x128xi32>
    %broadcast_in_dim3A_5477 = vector.shape_cast %broadcast_in_dim3A_5470 : vector<1x1xi32> to vector<1x1xi32>
    %broadcast_in_dim3A_5478 = vector.broadcast %broadcast_in_dim3A_5477 : vector<1x1xi32> to vector<64x128xi32>
    %mul3A_5479 = arith.muli %broadcast_in_dim3A_5478, %convert_element_type3A_5475 : vector<64x128xi32>
    %add3A_5480 = arith.addi %add3A_5458, %mul3A_5479 : vector<64x128xi32>
    %get3A_5481 = arith.constant 249 : index
    %get3A_5482 = arith.constant 0 : index
    %get3A_5483 = arith.constant 0 : index
    %get3A_5484 = vector.load %arg0[%get3A_5481, %get3A_5482, %get3A_5483] : memref<256x1x128xf32, #tpu.memory_space<vmem>>, vector<1x1x128xf32>
    %get3A_5485 = vector.shape_cast %get3A_5484 : vector<1x1x128xf32> to vector<1x128xf32>
    %gt3A_5486 = arith.constant 0.000000e+00 : f32
    %gt3A_5487 = vector.broadcast %gt3A_5486 : f32 to vector<1x128xf32>
    %gt3A_5488 = arith.cmpf ogt, %get3A_5485, %gt3A_5487 : vector<1x128xf32>
    %convert_element_type3A_5489 = arith.extui %gt3A_5488 : vector<1x128xi1> to vector<1x128xi32>
    %reduce_sum3A_5490 = arith.constant dense<0> : vector<1xi32>
    %reduce_sum3A_5491 = vector.multi_reduction <add>, %convert_element_type3A_5489, %reduce_sum3A_5490 [1] : vector<1x128xi32> to vector<1xi32>
    %broadcast_in_dim3A_5492 = vector.shape_cast %reduce_sum3A_5491 : vector<1xi32> to vector<1x1xi32>
    %add3A_5493 = arith.addi %add3A_5471, %broadcast_in_dim3A_5492 : vector<1x1xi32>
    %broadcast_in_dim3A_5494 = vector.shape_cast %add3A_5493 : vector<1x1xi32> to vector<1x1xi32>
    %broadcast_in_dim3A_5495 = vector.broadcast %broadcast_in_dim3A_5494 : vector<1x1xi32> to vector<64x128xi32>
    %le3A_5496 = arith.cmpi sle, %broadcast_in_dim3A_5495, %add3A : vector<64x128xi32>
    %convert_element_type3A_5497 = arith.extui %le3A_5496 : vector<64x128xi1> to vector<64x128xi32>
    %add3A_5498 = arith.addi %add3A_5476, %convert_element_type3A_5497 : vector<64x128xi32>
    %broadcast_in_dim3A_5499 = vector.shape_cast %broadcast_in_dim3A_5492 : vector<1x1xi32> to vector<1x1xi32>
    %broadcast_in_dim3A_5500 = vector.broadcast %broadcast_in_dim3A_5499 : vector<1x1xi32> to vector<64x128xi32>
    %mul3A_5501 = arith.muli %broadcast_in_dim3A_5500, %convert_element_type3A_5497 : vector<64x128xi32>
    %add3A_5502 = arith.addi %add3A_5480, %mul3A_5501 : vector<64x128xi32>
    %get3A_5503 = arith.constant 250 : index
    %get3A_5504 = arith.constant 0 : index
    %get3A_5505 = arith.constant 0 : index
    %get3A_5506 = vector.load %arg0[%get3A_5503, %get3A_5504, %get3A_5505] : memref<256x1x128xf32, #tpu.memory_space<vmem>>, vector<1x1x128xf32>
    %get3A_5507 = vector.shape_cast %get3A_5506 : vector<1x1x128xf32> to vector<1x128xf32>
    %gt3A_5508 = arith.constant 0.000000e+00 : f32
    %gt3A_5509 = vector.broadcast %gt3A_5508 : f32 to vector<1x128xf32>
    %gt3A_5510 = arith.cmpf ogt, %get3A_5507, %gt3A_5509 : vector<1x128xf32>
    %convert_element_type3A_5511 = arith.extui %gt3A_5510 : vector<1x128xi1> to vector<1x128xi32>
    %reduce_sum3A_5512 = arith.constant dense<0> : vector<1xi32>
    %reduce_sum3A_5513 = vector.multi_reduction <add>, %convert_element_type3A_5511, %reduce_sum3A_5512 [1] : vector<1x128xi32> to vector<1xi32>
    %broadcast_in_dim3A_5514 = vector.shape_cast %reduce_sum3A_5513 : vector<1xi32> to vector<1x1xi32>
    %add3A_5515 = arith.addi %add3A_5493, %broadcast_in_dim3A_5514 : vector<1x1xi32>
    %broadcast_in_dim3A_5516 = vector.shape_cast %add3A_5515 : vector<1x1xi32> to vector<1x1xi32>
    %broadcast_in_dim3A_5517 = vector.broadcast %broadcast_in_dim3A_5516 : vector<1x1xi32> to vector<64x128xi32>
    %le3A_5518 = arith.cmpi sle, %broadcast_in_dim3A_5517, %add3A : vector<64x128xi32>
    %convert_element_type3A_5519 = arith.extui %le3A_5518 : vector<64x128xi1> to vector<64x128xi32>
    %add3A_5520 = arith.addi %add3A_5498, %convert_element_type3A_5519 : vector<64x128xi32>
    %broadcast_in_dim3A_5521 = vector.shape_cast %broadcast_in_dim3A_5514 : vector<1x1xi32> to vector<1x1xi32>
    %broadcast_in_dim3A_5522 = vector.broadcast %broadcast_in_dim3A_5521 : vector<1x1xi32> to vector<64x128xi32>
    %mul3A_5523 = arith.muli %broadcast_in_dim3A_5522, %convert_element_type3A_5519 : vector<64x128xi32>
    %add3A_5524 = arith.addi %add3A_5502, %mul3A_5523 : vector<64x128xi32>
    %get3A_5525 = arith.constant 251 : index
    %get3A_5526 = arith.constant 0 : index
    %get3A_5527 = arith.constant 0 : index
    %get3A_5528 = vector.load %arg0[%get3A_5525, %get3A_5526, %get3A_5527] : memref<256x1x128xf32, #tpu.memory_space<vmem>>, vector<1x1x128xf32>
    %get3A_5529 = vector.shape_cast %get3A_5528 : vector<1x1x128xf32> to vector<1x128xf32>
    %gt3A_5530 = arith.constant 0.000000e+00 : f32
    %gt3A_5531 = vector.broadcast %gt3A_5530 : f32 to vector<1x128xf32>
    %gt3A_5532 = arith.cmpf ogt, %get3A_5529, %gt3A_5531 : vector<1x128xf32>
    %convert_element_type3A_5533 = arith.extui %gt3A_5532 : vector<1x128xi1> to vector<1x128xi32>
    %reduce_sum3A_5534 = arith.constant dense<0> : vector<1xi32>
    %reduce_sum3A_5535 = vector.multi_reduction <add>, %convert_element_type3A_5533, %reduce_sum3A_5534 [1] : vector<1x128xi32> to vector<1xi32>
    %broadcast_in_dim3A_5536 = vector.shape_cast %reduce_sum3A_5535 : vector<1xi32> to vector<1x1xi32>
    %add3A_5537 = arith.addi %add3A_5515, %broadcast_in_dim3A_5536 : vector<1x1xi32>
    %broadcast_in_dim3A_5538 = vector.shape_cast %add3A_5537 : vector<1x1xi32> to vector<1x1xi32>
    %broadcast_in_dim3A_5539 = vector.broadcast %broadcast_in_dim3A_5538 : vector<1x1xi32> to vector<64x128xi32>
    %le3A_5540 = arith.cmpi sle, %broadcast_in_dim3A_5539, %add3A : vector<64x128xi32>
    %convert_element_type3A_5541 = arith.extui %le3A_5540 : vector<64x128xi1> to vector<64x128xi32>
    %add3A_5542 = arith.addi %add3A_5520, %convert_element_type3A_5541 : vector<64x128xi32>
    %broadcast_in_dim3A_5543 = vector.shape_cast %broadcast_in_dim3A_5536 : vector<1x1xi32> to vector<1x1xi32>
    %broadcast_in_dim3A_5544 = vector.broadcast %broadcast_in_dim3A_5543 : vector<1x1xi32> to vector<64x128xi32>
    %mul3A_5545 = arith.muli %broadcast_in_dim3A_5544, %convert_element_type3A_5541 : vector<64x128xi32>
    %add3A_5546 = arith.addi %add3A_5524, %mul3A_5545 : vector<64x128xi32>
    %get3A_5547 = arith.constant 252 : index
    %get3A_5548 = arith.constant 0 : index
    %get3A_5549 = arith.constant 0 : index
    %get3A_5550 = vector.load %arg0[%get3A_5547, %get3A_5548, %get3A_5549] : memref<256x1x128xf32, #tpu.memory_space<vmem>>, vector<1x1x128xf32>
    %get3A_5551 = vector.shape_cast %get3A_5550 : vector<1x1x128xf32> to vector<1x128xf32>
    %gt3A_5552 = arith.constant 0.000000e+00 : f32
    %gt3A_5553 = vector.broadcast %gt3A_5552 : f32 to vector<1x128xf32>
    %gt3A_5554 = arith.cmpf ogt, %get3A_5551, %gt3A_5553 : vector<1x128xf32>
    %convert_element_type3A_5555 = arith.extui %gt3A_5554 : vector<1x128xi1> to vector<1x128xi32>
    %reduce_sum3A_5556 = arith.constant dense<0> : vector<1xi32>
    %reduce_sum3A_5557 = vector.multi_reduction <add>, %convert_element_type3A_5555, %reduce_sum3A_5556 [1] : vector<1x128xi32> to vector<1xi32>
    %broadcast_in_dim3A_5558 = vector.shape_cast %reduce_sum3A_5557 : vector<1xi32> to vector<1x1xi32>
    %add3A_5559 = arith.addi %add3A_5537, %broadcast_in_dim3A_5558 : vector<1x1xi32>
    %broadcast_in_dim3A_5560 = vector.shape_cast %add3A_5559 : vector<1x1xi32> to vector<1x1xi32>
    %broadcast_in_dim3A_5561 = vector.broadcast %broadcast_in_dim3A_5560 : vector<1x1xi32> to vector<64x128xi32>
    %le3A_5562 = arith.cmpi sle, %broadcast_in_dim3A_5561, %add3A : vector<64x128xi32>
    %convert_element_type3A_5563 = arith.extui %le3A_5562 : vector<64x128xi1> to vector<64x128xi32>
    %add3A_5564 = arith.addi %add3A_5542, %convert_element_type3A_5563 : vector<64x128xi32>
    %broadcast_in_dim3A_5565 = vector.shape_cast %broadcast_in_dim3A_5558 : vector<1x1xi32> to vector<1x1xi32>
    %broadcast_in_dim3A_5566 = vector.broadcast %broadcast_in_dim3A_5565 : vector<1x1xi32> to vector<64x128xi32>
    %mul3A_5567 = arith.muli %broadcast_in_dim3A_5566, %convert_element_type3A_5563 : vector<64x128xi32>
    %add3A_5568 = arith.addi %add3A_5546, %mul3A_5567 : vector<64x128xi32>
    %get3A_5569 = arith.constant 253 : index
    %get3A_5570 = arith.constant 0 : index
    %get3A_5571 = arith.constant 0 : index
    %get3A_5572 = vector.load %arg0[%get3A_5569, %get3A_5570, %get3A_5571] : memref<256x1x128xf32, #tpu.memory_space<vmem>>, vector<1x1x128xf32>
    %get3A_5573 = vector.shape_cast %get3A_5572 : vector<1x1x128xf32> to vector<1x128xf32>
    %gt3A_5574 = arith.constant 0.000000e+00 : f32
    %gt3A_5575 = vector.broadcast %gt3A_5574 : f32 to vector<1x128xf32>
    %gt3A_5576 = arith.cmpf ogt, %get3A_5573, %gt3A_5575 : vector<1x128xf32>
    %convert_element_type3A_5577 = arith.extui %gt3A_5576 : vector<1x128xi1> to vector<1x128xi32>
    %reduce_sum3A_5578 = arith.constant dense<0> : vector<1xi32>
    %reduce_sum3A_5579 = vector.multi_reduction <add>, %convert_element_type3A_5577, %reduce_sum3A_5578 [1] : vector<1x128xi32> to vector<1xi32>
    %broadcast_in_dim3A_5580 = vector.shape_cast %reduce_sum3A_5579 : vector<1xi32> to vector<1x1xi32>
    %add3A_5581 = arith.addi %add3A_5559, %broadcast_in_dim3A_5580 : vector<1x1xi32>
    %broadcast_in_dim3A_5582 = vector.shape_cast %add3A_5581 : vector<1x1xi32> to vector<1x1xi32>
    %broadcast_in_dim3A_5583 = vector.broadcast %broadcast_in_dim3A_5582 : vector<1x1xi32> to vector<64x128xi32>
    %le3A_5584 = arith.cmpi sle, %broadcast_in_dim3A_5583, %add3A : vector<64x128xi32>
    %convert_element_type3A_5585 = arith.extui %le3A_5584 : vector<64x128xi1> to vector<64x128xi32>
    %add3A_5586 = arith.addi %add3A_5564, %convert_element_type3A_5585 : vector<64x128xi32>
    %broadcast_in_dim3A_5587 = vector.shape_cast %broadcast_in_dim3A_5580 : vector<1x1xi32> to vector<1x1xi32>
    %broadcast_in_dim3A_5588 = vector.broadcast %broadcast_in_dim3A_5587 : vector<1x1xi32> to vector<64x128xi32>
    %mul3A_5589 = arith.muli %broadcast_in_dim3A_5588, %convert_element_type3A_5585 : vector<64x128xi32>
    %add3A_5590 = arith.addi %add3A_5568, %mul3A_5589 : vector<64x128xi32>
    %get3A_5591 = arith.constant 254 : index
    %get3A_5592 = arith.constant 0 : index
    %get3A_5593 = arith.constant 0 : index
    %get3A_5594 = vector.load %arg0[%get3A_5591, %get3A_5592, %get3A_5593] : memref<256x1x128xf32, #tpu.memory_space<vmem>>, vector<1x1x128xf32>
    %get3A_5595 = vector.shape_cast %get3A_5594 : vector<1x1x128xf32> to vector<1x128xf32>
    %gt3A_5596 = arith.constant 0.000000e+00 : f32
    %gt3A_5597 = vector.broadcast %gt3A_5596 : f32 to vector<1x128xf32>
    %gt3A_5598 = arith.cmpf ogt, %get3A_5595, %gt3A_5597 : vector<1x128xf32>
    %convert_element_type3A_5599 = arith.extui %gt3A_5598 : vector<1x128xi1> to vector<1x128xi32>
    %reduce_sum3A_5600 = arith.constant dense<0> : vector<1xi32>
    %reduce_sum3A_5601 = vector.multi_reduction <add>, %convert_element_type3A_5599, %reduce_sum3A_5600 [1] : vector<1x128xi32> to vector<1xi32>
    %broadcast_in_dim3A_5602 = vector.shape_cast %reduce_sum3A_5601 : vector<1xi32> to vector<1x1xi32>
    %add3A_5603 = arith.addi %add3A_5581, %broadcast_in_dim3A_5602 : vector<1x1xi32>
    %broadcast_in_dim3A_5604 = vector.shape_cast %add3A_5603 : vector<1x1xi32> to vector<1x1xi32>
    %broadcast_in_dim3A_5605 = vector.broadcast %broadcast_in_dim3A_5604 : vector<1x1xi32> to vector<64x128xi32>
    %le3A_5606 = arith.cmpi sle, %broadcast_in_dim3A_5605, %add3A : vector<64x128xi32>
    %convert_element_type3A_5607 = arith.extui %le3A_5606 : vector<64x128xi1> to vector<64x128xi32>
    %add3A_5608 = arith.addi %add3A_5586, %convert_element_type3A_5607 : vector<64x128xi32>
    %broadcast_in_dim3A_5609 = vector.shape_cast %broadcast_in_dim3A_5602 : vector<1x1xi32> to vector<1x1xi32>
    %broadcast_in_dim3A_5610 = vector.broadcast %broadcast_in_dim3A_5609 : vector<1x1xi32> to vector<64x128xi32>
    %mul3A_5611 = arith.muli %broadcast_in_dim3A_5610, %convert_element_type3A_5607 : vector<64x128xi32>
    %add3A_5612 = arith.addi %add3A_5590, %mul3A_5611 : vector<64x128xi32>
    %get3A_5613 = arith.constant 255 : index
    %get3A_5614 = arith.constant 0 : index
    %get3A_5615 = arith.constant 0 : index
    %get3A_5616 = vector.load %arg0[%get3A_5613, %get3A_5614, %get3A_5615] : memref<256x1x128xf32, #tpu.memory_space<vmem>>, vector<1x1x128xf32>
    %get3A_5617 = vector.shape_cast %get3A_5616 : vector<1x1x128xf32> to vector<1x128xf32>
    %gt3A_5618 = arith.constant 0.000000e+00 : f32
    %gt3A_5619 = vector.broadcast %gt3A_5618 : f32 to vector<1x128xf32>
    %gt3A_5620 = arith.cmpf ogt, %get3A_5617, %gt3A_5619 : vector<1x128xf32>
    %convert_element_type3A_5621 = arith.extui %gt3A_5620 : vector<1x128xi1> to vector<1x128xi32>
    %reduce_sum3A_5622 = arith.constant dense<0> : vector<1xi32>
    %reduce_sum3A_5623 = vector.multi_reduction <add>, %convert_element_type3A_5621, %reduce_sum3A_5622 [1] : vector<1x128xi32> to vector<1xi32>
    %broadcast_in_dim3A_5624 = vector.shape_cast %reduce_sum3A_5623 : vector<1xi32> to vector<1x1xi32>
    %add3A_5625 = arith.addi %add3A_5603, %broadcast_in_dim3A_5624 : vector<1x1xi32>
    %broadcast_in_dim3A_5626 = vector.shape_cast %add3A_5625 : vector<1x1xi32> to vector<1x1xi32>
    %broadcast_in_dim3A_5627 = vector.broadcast %broadcast_in_dim3A_5626 : vector<1x1xi32> to vector<64x128xi32>
    %le3A_5628 = arith.cmpi sle, %broadcast_in_dim3A_5627, %add3A : vector<64x128xi32>
    %convert_element_type3A_5629 = arith.extui %le3A_5628 : vector<64x128xi1> to vector<64x128xi32>
    %add3A_5630 = arith.addi %add3A_5608, %convert_element_type3A_5629 : vector<64x128xi32>
    %broadcast_in_dim3A_5631 = vector.shape_cast %broadcast_in_dim3A_5624 : vector<1x1xi32> to vector<1x1xi32>
    %broadcast_in_dim3A_5632 = vector.broadcast %broadcast_in_dim3A_5631 : vector<1x1xi32> to vector<64x128xi32>
    %mul3A_5633 = arith.muli %broadcast_in_dim3A_5632, %convert_element_type3A_5629 : vector<64x128xi32>
    %add3A_5634 = arith.addi %add3A_5612, %mul3A_5633 : vector<64x128xi32>
    %mul3A_5635 = arith.constant 128 : i32
    %mul3A_5636 = vector.broadcast %mul3A_5635 : i32 to vector<64x128xi32>
    %mul3A_5637 = arith.muli %add3A_5630, %mul3A_5636 : vector<64x128xi32>
    %sub3A = arith.subi %add3A, %add3A_5634 : vector<64x128xi32>
    %add3A_5638 = arith.addi %mul3A_5637, %sub3A : vector<64x128xi32>
    %swap3A = arith.constant 0 : index
    %swap3A_5639 = arith.constant 0 : index
    %swap3A_5640 = vector.load %arg1[%swap3A, %swap3A_5639] : memref<64x128xi32, #tpu.memory_space<vmem>>, vector<64x128xi32>
    tpu.vector_store %arg1[%swap3A, %swap3A_5639], %add3A_5638 {strides = array<i32>} : memref<64x128xi32, #tpu.memory_space<vmem>>, vector<64x128xi32>,
    return
  }
}

</mosaic_0001>

<sc_bundles>
// kernel: kernel.5.cloned.1.call-start
scs
__scs_entry_jumppad:
0x0: {  	(pc) =	sbr.rel $0x88, $3  }
0x1: {  	(tag) =	ssettag $0x0;
	lr =	simm.s32 $0x1  }
0x2: {  	[smem:$0x3FA0] =	sst lr;
	_ =	strace $0xD0000000  }
0x3: {  	_ = 	snop  }
0x4: {  	_ = 	snop  }
0x5: {  	_ = 	snop  }
0x6: {  	_ = 	snop  }
0x7: {  	_ = 	snop  }
__scs_overlays_trampoline_lowered:
0x8: {  	[smem:$0x3FAF] =	sst s0  }
0x9: {  	[smem:$0x3FB0] =	sst s1  }
0xa: {  	[smem:$0x3FB1] =	sst s2  }
0xb: {  	[smem:$0x3FB2] =	sst s3  }
0xc: {  	[smem:$0x3FB3] =	sst s4  }
0xd: {  	[smem:$0x3FB4] =	sst s5  }
0xe: {  	[smem:$0x3FB5] =	sst s6  }
0xf: {  	[smem:$0x3FB6] =	sst s7  }
0x10: {  	[smem:$0x3FB7] =	sst s8  }
0x11: {  	[smem:$0x3FB8] =	sst s9;
	s0 =	simm.s32 @!p0 $0x0  }
0x12: {  	s1 =	sld [smem:$0x3F9E];
	s0 =	simm.s32 @p0 $0x1  }
0x13: {  	[smem:$0x3FB9] =	sst s0;
	s0 =	simm.s32 @!p1 $0x0  }
0x14: {  	s2 =	sld [smem:$0x3F9D];
	s0 =	simm.s32 @p1 $0x1  }
0x15: {  	[smem:$0x3FBA] =	sst s0;
	s0 =	simm.s32 @!p2 $0x0  }
0x16: {  	s3 =	sld [smem:$0x3FDB];
	s0 =	simm.s32 @p2 $0x1  }
0x17: {  	s4 =	simm.s32 $0x1BF5;
	[smem:$0x3FBC] =	sst s0  }
0x18: {  	s0 =	sld [smem:$0x3F9F];
	_ =	swait.ge [sflag:s4], $0x0  }
0x19: {  	s7 =	sld [smem:$0x3FA0]  }
0x1a: {  	s8 =	sadd.s32 $0xFFFFE003, lr  }
0x1b: {  	s9 =	sadd.s32 $0xFFFFFEF7, lr;
	s5 =	simm.s32 $0xFFFFFFFF;
	p2 =	slt.u32 s8, $0xFFFFF086  }
0x1c: {  	p1 =	slt.u32 s9, $0xF7A;
	s5 =	simm.s32 @!p2 $0x0  }
0x1d: {  	s5 =	simm.s32 @p1 $0x1;
	p0 =	seq.s32 s7, s2  }
0x1e: {  	s7 =	smul.u32 @!p0 $0xF7A, s2;
	p2 =	seq.s32 @!p0 s5, $0x0  }
0x1f: {  	s9 =	smul.u32 $0xF7A, s1;
	s8 =	simm.s32 @!p0 $0x1BF5;
	p2 =	por !p2, p0  }
0x20: {  	[sflag:s8] =	ssyncset.s32 @!p0 $0xFFFFF086;
	s6 =	sadd.s32 @!p0 s3, s7;
	s7 =	simm.s32 @!p0 $0x108  }
0x21: {  	s3 =	sadd.s32 s3, s9;
	s6 =	sadd.s32 @!p0 $0x88, s6;
	s7 =	simm.s32 @p2 $0x1082  }
0x22: {  	[simem:s7], [sflag:s8] =	dma.local @!p0 [hbm:s6], $0xF7A  }
0x23: {  	s9 =	sor.u32 $0xD0000000, s2;
	s6 =	simm.s32 $0x108;
	_ =	swait.ge @!p0 [sflag:s8], $0x0  }
0x24: {  	s3 =	sadd.s32 $0x88, s3;
	s6 =	simm.s32 @!p1 $0x1082;
	[sflag:s4] =	ssyncset.s32 $0xFFFFF086  }
0x25: {  	[simem:s6], [sflag:s4] =	dma.local [hbm:s3], $0xF7A  }
0x26: {  	[smem:$0x3FA0] =	sst s1;
	(tag) =	ssettag s2;
	_ =	strace s9  }
0x27: {  	s1 =	sld [smem:$0x3FB0]  }
0x28: {  	s2 =	sld [smem:$0x3FB1]  }
0x29: {  	s4 =	sld [smem:$0x3FB3]  }
0x2a: {  	p0 =	seq.s32 s5, $0x0;
	s5 =	sld [smem:$0x3FB4]  }
0x2b: {  	s6 =	sld [smem:$0x3FB5]  }
0x2c: {  	s7 =	sld [smem:$0x3FB6]  }
0x2d: {  	s3 =	simm.s32 $0x108;
	s8 =	sld [smem:$0x3FB7]  }
0x2e: {  	s3 =	simm.s32 @!p0 $0x1082;
	s9 =	sld [smem:$0x3FB8]  }
0x2f: {  	lr =	sadd.s32 s0, s3;
	s0 =	sld [smem:$0x3FAF]  }
0x30: {  	s3 =	sld [smem:$0x3FB2]  }
0x31: {  	[smem:$0x3FBB] =	sst s10  }
0x32: {  	s10 =	sld [smem:$0x3FB9];
	_ =	sdelay $0x3  }
0x33: {  	p0 =	seq.s32 s10, $0x1;
	s10 =	sld [smem:$0x3FBB];
	_ =	sdelay $0x3  }
0x34: {  	[smem:$0x3FBB] =	sst s10  }
0x35: {  	s10 =	sld [smem:$0x3FBA];
	_ =	sdelay $0x3  }
0x36: {  	p1 =	seq.s32 s10, $0x1;
	s10 =	sld [smem:$0x3FBB];
	_ =	sdelay $0x3  }
0x37: {  	[smem:$0x3FBB] =	sst s10  }
0x38: {  	s10 =	sld [smem:$0x3FBC]  }
0x39: {  	_ = 	snop;
	(pc) =	sbr.ind lr, $3  }
0x3a: {  	_ = 	snop  }
0x3b: {  	_ = 	snop  }
0x3c: {  	p2 =	seq.s32 s10, $0x1;
	s10 =	sld [smem:$0x3FBB]  }
0x3d: {  	_ =	shalt  }
0x3e: {  	_ =	shalt  }
0x3f: {  	_ =	shalt  }
0x40: {  	_ =	shalt  }
0x41: {  	_ =	shalt  }
0x42: {  	_ =	shalt  }
0x43: {  	_ =	shalt  }
0x44: {  	_ =	shalt  }
0x45: {  	_ =	shalt  }
0x46: {  	_ =	shalt  }
0x47: {  	_ =	shalt  }
0x48: {  	_ =	shalt  }
0x49: {  	_ =	shalt  }
0x4a: {  	_ =	shalt  }
0x4b: {  	_ =	shalt  }
0x4c: {  	_ =	shalt  }
0x4d: {  	_ =	shalt  }
0x4e: {  	_ =	shalt  }
0x4f: {  	_ =	shalt  }
0x50: {  	_ =	shalt  }
0x51: {  	_ =	shalt  }
0x52: {  	_ =	shalt  }
0x53: {  	_ =	shalt  }
0x54: {  	_ =	shalt  }
0x55: {  	_ =	shalt  }
0x56: {  	_ =	shalt  }
0x57: {  	_ =	shalt  }
0x58: {  	_ =	shalt  }
0x59: {  	_ =	shalt  }
0x5a: {  	_ =	shalt  }
0x5b: {  	_ =	shalt  }
0x5c: {  	_ =	shalt  }
0x5d: {  	_ =	shalt  }
0x5e: {  	_ =	shalt  }
0x5f: {  	_ =	shalt  }
0x60: {  	_ =	shalt  }
0x61: {  	_ =	shalt  }
0x62: {  	_ =	shalt  }
0x63: {  	_ =	shalt  }
0x64: {  	_ =	shalt  }
0x65: {  	_ =	shalt  }
0x66: {  	_ =	shalt  }
0x67: {  	_ =	shalt  }
0x68: {  	_ =	shalt  }
0x69: {  	_ =	shalt  }
0x6a: {  	_ =	shalt  }
0x6b: {  	_ =	shalt  }
0x6c: {  	_ =	shalt  }
0x6d: {  	_ =	shalt  }
0x6e: {  	_ =	shalt  }
0x6f: {  	_ =	shalt  }
0x70: {  	_ =	shalt  }
0x71: {  	_ =	shalt  }
0x72: {  	_ =	shalt  }
0x73: {  	_ =	shalt  }
0x74: {  	_ =	shalt  }
0x75: {  	_ =	shalt  }
0x76: {  	_ =	shalt  }
0x77: {  	_ =	shalt  }
0x78: {  	_ =	shalt  }
0x79: {  	_ =	shalt  }
0x7a: {  	_ =	shalt  }
0x7b: {  	_ =	shalt  }
0x7c: {  	_ =	shalt  }
0x7d: {  	_ =	shalt  }
0x7e: {  	_ =	shalt  }
0x7f: {  	_ =	shalt  }
0x80: {  	_ =	shalt  }
0x81: {  	_ =	shalt  }
0x82: {  	_ =	shalt  }
0x83: {  	_ =	shalt  }
0x84: {  	_ =	shalt  }
0x85: {  	_ =	shalt  }
0x86: {  	_ =	shalt  }
0x87: {  	_ =	shalt  }
.Lfunc_end0:
.L_simem_size_0:
called_computation_lowered:
.L_overlay_start_0:
0x88: {  	s2 =	sld [smem:$0x3FD9]  }
0x89: {  	s3 =	sld [smem:$0x3FFE];
	_ =	sdelay $0x1  }
0x8a: {  	s1 =	srdreg.scid  }
0x8b: {  	s0 =	sand.u32 $0x1, s1  }
0x8c: {  	s17 =	sshll.u32 s0, $0xA;
	s2 =	sadd.s32 s3, s2  }
0x8d: {  	s2 =	sadd.s32 s2, s17  }
0x8e: {  	[smem:$0x3FC7] =	sst s2  }
0x8f: {  	_ = 	snop  }
0x90: {  	s2 =	sld [smem:$0x3FD0];
	(tm) =	ssettm $0x1  }
0x91: {  	s18 =	sld [smem:$0x3FFB];
	_ =	sdelay $0x3  }
0x92: {  	_ =	strace s18  }
0x93: {  	s3 =	sld [smem:$0x3FFC];
	_ =	sdelay $0x3  }
0x94: {  	_ =	strace s3  }
0x95: {  	s3 =	sld [smem:$0x3FFD];
	_ =	sdelay $0x3  }
0x96: {  	_ =	strace s3  }
0x97: {  	_ =	strace $0x8FFFFFFF  }
0x98: {  	s19 =	sld [smem:$0x3FDB];
	_ =	sdelay $0x1  }
0x99: {  	s4 =	simm.s32 $_scs_section_size  }
0x9a: {  	s5 =	simm.s32 $_size__tile_overlayer_lowered;
	s6 =	simm.s32 $_tile_overlayer_lowered  }
0x9b: {  	s22 =	simm.s32 $0x1BFF;
	s21 =	sshll.u32 s6, $0x1;
	s3 =	sadd.s32 s4, s19  }
0x9c: {  	s7 =	simm.s32 $0x0;
	s20 =	sshll.u32 s5, $0x1;
	s5 =	sadd.s32 s21, s3  }
0x9d: {  	[timem:s7], [sflag:s22] =	dma.local [hbm:s5], s20  }
0x9e: {  	_ =	swait.ge [sflag:s22], s20  }
0x9f: {  	s4 =	ssub.s32 $0x0, s20;
	[sflag:s22] =	ssyncset.done $0x0  }
0xa0: {  	[sflag:s22] =	ssyncadd.s32 s4;
	_ =	sdelay $0x1  }
0xa1: {  	s23 =	simm.s32 $0x1B8B  }
0xa2: {  	_ =	swait.ge [sflag:s23], $0x1  }
0xa3: {  	[sflag:s23] =	ssyncset.done $0x0  }
0xa4: {  	s25 =	simm.s32 $0x1B8E;
	s24 =	sld [smem:$0x3FFE];
	[sflag:s23] =	ssyncadd.s32 $0xFFFFFFFF  }
0xa5: {  	s26 =	simm.s32 $execute0_lowered;
	[smem:$0x3FD2] =	sst s25  }
0xa6: {  	s5 =	sshll.u32 s26, $0x1;
	_ =	strace $0x80000046;
	[dreg:$0x1] =	wrdreg $0xFFFFFFFF  }
0xa7: {  	s28 =	simm.s32 $_size_execute0_lowered;
	s3 =	sadd.s32 s3, s5;
	[dreg:$0x0] =	wrdreg $0x0  }
0xa8: {  	s5 =	sshll.u32 s28, $0x1;
	[dreg:$0x2] =	wrdreg s3  }
0xa9: {  	[dreg:$0x3] =	wrdreg s5  }
0xaa: {  	[dreg:$0x4] =	wrdreg $0xC0  }
0xab: {  	_ =	task [dreg:s7], $0x5FFFF  }
0xac: {  	[dreg:$0x1] =	wrdreg $0xFFFFFFFF  }
0xad: {  	[dreg:$0x0] =	wrdreg $0x60  }
0xae: {  	[dreg:$0x2] =	wrdreg s24  }
0xaf: {  	[dreg:$0x3] =	wrdreg s2  }
0xb0: {  	[dreg:$0x4] =	wrdreg $0x9  }
0xb1: {  	_ =	task.clear_ibuf [dreg:s7], $0x5FFFF;
	_ =	strace $0x90000046  }
0xb2: {  	s29 =	simm.s32 $0x9;
	_ =	strace $0x80000048  }
0xb3: {  	_ =	swait.ge [sflag:s29], $0x1  }
0xb4: {  	[sflag:s29] =	ssyncadd.s32 $0xFFFFFFFF  }
0xb5: {  	_ =	strace $0x90000048  }
0xb6: {  	_ =	sfence  }
0xb7: {  	s30 =	sld [smem:$0x0];
	_ =	sdelay $0x2  }
0xb8: {  	s31 =	sshll.u32 s1, $0xD;
	s1 =	sshrl.u32 s1, $0x2  }
0xb9: {  	s3 =	sand.u32 $0x4000, s31;
	s1 =	sadd.s32 s1, s30  }
0xba: {  	s0 =	sor.u32 s3, s0;
	s1 =	sshll.u32 s1, $0x11  }
0xbb: {  	s0 =	sor.u32 s1, s0  }
0xbc: {  	s0 =	sadd.s32 $0x8F2B, s0  }
0xbd: {  	[sflag:s0] =	ssyncadd.remote.s32 $0x1  }
0xbe: {  	_ =	sfence.sel $0xFFFF  }
0xbf: {  	[dreg:$0x0] =	wrdreg $0xFFFFFFFF;
	(pc) =	sbr.abs _section_cstart, $3  }
0xc0: {  	[dreg:$0x1] =	wrdreg $0xFFFFFFFF  }
0xc1: {  	_ =	task.clear_ibuf [dreg:s7], $0x2FFFF;
	_ =	strace $0x9FFFFFFF  }
0xc2: {  	(tm) =	ssettm $0x7FFFFFFF  }
0xc3: {  	_ =	shalt  }
tec
execute0_lowered:
.L_overlay_start_1:
0x0: {  	(tag) =	ssettag $0x1  }
0x1: {  	s1 =	srdreg.scid  }
0x2: {  	s5 =	rddreg [dreg:$0x0];
	s0 =	stileid.u32;
	s8 =	sand.u32 $0x1, s1  }
0x3: {  	s9 =	rddreg [dreg:$0x1];
	s3 =	sshll.u32 s0, $0x6;
	s4 =	sshll.u32 s8, $0x5  }
0x4: {  	s2 =	simm.s32 $0x0;
	s1 =	rddreg [dreg:$0x2];
	s10 =	sor.u32 s4, s3  }
0x5: {  	[smem:$0x7FF] =	sst s2;
	s3 =	sadd.s32 s10, s5  }
0x6: {  	_ =	strace $0x80000047;
	s4 =	sadd.s32 $0x1A00, s3;
	s3 =	simm.s32 $0x1  }
0x7: {  	[tilespmem:s2], [sflag:$0x1] =	stream.linear.gather [hbm4b:s4+s2], $0x100, $0x38;
	[tilespmem:$0x200] =	vst v63  }
0x8: {  	_ =	swait.ge [sflag:s3], $0x100  }
0x9: {  	s6 =	simm.s32 $0x80;
	s7 =	simm.s32 $0x100;
	[sflag:s3] =	ssyncset.done $0x0  }
0xa: {  	s11 =	ssub.s32 $0x2, s8;
	s5 =	sadd.s32 $0xA00, s5;
	[sflag:s3] =	ssyncadd.s32 $0xFFFFFF00  }
0xb: {  	[tilespmem:s7], [sflag:$0x1] =	stream.indirect.gather [hbm4b:s5+s6], $0x1, s2, s6, $0xb8;
	[tilespmem:$0x200] =	vst v63  }
0xc: {  	s12 =	sshrl.u32 s11, $0x1;
	_ =	swait.ge [sflag:s3], $0x80  }
0xd: {  	s11 =	ssub.s32 s11, s12;
	[sflag:s3] =	ssyncset.done $0x0  }
0xe: {  	s8 =	simm.s32 $0x180;
	s31 =	smax.u32 s11, $0x1;
	[sflag:s3] =	ssyncadd.s32 $0xFFFFFF80  }
0xf: {  	[tilespmem:s8], [sflag:$0x1] =	stream.indirect.gather [hbm4b:s5+s6], $0x1, s6, s6, $0xb8;
	[tilespmem:$0x200] =	vst v63  }
0x10: {  	p0 =	sne.s32 s31, $0x1;
	_ =	swait.ge [sflag:s3], $0x80  }
.Ltmp0:
0x11: {  	[sflag:s3] =	ssyncset.done $0x0;
	(pc) =	sbr.rel @!p0 .LBB2_2-.Ltmp0, $4  }
0x12: {  	s9 =	sadd.s32 s9, s10;
	[sflag:s3] =	ssyncadd.s32 $0xFFFFFF80  }
0x13: {  	[hbm4b:s9+s2] =	stream.linear.scatter [tilespmem:s7], [sflag:$0x1], $0x100, $0x38;
	[tilespmem:$0x200] =	vst v63  }
0x14: {  	_ =	swait.ge [sflag:s3], $0x100  }
0x15: {  	s10 =	sadd.s32 $0xFFFFFFFF, s31;
	[sflag:s3] =	ssyncset.done $0x0  }
.LBB2_1:
0x16: {  	p0 =	sne.s32 s10, $0x1;
	s10 =	sadd.s32 $0xFFFFFFFF, s10;
	[sflag:s3] =	ssyncadd.s32 $0xFFFFFF00  }
0x17: {  	[tilespmem:s2], [sflag:$0x1] =	stream.linear.gather [hbm4b:s4+s2], $0x100, $0x38;
	[tilespmem:$0x200] =	vst v63  }
0x18: {  	_ =	swait.ge [sflag:s3], $0x100  }
0x19: {  	[sflag:s3] =	ssyncset.done $0x0  }
0x1a: {  	[sflag:s3] =	ssyncadd.s32 $0xFFFFFF00  }
0x1b: {  	[tilespmem:s7], [sflag:$0x1] =	stream.indirect.gather [hbm4b:s5+s6], $0x1, s2, s6, $0xb8;
	[tilespmem:$0x200] =	vst v63  }
0x1c: {  	_ =	swait.ge [sflag:s3], $0x80  }
0x1d: {  	[sflag:s3] =	ssyncset.done $0x0  }
0x1e: {  	[sflag:s3] =	ssyncadd.s32 $0xFFFFFF80  }
0x1f: {  	[tilespmem:s8], [sflag:$0x1] =	stream.indirect.gather [hbm4b:s5+s6], $0x1, s6, s6, $0xb8;
	[tilespmem:$0x200] =	vst v63  }
0x20: {  	_ =	swait.ge [sflag:s3], $0x80  }
.Ltmp1:
0x21: {  	[sflag:s3] =	ssyncset.done $0x0;
	(pc) =	sbr.rel @p0 .LBB2_1-.Ltmp1, $4  }
0x22: {  	[sflag:s3] =	ssyncadd.s32 $0xFFFFFF80  }
0x23: {  	[hbm4b:s9+s2] =	stream.linear.scatter [tilespmem:s7], [sflag:$0x1], $0x100, $0x38;
	[tilespmem:$0x200] =	vst v63  }
0x24: {  	_ =	swait.ge [sflag:s3], $0x100  }
0x25: {  	[sflag:s3] =	ssyncset.done $0x0  }
.LBB2_2:
0x26: {  	[sflag:s3] =	ssyncadd.s32 $0xFFFFFF00  }
0x27: {  	_ =	sfence.sel $0x180000  }
0x28: {  	[bflag:$0x0] =	sbarrier.arrive $0xFFFF  }
0x29: {  	p0 =	sne.s32 s0, $0x0;
	_ =	strace $0x90000047  }
0x2a: {  	s0 =	sadd.s32 @!p0 $0x100000, s1;
	[bflag:$0x2] =	sbarrier.arrive $0xFFFF  }
0x2b: {  	[sflag:s0] =	ssyncadd.tile.s32 @!p0 $0x1;
	_ =	shalt  }
.Lfunc_end2:
_tile_overlayer_lowered:
.L_overlay_start_2:
0x2c: {  	(tag) =	ssettag $0x2  }
0x2d: {  	s0 =	rddreg [dreg:$0x0];
	s2 =	stileid.u32  }
0x2e: {  	s1 =	rddreg [dreg:$0x1];
	p0 =	sne.s32 s2, $0x0  }
0x2f: {  	s3 =	rddreg [dreg:$0x2];
	[bflag:$0x3] =	sbarrier.arrive $0xFFFF;
	s2 =	simm.s32 @!p0 $0x1C01  }
0x30: {  	[timem:s3], [sflag:s2] =	dma.local @!p0 [hbm:s0], s1  }
0x31: {  	s0 =	simm.s32 @!p0 $0x1  }
0x32: {  	_ =	swait.ge @!p0 [sflag:s0], s1  }
0x33: {  	s1 =	ssub.s32 @!p0 $0x0, s1;
	[sflag:s0] =	ssyncset.done @!p0 $0x0  }
0x34: {  	[sflag:s0] =	ssyncadd.s32 @!p0 s1  }
0x35: {  	[bflag:$0x3] =	sbarrier.arrive $0xFFFF  }
0x36: {  	_ =	shalt  }

</sc_bundles>
